<compile_context>
chip_gen: v7x
topology: tpu7x:2x2x1
jax: 0.10.2.dev20260603
libtpu: 0.0.44.dev20260713+nightly
codegen_flags: <defaults>
</compile_context>

<pallas_src>
import functools

import jax
import jax.numpy as jnp
from jax import lax
from jax.experimental import pallas as pl
from jax.experimental.pallas import tpu as pltpu
from jax.experimental.pallas import tpu_sc as plsc

N = 50000
E = 800000
D_IN = 128
D_NODE = 128
D_MSG = 64
HALF = 32
N_RADIAL = 32
D_GRAPH = 256
FC = 256
D_OUT = 128
NG = 100
NGP = 128
CUTOFF = 6.0

NC = 2
NS = 16
L = 16

C = 128

f32 = jnp.float32
i32 = jnp.int32


NB1 = 2000
G1 = N // NB1


def _k1_body(x_ref, we_ref, be_ref, wm_ref, h0_ref, m_ref):
    h = jax.nn.gelu(jnp.dot(x_ref[...], we_ref[...],
                            preferred_element_type=f32) + be_ref[...])
    h0_ref[...] = h
    mm = jnp.dot(h, wm_ref[...], preferred_element_type=f32)
    m_ref[...] = jnp.stack([mm[:, :HALF], mm[:, HALF:]])


def _k1(x, W_embed, b_embed, W_msg):
    return pl.pallas_call(
        _k1_body,
        grid=(G1,),
        in_specs=[
            pl.BlockSpec((NB1, D_IN), lambda g: (g, 0)),
            pl.BlockSpec((D_IN, D_NODE), lambda g: (0, 0)),
            pl.BlockSpec((1, D_NODE), lambda g: (0, 0)),
            pl.BlockSpec((D_NODE, D_MSG), lambda g: (0, 0)),
        ],
        out_specs=[
            pl.BlockSpec((NB1, D_NODE), lambda g: (g, 0)),
            pl.BlockSpec((2, NB1, HALF), lambda g: (0, g, 0)),
        ],
        out_shape=[
            jax.ShapeDtypeStruct((N, D_NODE), f32),
            jax.ShapeDtypeStruct((2, N, HALF), f32),
        ],
    )(x, W_embed, b_embed, W_msg)


EW2 = E // (NC * NS)
N2 = (EW2 + C - 1) // C


def _k2_body(pos_hbm, src_hbm, dst_hbm, diff_hbm,
             is0, id0, ps0, pd0, is1, id1, ps1, pd1, ss0, sd0, ss1, sd1):
    wid = lax.axis_index("s") * NC + lax.axis_index("c")
    base0 = wid * EW2
    bufs = ((is0, id0, ps0, pd0, ss0, sd0),
            (is1, id1, ps1, pd1, ss1, sd1))

    def cbase(ci):
        return base0 + jnp.minimum(ci * C, EW2 - C)

    def fire(ci, p):
        isx, idx, psx, pdx, ss, sd = bufs[p]
        base = cbase(ci)
        pltpu.sync_copy(src_hbm.at[pl.ds(base, C)], isx)
        pltpu.sync_copy(dst_hbm.at[pl.ds(base, C)], idx)
        pltpu.async_copy(pos_hbm.at[isx], psx, ss)
        pltpu.async_copy(pos_hbm.at[idx], pdx, sd)

    def process(ci, p):
        isx, idx, psx, pdx, ss, sd = bufs[p]
        pltpu.make_async_copy(pos_hbm.at[isx], psx, ss).wait()
        pltpu.make_async_copy(pos_hbm.at[idx], pdx, sd).wait()

        def sub8(i, _):
            for u in range(8):
                j = i * 8 + u
                psx[j, :] = psx[j, :] - pdx[j, :]
            return 0
        lax.fori_loop(0, C // 8, sub8, 0)
        pltpu.sync_copy(psx, diff_hbm.at[pl.ds(cbase(ci), C)])

    fire(0, 0)
    fire(1, 1)

    def body2(i2, _):
        i = i2 * 2
        process(i, 0)
        fire(i + 2, 0)
        process(i + 1, 1)
        fire(i + 3, 1)
        return 0
    lax.fori_loop(0, (N2 - 2) // 2, body2, 0)
    process(N2 - 2, 0)
    process(N2 - 1, 1)


def _k2(pos16, src_i, dst_i):
    mesh = plsc.VectorSubcoreMesh(core_axis_name="c", subcore_axis_name="s")
    return pl.kernel(
        _k2_body,
        out_type=jax.ShapeDtypeStruct((E, L), f32),
        mesh=mesh,
        scratch_types=[
            pltpu.VMEM((C,), i32),
            pltpu.VMEM((C,), i32),
            pltpu.VMEM((C, L), f32),
            pltpu.VMEM((C, L), f32),
            pltpu.VMEM((C,), i32),
            pltpu.VMEM((C,), i32),
            pltpu.VMEM((C, L), f32),
            pltpu.VMEM((C, L), f32),
            pltpu.SemaphoreType.DMA,
            pltpu.SemaphoreType.DMA,
            pltpu.SemaphoreType.DMA,
            pltpu.SemaphoreType.DMA,
        ],
        compiler_params=pltpu.CompilerParams(use_tc_tiling_on_sc=False),
    )(pos16, src_i, dst_i)


EB3 = 8000
G3 = E // EB3


def _k3_body(diff_ref, wr_ref, ew_ref):
    t4 = diff_ref[...]
    ssq = jnp.sum(t4 * t4, axis=1, keepdims=True)
    d = jnp.sqrt(ssq + 1e-8)
    mu = lax.broadcasted_iota(i32, (1, N_RADIAL), 1).astype(f32) * (
        CUTOFF / (N_RADIAL - 1))
    sigma = CUTOFF / N_RADIAL
    t = jnp.broadcast_to(d, (EB3, N_RADIAL)) - mu
    rbf = jnp.exp(t * t * (-1.0 / (2.0 * sigma * sigma)))
    wr = wr_ref[...]
    ew0 = jnp.dot(rbf, wr[:, :HALF], preferred_element_type=f32)
    ew1 = jnp.dot(rbf, wr[:, HALF:], preferred_element_type=f32)
    ew_ref[...] = jnp.stack([ew0, ew1])


def _k3(diff, W_rbf):
    return pl.pallas_call(
        _k3_body,
        grid=(G3,),
        in_specs=[
            pl.BlockSpec((EB3, L), lambda g: (g, 0)),
            pl.BlockSpec((N_RADIAL, D_MSG), lambda g: (0, 0)),
        ],
        out_specs=pl.BlockSpec((2, EB3, HALF), lambda g: (0, g, 0)),
        out_shape=jax.ShapeDtypeStruct((2, E, HALF), f32),
    )(diff, W_rbf)


EW4 = E // NS
N4 = EW4 // C
TAIL4 = EW4 - N4 * C
NROW = N // NS


def _k4_body(m_hbm, ew_hbm, src_hbm, dst_hbm, zeros_hbm, agg_hbm,
             acc, is0, id0, rw0, eb0, is1, id1, rw1, eb1,
             sg0, se0, sg1, se1):
    core = lax.axis_index("c")
    sid = lax.axis_index("s")

    pltpu.sync_copy(zeros_hbm.at[pl.ds(sid * NROW, NROW)],
                    acc.at[pl.ds(sid * NROW, NROW)])
    plsc.subcore_barrier()

    base0 = sid * EW4
    bufs = ((is0, id0, rw0, eb0, sg0, se0),
            (is1, id1, rw1, eb1, sg1, se1))

    def fire(c, p, nload):
        isx, idx, rwx, ebx, sg, se = bufs[p]
        base = base0 + c * C
        pltpu.sync_copy(src_hbm.at[pl.ds(base, nload)],
                        isx.at[pl.ds(0, nload)])
        pltpu.sync_copy(dst_hbm.at[pl.ds(base, nload)],
                        idx.at[pl.ds(0, nload)])
        pltpu.async_copy(m_hbm.at[core].at[isx], rwx, sg)
        pltpu.async_copy(ew_hbm.at[core].at[pl.ds(base, nload)],
                        ebx.at[pl.ds(0, nload)], se)

    def process(p, nvalid):
        isx, idx, rwx, ebx, sg, se = bufs[p]
        pltpu.make_async_copy(m_hbm.at[core].at[isx], rwx, sg).wait()
        pltpu.make_async_copy(ew_hbm.at[core].at[pl.ds(0, nvalid)],
                              ebx.at[pl.ds(0, nvalid)], se).wait()

        def mul8(i, _):
            for u in range(8):
                j = i * 8 + u
                for k in range(HALF // L):
                    sl = pl.ds(k * L, L)
                    rwx[j, sl] = rwx[j, sl] * ebx[j, sl]
            return 0
        lax.fori_loop(0, nvalid // 8, mul8, 0)
        if nvalid < C:
            def zero8(i, _):
                for u in range(8):
                    j = nvalid + i * 8 + u
                    for k in range(HALF // L):
                        rwx[j, pl.ds(k * L, L)] = jnp.zeros((L,), f32)
                return 0
            lax.fori_loop(0, (C - nvalid) // 8, zero8, 0)
        pltpu.sync_copy(rwx, acc.at[idx], add=True)

    fire(0, 0, C)
    fire(1, 1, C)

    def body2(i2, _):
        i = i2 * 2
        process(0, C)
        fire(i + 2, 0, C)
        process(1, C)
        fire(i + 3, 1, C)
        return 0
    lax.fori_loop(0, (N4 - 2) // 2, body2, 0)

    process(0, C)
    fire(N4, 0, TAIL4)
    process(1, C)
    process(0, TAIL4)
    plsc.subcore_barrier()

    pltpu.sync_copy(acc.at[pl.ds(sid * NROW, NROW)],
                    agg_hbm.at[core].at[pl.ds(sid * NROW, NROW)])


def _k4(m_pk, ew_pk, src_i, dst_i, zeros_h):
    mesh = plsc.VectorSubcoreMesh(core_axis_name="c", subcore_axis_name="s")
    return pl.kernel(
        _k4_body,
        out_type=jax.ShapeDtypeStruct((2, N, HALF), f32),
        mesh=mesh,
        scratch_types=[
            pltpu.VMEM_SHARED((N, HALF), f32),
            pltpu.VMEM((C,), i32),
            pltpu.VMEM((C,), i32),
            pltpu.VMEM((C, HALF), f32),
            pltpu.VMEM((C, HALF), f32),
            pltpu.VMEM((C,), i32),
            pltpu.VMEM((C,), i32),
            pltpu.VMEM((C, HALF), f32),
            pltpu.VMEM((C, HALF), f32),
            pltpu.SemaphoreType.DMA,
            pltpu.SemaphoreType.DMA,
            pltpu.SemaphoreType.DMA,
            pltpu.SemaphoreType.DMA,
        ],
        compiler_params=pltpu.CompilerParams(use_tc_tiling_on_sc=False),
    )(m_pk, ew_pk, src_i, dst_i, zeros_h)


NB5 = 2000
G5 = N // NB5


def _k5_body(h0_ref, agg_ref, b_ref, wu_ref, bu_ref, wg_ref,
             w1_ref, b1_ref, w2_ref, b2_ref, w3_ref, b3_ref,
             w4_ref, b4_ref, wo_ref, out_ref, pooled, counts):
    g = pl.program_id(0)

    a = jnp.concatenate([agg_ref[0], agg_ref[1]], axis=1)
    upd = jnp.dot(a, wu_ref[...], preferred_element_type=f32) + bu_ref[...]
    h = h0_ref[...] + jax.nn.gelu(upd)
    gg = jnp.dot(h, wg_ref[...], preferred_element_type=f32)

    bb = jnp.broadcast_to(b_ref[0], (NGP, NB5))
    gid = lax.broadcasted_iota(i32, (NGP, NB5), 0).astype(f32)
    oh = jnp.where(bb == gid, 1.0, 0.0).astype(f32)

    @pl.when(g == 0)
    def _():
        pooled[...] = jnp.zeros((NGP, D_GRAPH), f32)
        counts[...] = jnp.zeros((NGP, NGP), f32)

    pooled[...] += jnp.dot(oh, gg, preferred_element_type=f32)
    counts[...] += jnp.broadcast_to(
        jnp.sum(oh, axis=1, keepdims=True), (NGP, NGP))

    @pl.when(g == G5 - 1)
    def _():
        cnt = jnp.maximum(counts[...][:, 0:1], 1.0)
        pm = pooled[...] / cnt
        y = jax.nn.gelu(jnp.dot(pm, w1_ref[...],
                                preferred_element_type=f32) + b1_ref[...])
        y = jax.nn.gelu(jnp.dot(y, w2_ref[...],
                                preferred_element_type=f32) + b2_ref[...])
        y = jax.nn.gelu(jnp.dot(y, w3_ref[...],
                                preferred_element_type=f32) + b3_ref[...])
        y = jax.nn.gelu(jnp.dot(y, w4_ref[...],
                                preferred_element_type=f32) + b4_ref[...])
        out_ref[...] = jnp.dot(y, wo_ref[...], preferred_element_type=f32)


def _k5(h0, agg_pk, batchf3, W_upd, b_upd, W_graph,
        W1, b1, W2, b2, W3, b3, W4, b4, W_out):
    full = lambda shape: pl.BlockSpec(shape, lambda g: tuple(0 for _ in shape))
    return pl.pallas_call(
        _k5_body,
        grid=(G5,),
        in_specs=[
            pl.BlockSpec((NB5, D_NODE), lambda g: (g, 0)),
            pl.BlockSpec((2, NB5, HALF), lambda g: (0, g, 0)),
            pl.BlockSpec((1, 1, NB5), lambda g: (g, 0, 0)),
            full((D_MSG, D_NODE)),
            full((1, D_NODE)),
            full((D_NODE, D_GRAPH)),
            full((D_GRAPH, FC)),
            full((1, FC)),
            full((FC, FC)),
            full((1, FC)),
            full((FC, FC)),
            full((1, FC)),
            full((FC, FC)),
            full((1, FC)),
            full((FC, D_OUT)),
        ],
        out_specs=pl.BlockSpec((NGP, D_OUT), lambda g: (0, 0)),
        out_shape=jax.ShapeDtypeStruct((NGP, D_OUT), f32),
        scratch_shapes=[
            pltpu.VMEM((NGP, D_GRAPH), f32),
            pltpu.VMEM((NGP, NGP), f32),
        ],
    )(h0, agg_pk, batchf3, W_upd, b_upd, W_graph,
      W1, b1, W2, b2, W3, b3, W4, b4, W_out)


def kernel(x, pos, batch, edge_index, W_embed, b_embed, W_msg, W_rbf,
           W_upd, b_upd, W_graph, W1, b1, W2, b2, W3, b3, W4, b4, W_out):
    src_i = edge_index[0].astype(i32)
    dst_i = edge_index[1].astype(i32)
    pos16 = jnp.concatenate([pos, jnp.zeros((N, L - 3), f32)], axis=1)
    batchf3 = batch.astype(f32).reshape(G5, 1, NB5)
    zeros_h = jnp.zeros((N, HALF), f32)

    h0, m_pk = _k1(x, W_embed, b_embed.reshape(1, D_NODE), W_msg)
    diff = _k2(pos16, src_i, dst_i)
    ew_pk = _k3(diff, W_rbf)
    agg_pk = _k4(m_pk, ew_pk, src_i, dst_i, zeros_h)
    out_full = _k5(h0, agg_pk, batchf3, W_upd,
                   b_upd.reshape(1, D_NODE), W_graph,
                   W1, b1.reshape(1, FC), W2, b2.reshape(1, FC),
                   W3, b3.reshape(1, FC), W4, b4.reshape(1, FC), W_out)
    return out_full[:NG]

# --- scband reference (transcript-rebuilt; emitter-appended) ---
"""Pipeline reference for scband-molecule-graph-model-7876970021497 (READ-ONLY COPY).

The authoritative reference and input builder live on the scoring server;
editing this copy changes nothing except your own understanding.
"""

import jax, jax.numpy as jnp
import numpy as np

N_NODES = 50000
N_EDGES = 800000
D_IN = 128
D_NODE = 128
D_MSG = 64
N_RADIAL = 32
D_GRAPH = 256
FC_DEPTH = 256
D_OUT = 128
N_GRAPHS = 100
CUTOFF = 6.0


def setup_inputs(seed: int = 0) -> dict:
    key = jax.random.key(seed)
    ks = jax.random.split(key, 24)
    inp = {}
    inp['x'] = jax.random.normal(ks[0], (N_NODES, D_IN), dtype=jnp.float32)
    inp['pos'] = jax.random.normal(ks[1], (N_NODES, 3), dtype=jnp.float32)
    inp['batch'] = jnp.sort(jax.random.randint(ks[2], (N_NODES,), 0, N_GRAPHS, dtype=jnp.int64))
    inp['edge_index'] = jax.random.randint(ks[3], (2, N_EDGES), 0, N_NODES, dtype=jnp.int64)
    s = lambda k, a, b: jax.random.normal(k, (a, b), dtype=jnp.float32) * (1.0 / np.sqrt(a))
    inp['W_embed'] = s(ks[4], D_IN, D_NODE)
    inp['b_embed'] = jnp.zeros((D_NODE,), dtype=jnp.float32)
    inp['W_msg'] = s(ks[5], D_NODE, D_MSG)
    inp['W_rbf'] = s(ks[6], N_RADIAL, D_MSG)
    inp['W_upd'] = s(ks[7], D_MSG, D_NODE)
    inp['b_upd'] = jnp.zeros((D_NODE,), dtype=jnp.float32)
    inp['W_graph'] = s(ks[8], D_NODE, D_GRAPH)
    inp['W1'] = s(ks[9], D_GRAPH, FC_DEPTH)
    inp['b1'] = jnp.zeros((FC_DEPTH,), dtype=jnp.float32)
    inp['W2'] = s(ks[10], FC_DEPTH, FC_DEPTH)
    inp['b2'] = jnp.zeros((FC_DEPTH,), dtype=jnp.float32)
    inp['W3'] = s(ks[11], FC_DEPTH, FC_DEPTH)
    inp['b3'] = jnp.zeros((FC_DEPTH,), dtype=jnp.float32)
    inp['W4'] = s(ks[12], FC_DEPTH, FC_DEPTH)
    inp['b4'] = jnp.zeros((FC_DEPTH,), dtype=jnp.float32)
    inp['W_out'] = s(ks[13], FC_DEPTH, D_OUT)
    return inp


def reference(x, pos, batch, edge_index, W_embed, b_embed, W_msg, W_rbf, W_upd, b_upd,
              W_graph, W1, b1, W2, b2, W3, b3, W4, b4, W_out):
    src = edge_index[0]
    dst = edge_index[1]
    # initial nodewise embedding
    h = jax.nn.gelu(x @ W_embed + b_embed)  # [N, D_NODE]
    # gaussian radial basis on edge distances
    d = jnp.sqrt(jnp.sum((pos[src] - pos[dst]) ** 2, axis=-1) + 1e-8)  # [E]
    mu = jnp.linspace(0.0, CUTOFF, N_RADIAL)
    sigma = CUTOFF / N_RADIAL
    rbf = jnp.exp(-((d[:, None] - mu[None, :]) ** 2) / (2.0 * sigma ** 2))  # [E, N_RADIAL]
    edge_w = rbf @ W_rbf  # [E, D_MSG]
    # message passing: gather source messages, modulate by radial filter, scatter-add to dst
    msg = (h @ W_msg)[src] * edge_w  # [E, D_MSG]
    agg = jax.ops.segment_sum(msg, dst, num_segments=N_NODES)  # [N, D_MSG]
    h = h + jax.nn.gelu(agg @ W_upd + b_upd)  # residual node update
    # project to graph embedding depth and global mean pool per molecule
    g = h @ W_graph  # [N, D_GRAPH]
    pooled = jax.ops.segment_sum(g, batch, num_segments=N_GRAPHS)
    counts = jax.ops.segment_sum(jnp.ones((N_NODES,), dtype=jnp.float32), batch, num_segments=N_GRAPHS)
    pooled = pooled / jnp.maximum(counts, 1.0)[:, None]  # [B, D_GRAPH]
    # post-pool gnn MLP (num_fc_layers=4)
    y = jax.nn.gelu(pooled @ W1 + b1)
    y = jax.nn.gelu(y @ W2 + b2)
    y = jax.nn.gelu(y @ W3 + b3)
    y = jax.nn.gelu(y @ W4 + b4)
    # output reshaping layer (fc_depth != output_dimension -> linear, no bias)
    out = y @ W_out  # [B, D_OUT]
    return out

if __name__ == "__main__":
    import jax
    _d = setup_inputs()
    print(jax.jit(kernel)(*tuple(_d.values())))

</pallas_src>

<mosaic_0001>
#map = affine_map<(d0, d1) -> (0, 0, 0)>
#map1 = affine_map<(d0, d1) -> (0)>
#map2 = affine_map<(d0, d1) -> (0, 0)>
module attributes {stable_mosaic.version = 14 : i64} {
  func.func @_k4_body(%arg0: i32, %arg1: i32, %arg2: memref<2x50000x32xf32, #tpu.memory_space<hbm>>, %arg3: memref<2x800000x32xf32, #tpu.memory_space<hbm>>, %arg4: memref<800000xi32, #tpu.memory_space<hbm>>, %arg5: memref<800000xi32, #tpu.memory_space<hbm>>, %arg6: memref<50000x32xf32, #tpu.memory_space<hbm>>, %arg7: memref<2x50000x32xf32, #tpu.memory_space<hbm>>, %arg8: memref<50000x32xf32, #tpu.memory_space<vmem_shared>>, %arg9: memref<128xi32, #tpu.memory_space<vmem>>, %arg10: memref<128xi32, #tpu.memory_space<vmem>>, %arg11: memref<128x32xf32, #tpu.memory_space<vmem>>, %arg12: memref<128x32xf32, #tpu.memory_space<vmem>>, %arg13: memref<128xi32, #tpu.memory_space<vmem>>, %arg14: memref<128xi32, #tpu.memory_space<vmem>>, %arg15: memref<128x32xf32, #tpu.memory_space<vmem>>, %arg16: memref<128x32xf32, #tpu.memory_space<vmem>>, %arg17: memref<!tpu.dma_semaphore, #tpu.memory_space<semaphore_mem>>, %arg18: memref<!tpu.dma_semaphore, #tpu.memory_space<semaphore_mem>>, %arg19: memref<!tpu.dma_semaphore, #tpu.memory_space<semaphore_mem>>, %arg20: memref<!tpu.dma_semaphore, #tpu.memory_space<semaphore_mem>>) attributes {dimension_semantics = [#tpu.dimension_semantics<core_parallel>, #tpu.dimension_semantics<subcore_parallel>], iteration_bounds = array<i64: 2, 16>, scalar_prefetch = 0 : i64, scratch_operands = 13 : i64, tpu.core_type = #tpu.core_type<sc_vector_subcore>, window_params = [{transform_indices = #map}, {transform_indices = #map}, {transform_indices = #map1}, {transform_indices = #map1}, {transform_indices = #map2}, {transform_indices = #map}]} {
    %mul3A = arith.constant 3125 : i32
    %mul3A_0 = arith.muli %arg1, %mul3A : i32
    %mul3A_1 = arith.constant 3125 : i32
    %mul3A_2 = arith.muli %arg1, %mul3A_1 : i32
    "tpu.region"() ({
      %run_scoped3A = tpu.sem_alloc : memref<!tpu.dma_semaphore, #tpu.memory_space<semaphore_mem>>
      %dma_start3A_203 = arith.constant 0 : i32
      %dma_start3A_204 = tpu.memref_slice %arg8[%mul3A_2, %dma_start3A_203] : memref<50000x32xf32, #tpu.memory_space<vmem_shared>> -> memref<3125x32xf32, #tpu.memory_space<vmem_shared>>
      %dma_start3A_205 = arith.constant 0 : i32
      %dma_start3A_206 = tpu.memref_slice %arg6[%mul3A_0, %dma_start3A_205] : memref<50000x32xf32, #tpu.memory_space<hbm>> -> memref<3125x32xf32, #tpu.memory_space<hbm>>
      tpu.enqueue_dma source(%dma_start3A_206 : memref<3125x32xf32, #tpu.memory_space<hbm>>) target(%dma_start3A_204 : memref<3125x32xf32, #tpu.memory_space<vmem_shared>>) target_semaphore(%run_scoped3A : memref<!tpu.dma_semaphore, #tpu.memory_space<semaphore_mem>>)
      %dma_wait3A_207 = arith.constant 0 : i32
      %dma_wait3A_208 = tpu.memref_slice %arg8[%mul3A_2, %dma_wait3A_207] : memref<50000x32xf32, #tpu.memory_space<vmem_shared>> -> memref<3125x32xf32, #tpu.memory_space<vmem_shared>>
      %dma_wait3A_209 = arith.constant 0 : i32
      %dma_wait3A_210 = tpu.memref_slice %arg6[%mul3A_0, %dma_wait3A_209] : memref<50000x32xf32, #tpu.memory_space<hbm>> -> memref<3125x32xf32, #tpu.memory_space<hbm>>
      tpu.wait_dma2 semaphore(%run_scoped3A : memref<!tpu.dma_semaphore, #tpu.memory_space<semaphore_mem>>) src(%dma_wait3A_210 : memref<3125x32xf32, #tpu.memory_space<hbm>>) dst(%dma_wait3A_208 : memref<3125x32xf32, #tpu.memory_space<vmem_shared>>)
      tpu.yield
    }) : () -> ()
    %barrier3A = arith.constant 0 : index
    tpu.barrier barrier_id(%barrier3A)
    %mul3A_3 = arith.constant 50000 : i32
    %mul3A_4 = arith.muli %arg1, %mul3A_3 : i32
    %add3A = arith.constant 0 : i32
    %add3A_5 = arith.addi %mul3A_4, %add3A : i32
    "tpu.region"() ({
      %run_scoped3A = tpu.sem_alloc : memref<!tpu.dma_semaphore, #tpu.memory_space<semaphore_mem>>
      %dma_start3A_203 = arith.constant 0 : i32
      %dma_start3A_204 = tpu.memref_slice %arg9[%dma_start3A_203] : memref<128xi32, #tpu.memory_space<vmem>> -> memref<128xi32, #tpu.memory_space<vmem>>
      %dma_start3A_205 = tpu.memref_slice %arg4[%add3A_5] : memref<800000xi32, #tpu.memory_space<hbm>> -> memref<128xi32, #tpu.memory_space<hbm>>
      %dma_start3A_206 = arith.constant 0 : i32
      %dma_start3A_207 = tpu.memref_slice %arg9[%dma_start3A_206] : memref<128xi32, #tpu.memory_space<vmem>> -> memref<128xi32, #tpu.memory_space<vmem>>
      %dma_start3A_208 = tpu.memref_slice %arg4[%add3A_5] : memref<800000xi32, #tpu.memory_space<hbm>> -> memref<128xi32, #tpu.memory_space<hbm>>
      tpu.enqueue_dma source(%dma_start3A_208 : memref<128xi32, #tpu.memory_space<hbm>>) target(%dma_start3A_207 : memref<128xi32, #tpu.memory_space<vmem>>) target_semaphore(%run_scoped3A : memref<!tpu.dma_semaphore, #tpu.memory_space<semaphore_mem>>)
      %dma_wait3A_209 = arith.constant 0 : i32
      %dma_wait3A_210 = tpu.memref_slice %arg9[%dma_wait3A_209] : memref<128xi32, #tpu.memory_space<vmem>> -> memref<128xi32, #tpu.memory_space<vmem>>
      %dma_wait3A_211 = tpu.memref_slice %arg4[%add3A_5] : memref<800000xi32, #tpu.memory_space<hbm>> -> memref<128xi32, #tpu.memory_space<hbm>>
      %dma_wait3A_212 = arith.constant 0 : i32
      %dma_wait3A_213 = tpu.memref_slice %arg9[%dma_wait3A_212] : memref<128xi32, #tpu.memory_space<vmem>> -> memref<128xi32, #tpu.memory_space<vmem>>
      %dma_wait3A_214 = tpu.memref_slice %arg4[%add3A_5] : memref<800000xi32, #tpu.memory_space<hbm>> -> memref<128xi32, #tpu.memory_space<hbm>>
      tpu.wait_dma2 semaphore(%run_scoped3A : memref<!tpu.dma_semaphore, #tpu.memory_space<semaphore_mem>>) src(%dma_wait3A_214 : memref<128xi32, #tpu.memory_space<hbm>>) dst(%dma_wait3A_213 : memref<128xi32, #tpu.memory_space<vmem>>)
      tpu.yield
    }) : () -> ()
    "tpu.region"() ({
      %run_scoped3A = tpu.sem_alloc : memref<!tpu.dma_semaphore, #tpu.memory_space<semaphore_mem>>
      %dma_start3A_203 = arith.constant 0 : i32
      %dma_start3A_204 = tpu.memref_slice %arg10[%dma_start3A_203] : memref<128xi32, #tpu.memory_space<vmem>> -> memref<128xi32, #tpu.memory_space<vmem>>
      %dma_start3A_205 = tpu.memref_slice %arg5[%add3A_5] : memref<800000xi32, #tpu.memory_space<hbm>> -> memref<128xi32, #tpu.memory_space<hbm>>
      %dma_start3A_206 = arith.constant 0 : i32
      %dma_start3A_207 = tpu.memref_slice %arg10[%dma_start3A_206] : memref<128xi32, #tpu.memory_space<vmem>> -> memref<128xi32, #tpu.memory_space<vmem>>
      %dma_start3A_208 = tpu.memref_slice %arg5[%add3A_5] : memref<800000xi32, #tpu.memory_space<hbm>> -> memref<128xi32, #tpu.memory_space<hbm>>
      tpu.enqueue_dma source(%dma_start3A_208 : memref<128xi32, #tpu.memory_space<hbm>>) target(%dma_start3A_207 : memref<128xi32, #tpu.memory_space<vmem>>) target_semaphore(%run_scoped3A : memref<!tpu.dma_semaphore, #tpu.memory_space<semaphore_mem>>)
      %dma_wait3A_209 = arith.constant 0 : i32
      %dma_wait3A_210 = tpu.memref_slice %arg10[%dma_wait3A_209] : memref<128xi32, #tpu.memory_space<vmem>> -> memref<128xi32, #tpu.memory_space<vmem>>
      %dma_wait3A_211 = tpu.memref_slice %arg5[%add3A_5] : memref<800000xi32, #tpu.memory_space<hbm>> -> memref<128xi32, #tpu.memory_space<hbm>>
      %dma_wait3A_212 = arith.constant 0 : i32
      %dma_wait3A_213 = tpu.memref_slice %arg10[%dma_wait3A_212] : memref<128xi32, #tpu.memory_space<vmem>> -> memref<128xi32, #tpu.memory_space<vmem>>
      %dma_wait3A_214 = tpu.memref_slice %arg5[%add3A_5] : memref<800000xi32, #tpu.memory_space<hbm>> -> memref<128xi32, #tpu.memory_space<hbm>>
      tpu.wait_dma2 semaphore(%run_scoped3A : memref<!tpu.dma_semaphore, #tpu.memory_space<semaphore_mem>>) src(%dma_wait3A_214 : memref<128xi32, #tpu.memory_space<hbm>>) dst(%dma_wait3A_213 : memref<128xi32, #tpu.memory_space<vmem>>)
      tpu.yield
    }) : () -> ()
    %dma_start3A = arith.constant 0 : i32
    %dma_start3A_6 = arith.constant 0 : i32
    %dma_start3A_7 = tpu.memref_slice %arg2[%arg0, %dma_start3A, %dma_start3A_6] : memref<2x50000x32xf32, #tpu.memory_space<hbm>> -> memref<1x50000x32xf32, #tpu.memory_space<hbm>>
    %dma_start3A_8 = tpu.memref_squeeze %dma_start3A_7 : memref<1x50000x32xf32, #tpu.memory_space<hbm>> -> memref<50000x32xf32, #tpu.memory_space<hbm>>
    %dma_start3A_9 = arith.constant 0 : i32
    %dma_start3A_10 = arith.constant 0 : i32
    %dma_start3A_11 = tpu.memref_slice %dma_start3A_8[%dma_start3A_9, %dma_start3A_10] : memref<50000x32xf32, #tpu.memory_space<hbm>> -> memref<50000x32xf32, #tpu.memory_space<hbm>>
    tpu.enqueue_indirect_dma source(%dma_start3A_11 : memref<50000x32xf32, #tpu.memory_space<hbm>>) target(%arg11 : memref<128x32xf32, #tpu.memory_space<vmem>>) offsets(%arg9 : memref<128xi32, #tpu.memory_space<vmem>>) semaphore(%arg17 : memref<!tpu.dma_semaphore, #tpu.memory_space<semaphore_mem>>)
    %dma_start3A_12 = arith.constant 0 : i32
    %dma_start3A_13 = arith.constant 0 : i32
    %dma_start3A_14 = tpu.memref_slice %arg12[%dma_start3A_12, %dma_start3A_13] : memref<128x32xf32, #tpu.memory_space<vmem>> -> memref<128x32xf32, #tpu.memory_space<vmem>>
    %dma_start3A_15 = arith.constant 0 : i32
    %dma_start3A_16 = arith.constant 0 : i32
    %dma_start3A_17 = tpu.memref_slice %arg3[%arg0, %dma_start3A_15, %dma_start3A_16] : memref<2x800000x32xf32, #tpu.memory_space<hbm>> -> memref<1x800000x32xf32, #tpu.memory_space<hbm>>
    %dma_start3A_18 = tpu.memref_squeeze %dma_start3A_17 : memref<1x800000x32xf32, #tpu.memory_space<hbm>> -> memref<800000x32xf32, #tpu.memory_space<hbm>>
    %dma_start3A_19 = arith.constant 0 : i32
    %dma_start3A_20 = tpu.memref_slice %dma_start3A_18[%add3A_5, %dma_start3A_19] : memref<800000x32xf32, #tpu.memory_space<hbm>> -> memref<128x32xf32, #tpu.memory_space<hbm>>
    %dma_start3A_21 = arith.constant 0 : i32
    %dma_start3A_22 = arith.constant 0 : i32
    %dma_start3A_23 = tpu.memref_slice %arg12[%dma_start3A_21, %dma_start3A_22] : memref<128x32xf32, #tpu.memory_space<vmem>> -> memref<128x32xf32, #tpu.memory_space<vmem>>
    %dma_start3A_24 = arith.constant 0 : i32
    %dma_start3A_25 = arith.constant 0 : i32
    %dma_start3A_26 = tpu.memref_slice %arg3[%arg0, %dma_start3A_24, %dma_start3A_25] : memref<2x800000x32xf32, #tpu.memory_space<hbm>> -> memref<1x800000x32xf32, #tpu.memory_space<hbm>>
    %dma_start3A_27 = tpu.memref_squeeze %dma_start3A_26 : memref<1x800000x32xf32, #tpu.memory_space<hbm>> -> memref<800000x32xf32, #tpu.memory_space<hbm>>
    %dma_start3A_28 = arith.constant 0 : i32
    %dma_start3A_29 = tpu.memref_slice %dma_start3A_27[%add3A_5, %dma_start3A_28] : memref<800000x32xf32, #tpu.memory_space<hbm>> -> memref<128x32xf32, #tpu.memory_space<hbm>>
    tpu.enqueue_dma source(%dma_start3A_29 : memref<128x32xf32, #tpu.memory_space<hbm>>) target(%dma_start3A_23 : memref<128x32xf32, #tpu.memory_space<vmem>>) target_semaphore(%arg18 : memref<!tpu.dma_semaphore, #tpu.memory_space<semaphore_mem>>)
    %add3A_30 = arith.constant 128 : i32
    %add3A_31 = arith.addi %mul3A_4, %add3A_30 : i32
    "tpu.region"() ({
      %run_scoped3A = tpu.sem_alloc : memref<!tpu.dma_semaphore, #tpu.memory_space<semaphore_mem>>
      %dma_start3A_203 = arith.constant 0 : i32
      %dma_start3A_204 = tpu.memref_slice %arg13[%dma_start3A_203] : memref<128xi32, #tpu.memory_space<vmem>> -> memref<128xi32, #tpu.memory_space<vmem>>
      %dma_start3A_205 = tpu.memref_slice %arg4[%add3A_31] : memref<800000xi32, #tpu.memory_space<hbm>> -> memref<128xi32, #tpu.memory_space<hbm>>
      %dma_start3A_206 = arith.constant 0 : i32
      %dma_start3A_207 = tpu.memref_slice %arg13[%dma_start3A_206] : memref<128xi32, #tpu.memory_space<vmem>> -> memref<128xi32, #tpu.memory_space<vmem>>
      %dma_start3A_208 = tpu.memref_slice %arg4[%add3A_31] : memref<800000xi32, #tpu.memory_space<hbm>> -> memref<128xi32, #tpu.memory_space<hbm>>
      tpu.enqueue_dma source(%dma_start3A_208 : memref<128xi32, #tpu.memory_space<hbm>>) target(%dma_start3A_207 : memref<128xi32, #tpu.memory_space<vmem>>) target_semaphore(%run_scoped3A : memref<!tpu.dma_semaphore, #tpu.memory_space<semaphore_mem>>)
      %dma_wait3A_209 = arith.constant 0 : i32
      %dma_wait3A_210 = tpu.memref_slice %arg13[%dma_wait3A_209] : memref<128xi32, #tpu.memory_space<vmem>> -> memref<128xi32, #tpu.memory_space<vmem>>
      %dma_wait3A_211 = tpu.memref_slice %arg4[%add3A_31] : memref<800000xi32, #tpu.memory_space<hbm>> -> memref<128xi32, #tpu.memory_space<hbm>>
      %dma_wait3A_212 = arith.constant 0 : i32
      %dma_wait3A_213 = tpu.memref_slice %arg13[%dma_wait3A_212] : memref<128xi32, #tpu.memory_space<vmem>> -> memref<128xi32, #tpu.memory_space<vmem>>
      %dma_wait3A_214 = tpu.memref_slice %arg4[%add3A_31] : memref<800000xi32, #tpu.memory_space<hbm>> -> memref<128xi32, #tpu.memory_space<hbm>>
      tpu.wait_dma2 semaphore(%run_scoped3A : memref<!tpu.dma_semaphore, #tpu.memory_space<semaphore_mem>>) src(%dma_wait3A_214 : memref<128xi32, #tpu.memory_space<hbm>>) dst(%dma_wait3A_213 : memref<128xi32, #tpu.memory_space<vmem>>)
      tpu.yield
    }) : () -> ()
    "tpu.region"() ({
      %run_scoped3A = tpu.sem_alloc : memref<!tpu.dma_semaphore, #tpu.memory_space<semaphore_mem>>
      %dma_start3A_203 = arith.constant 0 : i32
      %dma_start3A_204 = tpu.memref_slice %arg14[%dma_start3A_203] : memref<128xi32, #tpu.memory_space<vmem>> -> memref<128xi32, #tpu.memory_space<vmem>>
      %dma_start3A_205 = tpu.memref_slice %arg5[%add3A_31] : memref<800000xi32, #tpu.memory_space<hbm>> -> memref<128xi32, #tpu.memory_space<hbm>>
      %dma_start3A_206 = arith.constant 0 : i32
      %dma_start3A_207 = tpu.memref_slice %arg14[%dma_start3A_206] : memref<128xi32, #tpu.memory_space<vmem>> -> memref<128xi32, #tpu.memory_space<vmem>>
      %dma_start3A_208 = tpu.memref_slice %arg5[%add3A_31] : memref<800000xi32, #tpu.memory_space<hbm>> -> memref<128xi32, #tpu.memory_space<hbm>>
      tpu.enqueue_dma source(%dma_start3A_208 : memref<128xi32, #tpu.memory_space<hbm>>) target(%dma_start3A_207 : memref<128xi32, #tpu.memory_space<vmem>>) target_semaphore(%run_scoped3A : memref<!tpu.dma_semaphore, #tpu.memory_space<semaphore_mem>>)
      %dma_wait3A_209 = arith.constant 0 : i32
      %dma_wait3A_210 = tpu.memref_slice %arg14[%dma_wait3A_209] : memref<128xi32, #tpu.memory_space<vmem>> -> memref<128xi32, #tpu.memory_space<vmem>>
      %dma_wait3A_211 = tpu.memref_slice %arg5[%add3A_31] : memref<800000xi32, #tpu.memory_space<hbm>> -> memref<128xi32, #tpu.memory_space<hbm>>
      %dma_wait3A_212 = arith.constant 0 : i32
      %dma_wait3A_213 = tpu.memref_slice %arg14[%dma_wait3A_212] : memref<128xi32, #tpu.memory_space<vmem>> -> memref<128xi32, #tpu.memory_space<vmem>>
      %dma_wait3A_214 = tpu.memref_slice %arg5[%add3A_31] : memref<800000xi32, #tpu.memory_space<hbm>> -> memref<128xi32, #tpu.memory_space<hbm>>
      tpu.wait_dma2 semaphore(%run_scoped3A : memref<!tpu.dma_semaphore, #tpu.memory_space<semaphore_mem>>) src(%dma_wait3A_214 : memref<128xi32, #tpu.memory_space<hbm>>) dst(%dma_wait3A_213 : memref<128xi32, #tpu.memory_space<vmem>>)
      tpu.yield
    }) : () -> ()
    %dma_start3A_32 = arith.constant 0 : i32
    %dma_start3A_33 = arith.constant 0 : i32
    %dma_start3A_34 = tpu.memref_slice %arg2[%arg0, %dma_start3A_32, %dma_start3A_33] : memref<2x50000x32xf32, #tpu.memory_space<hbm>> -> memref<1x50000x32xf32, #tpu.memory_space<hbm>>
    %dma_start3A_35 = tpu.memref_squeeze %dma_start3A_34 : memref<1x50000x32xf32, #tpu.memory_space<hbm>> -> memref<50000x32xf32, #tpu.memory_space<hbm>>
    %dma_start3A_36 = arith.constant 0 : i32
    %dma_start3A_37 = arith.constant 0 : i32
    %dma_start3A_38 = tpu.memref_slice %dma_start3A_35[%dma_start3A_36, %dma_start3A_37] : memref<50000x32xf32, #tpu.memory_space<hbm>> -> memref<50000x32xf32, #tpu.memory_space<hbm>>
    tpu.enqueue_indirect_dma source(%dma_start3A_38 : memref<50000x32xf32, #tpu.memory_space<hbm>>) target(%arg15 : memref<128x32xf32, #tpu.memory_space<vmem>>) offsets(%arg13 : memref<128xi32, #tpu.memory_space<vmem>>) semaphore(%arg19 : memref<!tpu.dma_semaphore, #tpu.memory_space<semaphore_mem>>)
    %dma_start3A_39 = arith.constant 0 : i32
    %dma_start3A_40 = arith.constant 0 : i32
    %dma_start3A_41 = tpu.memref_slice %arg16[%dma_start3A_39, %dma_start3A_40] : memref<128x32xf32, #tpu.memory_space<vmem>> -> memref<128x32xf32, #tpu.memory_space<vmem>>
    %dma_start3A_42 = arith.constant 0 : i32
    %dma_start3A_43 = arith.constant 0 : i32
    %dma_start3A_44 = tpu.memref_slice %arg3[%arg0, %dma_start3A_42, %dma_start3A_43] : memref<2x800000x32xf32, #tpu.memory_space<hbm>> -> memref<1x800000x32xf32, #tpu.memory_space<hbm>>
    %dma_start3A_45 = tpu.memref_squeeze %dma_start3A_44 : memref<1x800000x32xf32, #tpu.memory_space<hbm>> -> memref<800000x32xf32, #tpu.memory_space<hbm>>
    %dma_start3A_46 = arith.constant 0 : i32
    %dma_start3A_47 = tpu.memref_slice %dma_start3A_45[%add3A_31, %dma_start3A_46] : memref<800000x32xf32, #tpu.memory_space<hbm>> -> memref<128x32xf32, #tpu.memory_space<hbm>>
    %dma_start3A_48 = arith.constant 0 : i32
    %dma_start3A_49 = arith.constant 0 : i32
    %dma_start3A_50 = tpu.memref_slice %arg16[%dma_start3A_48, %dma_start3A_49] : memref<128x32xf32, #tpu.memory_space<vmem>> -> memref<128x32xf32, #tpu.memory_space<vmem>>
    %dma_start3A_51 = arith.constant 0 : i32
    %dma_start3A_52 = arith.constant 0 : i32
    %dma_start3A_53 = tpu.memref_slice %arg3[%arg0, %dma_start3A_51, %dma_start3A_52] : memref<2x800000x32xf32, #tpu.memory_space<hbm>> -> memref<1x800000x32xf32, #tpu.memory_space<hbm>>
    %dma_start3A_54 = tpu.memref_squeeze %dma_start3A_53 : memref<1x800000x32xf32, #tpu.memory_space<hbm>> -> memref<800000x32xf32, #tpu.memory_space<hbm>>
    %dma_start3A_55 = arith.constant 0 : i32
    %dma_start3A_56 = tpu.memref_slice %dma_start3A_54[%add3A_31, %dma_start3A_55] : memref<800000x32xf32, #tpu.memory_space<hbm>> -> memref<128x32xf32, #tpu.memory_space<hbm>>
    tpu.enqueue_dma source(%dma_start3A_56 : memref<128x32xf32, #tpu.memory_space<hbm>>) target(%dma_start3A_50 : memref<128x32xf32, #tpu.memory_space<vmem>>) target_semaphore(%arg20 : memref<!tpu.dma_semaphore, #tpu.memory_space<semaphore_mem>>)
    %scan3A = arith.constant 0 : i32
    %scan3A_57 = arith.constant 0 : i32
    %scan3A_58 = arith.constant 194 : i32
    %scan3A_59 = arith.addi %scan3A_57, %scan3A_58 : i32
    %scan3A_60 = arith.constant 1 : i32
    %scan3A_61 = scf.for %scan3A_203 = %scan3A_57 to %scan3A_59 step %scan3A_60 iter_args(%scan3A_204 = %scan3A) -> (i32)  : i32 {
      %mul3A_205 = arith.constant 2 : i32
      %mul3A_206 = arith.muli %scan3A_203, %mul3A_205 : i32
      %dma_wait3A_207 = arith.constant 0 : i32
      %dma_wait3A_208 = arith.constant 0 : i32
      %dma_wait3A_209 = tpu.memref_slice %arg2[%arg0, %dma_wait3A_207, %dma_wait3A_208] : memref<2x50000x32xf32, #tpu.memory_space<hbm>> -> memref<1x50000x32xf32, #tpu.memory_space<hbm>>
      %dma_wait3A_210 = tpu.memref_squeeze %dma_wait3A_209 : memref<1x50000x32xf32, #tpu.memory_space<hbm>> -> memref<50000x32xf32, #tpu.memory_space<hbm>>
      %dma_wait3A_211 = arith.constant 0 : i32
      %dma_wait3A_212 = arith.constant 0 : i32
      %dma_wait3A_213 = tpu.memref_slice %dma_wait3A_210[%dma_wait3A_211, %dma_wait3A_212] : memref<50000x32xf32, #tpu.memory_space<hbm>> -> memref<50000x32xf32, #tpu.memory_space<hbm>>
      tpu.wait_indirect_dma semaphore(%arg17 : memref<!tpu.dma_semaphore, #tpu.memory_space<semaphore_mem>>) src(%dma_wait3A_213 : memref<50000x32xf32, #tpu.memory_space<hbm>>) dst(%arg11 : memref<128x32xf32, #tpu.memory_space<vmem>>)
      %dma_wait3A_214 = arith.constant 0 : i32
      %dma_wait3A_215 = arith.constant 0 : i32
      %dma_wait3A_216 = tpu.memref_slice %arg12[%dma_wait3A_214, %dma_wait3A_215] : memref<128x32xf32, #tpu.memory_space<vmem>> -> memref<128x32xf32, #tpu.memory_space<vmem>>
      %dma_wait3A_217 = arith.constant 0 : i32
      %dma_wait3A_218 = arith.constant 0 : i32
      %dma_wait3A_219 = tpu.memref_slice %arg3[%arg0, %dma_wait3A_217, %dma_wait3A_218] : memref<2x800000x32xf32, #tpu.memory_space<hbm>> -> memref<1x800000x32xf32, #tpu.memory_space<hbm>>
      %dma_wait3A_220 = tpu.memref_squeeze %dma_wait3A_219 : memref<1x800000x32xf32, #tpu.memory_space<hbm>> -> memref<800000x32xf32, #tpu.memory_space<hbm>>
      %dma_wait3A_221 = arith.constant 0 : i32
      %dma_wait3A_222 = arith.constant 0 : i32
      %dma_wait3A_223 = tpu.memref_slice %dma_wait3A_220[%dma_wait3A_221, %dma_wait3A_222] : memref<800000x32xf32, #tpu.memory_space<hbm>> -> memref<128x32xf32, #tpu.memory_space<hbm>>
      %dma_wait3A_224 = arith.constant 0 : i32
      %dma_wait3A_225 = arith.constant 0 : i32
      %dma_wait3A_226 = tpu.memref_slice %arg12[%dma_wait3A_224, %dma_wait3A_225] : memref<128x32xf32, #tpu.memory_space<vmem>> -> memref<128x32xf32, #tpu.memory_space<vmem>>
      %dma_wait3A_227 = arith.constant 0 : i32
      %dma_wait3A_228 = arith.constant 0 : i32
      %dma_wait3A_229 = tpu.memref_slice %arg3[%arg0, %dma_wait3A_227, %dma_wait3A_228] : memref<2x800000x32xf32, #tpu.memory_space<hbm>> -> memref<1x800000x32xf32, #tpu.memory_space<hbm>>
      %dma_wait3A_230 = tpu.memref_squeeze %dma_wait3A_229 : memref<1x800000x32xf32, #tpu.memory_space<hbm>> -> memref<800000x32xf32, #tpu.memory_space<hbm>>
      %dma_wait3A_231 = arith.constant 0 : i32
      %dma_wait3A_232 = arith.constant 0 : i32
      %dma_wait3A_233 = tpu.memref_slice %dma_wait3A_230[%dma_wait3A_231, %dma_wait3A_232] : memref<800000x32xf32, #tpu.memory_space<hbm>> -> memref<128x32xf32, #tpu.memory_space<hbm>>
      tpu.wait_dma2 semaphore(%arg18 : memref<!tpu.dma_semaphore, #tpu.memory_space<semaphore_mem>>) src(%dma_wait3A_233 : memref<128x32xf32, #tpu.memory_space<hbm>>) dst(%dma_wait3A_226 : memref<128x32xf32, #tpu.memory_space<vmem>>)
      %scan3A_234 = arith.constant 0 : i32
      %scan3A_235 = arith.constant 0 : i32
      %scan3A_236 = arith.constant 16 : i32
      %scan3A_237 = arith.addi %scan3A_235, %scan3A_236 : i32
      %scan3A_238 = arith.constant 1 : i32
      %scan3A_239 = scf.for %scan3A_336 = %scan3A_235 to %scan3A_237 step %scan3A_238 iter_args(%scan3A_337 = %scan3A_234) -> (i32)  : i32 {
        %mul3A_338 = arith.constant 8 : i32
        %mul3A_339 = arith.muli %scan3A_336, %mul3A_338 : i32
        %add3A_340 = arith.constant 0 : i32
        %add3A_341 = arith.addi %mul3A_339, %add3A_340 : i32
        %get3A = arith.index_cast %add3A_341 : i32 to index
        %get3A_342 = arith.constant 0 : index
        %get3A_343 = tpu.vector_load %arg11[%get3A, %get3A_342] {strides = array<i32>} : memref<128x32xf32, #tpu.memory_space<vmem>>, vector<1x16xf32>,
        %get3A_344 = vector.shape_cast %get3A_343 : vector<1x16xf32> to vector<16xf32>
        %get3A_345 = arith.index_cast %add3A_341 : i32 to index
        %get3A_346 = arith.constant 0 : index
        %get3A_347 = tpu.vector_load %arg12[%get3A_345, %get3A_346] {strides = array<i32>} : memref<128x32xf32, #tpu.memory_space<vmem>>, vector<1x16xf32>,
        %get3A_348 = vector.shape_cast %get3A_347 : vector<1x16xf32> to vector<16xf32>
        %mul3A_349 = arith.mulf %get3A_344, %get3A_348 : vector<16xf32>
        %swap3A = arith.index_cast %add3A_341 : i32 to index
        %swap3A_350 = arith.constant 0 : index
        %swap3A_351 = tpu.vector_load %arg11[%swap3A, %swap3A_350] {strides = array<i32>} : memref<128x32xf32, #tpu.memory_space<vmem>>, vector<1x16xf32>,
        %swap3A_352 = vector.shape_cast %swap3A_351 : vector<1x16xf32> to vector<16xf32>
        %swap3A_353 = vector.shape_cast %mul3A_349 : vector<16xf32> to vector<1x16xf32>
        tpu.vector_store %arg11[%swap3A, %swap3A_350], %swap3A_353 {strides = array<i32>} : memref<128x32xf32, #tpu.memory_space<vmem>>, vector<1x16xf32>,
        %get3A_354 = arith.index_cast %add3A_341 : i32 to index
        %get3A_355 = arith.constant 16 : index
        %get3A_356 = tpu.vector_load %arg11[%get3A_354, %get3A_355] {strides = array<i32>} : memref<128x32xf32, #tpu.memory_space<vmem>>, vector<1x16xf32>,
        %get3A_357 = vector.shape_cast %get3A_356 : vector<1x16xf32> to vector<16xf32>
        %get3A_358 = arith.index_cast %add3A_341 : i32 to index
        %get3A_359 = arith.constant 16 : index
        %get3A_360 = tpu.vector_load %arg12[%get3A_358, %get3A_359] {strides = array<i32>} : memref<128x32xf32, #tpu.memory_space<vmem>>, vector<1x16xf32>,
        %get3A_361 = vector.shape_cast %get3A_360 : vector<1x16xf32> to vector<16xf32>
        %mul3A_362 = arith.mulf %get3A_357, %get3A_361 : vector<16xf32>
        %swap3A_363 = arith.index_cast %add3A_341 : i32 to index
        %swap3A_364 = arith.constant 16 : index
        %swap3A_365 = tpu.vector_load %arg11[%swap3A_363, %swap3A_364] {strides = array<i32>} : memref<128x32xf32, #tpu.memory_space<vmem>>, vector<1x16xf32>,
        %swap3A_366 = vector.shape_cast %swap3A_365 : vector<1x16xf32> to vector<16xf32>
        %swap3A_367 = vector.shape_cast %mul3A_362 : vector<16xf32> to vector<1x16xf32>
        tpu.vector_store %arg11[%swap3A_363, %swap3A_364], %swap3A_367 {strides = array<i32>} : memref<128x32xf32, #tpu.memory_space<vmem>>, vector<1x16xf32>,
        %mul3A_368 = arith.constant 8 : i32
        %mul3A_369 = arith.muli %scan3A_336, %mul3A_368 : i32
        %add3A_370 = arith.constant 1 : i32
        %add3A_371 = arith.addi %mul3A_369, %add3A_370 : i32
        %get3A_372 = arith.index_cast %add3A_371 : i32 to index
        %get3A_373 = arith.constant 0 : index
        %get3A_374 = tpu.vector_load %arg11[%get3A_372, %get3A_373] {strides = array<i32>} : memref<128x32xf32, #tpu.memory_space<vmem>>, vector<1x16xf32>,
        %get3A_375 = vector.shape_cast %get3A_374 : vector<1x16xf32> to vector<16xf32>
        %get3A_376 = arith.index_cast %add3A_371 : i32 to index
        %get3A_377 = arith.constant 0 : index
        %get3A_378 = tpu.vector_load %arg12[%get3A_376, %get3A_377] {strides = array<i32>} : memref<128x32xf32, #tpu.memory_space<vmem>>, vector<1x16xf32>,
        %get3A_379 = vector.shape_cast %get3A_378 : vector<1x16xf32> to vector<16xf32>
        %mul3A_380 = arith.mulf %get3A_375, %get3A_379 : vector<16xf32>
        %swap3A_381 = arith.index_cast %add3A_371 : i32 to index
        %swap3A_382 = arith.constant 0 : index
        %swap3A_383 = tpu.vector_load %arg11[%swap3A_381, %swap3A_382] {strides = array<i32>} : memref<128x32xf32, #tpu.memory_space<vmem>>, vector<1x16xf32>,
        %swap3A_384 = vector.shape_cast %swap3A_383 : vector<1x16xf32> to vector<16xf32>
        %swap3A_385 = vector.shape_cast %mul3A_380 : vector<16xf32> to vector<1x16xf32>
        tpu.vector_store %arg11[%swap3A_381, %swap3A_382], %swap3A_385 {strides = array<i32>} : memref<128x32xf32, #tpu.memory_space<vmem>>, vector<1x16xf32>,
        %get3A_386 = arith.index_cast %add3A_371 : i32 to index
        %get3A_387 = arith.constant 16 : index
        %get3A_388 = tpu.vector_load %arg11[%get3A_386, %get3A_387] {strides = array<i32>} : memref<128x32xf32, #tpu.memory_space<vmem>>, vector<1x16xf32>,
        %get3A_389 = vector.shape_cast %get3A_388 : vector<1x16xf32> to vector<16xf32>
        %get3A_390 = arith.index_cast %add3A_371 : i32 to index
        %get3A_391 = arith.constant 16 : index
        %get3A_392 = tpu.vector_load %arg12[%get3A_390, %get3A_391] {strides = array<i32>} : memref<128x32xf32, #tpu.memory_space<vmem>>, vector<1x16xf32>,
        %get3A_393 = vector.shape_cast %get3A_392 : vector<1x16xf32> to vector<16xf32>
        %mul3A_394 = arith.mulf %get3A_389, %get3A_393 : vector<16xf32>
        %swap3A_395 = arith.index_cast %add3A_371 : i32 to index
        %swap3A_396 = arith.constant 16 : index
        %swap3A_397 = tpu.vector_load %arg11[%swap3A_395, %swap3A_396] {strides = array<i32>} : memref<128x32xf32, #tpu.memory_space<vmem>>, vector<1x16xf32>,
        %swap3A_398 = vector.shape_cast %swap3A_397 : vector<1x16xf32> to vector<16xf32>
        %swap3A_399 = vector.shape_cast %mul3A_394 : vector<16xf32> to vector<1x16xf32>
        tpu.vector_store %arg11[%swap3A_395, %swap3A_396], %swap3A_399 {strides = array<i32>} : memref<128x32xf32, #tpu.memory_space<vmem>>, vector<1x16xf32>,
        %mul3A_400 = arith.constant 8 : i32
        %mul3A_401 = arith.muli %scan3A_336, %mul3A_400 : i32
        %add3A_402 = arith.constant 2 : i32
        %add3A_403 = arith.addi %mul3A_401, %add3A_402 : i32
        %get3A_404 = arith.index_cast %add3A_403 : i32 to index
        %get3A_405 = arith.constant 0 : index
        %get3A_406 = tpu.vector_load %arg11[%get3A_404, %get3A_405] {strides = array<i32>} : memref<128x32xf32, #tpu.memory_space<vmem>>, vector<1x16xf32>,
        %get3A_407 = vector.shape_cast %get3A_406 : vector<1x16xf32> to vector<16xf32>
        %get3A_408 = arith.index_cast %add3A_403 : i32 to index
        %get3A_409 = arith.constant 0 : index
        %get3A_410 = tpu.vector_load %arg12[%get3A_408, %get3A_409] {strides = array<i32>} : memref<128x32xf32, #tpu.memory_space<vmem>>, vector<1x16xf32>,
        %get3A_411 = vector.shape_cast %get3A_410 : vector<1x16xf32> to vector<16xf32>
        %mul3A_412 = arith.mulf %get3A_407, %get3A_411 : vector<16xf32>
        %swap3A_413 = arith.index_cast %add3A_403 : i32 to index
        %swap3A_414 = arith.constant 0 : index
        %swap3A_415 = tpu.vector_load %arg11[%swap3A_413, %swap3A_414] {strides = array<i32>} : memref<128x32xf32, #tpu.memory_space<vmem>>, vector<1x16xf32>,
        %swap3A_416 = vector.shape_cast %swap3A_415 : vector<1x16xf32> to vector<16xf32>
        %swap3A_417 = vector.shape_cast %mul3A_412 : vector<16xf32> to vector<1x16xf32>
        tpu.vector_store %arg11[%swap3A_413, %swap3A_414], %swap3A_417 {strides = array<i32>} : memref<128x32xf32, #tpu.memory_space<vmem>>, vector<1x16xf32>,
        %get3A_418 = arith.index_cast %add3A_403 : i32 to index
        %get3A_419 = arith.constant 16 : index
        %get3A_420 = tpu.vector_load %arg11[%get3A_418, %get3A_419] {strides = array<i32>} : memref<128x32xf32, #tpu.memory_space<vmem>>, vector<1x16xf32>,
        %get3A_421 = vector.shape_cast %get3A_420 : vector<1x16xf32> to vector<16xf32>
        %get3A_422 = arith.index_cast %add3A_403 : i32 to index
        %get3A_423 = arith.constant 16 : index
        %get3A_424 = tpu.vector_load %arg12[%get3A_422, %get3A_423] {strides = array<i32>} : memref<128x32xf32, #tpu.memory_space<vmem>>, vector<1x16xf32>,
        %get3A_425 = vector.shape_cast %get3A_424 : vector<1x16xf32> to vector<16xf32>
        %mul3A_426 = arith.mulf %get3A_421, %get3A_425 : vector<16xf32>
        %swap3A_427 = arith.index_cast %add3A_403 : i32 to index
        %swap3A_428 = arith.constant 16 : index
        %swap3A_429 = tpu.vector_load %arg11[%swap3A_427, %swap3A_428] {strides = array<i32>} : memref<128x32xf32, #tpu.memory_space<vmem>>, vector<1x16xf32>,
        %swap3A_430 = vector.shape_cast %swap3A_429 : vector<1x16xf32> to vector<16xf32>
        %swap3A_431 = vector.shape_cast %mul3A_426 : vector<16xf32> to vector<1x16xf32>
        tpu.vector_store %arg11[%swap3A_427, %swap3A_428], %swap3A_431 {strides = array<i32>} : memref<128x32xf32, #tpu.memory_space<vmem>>, vector<1x16xf32>,
        %mul3A_432 = arith.constant 8 : i32
        %mul3A_433 = arith.muli %scan3A_336, %mul3A_432 : i32
        %add3A_434 = arith.constant 3 : i32
        %add3A_435 = arith.addi %mul3A_433, %add3A_434 : i32
        %get3A_436 = arith.index_cast %add3A_435 : i32 to index
        %get3A_437 = arith.constant 0 : index
        %get3A_438 = tpu.vector_load %arg11[%get3A_436, %get3A_437] {strides = array<i32>} : memref<128x32xf32, #tpu.memory_space<vmem>>, vector<1x16xf32>,
        %get3A_439 = vector.shape_cast %get3A_438 : vector<1x16xf32> to vector<16xf32>
        %get3A_440 = arith.index_cast %add3A_435 : i32 to index
        %get3A_441 = arith.constant 0 : index
        %get3A_442 = tpu.vector_load %arg12[%get3A_440, %get3A_441] {strides = array<i32>} : memref<128x32xf32, #tpu.memory_space<vmem>>, vector<1x16xf32>,
        %get3A_443 = vector.shape_cast %get3A_442 : vector<1x16xf32> to vector<16xf32>
        %mul3A_444 = arith.mulf %get3A_439, %get3A_443 : vector<16xf32>
        %swap3A_445 = arith.index_cast %add3A_435 : i32 to index
        %swap3A_446 = arith.constant 0 : index
        %swap3A_447 = tpu.vector_load %arg11[%swap3A_445, %swap3A_446] {strides = array<i32>} : memref<128x32xf32, #tpu.memory_space<vmem>>, vector<1x16xf32>,
        %swap3A_448 = vector.shape_cast %swap3A_447 : vector<1x16xf32> to vector<16xf32>
        %swap3A_449 = vector.shape_cast %mul3A_444 : vector<16xf32> to vector<1x16xf32>
        tpu.vector_store %arg11[%swap3A_445, %swap3A_446], %swap3A_449 {strides = array<i32>} : memref<128x32xf32, #tpu.memory_space<vmem>>, vector<1x16xf32>,
        %get3A_450 = arith.index_cast %add3A_435 : i32 to index
        %get3A_451 = arith.constant 16 : index
        %get3A_452 = tpu.vector_load %arg11[%get3A_450, %get3A_451] {strides = array<i32>} : memref<128x32xf32, #tpu.memory_space<vmem>>, vector<1x16xf32>,
        %get3A_453 = vector.shape_cast %get3A_452 : vector<1x16xf32> to vector<16xf32>
        %get3A_454 = arith.index_cast %add3A_435 : i32 to index
        %get3A_455 = arith.constant 16 : index
        %get3A_456 = tpu.vector_load %arg12[%get3A_454, %get3A_455] {strides = array<i32>} : memref<128x32xf32, #tpu.memory_space<vmem>>, vector<1x16xf32>,
        %get3A_457 = vector.shape_cast %get3A_456 : vector<1x16xf32> to vector<16xf32>
        %mul3A_458 = arith.mulf %get3A_453, %get3A_457 : vector<16xf32>
        %swap3A_459 = arith.index_cast %add3A_435 : i32 to index
        %swap3A_460 = arith.constant 16 : index
        %swap3A_461 = tpu.vector_load %arg11[%swap3A_459, %swap3A_460] {strides = array<i32>} : memref<128x32xf32, #tpu.memory_space<vmem>>, vector<1x16xf32>,
        %swap3A_462 = vector.shape_cast %swap3A_461 : vector<1x16xf32> to vector<16xf32>
        %swap3A_463 = vector.shape_cast %mul3A_458 : vector<16xf32> to vector<1x16xf32>
        tpu.vector_store %arg11[%swap3A_459, %swap3A_460], %swap3A_463 {strides = array<i32>} : memref<128x32xf32, #tpu.memory_space<vmem>>, vector<1x16xf32>,
        %mul3A_464 = arith.constant 8 : i32
        %mul3A_465 = arith.muli %scan3A_336, %mul3A_464 : i32
        %add3A_466 = arith.constant 4 : i32
        %add3A_467 = arith.addi %mul3A_465, %add3A_466 : i32
        %get3A_468 = arith.index_cast %add3A_467 : i32 to index
        %get3A_469 = arith.constant 0 : index
        %get3A_470 = tpu.vector_load %arg11[%get3A_468, %get3A_469] {strides = array<i32>} : memref<128x32xf32, #tpu.memory_space<vmem>>, vector<1x16xf32>,
        %get3A_471 = vector.shape_cast %get3A_470 : vector<1x16xf32> to vector<16xf32>
        %get3A_472 = arith.index_cast %add3A_467 : i32 to index
        %get3A_473 = arith.constant 0 : index
        %get3A_474 = tpu.vector_load %arg12[%get3A_472, %get3A_473] {strides = array<i32>} : memref<128x32xf32, #tpu.memory_space<vmem>>, vector<1x16xf32>,
        %get3A_475 = vector.shape_cast %get3A_474 : vector<1x16xf32> to vector<16xf32>
        %mul3A_476 = arith.mulf %get3A_471, %get3A_475 : vector<16xf32>
        %swap3A_477 = arith.index_cast %add3A_467 : i32 to index
        %swap3A_478 = arith.constant 0 : index
        %swap3A_479 = tpu.vector_load %arg11[%swap3A_477, %swap3A_478] {strides = array<i32>} : memref<128x32xf32, #tpu.memory_space<vmem>>, vector<1x16xf32>,
        %swap3A_480 = vector.shape_cast %swap3A_479 : vector<1x16xf32> to vector<16xf32>
        %swap3A_481 = vector.shape_cast %mul3A_476 : vector<16xf32> to vector<1x16xf32>
        tpu.vector_store %arg11[%swap3A_477, %swap3A_478], %swap3A_481 {strides = array<i32>} : memref<128x32xf32, #tpu.memory_space<vmem>>, vector<1x16xf32>,
        %get3A_482 = arith.index_cast %add3A_467 : i32 to index
        %get3A_483 = arith.constant 16 : index
        %get3A_484 = tpu.vector_load %arg11[%get3A_482, %get3A_483] {strides = array<i32>} : memref<128x32xf32, #tpu.memory_space<vmem>>, vector<1x16xf32>,
        %get3A_485 = vector.shape_cast %get3A_484 : vector<1x16xf32> to vector<16xf32>
        %get3A_486 = arith.index_cast %add3A_467 : i32 to index
        %get3A_487 = arith.constant 16 : index
        %get3A_488 = tpu.vector_load %arg12[%get3A_486, %get3A_487] {strides = array<i32>} : memref<128x32xf32, #tpu.memory_space<vmem>>, vector<1x16xf32>,
        %get3A_489 = vector.shape_cast %get3A_488 : vector<1x16xf32> to vector<16xf32>
        %mul3A_490 = arith.mulf %get3A_485, %get3A_489 : vector<16xf32>
        %swap3A_491 = arith.index_cast %add3A_467 : i32 to index
        %swap3A_492 = arith.constant 16 : index
        %swap3A_493 = tpu.vector_load %arg11[%swap3A_491, %swap3A_492] {strides = array<i32>} : memref<128x32xf32, #tpu.memory_space<vmem>>, vector<1x16xf32>,
        %swap3A_494 = vector.shape_cast %swap3A_493 : vector<1x16xf32> to vector<16xf32>
        %swap3A_495 = vector.shape_cast %mul3A_490 : vector<16xf32> to vector<1x16xf32>
        tpu.vector_store %arg11[%swap3A_491, %swap3A_492], %swap3A_495 {strides = array<i32>} : memref<128x32xf32, #tpu.memory_space<vmem>>, vector<1x16xf32>,
        %mul3A_496 = arith.constant 8 : i32
        %mul3A_497 = arith.muli %scan3A_336, %mul3A_496 : i32
        %add3A_498 = arith.constant 5 : i32
        %add3A_499 = arith.addi %mul3A_497, %add3A_498 : i32
        %get3A_500 = arith.index_cast %add3A_499 : i32 to index
        %get3A_501 = arith.constant 0 : index
        %get3A_502 = tpu.vector_load %arg11[%get3A_500, %get3A_501] {strides = array<i32>} : memref<128x32xf32, #tpu.memory_space<vmem>>, vector<1x16xf32>,
        %get3A_503 = vector.shape_cast %get3A_502 : vector<1x16xf32> to vector<16xf32>
        %get3A_504 = arith.index_cast %add3A_499 : i32 to index
        %get3A_505 = arith.constant 0 : index
        %get3A_506 = tpu.vector_load %arg12[%get3A_504, %get3A_505] {strides = array<i32>} : memref<128x32xf32, #tpu.memory_space<vmem>>, vector<1x16xf32>,
        %get3A_507 = vector.shape_cast %get3A_506 : vector<1x16xf32> to vector<16xf32>
        %mul3A_508 = arith.mulf %get3A_503, %get3A_507 : vector<16xf32>
        %swap3A_509 = arith.index_cast %add3A_499 : i32 to index
        %swap3A_510 = arith.constant 0 : index
        %swap3A_511 = tpu.vector_load %arg11[%swap3A_509, %swap3A_510] {strides = array<i32>} : memref<128x32xf32, #tpu.memory_space<vmem>>, vector<1x16xf32>,
        %swap3A_512 = vector.shape_cast %swap3A_511 : vector<1x16xf32> to vector<16xf32>
        %swap3A_513 = vector.shape_cast %mul3A_508 : vector<16xf32> to vector<1x16xf32>
        tpu.vector_store %arg11[%swap3A_509, %swap3A_510], %swap3A_513 {strides = array<i32>} : memref<128x32xf32, #tpu.memory_space<vmem>>, vector<1x16xf32>,
        %get3A_514 = arith.index_cast %add3A_499 : i32 to index
        %get3A_515 = arith.constant 16 : index
        %get3A_516 = tpu.vector_load %arg11[%get3A_514, %get3A_515] {strides = array<i32>} : memref<128x32xf32, #tpu.memory_space<vmem>>, vector<1x16xf32>,
        %get3A_517 = vector.shape_cast %get3A_516 : vector<1x16xf32> to vector<16xf32>
        %get3A_518 = arith.index_cast %add3A_499 : i32 to index
        %get3A_519 = arith.constant 16 : index
        %get3A_520 = tpu.vector_load %arg12[%get3A_518, %get3A_519] {strides = array<i32>} : memref<128x32xf32, #tpu.memory_space<vmem>>, vector<1x16xf32>,
        %get3A_521 = vector.shape_cast %get3A_520 : vector<1x16xf32> to vector<16xf32>
        %mul3A_522 = arith.mulf %get3A_517, %get3A_521 : vector<16xf32>
        %swap3A_523 = arith.index_cast %add3A_499 : i32 to index
        %swap3A_524 = arith.constant 16 : index
        %swap3A_525 = tpu.vector_load %arg11[%swap3A_523, %swap3A_524] {strides = array<i32>} : memref<128x32xf32, #tpu.memory_space<vmem>>, vector<1x16xf32>,
        %swap3A_526 = vector.shape_cast %swap3A_525 : vector<1x16xf32> to vector<16xf32>
        %swap3A_527 = vector.shape_cast %mul3A_522 : vector<16xf32> to vector<1x16xf32>
        tpu.vector_store %arg11[%swap3A_523, %swap3A_524], %swap3A_527 {strides = array<i32>} : memref<128x32xf32, #tpu.memory_space<vmem>>, vector<1x16xf32>,
        %mul3A_528 = arith.constant 8 : i32
        %mul3A_529 = arith.muli %scan3A_336, %mul3A_528 : i32
        %add3A_530 = arith.constant 6 : i32
        %add3A_531 = arith.addi %mul3A_529, %add3A_530 : i32
        %get3A_532 = arith.index_cast %add3A_531 : i32 to index
        %get3A_533 = arith.constant 0 : index
        %get3A_534 = tpu.vector_load %arg11[%get3A_532, %get3A_533] {strides = array<i32>} : memref<128x32xf32, #tpu.memory_space<vmem>>, vector<1x16xf32>,
        %get3A_535 = vector.shape_cast %get3A_534 : vector<1x16xf32> to vector<16xf32>
        %get3A_536 = arith.index_cast %add3A_531 : i32 to index
        %get3A_537 = arith.constant 0 : index
        %get3A_538 = tpu.vector_load %arg12[%get3A_536, %get3A_537] {strides = array<i32>} : memref<128x32xf32, #tpu.memory_space<vmem>>, vector<1x16xf32>,
        %get3A_539 = vector.shape_cast %get3A_538 : vector<1x16xf32> to vector<16xf32>
        %mul3A_540 = arith.mulf %get3A_535, %get3A_539 : vector<16xf32>
        %swap3A_541 = arith.index_cast %add3A_531 : i32 to index
        %swap3A_542 = arith.constant 0 : index
        %swap3A_543 = tpu.vector_load %arg11[%swap3A_541, %swap3A_542] {strides = array<i32>} : memref<128x32xf32, #tpu.memory_space<vmem>>, vector<1x16xf32>,
        %swap3A_544 = vector.shape_cast %swap3A_543 : vector<1x16xf32> to vector<16xf32>
        %swap3A_545 = vector.shape_cast %mul3A_540 : vector<16xf32> to vector<1x16xf32>
        tpu.vector_store %arg11[%swap3A_541, %swap3A_542], %swap3A_545 {strides = array<i32>} : memref<128x32xf32, #tpu.memory_space<vmem>>, vector<1x16xf32>,
        %get3A_546 = arith.index_cast %add3A_531 : i32 to index
        %get3A_547 = arith.constant 16 : index
        %get3A_548 = tpu.vector_load %arg11[%get3A_546, %get3A_547] {strides = array<i32>} : memref<128x32xf32, #tpu.memory_space<vmem>>, vector<1x16xf32>,
        %get3A_549 = vector.shape_cast %get3A_548 : vector<1x16xf32> to vector<16xf32>
        %get3A_550 = arith.index_cast %add3A_531 : i32 to index
        %get3A_551 = arith.constant 16 : index
        %get3A_552 = tpu.vector_load %arg12[%get3A_550, %get3A_551] {strides = array<i32>} : memref<128x32xf32, #tpu.memory_space<vmem>>, vector<1x16xf32>,
        %get3A_553 = vector.shape_cast %get3A_552 : vector<1x16xf32> to vector<16xf32>
        %mul3A_554 = arith.mulf %get3A_549, %get3A_553 : vector<16xf32>
        %swap3A_555 = arith.index_cast %add3A_531 : i32 to index
        %swap3A_556 = arith.constant 16 : index
        %swap3A_557 = tpu.vector_load %arg11[%swap3A_555, %swap3A_556] {strides = array<i32>} : memref<128x32xf32, #tpu.memory_space<vmem>>, vector<1x16xf32>,
        %swap3A_558 = vector.shape_cast %swap3A_557 : vector<1x16xf32> to vector<16xf32>
        %swap3A_559 = vector.shape_cast %mul3A_554 : vector<16xf32> to vector<1x16xf32>
        tpu.vector_store %arg11[%swap3A_555, %swap3A_556], %swap3A_559 {strides = array<i32>} : memref<128x32xf32, #tpu.memory_space<vmem>>, vector<1x16xf32>,
        %mul3A_560 = arith.constant 8 : i32
        %mul3A_561 = arith.muli %scan3A_336, %mul3A_560 : i32
        %add3A_562 = arith.constant 7 : i32
        %add3A_563 = arith.addi %mul3A_561, %add3A_562 : i32
        %get3A_564 = arith.index_cast %add3A_563 : i32 to index
        %get3A_565 = arith.constant 0 : index
        %get3A_566 = tpu.vector_load %arg11[%get3A_564, %get3A_565] {strides = array<i32>} : memref<128x32xf32, #tpu.memory_space<vmem>>, vector<1x16xf32>,
        %get3A_567 = vector.shape_cast %get3A_566 : vector<1x16xf32> to vector<16xf32>
        %get3A_568 = arith.index_cast %add3A_563 : i32 to index
        %get3A_569 = arith.constant 0 : index
        %get3A_570 = tpu.vector_load %arg12[%get3A_568, %get3A_569] {strides = array<i32>} : memref<128x32xf32, #tpu.memory_space<vmem>>, vector<1x16xf32>,
        %get3A_571 = vector.shape_cast %get3A_570 : vector<1x16xf32> to vector<16xf32>
        %mul3A_572 = arith.mulf %get3A_567, %get3A_571 : vector<16xf32>
        %swap3A_573 = arith.index_cast %add3A_563 : i32 to index
        %swap3A_574 = arith.constant 0 : index
        %swap3A_575 = tpu.vector_load %arg11[%swap3A_573, %swap3A_574] {strides = array<i32>} : memref<128x32xf32, #tpu.memory_space<vmem>>, vector<1x16xf32>,
        %swap3A_576 = vector.shape_cast %swap3A_575 : vector<1x16xf32> to vector<16xf32>
        %swap3A_577 = vector.shape_cast %mul3A_572 : vector<16xf32> to vector<1x16xf32>
        tpu.vector_store %arg11[%swap3A_573, %swap3A_574], %swap3A_577 {strides = array<i32>} : memref<128x32xf32, #tpu.memory_space<vmem>>, vector<1x16xf32>,
        %get3A_578 = arith.index_cast %add3A_563 : i32 to index
        %get3A_579 = arith.constant 16 : index
        %get3A_580 = tpu.vector_load %arg11[%get3A_578, %get3A_579] {strides = array<i32>} : memref<128x32xf32, #tpu.memory_space<vmem>>, vector<1x16xf32>,
        %get3A_581 = vector.shape_cast %get3A_580 : vector<1x16xf32> to vector<16xf32>
        %get3A_582 = arith.index_cast %add3A_563 : i32 to index
        %get3A_583 = arith.constant 16 : index
        %get3A_584 = tpu.vector_load %arg12[%get3A_582, %get3A_583] {strides = array<i32>} : memref<128x32xf32, #tpu.memory_space<vmem>>, vector<1x16xf32>,
        %get3A_585 = vector.shape_cast %get3A_584 : vector<1x16xf32> to vector<16xf32>
        %mul3A_586 = arith.mulf %get3A_581, %get3A_585 : vector<16xf32>
        %swap3A_587 = arith.index_cast %add3A_563 : i32 to index
        %swap3A_588 = arith.constant 16 : index
        %swap3A_589 = tpu.vector_load %arg11[%swap3A_587, %swap3A_588] {strides = array<i32>} : memref<128x32xf32, #tpu.memory_space<vmem>>, vector<1x16xf32>,
        %swap3A_590 = vector.shape_cast %swap3A_589 : vector<1x16xf32> to vector<16xf32>
        %swap3A_591 = vector.shape_cast %mul3A_586 : vector<16xf32> to vector<1x16xf32>
        tpu.vector_store %arg11[%swap3A_587, %swap3A_588], %swap3A_591 {strides = array<i32>} : memref<128x32xf32, #tpu.memory_space<vmem>>, vector<1x16xf32>,
        %scan3A_592 = arith.constant 0 : i32
        scf.yield %scan3A_592 : i32
      }
      %scan3A_240 = arith.constant 16 : i32
      "tpu.region"() ({
        %run_scoped3A = tpu.sem_alloc : memref<!tpu.dma_semaphore, #tpu.memory_space<semaphore_mem>>
        %dma_start3A_336 = arith.constant 0 : i32
        %dma_start3A_337 = arith.constant 0 : i32
        %dma_start3A_338 = tpu.memref_slice %arg8[%dma_start3A_336, %dma_start3A_337] : memref<50000x32xf32, #tpu.memory_space<vmem_shared>> -> memref<50000x32xf32, #tpu.memory_space<vmem_shared>>
        tpu.enqueue_indirect_dma source(%arg11 : memref<128x32xf32, #tpu.memory_space<vmem>>) target(%dma_start3A_338 : memref<50000x32xf32, #tpu.memory_space<vmem_shared>>) offsets(%arg10 : memref<128xi32, #tpu.memory_space<vmem>>) semaphore(%run_scoped3A : memref<!tpu.dma_semaphore, #tpu.memory_space<semaphore_mem>>) {add = true}
        %dma_wait3A_339 = arith.constant 0 : i32
        %dma_wait3A_340 = arith.constant 0 : i32
        %dma_wait3A_341 = tpu.memref_slice %arg8[%dma_wait3A_339, %dma_wait3A_340] : memref<50000x32xf32, #tpu.memory_space<vmem_shared>> -> memref<50000x32xf32, #tpu.memory_space<vmem_shared>>
        tpu.wait_indirect_dma semaphore(%run_scoped3A : memref<!tpu.dma_semaphore, #tpu.memory_space<semaphore_mem>>) src(%arg11 : memref<128x32xf32, #tpu.memory_space<vmem>>) dst(%dma_wait3A_341 : memref<50000x32xf32, #tpu.memory_space<vmem_shared>>)
        tpu.yield
      }) : () -> ()
      %add3A_241 = arith.constant 2 : i32
      %add3A_242 = arith.addi %mul3A_206, %add3A_241 : i32
      %mul3A_243 = arith.constant 128 : i32
      %mul3A_244 = arith.muli %add3A_242, %mul3A_243 : i32
      %add3A_245 = arith.addi %mul3A_4, %mul3A_244 : i32
      "tpu.region"() ({
        %run_scoped3A = tpu.sem_alloc : memref<!tpu.dma_semaphore, #tpu.memory_space<semaphore_mem>>
        %dma_start3A_336 = arith.constant 0 : i32
        %dma_start3A_337 = tpu.memref_slice %arg9[%dma_start3A_336] : memref<128xi32, #tpu.memory_space<vmem>> -> memref<128xi32, #tpu.memory_space<vmem>>
        %dma_start3A_338 = tpu.memref_slice %arg4[%add3A_245] : memref<800000xi32, #tpu.memory_space<hbm>> -> memref<128xi32, #tpu.memory_space<hbm>>
        %dma_start3A_339 = arith.constant 0 : i32
        %dma_start3A_340 = tpu.memref_slice %arg9[%dma_start3A_339] : memref<128xi32, #tpu.memory_space<vmem>> -> memref<128xi32, #tpu.memory_space<vmem>>
        %dma_start3A_341 = tpu.memref_slice %arg4[%add3A_245] : memref<800000xi32, #tpu.memory_space<hbm>> -> memref<128xi32, #tpu.memory_space<hbm>>
        tpu.enqueue_dma source(%dma_start3A_341 : memref<128xi32, #tpu.memory_space<hbm>>) target(%dma_start3A_340 : memref<128xi32, #tpu.memory_space<vmem>>) target_semaphore(%run_scoped3A : memref<!tpu.dma_semaphore, #tpu.memory_space<semaphore_mem>>)
        %dma_wait3A_342 = arith.constant 0 : i32
        %dma_wait3A_343 = tpu.memref_slice %arg9[%dma_wait3A_342] : memref<128xi32, #tpu.memory_space<vmem>> -> memref<128xi32, #tpu.memory_space<vmem>>
        %dma_wait3A_344 = tpu.memref_slice %arg4[%add3A_245] : memref<800000xi32, #tpu.memory_space<hbm>> -> memref<128xi32, #tpu.memory_space<hbm>>
        %dma_wait3A_345 = arith.constant 0 : i32
        %dma_wait3A_346 = tpu.memref_slice %arg9[%dma_wait3A_345] : memref<128xi32, #tpu.memory_space<vmem>> -> memref<128xi32, #tpu.memory_space<vmem>>
        %dma_wait3A_347 = tpu.memref_slice %arg4[%add3A_245] : memref<800000xi32, #tpu.memory_space<hbm>> -> memref<128xi32, #tpu.memory_space<hbm>>
        tpu.wait_dma2 semaphore(%run_scoped3A : memref<!tpu.dma_semaphore, #tpu.memory_space<semaphore_mem>>) src(%dma_wait3A_347 : memref<128xi32, #tpu.memory_space<hbm>>) dst(%dma_wait3A_346 : memref<128xi32, #tpu.memory_space<vmem>>)
        tpu.yield
      }) : () -> ()
      "tpu.region"() ({
        %run_scoped3A = tpu.sem_alloc : memref<!tpu.dma_semaphore, #tpu.memory_space<semaphore_mem>>
        %dma_start3A_336 = arith.constant 0 : i32
        %dma_start3A_337 = tpu.memref_slice %arg10[%dma_start3A_336] : memref<128xi32, #tpu.memory_space<vmem>> -> memref<128xi32, #tpu.memory_space<vmem>>
        %dma_start3A_338 = tpu.memref_slice %arg5[%add3A_245] : memref<800000xi32, #tpu.memory_space<hbm>> -> memref<128xi32, #tpu.memory_space<hbm>>
        %dma_start3A_339 = arith.constant 0 : i32
        %dma_start3A_340 = tpu.memref_slice %arg10[%dma_start3A_339] : memref<128xi32, #tpu.memory_space<vmem>> -> memref<128xi32, #tpu.memory_space<vmem>>
        %dma_start3A_341 = tpu.memref_slice %arg5[%add3A_245] : memref<800000xi32, #tpu.memory_space<hbm>> -> memref<128xi32, #tpu.memory_space<hbm>>
        tpu.enqueue_dma source(%dma_start3A_341 : memref<128xi32, #tpu.memory_space<hbm>>) target(%dma_start3A_340 : memref<128xi32, #tpu.memory_space<vmem>>) target_semaphore(%run_scoped3A : memref<!tpu.dma_semaphore, #tpu.memory_space<semaphore_mem>>)
        %dma_wait3A_342 = arith.constant 0 : i32
        %dma_wait3A_343 = tpu.memref_slice %arg10[%dma_wait3A_342] : memref<128xi32, #tpu.memory_space<vmem>> -> memref<128xi32, #tpu.memory_space<vmem>>
        %dma_wait3A_344 = tpu.memref_slice %arg5[%add3A_245] : memref<800000xi32, #tpu.memory_space<hbm>> -> memref<128xi32, #tpu.memory_space<hbm>>
        %dma_wait3A_345 = arith.constant 0 : i32
        %dma_wait3A_346 = tpu.memref_slice %arg10[%dma_wait3A_345] : memref<128xi32, #tpu.memory_space<vmem>> -> memref<128xi32, #tpu.memory_space<vmem>>
        %dma_wait3A_347 = tpu.memref_slice %arg5[%add3A_245] : memref<800000xi32, #tpu.memory_space<hbm>> -> memref<128xi32, #tpu.memory_space<hbm>>
        tpu.wait_dma2 semaphore(%run_scoped3A : memref<!tpu.dma_semaphore, #tpu.memory_space<semaphore_mem>>) src(%dma_wait3A_347 : memref<128xi32, #tpu.memory_space<hbm>>) dst(%dma_wait3A_346 : memref<128xi32, #tpu.memory_space<vmem>>)
        tpu.yield
      }) : () -> ()
      %dma_start3A_246 = arith.constant 0 : i32
      %dma_start3A_247 = arith.constant 0 : i32
      %dma_start3A_248 = tpu.memref_slice %arg2[%arg0, %dma_start3A_246, %dma_start3A_247] : memref<2x50000x32xf32, #tpu.memory_space<hbm>> -> memref<1x50000x32xf32, #tpu.memory_space<hbm>>
      %dma_start3A_249 = tpu.memref_squeeze %dma_start3A_248 : memref<1x50000x32xf32, #tpu.memory_space<hbm>> -> memref<50000x32xf32, #tpu.memory_space<hbm>>
      %dma_start3A_250 = arith.constant 0 : i32
      %dma_start3A_251 = arith.constant 0 : i32
      %dma_start3A_252 = tpu.memref_slice %dma_start3A_249[%dma_start3A_250, %dma_start3A_251] : memref<50000x32xf32, #tpu.memory_space<hbm>> -> memref<50000x32xf32, #tpu.memory_space<hbm>>
      tpu.enqueue_indirect_dma source(%dma_start3A_252 : memref<50000x32xf32, #tpu.memory_space<hbm>>) target(%arg11 : memref<128x32xf32, #tpu.memory_space<vmem>>) offsets(%arg9 : memref<128xi32, #tpu.memory_space<vmem>>) semaphore(%arg17 : memref<!tpu.dma_semaphore, #tpu.memory_space<semaphore_mem>>)
      %dma_start3A_253 = arith.constant 0 : i32
      %dma_start3A_254 = arith.constant 0 : i32
      %dma_start3A_255 = tpu.memref_slice %arg12[%dma_start3A_253, %dma_start3A_254] : memref<128x32xf32, #tpu.memory_space<vmem>> -> memref<128x32xf32, #tpu.memory_space<vmem>>
      %dma_start3A_256 = arith.constant 0 : i32
      %dma_start3A_257 = arith.constant 0 : i32
      %dma_start3A_258 = tpu.memref_slice %arg3[%arg0, %dma_start3A_256, %dma_start3A_257] : memref<2x800000x32xf32, #tpu.memory_space<hbm>> -> memref<1x800000x32xf32, #tpu.memory_space<hbm>>
      %dma_start3A_259 = tpu.memref_squeeze %dma_start3A_258 : memref<1x800000x32xf32, #tpu.memory_space<hbm>> -> memref<800000x32xf32, #tpu.memory_space<hbm>>
      %dma_start3A_260 = arith.constant 0 : i32
      %dma_start3A_261 = tpu.memref_slice %dma_start3A_259[%add3A_245, %dma_start3A_260] : memref<800000x32xf32, #tpu.memory_space<hbm>> -> memref<128x32xf32, #tpu.memory_space<hbm>>
      %dma_start3A_262 = arith.constant 0 : i32
      %dma_start3A_263 = arith.constant 0 : i32
      %dma_start3A_264 = tpu.memref_slice %arg12[%dma_start3A_262, %dma_start3A_263] : memref<128x32xf32, #tpu.memory_space<vmem>> -> memref<128x32xf32, #tpu.memory_space<vmem>>
      %dma_start3A_265 = arith.constant 0 : i32
      %dma_start3A_266 = arith.constant 0 : i32
      %dma_start3A_267 = tpu.memref_slice %arg3[%arg0, %dma_start3A_265, %dma_start3A_266] : memref<2x800000x32xf32, #tpu.memory_space<hbm>> -> memref<1x800000x32xf32, #tpu.memory_space<hbm>>
      %dma_start3A_268 = tpu.memref_squeeze %dma_start3A_267 : memref<1x800000x32xf32, #tpu.memory_space<hbm>> -> memref<800000x32xf32, #tpu.memory_space<hbm>>
      %dma_start3A_269 = arith.constant 0 : i32
      %dma_start3A_270 = tpu.memref_slice %dma_start3A_268[%add3A_245, %dma_start3A_269] : memref<800000x32xf32, #tpu.memory_space<hbm>> -> memref<128x32xf32, #tpu.memory_space<hbm>>
      tpu.enqueue_dma source(%dma_start3A_270 : memref<128x32xf32, #tpu.memory_space<hbm>>) target(%dma_start3A_264 : memref<128x32xf32, #tpu.memory_space<vmem>>) target_semaphore(%arg18 : memref<!tpu.dma_semaphore, #tpu.memory_space<semaphore_mem>>)
      %dma_wait3A_271 = arith.constant 0 : i32
      %dma_wait3A_272 = arith.constant 0 : i32
      %dma_wait3A_273 = tpu.memref_slice %arg2[%arg0, %dma_wait3A_271, %dma_wait3A_272] : memref<2x50000x32xf32, #tpu.memory_space<hbm>> -> memref<1x50000x32xf32, #tpu.memory_space<hbm>>
      %dma_wait3A_274 = tpu.memref_squeeze %dma_wait3A_273 : memref<1x50000x32xf32, #tpu.memory_space<hbm>> -> memref<50000x32xf32, #tpu.memory_space<hbm>>
      %dma_wait3A_275 = arith.constant 0 : i32
      %dma_wait3A_276 = arith.constant 0 : i32
      %dma_wait3A_277 = tpu.memref_slice %dma_wait3A_274[%dma_wait3A_275, %dma_wait3A_276] : memref<50000x32xf32, #tpu.memory_space<hbm>> -> memref<50000x32xf32, #tpu.memory_space<hbm>>
      tpu.wait_indirect_dma semaphore(%arg19 : memref<!tpu.dma_semaphore, #tpu.memory_space<semaphore_mem>>) src(%dma_wait3A_277 : memref<50000x32xf32, #tpu.memory_space<hbm>>) dst(%arg15 : memref<128x32xf32, #tpu.memory_space<vmem>>)
      %dma_wait3A_278 = arith.constant 0 : i32
      %dma_wait3A_279 = arith.constant 0 : i32
      %dma_wait3A_280 = tpu.memref_slice %arg16[%dma_wait3A_278, %dma_wait3A_279] : memref<128x32xf32, #tpu.memory_space<vmem>> -> memref<128x32xf32, #tpu.memory_space<vmem>>
      %dma_wait3A_281 = arith.constant 0 : i32
      %dma_wait3A_282 = arith.constant 0 : i32
      %dma_wait3A_283 = tpu.memref_slice %arg3[%arg0, %dma_wait3A_281, %dma_wait3A_282] : memref<2x800000x32xf32, #tpu.memory_space<hbm>> -> memref<1x800000x32xf32, #tpu.memory_space<hbm>>
      %dma_wait3A_284 = tpu.memref_squeeze %dma_wait3A_283 : memref<1x800000x32xf32, #tpu.memory_space<hbm>> -> memref<800000x32xf32, #tpu.memory_space<hbm>>
      %dma_wait3A_285 = arith.constant 0 : i32
      %dma_wait3A_286 = arith.constant 0 : i32
      %dma_wait3A_287 = tpu.memref_slice %dma_wait3A_284[%dma_wait3A_285, %dma_wait3A_286] : memref<800000x32xf32, #tpu.memory_space<hbm>> -> memref<128x32xf32, #tpu.memory_space<hbm>>
      %dma_wait3A_288 = arith.constant 0 : i32
      %dma_wait3A_289 = arith.constant 0 : i32
      %dma_wait3A_290 = tpu.memref_slice %arg16[%dma_wait3A_288, %dma_wait3A_289] : memref<128x32xf32, #tpu.memory_space<vmem>> -> memref<128x32xf32, #tpu.memory_space<vmem>>
      %dma_wait3A_291 = arith.constant 0 : i32
      %dma_wait3A_292 = arith.constant 0 : i32
      %dma_wait3A_293 = tpu.memref_slice %arg3[%arg0, %dma_wait3A_291, %dma_wait3A_292] : memref<2x800000x32xf32, #tpu.memory_space<hbm>> -> memref<1x800000x32xf32, #tpu.memory_space<hbm>>
      %dma_wait3A_294 = tpu.memref_squeeze %dma_wait3A_293 : memref<1x800000x32xf32, #tpu.memory_space<hbm>> -> memref<800000x32xf32, #tpu.memory_space<hbm>>
      %dma_wait3A_295 = arith.constant 0 : i32
      %dma_wait3A_296 = arith.constant 0 : i32
      %dma_wait3A_297 = tpu.memref_slice %dma_wait3A_294[%dma_wait3A_295, %dma_wait3A_296] : memref<800000x32xf32, #tpu.memory_space<hbm>> -> memref<128x32xf32, #tpu.memory_space<hbm>>
      tpu.wait_dma2 semaphore(%arg20 : memref<!tpu.dma_semaphore, #tpu.memory_space<semaphore_mem>>) src(%dma_wait3A_297 : memref<128x32xf32, #tpu.memory_space<hbm>>) dst(%dma_wait3A_290 : memref<128x32xf32, #tpu.memory_space<vmem>>)
      %scan3A_298 = arith.constant 0 : i32
      %scan3A_299 = arith.constant 0 : i32
      %scan3A_300 = arith.constant 16 : i32
      %scan3A_301 = arith.addi %scan3A_299, %scan3A_300 : i32
      %scan3A_302 = arith.constant 1 : i32
      %scan3A_303 = scf.for %scan3A_336 = %scan3A_299 to %scan3A_301 step %scan3A_302 iter_args(%scan3A_337 = %scan3A_298) -> (i32)  : i32 {
        %mul3A_338 = arith.constant 8 : i32
        %mul3A_339 = arith.muli %scan3A_336, %mul3A_338 : i32
        %add3A_340 = arith.constant 0 : i32
        %add3A_341 = arith.addi %mul3A_339, %add3A_340 : i32
        %get3A = arith.index_cast %add3A_341 : i32 to index
        %get3A_342 = arith.constant 0 : index
        %get3A_343 = tpu.vector_load %arg15[%get3A, %get3A_342] {strides = array<i32>} : memref<128x32xf32, #tpu.memory_space<vmem>>, vector<1x16xf32>,
        %get3A_344 = vector.shape_cast %get3A_343 : vector<1x16xf32> to vector<16xf32>
        %get3A_345 = arith.index_cast %add3A_341 : i32 to index
        %get3A_346 = arith.constant 0 : index
        %get3A_347 = tpu.vector_load %arg16[%get3A_345, %get3A_346] {strides = array<i32>} : memref<128x32xf32, #tpu.memory_space<vmem>>, vector<1x16xf32>,
        %get3A_348 = vector.shape_cast %get3A_347 : vector<1x16xf32> to vector<16xf32>
        %mul3A_349 = arith.mulf %get3A_344, %get3A_348 : vector<16xf32>
        %swap3A = arith.index_cast %add3A_341 : i32 to index
        %swap3A_350 = arith.constant 0 : index
        %swap3A_351 = tpu.vector_load %arg15[%swap3A, %swap3A_350] {strides = array<i32>} : memref<128x32xf32, #tpu.memory_space<vmem>>, vector<1x16xf32>,
        %swap3A_352 = vector.shape_cast %swap3A_351 : vector<1x16xf32> to vector<16xf32>
        %swap3A_353 = vector.shape_cast %mul3A_349 : vector<16xf32> to vector<1x16xf32>
        tpu.vector_store %arg15[%swap3A, %swap3A_350], %swap3A_353 {strides = array<i32>} : memref<128x32xf32, #tpu.memory_space<vmem>>, vector<1x16xf32>,
        %get3A_354 = arith.index_cast %add3A_341 : i32 to index
        %get3A_355 = arith.constant 16 : index
        %get3A_356 = tpu.vector_load %arg15[%get3A_354, %get3A_355] {strides = array<i32>} : memref<128x32xf32, #tpu.memory_space<vmem>>, vector<1x16xf32>,
        %get3A_357 = vector.shape_cast %get3A_356 : vector<1x16xf32> to vector<16xf32>
        %get3A_358 = arith.index_cast %add3A_341 : i32 to index
        %get3A_359 = arith.constant 16 : index
        %get3A_360 = tpu.vector_load %arg16[%get3A_358, %get3A_359] {strides = array<i32>} : memref<128x32xf32, #tpu.memory_space<vmem>>, vector<1x16xf32>,
        %get3A_361 = vector.shape_cast %get3A_360 : vector<1x16xf32> to vector<16xf32>
        %mul3A_362 = arith.mulf %get3A_357, %get3A_361 : vector<16xf32>
        %swap3A_363 = arith.index_cast %add3A_341 : i32 to index
        %swap3A_364 = arith.constant 16 : index
        %swap3A_365 = tpu.vector_load %arg15[%swap3A_363, %swap3A_364] {strides = array<i32>} : memref<128x32xf32, #tpu.memory_space<vmem>>, vector<1x16xf32>,
        %swap3A_366 = vector.shape_cast %swap3A_365 : vector<1x16xf32> to vector<16xf32>
        %swap3A_367 = vector.shape_cast %mul3A_362 : vector<16xf32> to vector<1x16xf32>
        tpu.vector_store %arg15[%swap3A_363, %swap3A_364], %swap3A_367 {strides = array<i32>} : memref<128x32xf32, #tpu.memory_space<vmem>>, vector<1x16xf32>,
        %mul3A_368 = arith.constant 8 : i32
        %mul3A_369 = arith.muli %scan3A_336, %mul3A_368 : i32
        %add3A_370 = arith.constant 1 : i32
        %add3A_371 = arith.addi %mul3A_369, %add3A_370 : i32
        %get3A_372 = arith.index_cast %add3A_371 : i32 to index
        %get3A_373 = arith.constant 0 : index
        %get3A_374 = tpu.vector_load %arg15[%get3A_372, %get3A_373] {strides = array<i32>} : memref<128x32xf32, #tpu.memory_space<vmem>>, vector<1x16xf32>,
        %get3A_375 = vector.shape_cast %get3A_374 : vector<1x16xf32> to vector<16xf32>
        %get3A_376 = arith.index_cast %add3A_371 : i32 to index
        %get3A_377 = arith.constant 0 : index
        %get3A_378 = tpu.vector_load %arg16[%get3A_376, %get3A_377] {strides = array<i32>} : memref<128x32xf32, #tpu.memory_space<vmem>>, vector<1x16xf32>,
        %get3A_379 = vector.shape_cast %get3A_378 : vector<1x16xf32> to vector<16xf32>
        %mul3A_380 = arith.mulf %get3A_375, %get3A_379 : vector<16xf32>
        %swap3A_381 = arith.index_cast %add3A_371 : i32 to index
        %swap3A_382 = arith.constant 0 : index
        %swap3A_383 = tpu.vector_load %arg15[%swap3A_381, %swap3A_382] {strides = array<i32>} : memref<128x32xf32, #tpu.memory_space<vmem>>, vector<1x16xf32>,
        %swap3A_384 = vector.shape_cast %swap3A_383 : vector<1x16xf32> to vector<16xf32>
        %swap3A_385 = vector.shape_cast %mul3A_380 : vector<16xf32> to vector<1x16xf32>
        tpu.vector_store %arg15[%swap3A_381, %swap3A_382], %swap3A_385 {strides = array<i32>} : memref<128x32xf32, #tpu.memory_space<vmem>>, vector<1x16xf32>,
        %get3A_386 = arith.index_cast %add3A_371 : i32 to index
        %get3A_387 = arith.constant 16 : index
        %get3A_388 = tpu.vector_load %arg15[%get3A_386, %get3A_387] {strides = array<i32>} : memref<128x32xf32, #tpu.memory_space<vmem>>, vector<1x16xf32>,
        %get3A_389 = vector.shape_cast %get3A_388 : vector<1x16xf32> to vector<16xf32>
        %get3A_390 = arith.index_cast %add3A_371 : i32 to index
        %get3A_391 = arith.constant 16 : index
        %get3A_392 = tpu.vector_load %arg16[%get3A_390, %get3A_391] {strides = array<i32>} : memref<128x32xf32, #tpu.memory_space<vmem>>, vector<1x16xf32>,
        %get3A_393 = vector.shape_cast %get3A_392 : vector<1x16xf32> to vector<16xf32>
        %mul3A_394 = arith.mulf %get3A_389, %get3A_393 : vector<16xf32>
        %swap3A_395 = arith.index_cast %add3A_371 : i32 to index
        %swap3A_396 = arith.constant 16 : index
        %swap3A_397 = tpu.vector_load %arg15[%swap3A_395, %swap3A_396] {strides = array<i32>} : memref<128x32xf32, #tpu.memory_space<vmem>>, vector<1x16xf32>,
        %swap3A_398 = vector.shape_cast %swap3A_397 : vector<1x16xf32> to vector<16xf32>
        %swap3A_399 = vector.shape_cast %mul3A_394 : vector<16xf32> to vector<1x16xf32>
        tpu.vector_store %arg15[%swap3A_395, %swap3A_396], %swap3A_399 {strides = array<i32>} : memref<128x32xf32, #tpu.memory_space<vmem>>, vector<1x16xf32>,
        %mul3A_400 = arith.constant 8 : i32
        %mul3A_401 = arith.muli %scan3A_336, %mul3A_400 : i32
        %add3A_402 = arith.constant 2 : i32
        %add3A_403 = arith.addi %mul3A_401, %add3A_402 : i32
        %get3A_404 = arith.index_cast %add3A_403 : i32 to index
        %get3A_405 = arith.constant 0 : index
        %get3A_406 = tpu.vector_load %arg15[%get3A_404, %get3A_405] {strides = array<i32>} : memref<128x32xf32, #tpu.memory_space<vmem>>, vector<1x16xf32>,
        %get3A_407 = vector.shape_cast %get3A_406 : vector<1x16xf32> to vector<16xf32>
        %get3A_408 = arith.index_cast %add3A_403 : i32 to index
        %get3A_409 = arith.constant 0 : index
        %get3A_410 = tpu.vector_load %arg16[%get3A_408, %get3A_409] {strides = array<i32>} : memref<128x32xf32, #tpu.memory_space<vmem>>, vector<1x16xf32>,
        %get3A_411 = vector.shape_cast %get3A_410 : vector<1x16xf32> to vector<16xf32>
        %mul3A_412 = arith.mulf %get3A_407, %get3A_411 : vector<16xf32>
        %swap3A_413 = arith.index_cast %add3A_403 : i32 to index
        %swap3A_414 = arith.constant 0 : index
        %swap3A_415 = tpu.vector_load %arg15[%swap3A_413, %swap3A_414] {strides = array<i32>} : memref<128x32xf32, #tpu.memory_space<vmem>>, vector<1x16xf32>,
        %swap3A_416 = vector.shape_cast %swap3A_415 : vector<1x16xf32> to vector<16xf32>
        %swap3A_417 = vector.shape_cast %mul3A_412 : vector<16xf32> to vector<1x16xf32>
        tpu.vector_store %arg15[%swap3A_413, %swap3A_414], %swap3A_417 {strides = array<i32>} : memref<128x32xf32, #tpu.memory_space<vmem>>, vector<1x16xf32>,
        %get3A_418 = arith.index_cast %add3A_403 : i32 to index
        %get3A_419 = arith.constant 16 : index
        %get3A_420 = tpu.vector_load %arg15[%get3A_418, %get3A_419] {strides = array<i32>} : memref<128x32xf32, #tpu.memory_space<vmem>>, vector<1x16xf32>,
        %get3A_421 = vector.shape_cast %get3A_420 : vector<1x16xf32> to vector<16xf32>
        %get3A_422 = arith.index_cast %add3A_403 : i32 to index
        %get3A_423 = arith.constant 16 : index
        %get3A_424 = tpu.vector_load %arg16[%get3A_422, %get3A_423] {strides = array<i32>} : memref<128x32xf32, #tpu.memory_space<vmem>>, vector<1x16xf32>,
        %get3A_425 = vector.shape_cast %get3A_424 : vector<1x16xf32> to vector<16xf32>
        %mul3A_426 = arith.mulf %get3A_421, %get3A_425 : vector<16xf32>
        %swap3A_427 = arith.index_cast %add3A_403 : i32 to index
        %swap3A_428 = arith.constant 16 : index
        %swap3A_429 = tpu.vector_load %arg15[%swap3A_427, %swap3A_428] {strides = array<i32>} : memref<128x32xf32, #tpu.memory_space<vmem>>, vector<1x16xf32>,
        %swap3A_430 = vector.shape_cast %swap3A_429 : vector<1x16xf32> to vector<16xf32>
        %swap3A_431 = vector.shape_cast %mul3A_426 : vector<16xf32> to vector<1x16xf32>
        tpu.vector_store %arg15[%swap3A_427, %swap3A_428], %swap3A_431 {strides = array<i32>} : memref<128x32xf32, #tpu.memory_space<vmem>>, vector<1x16xf32>,
        %mul3A_432 = arith.constant 8 : i32
        %mul3A_433 = arith.muli %scan3A_336, %mul3A_432 : i32
        %add3A_434 = arith.constant 3 : i32
        %add3A_435 = arith.addi %mul3A_433, %add3A_434 : i32
        %get3A_436 = arith.index_cast %add3A_435 : i32 to index
        %get3A_437 = arith.constant 0 : index
        %get3A_438 = tpu.vector_load %arg15[%get3A_436, %get3A_437] {strides = array<i32>} : memref<128x32xf32, #tpu.memory_space<vmem>>, vector<1x16xf32>,
        %get3A_439 = vector.shape_cast %get3A_438 : vector<1x16xf32> to vector<16xf32>
        %get3A_440 = arith.index_cast %add3A_435 : i32 to index
        %get3A_441 = arith.constant 0 : index
        %get3A_442 = tpu.vector_load %arg16[%get3A_440, %get3A_441] {strides = array<i32>} : memref<128x32xf32, #tpu.memory_space<vmem>>, vector<1x16xf32>,
        %get3A_443 = vector.shape_cast %get3A_442 : vector<1x16xf32> to vector<16xf32>
        %mul3A_444 = arith.mulf %get3A_439, %get3A_443 : vector<16xf32>
        %swap3A_445 = arith.index_cast %add3A_435 : i32 to index
        %swap3A_446 = arith.constant 0 : index
        %swap3A_447 = tpu.vector_load %arg15[%swap3A_445, %swap3A_446] {strides = array<i32>} : memref<128x32xf32, #tpu.memory_space<vmem>>, vector<1x16xf32>,
        %swap3A_448 = vector.shape_cast %swap3A_447 : vector<1x16xf32> to vector<16xf32>
        %swap3A_449 = vector.shape_cast %mul3A_444 : vector<16xf32> to vector<1x16xf32>
        tpu.vector_store %arg15[%swap3A_445, %swap3A_446], %swap3A_449 {strides = array<i32>} : memref<128x32xf32, #tpu.memory_space<vmem>>, vector<1x16xf32>,
        %get3A_450 = arith.index_cast %add3A_435 : i32 to index
        %get3A_451 = arith.constant 16 : index
        %get3A_452 = tpu.vector_load %arg15[%get3A_450, %get3A_451] {strides = array<i32>} : memref<128x32xf32, #tpu.memory_space<vmem>>, vector<1x16xf32>,
        %get3A_453 = vector.shape_cast %get3A_452 : vector<1x16xf32> to vector<16xf32>
        %get3A_454 = arith.index_cast %add3A_435 : i32 to index
        %get3A_455 = arith.constant 16 : index
        %get3A_456 = tpu.vector_load %arg16[%get3A_454, %get3A_455] {strides = array<i32>} : memref<128x32xf32, #tpu.memory_space<vmem>>, vector<1x16xf32>,
        %get3A_457 = vector.shape_cast %get3A_456 : vector<1x16xf32> to vector<16xf32>
        %mul3A_458 = arith.mulf %get3A_453, %get3A_457 : vector<16xf32>
        %swap3A_459 = arith.index_cast %add3A_435 : i32 to index
        %swap3A_460 = arith.constant 16 : index
        %swap3A_461 = tpu.vector_load %arg15[%swap3A_459, %swap3A_460] {strides = array<i32>} : memref<128x32xf32, #tpu.memory_space<vmem>>, vector<1x16xf32>,
        %swap3A_462 = vector.shape_cast %swap3A_461 : vector<1x16xf32> to vector<16xf32>
        %swap3A_463 = vector.shape_cast %mul3A_458 : vector<16xf32> to vector<1x16xf32>
        tpu.vector_store %arg15[%swap3A_459, %swap3A_460], %swap3A_463 {strides = array<i32>} : memref<128x32xf32, #tpu.memory_space<vmem>>, vector<1x16xf32>,
        %mul3A_464 = arith.constant 8 : i32
        %mul3A_465 = arith.muli %scan3A_336, %mul3A_464 : i32
        %add3A_466 = arith.constant 4 : i32
        %add3A_467 = arith.addi %mul3A_465, %add3A_466 : i32
        %get3A_468 = arith.index_cast %add3A_467 : i32 to index
        %get3A_469 = arith.constant 0 : index
        %get3A_470 = tpu.vector_load %arg15[%get3A_468, %get3A_469] {strides = array<i32>} : memref<128x32xf32, #tpu.memory_space<vmem>>, vector<1x16xf32>,
        %get3A_471 = vector.shape_cast %get3A_470 : vector<1x16xf32> to vector<16xf32>
        %get3A_472 = arith.index_cast %add3A_467 : i32 to index
        %get3A_473 = arith.constant 0 : index
        %get3A_474 = tpu.vector_load %arg16[%get3A_472, %get3A_473] {strides = array<i32>} : memref<128x32xf32, #tpu.memory_space<vmem>>, vector<1x16xf32>,
        %get3A_475 = vector.shape_cast %get3A_474 : vector<1x16xf32> to vector<16xf32>
        %mul3A_476 = arith.mulf %get3A_471, %get3A_475 : vector<16xf32>
        %swap3A_477 = arith.index_cast %add3A_467 : i32 to index
        %swap3A_478 = arith.constant 0 : index
        %swap3A_479 = tpu.vector_load %arg15[%swap3A_477, %swap3A_478] {strides = array<i32>} : memref<128x32xf32, #tpu.memory_space<vmem>>, vector<1x16xf32>,
        %swap3A_480 = vector.shape_cast %swap3A_479 : vector<1x16xf32> to vector<16xf32>
        %swap3A_481 = vector.shape_cast %mul3A_476 : vector<16xf32> to vector<1x16xf32>
        tpu.vector_store %arg15[%swap3A_477, %swap3A_478], %swap3A_481 {strides = array<i32>} : memref<128x32xf32, #tpu.memory_space<vmem>>, vector<1x16xf32>,
        %get3A_482 = arith.index_cast %add3A_467 : i32 to index
        %get3A_483 = arith.constant 16 : index
        %get3A_484 = tpu.vector_load %arg15[%get3A_482, %get3A_483] {strides = array<i32>} : memref<128x32xf32, #tpu.memory_space<vmem>>, vector<1x16xf32>,
        %get3A_485 = vector.shape_cast %get3A_484 : vector<1x16xf32> to vector<16xf32>
        %get3A_486 = arith.index_cast %add3A_467 : i32 to index
        %get3A_487 = arith.constant 16 : index
        %get3A_488 = tpu.vector_load %arg16[%get3A_486, %get3A_487] {strides = array<i32>} : memref<128x32xf32, #tpu.memory_space<vmem>>, vector<1x16xf32>,
        %get3A_489 = vector.shape_cast %get3A_488 : vector<1x16xf32> to vector<16xf32>
        %mul3A_490 = arith.mulf %get3A_485, %get3A_489 : vector<16xf32>
        %swap3A_491 = arith.index_cast %add3A_467 : i32 to index
        %swap3A_492 = arith.constant 16 : index
        %swap3A_493 = tpu.vector_load %arg15[%swap3A_491, %swap3A_492] {strides = array<i32>} : memref<128x32xf32, #tpu.memory_space<vmem>>, vector<1x16xf32>,
        %swap3A_494 = vector.shape_cast %swap3A_493 : vector<1x16xf32> to vector<16xf32>
        %swap3A_495 = vector.shape_cast %mul3A_490 : vector<16xf32> to vector<1x16xf32>
        tpu.vector_store %arg15[%swap3A_491, %swap3A_492], %swap3A_495 {strides = array<i32>} : memref<128x32xf32, #tpu.memory_space<vmem>>, vector<1x16xf32>,
        %mul3A_496 = arith.constant 8 : i32
        %mul3A_497 = arith.muli %scan3A_336, %mul3A_496 : i32
        %add3A_498 = arith.constant 5 : i32
        %add3A_499 = arith.addi %mul3A_497, %add3A_498 : i32
        %get3A_500 = arith.index_cast %add3A_499 : i32 to index
        %get3A_501 = arith.constant 0 : index
        %get3A_502 = tpu.vector_load %arg15[%get3A_500, %get3A_501] {strides = array<i32>} : memref<128x32xf32, #tpu.memory_space<vmem>>, vector<1x16xf32>,
        %get3A_503 = vector.shape_cast %get3A_502 : vector<1x16xf32> to vector<16xf32>
        %get3A_504 = arith.index_cast %add3A_499 : i32 to index
        %get3A_505 = arith.constant 0 : index
        %get3A_506 = tpu.vector_load %arg16[%get3A_504, %get3A_505] {strides = array<i32>} : memref<128x32xf32, #tpu.memory_space<vmem>>, vector<1x16xf32>,
        %get3A_507 = vector.shape_cast %get3A_506 : vector<1x16xf32> to vector<16xf32>
        %mul3A_508 = arith.mulf %get3A_503, %get3A_507 : vector<16xf32>
        %swap3A_509 = arith.index_cast %add3A_499 : i32 to index
        %swap3A_510 = arith.constant 0 : index
        %swap3A_511 = tpu.vector_load %arg15[%swap3A_509, %swap3A_510] {strides = array<i32>} : memref<128x32xf32, #tpu.memory_space<vmem>>, vector<1x16xf32>,
        %swap3A_512 = vector.shape_cast %swap3A_511 : vector<1x16xf32> to vector<16xf32>
        %swap3A_513 = vector.shape_cast %mul3A_508 : vector<16xf32> to vector<1x16xf32>
        tpu.vector_store %arg15[%swap3A_509, %swap3A_510], %swap3A_513 {strides = array<i32>} : memref<128x32xf32, #tpu.memory_space<vmem>>, vector<1x16xf32>,
        %get3A_514 = arith.index_cast %add3A_499 : i32 to index
        %get3A_515 = arith.constant 16 : index
        %get3A_516 = tpu.vector_load %arg15[%get3A_514, %get3A_515] {strides = array<i32>} : memref<128x32xf32, #tpu.memory_space<vmem>>, vector<1x16xf32>,
        %get3A_517 = vector.shape_cast %get3A_516 : vector<1x16xf32> to vector<16xf32>
        %get3A_518 = arith.index_cast %add3A_499 : i32 to index
        %get3A_519 = arith.constant 16 : index
        %get3A_520 = tpu.vector_load %arg16[%get3A_518, %get3A_519] {strides = array<i32>} : memref<128x32xf32, #tpu.memory_space<vmem>>, vector<1x16xf32>,
        %get3A_521 = vector.shape_cast %get3A_520 : vector<1x16xf32> to vector<16xf32>
        %mul3A_522 = arith.mulf %get3A_517, %get3A_521 : vector<16xf32>
        %swap3A_523 = arith.index_cast %add3A_499 : i32 to index
        %swap3A_524 = arith.constant 16 : index
        %swap3A_525 = tpu.vector_load %arg15[%swap3A_523, %swap3A_524] {strides = array<i32>} : memref<128x32xf32, #tpu.memory_space<vmem>>, vector<1x16xf32>,
        %swap3A_526 = vector.shape_cast %swap3A_525 : vector<1x16xf32> to vector<16xf32>
        %swap3A_527 = vector.shape_cast %mul3A_522 : vector<16xf32> to vector<1x16xf32>
        tpu.vector_store %arg15[%swap3A_523, %swap3A_524], %swap3A_527 {strides = array<i32>} : memref<128x32xf32, #tpu.memory_space<vmem>>, vector<1x16xf32>,
        %mul3A_528 = arith.constant 8 : i32
        %mul3A_529 = arith.muli %scan3A_336, %mul3A_528 : i32
        %add3A_530 = arith.constant 6 : i32
        %add3A_531 = arith.addi %mul3A_529, %add3A_530 : i32
        %get3A_532 = arith.index_cast %add3A_531 : i32 to index
        %get3A_533 = arith.constant 0 : index
        %get3A_534 = tpu.vector_load %arg15[%get3A_532, %get3A_533] {strides = array<i32>} : memref<128x32xf32, #tpu.memory_space<vmem>>, vector<1x16xf32>,
        %get3A_535 = vector.shape_cast %get3A_534 : vector<1x16xf32> to vector<16xf32>
        %get3A_536 = arith.index_cast %add3A_531 : i32 to index
        %get3A_537 = arith.constant 0 : index
        %get3A_538 = tpu.vector_load %arg16[%get3A_536, %get3A_537] {strides = array<i32>} : memref<128x32xf32, #tpu.memory_space<vmem>>, vector<1x16xf32>,
        %get3A_539 = vector.shape_cast %get3A_538 : vector<1x16xf32> to vector<16xf32>
        %mul3A_540 = arith.mulf %get3A_535, %get3A_539 : vector<16xf32>
        %swap3A_541 = arith.index_cast %add3A_531 : i32 to index
        %swap3A_542 = arith.constant 0 : index
        %swap3A_543 = tpu.vector_load %arg15[%swap3A_541, %swap3A_542] {strides = array<i32>} : memref<128x32xf32, #tpu.memory_space<vmem>>, vector<1x16xf32>,
        %swap3A_544 = vector.shape_cast %swap3A_543 : vector<1x16xf32> to vector<16xf32>
        %swap3A_545 = vector.shape_cast %mul3A_540 : vector<16xf32> to vector<1x16xf32>
        tpu.vector_store %arg15[%swap3A_541, %swap3A_542], %swap3A_545 {strides = array<i32>} : memref<128x32xf32, #tpu.memory_space<vmem>>, vector<1x16xf32>,
        %get3A_546 = arith.index_cast %add3A_531 : i32 to index
        %get3A_547 = arith.constant 16 : index
        %get3A_548 = tpu.vector_load %arg15[%get3A_546, %get3A_547] {strides = array<i32>} : memref<128x32xf32, #tpu.memory_space<vmem>>, vector<1x16xf32>,
        %get3A_549 = vector.shape_cast %get3A_548 : vector<1x16xf32> to vector<16xf32>
        %get3A_550 = arith.index_cast %add3A_531 : i32 to index
        %get3A_551 = arith.constant 16 : index
        %get3A_552 = tpu.vector_load %arg16[%get3A_550, %get3A_551] {strides = array<i32>} : memref<128x32xf32, #tpu.memory_space<vmem>>, vector<1x16xf32>,
        %get3A_553 = vector.shape_cast %get3A_552 : vector<1x16xf32> to vector<16xf32>
        %mul3A_554 = arith.mulf %get3A_549, %get3A_553 : vector<16xf32>
        %swap3A_555 = arith.index_cast %add3A_531 : i32 to index
        %swap3A_556 = arith.constant 16 : index
        %swap3A_557 = tpu.vector_load %arg15[%swap3A_555, %swap3A_556] {strides = array<i32>} : memref<128x32xf32, #tpu.memory_space<vmem>>, vector<1x16xf32>,
        %swap3A_558 = vector.shape_cast %swap3A_557 : vector<1x16xf32> to vector<16xf32>
        %swap3A_559 = vector.shape_cast %mul3A_554 : vector<16xf32> to vector<1x16xf32>
        tpu.vector_store %arg15[%swap3A_555, %swap3A_556], %swap3A_559 {strides = array<i32>} : memref<128x32xf32, #tpu.memory_space<vmem>>, vector<1x16xf32>,
        %mul3A_560 = arith.constant 8 : i32
        %mul3A_561 = arith.muli %scan3A_336, %mul3A_560 : i32
        %add3A_562 = arith.constant 7 : i32
        %add3A_563 = arith.addi %mul3A_561, %add3A_562 : i32
        %get3A_564 = arith.index_cast %add3A_563 : i32 to index
        %get3A_565 = arith.constant 0 : index
        %get3A_566 = tpu.vector_load %arg15[%get3A_564, %get3A_565] {strides = array<i32>} : memref<128x32xf32, #tpu.memory_space<vmem>>, vector<1x16xf32>,
        %get3A_567 = vector.shape_cast %get3A_566 : vector<1x16xf32> to vector<16xf32>
        %get3A_568 = arith.index_cast %add3A_563 : i32 to index
        %get3A_569 = arith.constant 0 : index
        %get3A_570 = tpu.vector_load %arg16[%get3A_568, %get3A_569] {strides = array<i32>} : memref<128x32xf32, #tpu.memory_space<vmem>>, vector<1x16xf32>,
        %get3A_571 = vector.shape_cast %get3A_570 : vector<1x16xf32> to vector<16xf32>
        %mul3A_572 = arith.mulf %get3A_567, %get3A_571 : vector<16xf32>
        %swap3A_573 = arith.index_cast %add3A_563 : i32 to index
        %swap3A_574 = arith.constant 0 : index
        %swap3A_575 = tpu.vector_load %arg15[%swap3A_573, %swap3A_574] {strides = array<i32>} : memref<128x32xf32, #tpu.memory_space<vmem>>, vector<1x16xf32>,
        %swap3A_576 = vector.shape_cast %swap3A_575 : vector<1x16xf32> to vector<16xf32>
        %swap3A_577 = vector.shape_cast %mul3A_572 : vector<16xf32> to vector<1x16xf32>
        tpu.vector_store %arg15[%swap3A_573, %swap3A_574], %swap3A_577 {strides = array<i32>} : memref<128x32xf32, #tpu.memory_space<vmem>>, vector<1x16xf32>,
        %get3A_578 = arith.index_cast %add3A_563 : i32 to index
        %get3A_579 = arith.constant 16 : index
        %get3A_580 = tpu.vector_load %arg15[%get3A_578, %get3A_579] {strides = array<i32>} : memref<128x32xf32, #tpu.memory_space<vmem>>, vector<1x16xf32>,
        %get3A_581 = vector.shape_cast %get3A_580 : vector<1x16xf32> to vector<16xf32>
        %get3A_582 = arith.index_cast %add3A_563 : i32 to index
        %get3A_583 = arith.constant 16 : index
        %get3A_584 = tpu.vector_load %arg16[%get3A_582, %get3A_583] {strides = array<i32>} : memref<128x32xf32, #tpu.memory_space<vmem>>, vector<1x16xf32>,
        %get3A_585 = vector.shape_cast %get3A_584 : vector<1x16xf32> to vector<16xf32>
        %mul3A_586 = arith.mulf %get3A_581, %get3A_585 : vector<16xf32>
        %swap3A_587 = arith.index_cast %add3A_563 : i32 to index
        %swap3A_588 = arith.constant 16 : index
        %swap3A_589 = tpu.vector_load %arg15[%swap3A_587, %swap3A_588] {strides = array<i32>} : memref<128x32xf32, #tpu.memory_space<vmem>>, vector<1x16xf32>,
        %swap3A_590 = vector.shape_cast %swap3A_589 : vector<1x16xf32> to vector<16xf32>
        %swap3A_591 = vector.shape_cast %mul3A_586 : vector<16xf32> to vector<1x16xf32>
        tpu.vector_store %arg15[%swap3A_587, %swap3A_588], %swap3A_591 {strides = array<i32>} : memref<128x32xf32, #tpu.memory_space<vmem>>, vector<1x16xf32>,
        %scan3A_592 = arith.constant 0 : i32
        scf.yield %scan3A_592 : i32
      }
      %scan3A_304 = arith.constant 16 : i32
      "tpu.region"() ({
        %run_scoped3A = tpu.sem_alloc : memref<!tpu.dma_semaphore, #tpu.memory_space<semaphore_mem>>
        %dma_start3A_336 = arith.constant 0 : i32
        %dma_start3A_337 = arith.constant 0 : i32
        %dma_start3A_338 = tpu.memref_slice %arg8[%dma_start3A_336, %dma_start3A_337] : memref<50000x32xf32, #tpu.memory_space<vmem_shared>> -> memref<50000x32xf32, #tpu.memory_space<vmem_shared>>
        tpu.enqueue_indirect_dma source(%arg15 : memref<128x32xf32, #tpu.memory_space<vmem>>) target(%dma_start3A_338 : memref<50000x32xf32, #tpu.memory_space<vmem_shared>>) offsets(%arg14 : memref<128xi32, #tpu.memory_space<vmem>>) semaphore(%run_scoped3A : memref<!tpu.dma_semaphore, #tpu.memory_space<semaphore_mem>>) {add = true}
        %dma_wait3A_339 = arith.constant 0 : i32
        %dma_wait3A_340 = arith.constant 0 : i32
        %dma_wait3A_341 = tpu.memref_slice %arg8[%dma_wait3A_339, %dma_wait3A_340] : memref<50000x32xf32, #tpu.memory_space<vmem_shared>> -> memref<50000x32xf32, #tpu.memory_space<vmem_shared>>
        tpu.wait_indirect_dma semaphore(%run_scoped3A : memref<!tpu.dma_semaphore, #tpu.memory_space<semaphore_mem>>) src(%arg15 : memref<128x32xf32, #tpu.memory_space<vmem>>) dst(%dma_wait3A_341 : memref<50000x32xf32, #tpu.memory_space<vmem_shared>>)
        tpu.yield
      }) : () -> ()
      %add3A_305 = arith.constant 3 : i32
      %add3A_306 = arith.addi %mul3A_206, %add3A_305 : i32
      %mul3A_307 = arith.constant 128 : i32
      %mul3A_308 = arith.muli %add3A_306, %mul3A_307 : i32
      %add3A_309 = arith.addi %mul3A_4, %mul3A_308 : i32
      "tpu.region"() ({
        %run_scoped3A = tpu.sem_alloc : memref<!tpu.dma_semaphore, #tpu.memory_space<semaphore_mem>>
        %dma_start3A_336 = arith.constant 0 : i32
        %dma_start3A_337 = tpu.memref_slice %arg13[%dma_start3A_336] : memref<128xi32, #tpu.memory_space<vmem>> -> memref<128xi32, #tpu.memory_space<vmem>>
        %dma_start3A_338 = tpu.memref_slice %arg4[%add3A_309] : memref<800000xi32, #tpu.memory_space<hbm>> -> memref<128xi32, #tpu.memory_space<hbm>>
        %dma_start3A_339 = arith.constant 0 : i32
        %dma_start3A_340 = tpu.memref_slice %arg13[%dma_start3A_339] : memref<128xi32, #tpu.memory_space<vmem>> -> memref<128xi32, #tpu.memory_space<vmem>>
        %dma_start3A_341 = tpu.memref_slice %arg4[%add3A_309] : memref<800000xi32, #tpu.memory_space<hbm>> -> memref<128xi32, #tpu.memory_space<hbm>>
        tpu.enqueue_dma source(%dma_start3A_341 : memref<128xi32, #tpu.memory_space<hbm>>) target(%dma_start3A_340 : memref<128xi32, #tpu.memory_space<vmem>>) target_semaphore(%run_scoped3A : memref<!tpu.dma_semaphore, #tpu.memory_space<semaphore_mem>>)
        %dma_wait3A_342 = arith.constant 0 : i32
        %dma_wait3A_343 = tpu.memref_slice %arg13[%dma_wait3A_342] : memref<128xi32, #tpu.memory_space<vmem>> -> memref<128xi32, #tpu.memory_space<vmem>>
        %dma_wait3A_344 = tpu.memref_slice %arg4[%add3A_309] : memref<800000xi32, #tpu.memory_space<hbm>> -> memref<128xi32, #tpu.memory_space<hbm>>
        %dma_wait3A_345 = arith.constant 0 : i32
        %dma_wait3A_346 = tpu.memref_slice %arg13[%dma_wait3A_345] : memref<128xi32, #tpu.memory_space<vmem>> -> memref<128xi32, #tpu.memory_space<vmem>>
        %dma_wait3A_347 = tpu.memref_slice %arg4[%add3A_309] : memref<800000xi32, #tpu.memory_space<hbm>> -> memref<128xi32, #tpu.memory_space<hbm>>
        tpu.wait_dma2 semaphore(%run_scoped3A : memref<!tpu.dma_semaphore, #tpu.memory_space<semaphore_mem>>) src(%dma_wait3A_347 : memref<128xi32, #tpu.memory_space<hbm>>) dst(%dma_wait3A_346 : memref<128xi32, #tpu.memory_space<vmem>>)
        tpu.yield
      }) : () -> ()
      "tpu.region"() ({
        %run_scoped3A = tpu.sem_alloc : memref<!tpu.dma_semaphore, #tpu.memory_space<semaphore_mem>>
        %dma_start3A_336 = arith.constant 0 : i32
        %dma_start3A_337 = tpu.memref_slice %arg14[%dma_start3A_336] : memref<128xi32, #tpu.memory_space<vmem>> -> memref<128xi32, #tpu.memory_space<vmem>>
        %dma_start3A_338 = tpu.memref_slice %arg5[%add3A_309] : memref<800000xi32, #tpu.memory_space<hbm>> -> memref<128xi32, #tpu.memory_space<hbm>>
        %dma_start3A_339 = arith.constant 0 : i32
        %dma_start3A_340 = tpu.memref_slice %arg14[%dma_start3A_339] : memref<128xi32, #tpu.memory_space<vmem>> -> memref<128xi32, #tpu.memory_space<vmem>>
        %dma_start3A_341 = tpu.memref_slice %arg5[%add3A_309] : memref<800000xi32, #tpu.memory_space<hbm>> -> memref<128xi32, #tpu.memory_space<hbm>>
        tpu.enqueue_dma source(%dma_start3A_341 : memref<128xi32, #tpu.memory_space<hbm>>) target(%dma_start3A_340 : memref<128xi32, #tpu.memory_space<vmem>>) target_semaphore(%run_scoped3A : memref<!tpu.dma_semaphore, #tpu.memory_space<semaphore_mem>>)
        %dma_wait3A_342 = arith.constant 0 : i32
        %dma_wait3A_343 = tpu.memref_slice %arg14[%dma_wait3A_342] : memref<128xi32, #tpu.memory_space<vmem>> -> memref<128xi32, #tpu.memory_space<vmem>>
        %dma_wait3A_344 = tpu.memref_slice %arg5[%add3A_309] : memref<800000xi32, #tpu.memory_space<hbm>> -> memref<128xi32, #tpu.memory_space<hbm>>
        %dma_wait3A_345 = arith.constant 0 : i32
        %dma_wait3A_346 = tpu.memref_slice %arg14[%dma_wait3A_345] : memref<128xi32, #tpu.memory_space<vmem>> -> memref<128xi32, #tpu.memory_space<vmem>>
        %dma_wait3A_347 = tpu.memref_slice %arg5[%add3A_309] : memref<800000xi32, #tpu.memory_space<hbm>> -> memref<128xi32, #tpu.memory_space<hbm>>
        tpu.wait_dma2 semaphore(%run_scoped3A : memref<!tpu.dma_semaphore, #tpu.memory_space<semaphore_mem>>) src(%dma_wait3A_347 : memref<128xi32, #tpu.memory_space<hbm>>) dst(%dma_wait3A_346 : memref<128xi32, #tpu.memory_space<vmem>>)
        tpu.yield
      }) : () -> ()
      %dma_start3A_310 = arith.constant 0 : i32
      %dma_start3A_311 = arith.constant 0 : i32
      %dma_start3A_312 = tpu.memref_slice %arg2[%arg0, %dma_start3A_310, %dma_start3A_311] : memref<2x50000x32xf32, #tpu.memory_space<hbm>> -> memref<1x50000x32xf32, #tpu.memory_space<hbm>>
      %dma_start3A_313 = tpu.memref_squeeze %dma_start3A_312 : memref<1x50000x32xf32, #tpu.memory_space<hbm>> -> memref<50000x32xf32, #tpu.memory_space<hbm>>
      %dma_start3A_314 = arith.constant 0 : i32
      %dma_start3A_315 = arith.constant 0 : i32
      %dma_start3A_316 = tpu.memref_slice %dma_start3A_313[%dma_start3A_314, %dma_start3A_315] : memref<50000x32xf32, #tpu.memory_space<hbm>> -> memref<50000x32xf32, #tpu.memory_space<hbm>>
      tpu.enqueue_indirect_dma source(%dma_start3A_316 : memref<50000x32xf32, #tpu.memory_space<hbm>>) target(%arg15 : memref<128x32xf32, #tpu.memory_space<vmem>>) offsets(%arg13 : memref<128xi32, #tpu.memory_space<vmem>>) semaphore(%arg19 : memref<!tpu.dma_semaphore, #tpu.memory_space<semaphore_mem>>)
      %dma_start3A_317 = arith.constant 0 : i32
      %dma_start3A_318 = arith.constant 0 : i32
      %dma_start3A_319 = tpu.memref_slice %arg16[%dma_start3A_317, %dma_start3A_318] : memref<128x32xf32, #tpu.memory_space<vmem>> -> memref<128x32xf32, #tpu.memory_space<vmem>>
      %dma_start3A_320 = arith.constant 0 : i32
      %dma_start3A_321 = arith.constant 0 : i32
      %dma_start3A_322 = tpu.memref_slice %arg3[%arg0, %dma_start3A_320, %dma_start3A_321] : memref<2x800000x32xf32, #tpu.memory_space<hbm>> -> memref<1x800000x32xf32, #tpu.memory_space<hbm>>
      %dma_start3A_323 = tpu.memref_squeeze %dma_start3A_322 : memref<1x800000x32xf32, #tpu.memory_space<hbm>> -> memref<800000x32xf32, #tpu.memory_space<hbm>>
      %dma_start3A_324 = arith.constant 0 : i32
      %dma_start3A_325 = tpu.memref_slice %dma_start3A_323[%add3A_309, %dma_start3A_324] : memref<800000x32xf32, #tpu.memory_space<hbm>> -> memref<128x32xf32, #tpu.memory_space<hbm>>
      %dma_start3A_326 = arith.constant 0 : i32
      %dma_start3A_327 = arith.constant 0 : i32
      %dma_start3A_328 = tpu.memref_slice %arg16[%dma_start3A_326, %dma_start3A_327] : memref<128x32xf32, #tpu.memory_space<vmem>> -> memref<128x32xf32, #tpu.memory_space<vmem>>
      %dma_start3A_329 = arith.constant 0 : i32
      %dma_start3A_330 = arith.constant 0 : i32
      %dma_start3A_331 = tpu.memref_slice %arg3[%arg0, %dma_start3A_329, %dma_start3A_330] : memref<2x800000x32xf32, #tpu.memory_space<hbm>> -> memref<1x800000x32xf32, #tpu.memory_space<hbm>>
      %dma_start3A_332 = tpu.memref_squeeze %dma_start3A_331 : memref<1x800000x32xf32, #tpu.memory_space<hbm>> -> memref<800000x32xf32, #tpu.memory_space<hbm>>
      %dma_start3A_333 = arith.constant 0 : i32
      %dma_start3A_334 = tpu.memref_slice %dma_start3A_332[%add3A_309, %dma_start3A_333] : memref<800000x32xf32, #tpu.memory_space<hbm>> -> memref<128x32xf32, #tpu.memory_space<hbm>>
      tpu.enqueue_dma source(%dma_start3A_334 : memref<128x32xf32, #tpu.memory_space<hbm>>) target(%dma_start3A_328 : memref<128x32xf32, #tpu.memory_space<vmem>>) target_semaphore(%arg20 : memref<!tpu.dma_semaphore, #tpu.memory_space<semaphore_mem>>)
      %scan3A_335 = arith.constant 0 : i32
      scf.yield %scan3A_335 : i32
    }
    %scan3A_62 = arith.constant 194 : i32
    %dma_wait3A = arith.constant 0 : i32
    %dma_wait3A_63 = arith.constant 0 : i32
    %dma_wait3A_64 = tpu.memref_slice %arg2[%arg0, %dma_wait3A, %dma_wait3A_63] : memref<2x50000x32xf32, #tpu.memory_space<hbm>> -> memref<1x50000x32xf32, #tpu.memory_space<hbm>>
    %dma_wait3A_65 = tpu.memref_squeeze %dma_wait3A_64 : memref<1x50000x32xf32, #tpu.memory_space<hbm>> -> memref<50000x32xf32, #tpu.memory_space<hbm>>
    %dma_wait3A_66 = arith.constant 0 : i32
    %dma_wait3A_67 = arith.constant 0 : i32
    %dma_wait3A_68 = tpu.memref_slice %dma_wait3A_65[%dma_wait3A_66, %dma_wait3A_67] : memref<50000x32xf32, #tpu.memory_space<hbm>> -> memref<50000x32xf32, #tpu.memory_space<hbm>>
    tpu.wait_indirect_dma semaphore(%arg17 : memref<!tpu.dma_semaphore, #tpu.memory_space<semaphore_mem>>) src(%dma_wait3A_68 : memref<50000x32xf32, #tpu.memory_space<hbm>>) dst(%arg11 : memref<128x32xf32, #tpu.memory_space<vmem>>)
    %dma_wait3A_69 = arith.constant 0 : i32
    %dma_wait3A_70 = arith.constant 0 : i32
    %dma_wait3A_71 = tpu.memref_slice %arg12[%dma_wait3A_69, %dma_wait3A_70] : memref<128x32xf32, #tpu.memory_space<vmem>> -> memref<128x32xf32, #tpu.memory_space<vmem>>
    %dma_wait3A_72 = arith.constant 0 : i32
    %dma_wait3A_73 = arith.constant 0 : i32
    %dma_wait3A_74 = tpu.memref_slice %arg3[%arg0, %dma_wait3A_72, %dma_wait3A_73] : memref<2x800000x32xf32, #tpu.memory_space<hbm>> -> memref<1x800000x32xf32, #tpu.memory_space<hbm>>
    %dma_wait3A_75 = tpu.memref_squeeze %dma_wait3A_74 : memref<1x800000x32xf32, #tpu.memory_space<hbm>> -> memref<800000x32xf32, #tpu.memory_space<hbm>>
    %dma_wait3A_76 = arith.constant 0 : i32
    %dma_wait3A_77 = arith.constant 0 : i32
    %dma_wait3A_78 = tpu.memref_slice %dma_wait3A_75[%dma_wait3A_76, %dma_wait3A_77] : memref<800000x32xf32, #tpu.memory_space<hbm>> -> memref<128x32xf32, #tpu.memory_space<hbm>>
    %dma_wait3A_79 = arith.constant 0 : i32
    %dma_wait3A_80 = arith.constant 0 : i32
    %dma_wait3A_81 = tpu.memref_slice %arg12[%dma_wait3A_79, %dma_wait3A_80] : memref<128x32xf32, #tpu.memory_space<vmem>> -> memref<128x32xf32, #tpu.memory_space<vmem>>
    %dma_wait3A_82 = arith.constant 0 : i32
    %dma_wait3A_83 = arith.constant 0 : i32
    %dma_wait3A_84 = tpu.memref_slice %arg3[%arg0, %dma_wait3A_82, %dma_wait3A_83] : memref<2x800000x32xf32, #tpu.memory_space<hbm>> -> memref<1x800000x32xf32, #tpu.memory_space<hbm>>
    %dma_wait3A_85 = tpu.memref_squeeze %dma_wait3A_84 : memref<1x800000x32xf32, #tpu.memory_space<hbm>> -> memref<800000x32xf32, #tpu.memory_space<hbm>>
    %dma_wait3A_86 = arith.constant 0 : i32
    %dma_wait3A_87 = arith.constant 0 : i32
    %dma_wait3A_88 = tpu.memref_slice %dma_wait3A_85[%dma_wait3A_86, %dma_wait3A_87] : memref<800000x32xf32, #tpu.memory_space<hbm>> -> memref<128x32xf32, #tpu.memory_space<hbm>>
    tpu.wait_dma2 semaphore(%arg18 : memref<!tpu.dma_semaphore, #tpu.memory_space<semaphore_mem>>) src(%dma_wait3A_88 : memref<128x32xf32, #tpu.memory_space<hbm>>) dst(%dma_wait3A_81 : memref<128x32xf32, #tpu.memory_space<vmem>>)
    %scan3A_89 = arith.constant 0 : i32
    %scan3A_90 = arith.constant 0 : i32
    %scan3A_91 = arith.constant 16 : i32
    %scan3A_92 = arith.addi %scan3A_90, %scan3A_91 : i32
    %scan3A_93 = arith.constant 1 : i32
    %scan3A_94 = scf.for %scan3A_203 = %scan3A_90 to %scan3A_92 step %scan3A_93 iter_args(%scan3A_204 = %scan3A_89) -> (i32)  : i32 {
      %mul3A_205 = arith.constant 8 : i32
      %mul3A_206 = arith.muli %scan3A_203, %mul3A_205 : i32
      %add3A_207 = arith.constant 0 : i32
      %add3A_208 = arith.addi %mul3A_206, %add3A_207 : i32
      %get3A = arith.index_cast %add3A_208 : i32 to index
      %get3A_209 = arith.constant 0 : index
      %get3A_210 = tpu.vector_load %arg11[%get3A, %get3A_209] {strides = array<i32>} : memref<128x32xf32, #tpu.memory_space<vmem>>, vector<1x16xf32>,
      %get3A_211 = vector.shape_cast %get3A_210 : vector<1x16xf32> to vector<16xf32>
      %get3A_212 = arith.index_cast %add3A_208 : i32 to index
      %get3A_213 = arith.constant 0 : index
      %get3A_214 = tpu.vector_load %arg12[%get3A_212, %get3A_213] {strides = array<i32>} : memref<128x32xf32, #tpu.memory_space<vmem>>, vector<1x16xf32>,
      %get3A_215 = vector.shape_cast %get3A_214 : vector<1x16xf32> to vector<16xf32>
      %mul3A_216 = arith.mulf %get3A_211, %get3A_215 : vector<16xf32>
      %swap3A = arith.index_cast %add3A_208 : i32 to index
      %swap3A_217 = arith.constant 0 : index
      %swap3A_218 = tpu.vector_load %arg11[%swap3A, %swap3A_217] {strides = array<i32>} : memref<128x32xf32, #tpu.memory_space<vmem>>, vector<1x16xf32>,
      %swap3A_219 = vector.shape_cast %swap3A_218 : vector<1x16xf32> to vector<16xf32>
      %swap3A_220 = vector.shape_cast %mul3A_216 : vector<16xf32> to vector<1x16xf32>
      tpu.vector_store %arg11[%swap3A, %swap3A_217], %swap3A_220 {strides = array<i32>} : memref<128x32xf32, #tpu.memory_space<vmem>>, vector<1x16xf32>,
      %get3A_221 = arith.index_cast %add3A_208 : i32 to index
      %get3A_222 = arith.constant 16 : index
      %get3A_223 = tpu.vector_load %arg11[%get3A_221, %get3A_222] {strides = array<i32>} : memref<128x32xf32, #tpu.memory_space<vmem>>, vector<1x16xf32>,
      %get3A_224 = vector.shape_cast %get3A_223 : vector<1x16xf32> to vector<16xf32>
      %get3A_225 = arith.index_cast %add3A_208 : i32 to index
      %get3A_226 = arith.constant 16 : index
      %get3A_227 = tpu.vector_load %arg12[%get3A_225, %get3A_226] {strides = array<i32>} : memref<128x32xf32, #tpu.memory_space<vmem>>, vector<1x16xf32>,
      %get3A_228 = vector.shape_cast %get3A_227 : vector<1x16xf32> to vector<16xf32>
      %mul3A_229 = arith.mulf %get3A_224, %get3A_228 : vector<16xf32>
      %swap3A_230 = arith.index_cast %add3A_208 : i32 to index
      %swap3A_231 = arith.constant 16 : index
      %swap3A_232 = tpu.vector_load %arg11[%swap3A_230, %swap3A_231] {strides = array<i32>} : memref<128x32xf32, #tpu.memory_space<vmem>>, vector<1x16xf32>,
      %swap3A_233 = vector.shape_cast %swap3A_232 : vector<1x16xf32> to vector<16xf32>
      %swap3A_234 = vector.shape_cast %mul3A_229 : vector<16xf32> to vector<1x16xf32>
      tpu.vector_store %arg11[%swap3A_230, %swap3A_231], %swap3A_234 {strides = array<i32>} : memref<128x32xf32, #tpu.memory_space<vmem>>, vector<1x16xf32>,
      %mul3A_235 = arith.constant 8 : i32
      %mul3A_236 = arith.muli %scan3A_203, %mul3A_235 : i32
      %add3A_237 = arith.constant 1 : i32
      %add3A_238 = arith.addi %mul3A_236, %add3A_237 : i32
      %get3A_239 = arith.index_cast %add3A_238 : i32 to index
      %get3A_240 = arith.constant 0 : index
      %get3A_241 = tpu.vector_load %arg11[%get3A_239, %get3A_240] {strides = array<i32>} : memref<128x32xf32, #tpu.memory_space<vmem>>, vector<1x16xf32>,
      %get3A_242 = vector.shape_cast %get3A_241 : vector<1x16xf32> to vector<16xf32>
      %get3A_243 = arith.index_cast %add3A_238 : i32 to index
      %get3A_244 = arith.constant 0 : index
      %get3A_245 = tpu.vector_load %arg12[%get3A_243, %get3A_244] {strides = array<i32>} : memref<128x32xf32, #tpu.memory_space<vmem>>, vector<1x16xf32>,
      %get3A_246 = vector.shape_cast %get3A_245 : vector<1x16xf32> to vector<16xf32>
      %mul3A_247 = arith.mulf %get3A_242, %get3A_246 : vector<16xf32>
      %swap3A_248 = arith.index_cast %add3A_238 : i32 to index
      %swap3A_249 = arith.constant 0 : index
      %swap3A_250 = tpu.vector_load %arg11[%swap3A_248, %swap3A_249] {strides = array<i32>} : memref<128x32xf32, #tpu.memory_space<vmem>>, vector<1x16xf32>,
      %swap3A_251 = vector.shape_cast %swap3A_250 : vector<1x16xf32> to vector<16xf32>
      %swap3A_252 = vector.shape_cast %mul3A_247 : vector<16xf32> to vector<1x16xf32>
      tpu.vector_store %arg11[%swap3A_248, %swap3A_249], %swap3A_252 {strides = array<i32>} : memref<128x32xf32, #tpu.memory_space<vmem>>, vector<1x16xf32>,
      %get3A_253 = arith.index_cast %add3A_238 : i32 to index
      %get3A_254 = arith.constant 16 : index
      %get3A_255 = tpu.vector_load %arg11[%get3A_253, %get3A_254] {strides = array<i32>} : memref<128x32xf32, #tpu.memory_space<vmem>>, vector<1x16xf32>,
      %get3A_256 = vector.shape_cast %get3A_255 : vector<1x16xf32> to vector<16xf32>
      %get3A_257 = arith.index_cast %add3A_238 : i32 to index
      %get3A_258 = arith.constant 16 : index
      %get3A_259 = tpu.vector_load %arg12[%get3A_257, %get3A_258] {strides = array<i32>} : memref<128x32xf32, #tpu.memory_space<vmem>>, vector<1x16xf32>,
      %get3A_260 = vector.shape_cast %get3A_259 : vector<1x16xf32> to vector<16xf32>
      %mul3A_261 = arith.mulf %get3A_256, %get3A_260 : vector<16xf32>
      %swap3A_262 = arith.index_cast %add3A_238 : i32 to index
      %swap3A_263 = arith.constant 16 : index
      %swap3A_264 = tpu.vector_load %arg11[%swap3A_262, %swap3A_263] {strides = array<i32>} : memref<128x32xf32, #tpu.memory_space<vmem>>, vector<1x16xf32>,
      %swap3A_265 = vector.shape_cast %swap3A_264 : vector<1x16xf32> to vector<16xf32>
      %swap3A_266 = vector.shape_cast %mul3A_261 : vector<16xf32> to vector<1x16xf32>
      tpu.vector_store %arg11[%swap3A_262, %swap3A_263], %swap3A_266 {strides = array<i32>} : memref<128x32xf32, #tpu.memory_space<vmem>>, vector<1x16xf32>,
      %mul3A_267 = arith.constant 8 : i32
      %mul3A_268 = arith.muli %scan3A_203, %mul3A_267 : i32
      %add3A_269 = arith.constant 2 : i32
      %add3A_270 = arith.addi %mul3A_268, %add3A_269 : i32
      %get3A_271 = arith.index_cast %add3A_270 : i32 to index
      %get3A_272 = arith.constant 0 : index
      %get3A_273 = tpu.vector_load %arg11[%get3A_271, %get3A_272] {strides = array<i32>} : memref<128x32xf32, #tpu.memory_space<vmem>>, vector<1x16xf32>,
      %get3A_274 = vector.shape_cast %get3A_273 : vector<1x16xf32> to vector<16xf32>
      %get3A_275 = arith.index_cast %add3A_270 : i32 to index
      %get3A_276 = arith.constant 0 : index
      %get3A_277 = tpu.vector_load %arg12[%get3A_275, %get3A_276] {strides = array<i32>} : memref<128x32xf32, #tpu.memory_space<vmem>>, vector<1x16xf32>,
      %get3A_278 = vector.shape_cast %get3A_277 : vector<1x16xf32> to vector<16xf32>
      %mul3A_279 = arith.mulf %get3A_274, %get3A_278 : vector<16xf32>
      %swap3A_280 = arith.index_cast %add3A_270 : i32 to index
      %swap3A_281 = arith.constant 0 : index
      %swap3A_282 = tpu.vector_load %arg11[%swap3A_280, %swap3A_281] {strides = array<i32>} : memref<128x32xf32, #tpu.memory_space<vmem>>, vector<1x16xf32>,
      %swap3A_283 = vector.shape_cast %swap3A_282 : vector<1x16xf32> to vector<16xf32>
      %swap3A_284 = vector.shape_cast %mul3A_279 : vector<16xf32> to vector<1x16xf32>
      tpu.vector_store %arg11[%swap3A_280, %swap3A_281], %swap3A_284 {strides = array<i32>} : memref<128x32xf32, #tpu.memory_space<vmem>>, vector<1x16xf32>,
      %get3A_285 = arith.index_cast %add3A_270 : i32 to index
      %get3A_286 = arith.constant 16 : index
      %get3A_287 = tpu.vector_load %arg11[%get3A_285, %get3A_286] {strides = array<i32>} : memref<128x32xf32, #tpu.memory_space<vmem>>, vector<1x16xf32>,
      %get3A_288 = vector.shape_cast %get3A_287 : vector<1x16xf32> to vector<16xf32>
      %get3A_289 = arith.index_cast %add3A_270 : i32 to index
      %get3A_290 = arith.constant 16 : index
      %get3A_291 = tpu.vector_load %arg12[%get3A_289, %get3A_290] {strides = array<i32>} : memref<128x32xf32, #tpu.memory_space<vmem>>, vector<1x16xf32>,
      %get3A_292 = vector.shape_cast %get3A_291 : vector<1x16xf32> to vector<16xf32>
      %mul3A_293 = arith.mulf %get3A_288, %get3A_292 : vector<16xf32>
      %swap3A_294 = arith.index_cast %add3A_270 : i32 to index
      %swap3A_295 = arith.constant 16 : index
      %swap3A_296 = tpu.vector_load %arg11[%swap3A_294, %swap3A_295] {strides = array<i32>} : memref<128x32xf32, #tpu.memory_space<vmem>>, vector<1x16xf32>,
      %swap3A_297 = vector.shape_cast %swap3A_296 : vector<1x16xf32> to vector<16xf32>
      %swap3A_298 = vector.shape_cast %mul3A_293 : vector<16xf32> to vector<1x16xf32>
      tpu.vector_store %arg11[%swap3A_294, %swap3A_295], %swap3A_298 {strides = array<i32>} : memref<128x32xf32, #tpu.memory_space<vmem>>, vector<1x16xf32>,
      %mul3A_299 = arith.constant 8 : i32
      %mul3A_300 = arith.muli %scan3A_203, %mul3A_299 : i32
      %add3A_301 = arith.constant 3 : i32
      %add3A_302 = arith.addi %mul3A_300, %add3A_301 : i32
      %get3A_303 = arith.index_cast %add3A_302 : i32 to index
      %get3A_304 = arith.constant 0 : index
      %get3A_305 = tpu.vector_load %arg11[%get3A_303, %get3A_304] {strides = array<i32>} : memref<128x32xf32, #tpu.memory_space<vmem>>, vector<1x16xf32>,
      %get3A_306 = vector.shape_cast %get3A_305 : vector<1x16xf32> to vector<16xf32>
      %get3A_307 = arith.index_cast %add3A_302 : i32 to index
      %get3A_308 = arith.constant 0 : index
      %get3A_309 = tpu.vector_load %arg12[%get3A_307, %get3A_308] {strides = array<i32>} : memref<128x32xf32, #tpu.memory_space<vmem>>, vector<1x16xf32>,
      %get3A_310 = vector.shape_cast %get3A_309 : vector<1x16xf32> to vector<16xf32>
      %mul3A_311 = arith.mulf %get3A_306, %get3A_310 : vector<16xf32>
      %swap3A_312 = arith.index_cast %add3A_302 : i32 to index
      %swap3A_313 = arith.constant 0 : index
      %swap3A_314 = tpu.vector_load %arg11[%swap3A_312, %swap3A_313] {strides = array<i32>} : memref<128x32xf32, #tpu.memory_space<vmem>>, vector<1x16xf32>,
      %swap3A_315 = vector.shape_cast %swap3A_314 : vector<1x16xf32> to vector<16xf32>
      %swap3A_316 = vector.shape_cast %mul3A_311 : vector<16xf32> to vector<1x16xf32>
      tpu.vector_store %arg11[%swap3A_312, %swap3A_313], %swap3A_316 {strides = array<i32>} : memref<128x32xf32, #tpu.memory_space<vmem>>, vector<1x16xf32>,
      %get3A_317 = arith.index_cast %add3A_302 : i32 to index
      %get3A_318 = arith.constant 16 : index
      %get3A_319 = tpu.vector_load %arg11[%get3A_317, %get3A_318] {strides = array<i32>} : memref<128x32xf32, #tpu.memory_space<vmem>>, vector<1x16xf32>,
      %get3A_320 = vector.shape_cast %get3A_319 : vector<1x16xf32> to vector<16xf32>
      %get3A_321 = arith.index_cast %add3A_302 : i32 to index
      %get3A_322 = arith.constant 16 : index
      %get3A_323 = tpu.vector_load %arg12[%get3A_321, %get3A_322] {strides = array<i32>} : memref<128x32xf32, #tpu.memory_space<vmem>>, vector<1x16xf32>,
      %get3A_324 = vector.shape_cast %get3A_323 : vector<1x16xf32> to vector<16xf32>
      %mul3A_325 = arith.mulf %get3A_320, %get3A_324 : vector<16xf32>
      %swap3A_326 = arith.index_cast %add3A_302 : i32 to index
      %swap3A_327 = arith.constant 16 : index
      %swap3A_328 = tpu.vector_load %arg11[%swap3A_326, %swap3A_327] {strides = array<i32>} : memref<128x32xf32, #tpu.memory_space<vmem>>, vector<1x16xf32>,
      %swap3A_329 = vector.shape_cast %swap3A_328 : vector<1x16xf32> to vector<16xf32>
      %swap3A_330 = vector.shape_cast %mul3A_325 : vector<16xf32> to vector<1x16xf32>
      tpu.vector_store %arg11[%swap3A_326, %swap3A_327], %swap3A_330 {strides = array<i32>} : memref<128x32xf32, #tpu.memory_space<vmem>>, vector<1x16xf32>,
      %mul3A_331 = arith.constant 8 : i32
      %mul3A_332 = arith.muli %scan3A_203, %mul3A_331 : i32
      %add3A_333 = arith.constant 4 : i32
      %add3A_334 = arith.addi %mul3A_332, %add3A_333 : i32
      %get3A_335 = arith.index_cast %add3A_334 : i32 to index
      %get3A_336 = arith.constant 0 : index
      %get3A_337 = tpu.vector_load %arg11[%get3A_335, %get3A_336] {strides = array<i32>} : memref<128x32xf32, #tpu.memory_space<vmem>>, vector<1x16xf32>,
      %get3A_338 = vector.shape_cast %get3A_337 : vector<1x16xf32> to vector<16xf32>
      %get3A_339 = arith.index_cast %add3A_334 : i32 to index
      %get3A_340 = arith.constant 0 : index
      %get3A_341 = tpu.vector_load %arg12[%get3A_339, %get3A_340] {strides = array<i32>} : memref<128x32xf32, #tpu.memory_space<vmem>>, vector<1x16xf32>,
      %get3A_342 = vector.shape_cast %get3A_341 : vector<1x16xf32> to vector<16xf32>
      %mul3A_343 = arith.mulf %get3A_338, %get3A_342 : vector<16xf32>
      %swap3A_344 = arith.index_cast %add3A_334 : i32 to index
      %swap3A_345 = arith.constant 0 : index
      %swap3A_346 = tpu.vector_load %arg11[%swap3A_344, %swap3A_345] {strides = array<i32>} : memref<128x32xf32, #tpu.memory_space<vmem>>, vector<1x16xf32>,
      %swap3A_347 = vector.shape_cast %swap3A_346 : vector<1x16xf32> to vector<16xf32>
      %swap3A_348 = vector.shape_cast %mul3A_343 : vector<16xf32> to vector<1x16xf32>
      tpu.vector_store %arg11[%swap3A_344, %swap3A_345], %swap3A_348 {strides = array<i32>} : memref<128x32xf32, #tpu.memory_space<vmem>>, vector<1x16xf32>,
      %get3A_349 = arith.index_cast %add3A_334 : i32 to index
      %get3A_350 = arith.constant 16 : index
      %get3A_351 = tpu.vector_load %arg11[%get3A_349, %get3A_350] {strides = array<i32>} : memref<128x32xf32, #tpu.memory_space<vmem>>, vector<1x16xf32>,
      %get3A_352 = vector.shape_cast %get3A_351 : vector<1x16xf32> to vector<16xf32>
      %get3A_353 = arith.index_cast %add3A_334 : i32 to index
      %get3A_354 = arith.constant 16 : index
      %get3A_355 = tpu.vector_load %arg12[%get3A_353, %get3A_354] {strides = array<i32>} : memref<128x32xf32, #tpu.memory_space<vmem>>, vector<1x16xf32>,
      %get3A_356 = vector.shape_cast %get3A_355 : vector<1x16xf32> to vector<16xf32>
      %mul3A_357 = arith.mulf %get3A_352, %get3A_356 : vector<16xf32>
      %swap3A_358 = arith.index_cast %add3A_334 : i32 to index
      %swap3A_359 = arith.constant 16 : index
      %swap3A_360 = tpu.vector_load %arg11[%swap3A_358, %swap3A_359] {strides = array<i32>} : memref<128x32xf32, #tpu.memory_space<vmem>>, vector<1x16xf32>,
      %swap3A_361 = vector.shape_cast %swap3A_360 : vector<1x16xf32> to vector<16xf32>
      %swap3A_362 = vector.shape_cast %mul3A_357 : vector<16xf32> to vector<1x16xf32>
      tpu.vector_store %arg11[%swap3A_358, %swap3A_359], %swap3A_362 {strides = array<i32>} : memref<128x32xf32, #tpu.memory_space<vmem>>, vector<1x16xf32>,
      %mul3A_363 = arith.constant 8 : i32
      %mul3A_364 = arith.muli %scan3A_203, %mul3A_363 : i32
      %add3A_365 = arith.constant 5 : i32
      %add3A_366 = arith.addi %mul3A_364, %add3A_365 : i32
      %get3A_367 = arith.index_cast %add3A_366 : i32 to index
      %get3A_368 = arith.constant 0 : index
      %get3A_369 = tpu.vector_load %arg11[%get3A_367, %get3A_368] {strides = array<i32>} : memref<128x32xf32, #tpu.memory_space<vmem>>, vector<1x16xf32>,
      %get3A_370 = vector.shape_cast %get3A_369 : vector<1x16xf32> to vector<16xf32>
      %get3A_371 = arith.index_cast %add3A_366 : i32 to index
      %get3A_372 = arith.constant 0 : index
      %get3A_373 = tpu.vector_load %arg12[%get3A_371, %get3A_372] {strides = array<i32>} : memref<128x32xf32, #tpu.memory_space<vmem>>, vector<1x16xf32>,
      %get3A_374 = vector.shape_cast %get3A_373 : vector<1x16xf32> to vector<16xf32>
      %mul3A_375 = arith.mulf %get3A_370, %get3A_374 : vector<16xf32>
      %swap3A_376 = arith.index_cast %add3A_366 : i32 to index
      %swap3A_377 = arith.constant 0 : index
      %swap3A_378 = tpu.vector_load %arg11[%swap3A_376, %swap3A_377] {strides = array<i32>} : memref<128x32xf32, #tpu.memory_space<vmem>>, vector<1x16xf32>,
      %swap3A_379 = vector.shape_cast %swap3A_378 : vector<1x16xf32> to vector<16xf32>
      %swap3A_380 = vector.shape_cast %mul3A_375 : vector<16xf32> to vector<1x16xf32>
      tpu.vector_store %arg11[%swap3A_376, %swap3A_377], %swap3A_380 {strides = array<i32>} : memref<128x32xf32, #tpu.memory_space<vmem>>, vector<1x16xf32>,
      %get3A_381 = arith.index_cast %add3A_366 : i32 to index
      %get3A_382 = arith.constant 16 : index
      %get3A_383 = tpu.vector_load %arg11[%get3A_381, %get3A_382] {strides = array<i32>} : memref<128x32xf32, #tpu.memory_space<vmem>>, vector<1x16xf32>,
      %get3A_384 = vector.shape_cast %get3A_383 : vector<1x16xf32> to vector<16xf32>
      %get3A_385 = arith.index_cast %add3A_366 : i32 to index
      %get3A_386 = arith.constant 16 : index
      %get3A_387 = tpu.vector_load %arg12[%get3A_385, %get3A_386] {strides = array<i32>} : memref<128x32xf32, #tpu.memory_space<vmem>>, vector<1x16xf32>,
      %get3A_388 = vector.shape_cast %get3A_387 : vector<1x16xf32> to vector<16xf32>
      %mul3A_389 = arith.mulf %get3A_384, %get3A_388 : vector<16xf32>
      %swap3A_390 = arith.index_cast %add3A_366 : i32 to index
      %swap3A_391 = arith.constant 16 : index
      %swap3A_392 = tpu.vector_load %arg11[%swap3A_390, %swap3A_391] {strides = array<i32>} : memref<128x32xf32, #tpu.memory_space<vmem>>, vector<1x16xf32>,
      %swap3A_393 = vector.shape_cast %swap3A_392 : vector<1x16xf32> to vector<16xf32>
      %swap3A_394 = vector.shape_cast %mul3A_389 : vector<16xf32> to vector<1x16xf32>
      tpu.vector_store %arg11[%swap3A_390, %swap3A_391], %swap3A_394 {strides = array<i32>} : memref<128x32xf32, #tpu.memory_space<vmem>>, vector<1x16xf32>,
      %mul3A_395 = arith.constant 8 : i32
      %mul3A_396 = arith.muli %scan3A_203, %mul3A_395 : i32
      %add3A_397 = arith.constant 6 : i32
      %add3A_398 = arith.addi %mul3A_396, %add3A_397 : i32
      %get3A_399 = arith.index_cast %add3A_398 : i32 to index
      %get3A_400 = arith.constant 0 : index
      %get3A_401 = tpu.vector_load %arg11[%get3A_399, %get3A_400] {strides = array<i32>} : memref<128x32xf32, #tpu.memory_space<vmem>>, vector<1x16xf32>,
      %get3A_402 = vector.shape_cast %get3A_401 : vector<1x16xf32> to vector<16xf32>
      %get3A_403 = arith.index_cast %add3A_398 : i32 to index
      %get3A_404 = arith.constant 0 : index
      %get3A_405 = tpu.vector_load %arg12[%get3A_403, %get3A_404] {strides = array<i32>} : memref<128x32xf32, #tpu.memory_space<vmem>>, vector<1x16xf32>,
      %get3A_406 = vector.shape_cast %get3A_405 : vector<1x16xf32> to vector<16xf32>
      %mul3A_407 = arith.mulf %get3A_402, %get3A_406 : vector<16xf32>
      %swap3A_408 = arith.index_cast %add3A_398 : i32 to index
      %swap3A_409 = arith.constant 0 : index
      %swap3A_410 = tpu.vector_load %arg11[%swap3A_408, %swap3A_409] {strides = array<i32>} : memref<128x32xf32, #tpu.memory_space<vmem>>, vector<1x16xf32>,
      %swap3A_411 = vector.shape_cast %swap3A_410 : vector<1x16xf32> to vector<16xf32>
      %swap3A_412 = vector.shape_cast %mul3A_407 : vector<16xf32> to vector<1x16xf32>
      tpu.vector_store %arg11[%swap3A_408, %swap3A_409], %swap3A_412 {strides = array<i32>} : memref<128x32xf32, #tpu.memory_space<vmem>>, vector<1x16xf32>,
      %get3A_413 = arith.index_cast %add3A_398 : i32 to index
      %get3A_414 = arith.constant 16 : index
      %get3A_415 = tpu.vector_load %arg11[%get3A_413, %get3A_414] {strides = array<i32>} : memref<128x32xf32, #tpu.memory_space<vmem>>, vector<1x16xf32>,
      %get3A_416 = vector.shape_cast %get3A_415 : vector<1x16xf32> to vector<16xf32>
      %get3A_417 = arith.index_cast %add3A_398 : i32 to index
      %get3A_418 = arith.constant 16 : index
      %get3A_419 = tpu.vector_load %arg12[%get3A_417, %get3A_418] {strides = array<i32>} : memref<128x32xf32, #tpu.memory_space<vmem>>, vector<1x16xf32>,
      %get3A_420 = vector.shape_cast %get3A_419 : vector<1x16xf32> to vector<16xf32>
      %mul3A_421 = arith.mulf %get3A_416, %get3A_420 : vector<16xf32>
      %swap3A_422 = arith.index_cast %add3A_398 : i32 to index
      %swap3A_423 = arith.constant 16 : index
      %swap3A_424 = tpu.vector_load %arg11[%swap3A_422, %swap3A_423] {strides = array<i32>} : memref<128x32xf32, #tpu.memory_space<vmem>>, vector<1x16xf32>,
      %swap3A_425 = vector.shape_cast %swap3A_424 : vector<1x16xf32> to vector<16xf32>
      %swap3A_426 = vector.shape_cast %mul3A_421 : vector<16xf32> to vector<1x16xf32>
      tpu.vector_store %arg11[%swap3A_422, %swap3A_423], %swap3A_426 {strides = array<i32>} : memref<128x32xf32, #tpu.memory_space<vmem>>, vector<1x16xf32>,
      %mul3A_427 = arith.constant 8 : i32
      %mul3A_428 = arith.muli %scan3A_203, %mul3A_427 : i32
      %add3A_429 = arith.constant 7 : i32
      %add3A_430 = arith.addi %mul3A_428, %add3A_429 : i32
      %get3A_431 = arith.index_cast %add3A_430 : i32 to index
      %get3A_432 = arith.constant 0 : index
      %get3A_433 = tpu.vector_load %arg11[%get3A_431, %get3A_432] {strides = array<i32>} : memref<128x32xf32, #tpu.memory_space<vmem>>, vector<1x16xf32>,
      %get3A_434 = vector.shape_cast %get3A_433 : vector<1x16xf32> to vector<16xf32>
      %get3A_435 = arith.index_cast %add3A_430 : i32 to index
      %get3A_436 = arith.constant 0 : index
      %get3A_437 = tpu.vector_load %arg12[%get3A_435, %get3A_436] {strides = array<i32>} : memref<128x32xf32, #tpu.memory_space<vmem>>, vector<1x16xf32>,
      %get3A_438 = vector.shape_cast %get3A_437 : vector<1x16xf32> to vector<16xf32>
      %mul3A_439 = arith.mulf %get3A_434, %get3A_438 : vector<16xf32>
      %swap3A_440 = arith.index_cast %add3A_430 : i32 to index
      %swap3A_441 = arith.constant 0 : index
      %swap3A_442 = tpu.vector_load %arg11[%swap3A_440, %swap3A_441] {strides = array<i32>} : memref<128x32xf32, #tpu.memory_space<vmem>>, vector<1x16xf32>,
      %swap3A_443 = vector.shape_cast %swap3A_442 : vector<1x16xf32> to vector<16xf32>
      %swap3A_444 = vector.shape_cast %mul3A_439 : vector<16xf32> to vector<1x16xf32>
      tpu.vector_store %arg11[%swap3A_440, %swap3A_441], %swap3A_444 {strides = array<i32>} : memref<128x32xf32, #tpu.memory_space<vmem>>, vector<1x16xf32>,
      %get3A_445 = arith.index_cast %add3A_430 : i32 to index
      %get3A_446 = arith.constant 16 : index
      %get3A_447 = tpu.vector_load %arg11[%get3A_445, %get3A_446] {strides = array<i32>} : memref<128x32xf32, #tpu.memory_space<vmem>>, vector<1x16xf32>,
      %get3A_448 = vector.shape_cast %get3A_447 : vector<1x16xf32> to vector<16xf32>
      %get3A_449 = arith.index_cast %add3A_430 : i32 to index
      %get3A_450 = arith.constant 16 : index
      %get3A_451 = tpu.vector_load %arg12[%get3A_449, %get3A_450] {strides = array<i32>} : memref<128x32xf32, #tpu.memory_space<vmem>>, vector<1x16xf32>,
      %get3A_452 = vector.shape_cast %get3A_451 : vector<1x16xf32> to vector<16xf32>
      %mul3A_453 = arith.mulf %get3A_448, %get3A_452 : vector<16xf32>
      %swap3A_454 = arith.index_cast %add3A_430 : i32 to index
      %swap3A_455 = arith.constant 16 : index
      %swap3A_456 = tpu.vector_load %arg11[%swap3A_454, %swap3A_455] {strides = array<i32>} : memref<128x32xf32, #tpu.memory_space<vmem>>, vector<1x16xf32>,
      %swap3A_457 = vector.shape_cast %swap3A_456 : vector<1x16xf32> to vector<16xf32>
      %swap3A_458 = vector.shape_cast %mul3A_453 : vector<16xf32> to vector<1x16xf32>
      tpu.vector_store %arg11[%swap3A_454, %swap3A_455], %swap3A_458 {strides = array<i32>} : memref<128x32xf32, #tpu.memory_space<vmem>>, vector<1x16xf32>,
      %scan3A_459 = arith.constant 0 : i32
      scf.yield %scan3A_459 : i32
    }
    %scan3A_95 = arith.constant 16 : i32
    "tpu.region"() ({
      %run_scoped3A = tpu.sem_alloc : memref<!tpu.dma_semaphore, #tpu.memory_space<semaphore_mem>>
      %dma_start3A_203 = arith.constant 0 : i32
      %dma_start3A_204 = arith.constant 0 : i32
      %dma_start3A_205 = tpu.memref_slice %arg8[%dma_start3A_203, %dma_start3A_204] : memref<50000x32xf32, #tpu.memory_space<vmem_shared>> -> memref<50000x32xf32, #tpu.memory_space<vmem_shared>>
      tpu.enqueue_indirect_dma source(%arg11 : memref<128x32xf32, #tpu.memory_space<vmem>>) target(%dma_start3A_205 : memref<50000x32xf32, #tpu.memory_space<vmem_shared>>) offsets(%arg10 : memref<128xi32, #tpu.memory_space<vmem>>) semaphore(%run_scoped3A : memref<!tpu.dma_semaphore, #tpu.memory_space<semaphore_mem>>) {add = true}
      %dma_wait3A_206 = arith.constant 0 : i32
      %dma_wait3A_207 = arith.constant 0 : i32
      %dma_wait3A_208 = tpu.memref_slice %arg8[%dma_wait3A_206, %dma_wait3A_207] : memref<50000x32xf32, #tpu.memory_space<vmem_shared>> -> memref<50000x32xf32, #tpu.memory_space<vmem_shared>>
      tpu.wait_indirect_dma semaphore(%run_scoped3A : memref<!tpu.dma_semaphore, #tpu.memory_space<semaphore_mem>>) src(%arg11 : memref<128x32xf32, #tpu.memory_space<vmem>>) dst(%dma_wait3A_208 : memref<50000x32xf32, #tpu.memory_space<vmem_shared>>)
      tpu.yield
    }) : () -> ()
    %add3A_96 = arith.constant 49920 : i32
    %add3A_97 = arith.addi %mul3A_4, %add3A_96 : i32
    "tpu.region"() ({
      %run_scoped3A = tpu.sem_alloc : memref<!tpu.dma_semaphore, #tpu.memory_space<semaphore_mem>>
      %dma_start3A_203 = arith.constant 0 : i32
      %dma_start3A_204 = tpu.memref_slice %arg9[%dma_start3A_203] : memref<128xi32, #tpu.memory_space<vmem>> -> memref<80xi32, #tpu.memory_space<vmem>>
      %dma_start3A_205 = tpu.memref_slice %arg4[%add3A_97] : memref<800000xi32, #tpu.memory_space<hbm>> -> memref<80xi32, #tpu.memory_space<hbm>>
      %dma_start3A_206 = arith.constant 0 : i32
      %dma_start3A_207 = tpu.memref_slice %arg9[%dma_start3A_206] : memref<128xi32, #tpu.memory_space<vmem>> -> memref<80xi32, #tpu.memory_space<vmem>>
      %dma_start3A_208 = tpu.memref_slice %arg4[%add3A_97] : memref<800000xi32, #tpu.memory_space<hbm>> -> memref<80xi32, #tpu.memory_space<hbm>>
      tpu.enqueue_dma source(%dma_start3A_208 : memref<80xi32, #tpu.memory_space<hbm>>) target(%dma_start3A_207 : memref<80xi32, #tpu.memory_space<vmem>>) target_semaphore(%run_scoped3A : memref<!tpu.dma_semaphore, #tpu.memory_space<semaphore_mem>>)
      %dma_wait3A_209 = arith.constant 0 : i32
      %dma_wait3A_210 = tpu.memref_slice %arg9[%dma_wait3A_209] : memref<128xi32, #tpu.memory_space<vmem>> -> memref<80xi32, #tpu.memory_space<vmem>>
      %dma_wait3A_211 = tpu.memref_slice %arg4[%add3A_97] : memref<800000xi32, #tpu.memory_space<hbm>> -> memref<80xi32, #tpu.memory_space<hbm>>
      %dma_wait3A_212 = arith.constant 0 : i32
      %dma_wait3A_213 = tpu.memref_slice %arg9[%dma_wait3A_212] : memref<128xi32, #tpu.memory_space<vmem>> -> memref<80xi32, #tpu.memory_space<vmem>>
      %dma_wait3A_214 = tpu.memref_slice %arg4[%add3A_97] : memref<800000xi32, #tpu.memory_space<hbm>> -> memref<80xi32, #tpu.memory_space<hbm>>
      tpu.wait_dma2 semaphore(%run_scoped3A : memref<!tpu.dma_semaphore, #tpu.memory_space<semaphore_mem>>) src(%dma_wait3A_214 : memref<80xi32, #tpu.memory_space<hbm>>) dst(%dma_wait3A_213 : memref<80xi32, #tpu.memory_space<vmem>>)
      tpu.yield
    }) : () -> ()
    "tpu.region"() ({
      %run_scoped3A = tpu.sem_alloc : memref<!tpu.dma_semaphore, #tpu.memory_space<semaphore_mem>>
      %dma_start3A_203 = arith.constant 0 : i32
      %dma_start3A_204 = tpu.memref_slice %arg10[%dma_start3A_203] : memref<128xi32, #tpu.memory_space<vmem>> -> memref<80xi32, #tpu.memory_space<vmem>>
      %dma_start3A_205 = tpu.memref_slice %arg5[%add3A_97] : memref<800000xi32, #tpu.memory_space<hbm>> -> memref<80xi32, #tpu.memory_space<hbm>>
      %dma_start3A_206 = arith.constant 0 : i32
      %dma_start3A_207 = tpu.memref_slice %arg10[%dma_start3A_206] : memref<128xi32, #tpu.memory_space<vmem>> -> memref<80xi32, #tpu.memory_space<vmem>>
      %dma_start3A_208 = tpu.memref_slice %arg5[%add3A_97] : memref<800000xi32, #tpu.memory_space<hbm>> -> memref<80xi32, #tpu.memory_space<hbm>>
      tpu.enqueue_dma source(%dma_start3A_208 : memref<80xi32, #tpu.memory_space<hbm>>) target(%dma_start3A_207 : memref<80xi32, #tpu.memory_space<vmem>>) target_semaphore(%run_scoped3A : memref<!tpu.dma_semaphore, #tpu.memory_space<semaphore_mem>>)
      %dma_wait3A_209 = arith.constant 0 : i32
      %dma_wait3A_210 = tpu.memref_slice %arg10[%dma_wait3A_209] : memref<128xi32, #tpu.memory_space<vmem>> -> memref<80xi32, #tpu.memory_space<vmem>>
      %dma_wait3A_211 = tpu.memref_slice %arg5[%add3A_97] : memref<800000xi32, #tpu.memory_space<hbm>> -> memref<80xi32, #tpu.memory_space<hbm>>
      %dma_wait3A_212 = arith.constant 0 : i32
      %dma_wait3A_213 = tpu.memref_slice %arg10[%dma_wait3A_212] : memref<128xi32, #tpu.memory_space<vmem>> -> memref<80xi32, #tpu.memory_space<vmem>>
      %dma_wait3A_214 = tpu.memref_slice %arg5[%add3A_97] : memref<800000xi32, #tpu.memory_space<hbm>> -> memref<80xi32, #tpu.memory_space<hbm>>
      tpu.wait_dma2 semaphore(%run_scoped3A : memref<!tpu.dma_semaphore, #tpu.memory_space<semaphore_mem>>) src(%dma_wait3A_214 : memref<80xi32, #tpu.memory_space<hbm>>) dst(%dma_wait3A_213 : memref<80xi32, #tpu.memory_space<vmem>>)
      tpu.yield
    }) : () -> ()
    %dma_start3A_98 = arith.constant 0 : i32
    %dma_start3A_99 = arith.constant 0 : i32
    %dma_start3A_100 = tpu.memref_slice %arg2[%arg0, %dma_start3A_98, %dma_start3A_99] : memref<2x50000x32xf32, #tpu.memory_space<hbm>> -> memref<1x50000x32xf32, #tpu.memory_space<hbm>>
    %dma_start3A_101 = tpu.memref_squeeze %dma_start3A_100 : memref<1x50000x32xf32, #tpu.memory_space<hbm>> -> memref<50000x32xf32, #tpu.memory_space<hbm>>
    %dma_start3A_102 = arith.constant 0 : i32
    %dma_start3A_103 = arith.constant 0 : i32
    %dma_start3A_104 = tpu.memref_slice %dma_start3A_101[%dma_start3A_102, %dma_start3A_103] : memref<50000x32xf32, #tpu.memory_space<hbm>> -> memref<50000x32xf32, #tpu.memory_space<hbm>>
    tpu.enqueue_indirect_dma source(%dma_start3A_104 : memref<50000x32xf32, #tpu.memory_space<hbm>>) target(%arg11 : memref<128x32xf32, #tpu.memory_space<vmem>>) offsets(%arg9 : memref<128xi32, #tpu.memory_space<vmem>>) semaphore(%arg17 : memref<!tpu.dma_semaphore, #tpu.memory_space<semaphore_mem>>)
    %dma_start3A_105 = arith.constant 0 : i32
    %dma_start3A_106 = arith.constant 0 : i32
    %dma_start3A_107 = tpu.memref_slice %arg12[%dma_start3A_105, %dma_start3A_106] : memref<128x32xf32, #tpu.memory_space<vmem>> -> memref<80x32xf32, #tpu.memory_space<vmem>>
    %dma_start3A_108 = arith.constant 0 : i32
    %dma_start3A_109 = arith.constant 0 : i32
    %dma_start3A_110 = tpu.memref_slice %arg3[%arg0, %dma_start3A_108, %dma_start3A_109] : memref<2x800000x32xf32, #tpu.memory_space<hbm>> -> memref<1x800000x32xf32, #tpu.memory_space<hbm>>
    %dma_start3A_111 = tpu.memref_squeeze %dma_start3A_110 : memref<1x800000x32xf32, #tpu.memory_space<hbm>> -> memref<800000x32xf32, #tpu.memory_space<hbm>>
    %dma_start3A_112 = arith.constant 0 : i32
    %dma_start3A_113 = tpu.memref_slice %dma_start3A_111[%add3A_97, %dma_start3A_112] : memref<800000x32xf32, #tpu.memory_space<hbm>> -> memref<80x32xf32, #tpu.memory_space<hbm>>
    %dma_start3A_114 = arith.constant 0 : i32
    %dma_start3A_115 = arith.constant 0 : i32
    %dma_start3A_116 = tpu.memref_slice %arg12[%dma_start3A_114, %dma_start3A_115] : memref<128x32xf32, #tpu.memory_space<vmem>> -> memref<80x32xf32, #tpu.memory_space<vmem>>
    %dma_start3A_117 = arith.constant 0 : i32
    %dma_start3A_118 = arith.constant 0 : i32
    %dma_start3A_119 = tpu.memref_slice %arg3[%arg0, %dma_start3A_117, %dma_start3A_118] : memref<2x800000x32xf32, #tpu.memory_space<hbm>> -> memref<1x800000x32xf32, #tpu.memory_space<hbm>>
    %dma_start3A_120 = tpu.memref_squeeze %dma_start3A_119 : memref<1x800000x32xf32, #tpu.memory_space<hbm>> -> memref<800000x32xf32, #tpu.memory_space<hbm>>
    %dma_start3A_121 = arith.constant 0 : i32
    %dma_start3A_122 = tpu.memref_slice %dma_start3A_120[%add3A_97, %dma_start3A_121] : memref<800000x32xf32, #tpu.memory_space<hbm>> -> memref<80x32xf32, #tpu.memory_space<hbm>>
    tpu.enqueue_dma source(%dma_start3A_122 : memref<80x32xf32, #tpu.memory_space<hbm>>) target(%dma_start3A_116 : memref<80x32xf32, #tpu.memory_space<vmem>>) target_semaphore(%arg18 : memref<!tpu.dma_semaphore, #tpu.memory_space<semaphore_mem>>)
    %dma_wait3A_123 = arith.constant 0 : i32
    %dma_wait3A_124 = arith.constant 0 : i32
    %dma_wait3A_125 = tpu.memref_slice %arg2[%arg0, %dma_wait3A_123, %dma_wait3A_124] : memref<2x50000x32xf32, #tpu.memory_space<hbm>> -> memref<1x50000x32xf32, #tpu.memory_space<hbm>>
    %dma_wait3A_126 = tpu.memref_squeeze %dma_wait3A_125 : memref<1x50000x32xf32, #tpu.memory_space<hbm>> -> memref<50000x32xf32, #tpu.memory_space<hbm>>
    %dma_wait3A_127 = arith.constant 0 : i32
    %dma_wait3A_128 = arith.constant 0 : i32
    %dma_wait3A_129 = tpu.memref_slice %dma_wait3A_126[%dma_wait3A_127, %dma_wait3A_128] : memref<50000x32xf32, #tpu.memory_space<hbm>> -> memref<50000x32xf32, #tpu.memory_space<hbm>>
    tpu.wait_indirect_dma semaphore(%arg19 : memref<!tpu.dma_semaphore, #tpu.memory_space<semaphore_mem>>) src(%dma_wait3A_129 : memref<50000x32xf32, #tpu.memory_space<hbm>>) dst(%arg15 : memref<128x32xf32, #tpu.memory_space<vmem>>)
    %dma_wait3A_130 = arith.constant 0 : i32
    %dma_wait3A_131 = arith.constant 0 : i32
    %dma_wait3A_132 = tpu.memref_slice %arg16[%dma_wait3A_130, %dma_wait3A_131] : memref<128x32xf32, #tpu.memory_space<vmem>> -> memref<128x32xf32, #tpu.memory_space<vmem>>
    %dma_wait3A_133 = arith.constant 0 : i32
    %dma_wait3A_134 = arith.constant 0 : i32
    %dma_wait3A_135 = tpu.memref_slice %arg3[%arg0, %dma_wait3A_133, %dma_wait3A_134] : memref<2x800000x32xf32, #tpu.memory_space<hbm>> -> memref<1x800000x32xf32, #tpu.memory_space<hbm>>
    %dma_wait3A_136 = tpu.memref_squeeze %dma_wait3A_135 : memref<1x800000x32xf32, #tpu.memory_space<hbm>> -> memref<800000x32xf32, #tpu.memory_space<hbm>>
    %dma_wait3A_137 = arith.constant 0 : i32
    %dma_wait3A_138 = arith.constant 0 : i32
    %dma_wait3A_139 = tpu.memref_slice %dma_wait3A_136[%dma_wait3A_137, %dma_wait3A_138] : memref<800000x32xf32, #tpu.memory_space<hbm>> -> memref<128x32xf32, #tpu.memory_space<hbm>>
    %dma_wait3A_140 = arith.constant 0 : i32
    %dma_wait3A_141 = arith.constant 0 : i32
    %dma_wait3A_142 = tpu.memref_slice %arg16[%dma_wait3A_140, %dma_wait3A_141] : memref<128x32xf32, #tpu.memory_space<vmem>> -> memref<128x32xf32, #tpu.memory_space<vmem>>
    %dma_wait3A_143 = arith.constant 0 : i32
    %dma_wait3A_144 = arith.constant 0 : i32
    %dma_wait3A_145 = tpu.memref_slice %arg3[%arg0, %dma_wait3A_143, %dma_wait3A_144] : memref<2x800000x32xf32, #tpu.memory_space<hbm>> -> memref<1x800000x32xf32, #tpu.memory_space<hbm>>
    %dma_wait3A_146 = tpu.memref_squeeze %dma_wait3A_145 : memref<1x800000x32xf32, #tpu.memory_space<hbm>> -> memref<800000x32xf32, #tpu.memory_space<hbm>>
    %dma_wait3A_147 = arith.constant 0 : i32
    %dma_wait3A_148 = arith.constant 0 : i32
    %dma_wait3A_149 = tpu.memref_slice %dma_wait3A_146[%dma_wait3A_147, %dma_wait3A_148] : memref<800000x32xf32, #tpu.memory_space<hbm>> -> memref<128x32xf32, #tpu.memory_space<hbm>>
    tpu.wait_dma2 semaphore(%arg20 : memref<!tpu.dma_semaphore, #tpu.memory_space<semaphore_mem>>) src(%dma_wait3A_149 : memref<128x32xf32, #tpu.memory_space<hbm>>) dst(%dma_wait3A_142 : memref<128x32xf32, #tpu.memory_space<vmem>>)
    %scan3A_150 = arith.constant 0 : i32
    %scan3A_151 = arith.constant 0 : i32
    %scan3A_152 = arith.constant 16 : i32
    %scan3A_153 = arith.addi %scan3A_151, %scan3A_152 : i32
    %scan3A_154 = arith.constant 1 : i32
    %scan3A_155 = scf.for %scan3A_203 = %scan3A_151 to %scan3A_153 step %scan3A_154 iter_args(%scan3A_204 = %scan3A_150) -> (i32)  : i32 {
      %mul3A_205 = arith.constant 8 : i32
      %mul3A_206 = arith.muli %scan3A_203, %mul3A_205 : i32
      %add3A_207 = arith.constant 0 : i32
      %add3A_208 = arith.addi %mul3A_206, %add3A_207 : i32
      %get3A = arith.index_cast %add3A_208 : i32 to index
      %get3A_209 = arith.constant 0 : index
      %get3A_210 = tpu.vector_load %arg15[%get3A, %get3A_209] {strides = array<i32>} : memref<128x32xf32, #tpu.memory_space<vmem>>, vector<1x16xf32>,
      %get3A_211 = vector.shape_cast %get3A_210 : vector<1x16xf32> to vector<16xf32>
      %get3A_212 = arith.index_cast %add3A_208 : i32 to index
      %get3A_213 = arith.constant 0 : index
      %get3A_214 = tpu.vector_load %arg16[%get3A_212, %get3A_213] {strides = array<i32>} : memref<128x32xf32, #tpu.memory_space<vmem>>, vector<1x16xf32>,
      %get3A_215 = vector.shape_cast %get3A_214 : vector<1x16xf32> to vector<16xf32>
      %mul3A_216 = arith.mulf %get3A_211, %get3A_215 : vector<16xf32>
      %swap3A = arith.index_cast %add3A_208 : i32 to index
      %swap3A_217 = arith.constant 0 : index
      %swap3A_218 = tpu.vector_load %arg15[%swap3A, %swap3A_217] {strides = array<i32>} : memref<128x32xf32, #tpu.memory_space<vmem>>, vector<1x16xf32>,
      %swap3A_219 = vector.shape_cast %swap3A_218 : vector<1x16xf32> to vector<16xf32>
      %swap3A_220 = vector.shape_cast %mul3A_216 : vector<16xf32> to vector<1x16xf32>
      tpu.vector_store %arg15[%swap3A, %swap3A_217], %swap3A_220 {strides = array<i32>} : memref<128x32xf32, #tpu.memory_space<vmem>>, vector<1x16xf32>,
      %get3A_221 = arith.index_cast %add3A_208 : i32 to index
      %get3A_222 = arith.constant 16 : index
      %get3A_223 = tpu.vector_load %arg15[%get3A_221, %get3A_222] {strides = array<i32>} : memref<128x32xf32, #tpu.memory_space<vmem>>, vector<1x16xf32>,
      %get3A_224 = vector.shape_cast %get3A_223 : vector<1x16xf32> to vector<16xf32>
      %get3A_225 = arith.index_cast %add3A_208 : i32 to index
      %get3A_226 = arith.constant 16 : index
      %get3A_227 = tpu.vector_load %arg16[%get3A_225, %get3A_226] {strides = array<i32>} : memref<128x32xf32, #tpu.memory_space<vmem>>, vector<1x16xf32>,
      %get3A_228 = vector.shape_cast %get3A_227 : vector<1x16xf32> to vector<16xf32>
      %mul3A_229 = arith.mulf %get3A_224, %get3A_228 : vector<16xf32>
      %swap3A_230 = arith.index_cast %add3A_208 : i32 to index
      %swap3A_231 = arith.constant 16 : index
      %swap3A_232 = tpu.vector_load %arg15[%swap3A_230, %swap3A_231] {strides = array<i32>} : memref<128x32xf32, #tpu.memory_space<vmem>>, vector<1x16xf32>,
      %swap3A_233 = vector.shape_cast %swap3A_232 : vector<1x16xf32> to vector<16xf32>
      %swap3A_234 = vector.shape_cast %mul3A_229 : vector<16xf32> to vector<1x16xf32>
      tpu.vector_store %arg15[%swap3A_230, %swap3A_231], %swap3A_234 {strides = array<i32>} : memref<128x32xf32, #tpu.memory_space<vmem>>, vector<1x16xf32>,
      %mul3A_235 = arith.constant 8 : i32
      %mul3A_236 = arith.muli %scan3A_203, %mul3A_235 : i32
      %add3A_237 = arith.constant 1 : i32
      %add3A_238 = arith.addi %mul3A_236, %add3A_237 : i32
      %get3A_239 = arith.index_cast %add3A_238 : i32 to index
      %get3A_240 = arith.constant 0 : index
      %get3A_241 = tpu.vector_load %arg15[%get3A_239, %get3A_240] {strides = array<i32>} : memref<128x32xf32, #tpu.memory_space<vmem>>, vector<1x16xf32>,
      %get3A_242 = vector.shape_cast %get3A_241 : vector<1x16xf32> to vector<16xf32>
      %get3A_243 = arith.index_cast %add3A_238 : i32 to index
      %get3A_244 = arith.constant 0 : index
      %get3A_245 = tpu.vector_load %arg16[%get3A_243, %get3A_244] {strides = array<i32>} : memref<128x32xf32, #tpu.memory_space<vmem>>, vector<1x16xf32>,
      %get3A_246 = vector.shape_cast %get3A_245 : vector<1x16xf32> to vector<16xf32>
      %mul3A_247 = arith.mulf %get3A_242, %get3A_246 : vector<16xf32>
      %swap3A_248 = arith.index_cast %add3A_238 : i32 to index
      %swap3A_249 = arith.constant 0 : index
      %swap3A_250 = tpu.vector_load %arg15[%swap3A_248, %swap3A_249] {strides = array<i32>} : memref<128x32xf32, #tpu.memory_space<vmem>>, vector<1x16xf32>,
      %swap3A_251 = vector.shape_cast %swap3A_250 : vector<1x16xf32> to vector<16xf32>
      %swap3A_252 = vector.shape_cast %mul3A_247 : vector<16xf32> to vector<1x16xf32>
      tpu.vector_store %arg15[%swap3A_248, %swap3A_249], %swap3A_252 {strides = array<i32>} : memref<128x32xf32, #tpu.memory_space<vmem>>, vector<1x16xf32>,
      %get3A_253 = arith.index_cast %add3A_238 : i32 to index
      %get3A_254 = arith.constant 16 : index
      %get3A_255 = tpu.vector_load %arg15[%get3A_253, %get3A_254] {strides = array<i32>} : memref<128x32xf32, #tpu.memory_space<vmem>>, vector<1x16xf32>,
      %get3A_256 = vector.shape_cast %get3A_255 : vector<1x16xf32> to vector<16xf32>
      %get3A_257 = arith.index_cast %add3A_238 : i32 to index
      %get3A_258 = arith.constant 16 : index
      %get3A_259 = tpu.vector_load %arg16[%get3A_257, %get3A_258] {strides = array<i32>} : memref<128x32xf32, #tpu.memory_space<vmem>>, vector<1x16xf32>,
      %get3A_260 = vector.shape_cast %get3A_259 : vector<1x16xf32> to vector<16xf32>
      %mul3A_261 = arith.mulf %get3A_256, %get3A_260 : vector<16xf32>
      %swap3A_262 = arith.index_cast %add3A_238 : i32 to index
      %swap3A_263 = arith.constant 16 : index
      %swap3A_264 = tpu.vector_load %arg15[%swap3A_262, %swap3A_263] {strides = array<i32>} : memref<128x32xf32, #tpu.memory_space<vmem>>, vector<1x16xf32>,
      %swap3A_265 = vector.shape_cast %swap3A_264 : vector<1x16xf32> to vector<16xf32>
      %swap3A_266 = vector.shape_cast %mul3A_261 : vector<16xf32> to vector<1x16xf32>
      tpu.vector_store %arg15[%swap3A_262, %swap3A_263], %swap3A_266 {strides = array<i32>} : memref<128x32xf32, #tpu.memory_space<vmem>>, vector<1x16xf32>,
      %mul3A_267 = arith.constant 8 : i32
      %mul3A_268 = arith.muli %scan3A_203, %mul3A_267 : i32
      %add3A_269 = arith.constant 2 : i32
      %add3A_270 = arith.addi %mul3A_268, %add3A_269 : i32
      %get3A_271 = arith.index_cast %add3A_270 : i32 to index
      %get3A_272 = arith.constant 0 : index
      %get3A_273 = tpu.vector_load %arg15[%get3A_271, %get3A_272] {strides = array<i32>} : memref<128x32xf32, #tpu.memory_space<vmem>>, vector<1x16xf32>,
      %get3A_274 = vector.shape_cast %get3A_273 : vector<1x16xf32> to vector<16xf32>
      %get3A_275 = arith.index_cast %add3A_270 : i32 to index
      %get3A_276 = arith.constant 0 : index
      %get3A_277 = tpu.vector_load %arg16[%get3A_275, %get3A_276] {strides = array<i32>} : memref<128x32xf32, #tpu.memory_space<vmem>>, vector<1x16xf32>,
      %get3A_278 = vector.shape_cast %get3A_277 : vector<1x16xf32> to vector<16xf32>
      %mul3A_279 = arith.mulf %get3A_274, %get3A_278 : vector<16xf32>
      %swap3A_280 = arith.index_cast %add3A_270 : i32 to index
      %swap3A_281 = arith.constant 0 : index
      %swap3A_282 = tpu.vector_load %arg15[%swap3A_280, %swap3A_281] {strides = array<i32>} : memref<128x32xf32, #tpu.memory_space<vmem>>, vector<1x16xf32>,
      %swap3A_283 = vector.shape_cast %swap3A_282 : vector<1x16xf32> to vector<16xf32>
      %swap3A_284 = vector.shape_cast %mul3A_279 : vector<16xf32> to vector<1x16xf32>
      tpu.vector_store %arg15[%swap3A_280, %swap3A_281], %swap3A_284 {strides = array<i32>} : memref<128x32xf32, #tpu.memory_space<vmem>>, vector<1x16xf32>,
      %get3A_285 = arith.index_cast %add3A_270 : i32 to index
      %get3A_286 = arith.constant 16 : index
      %get3A_287 = tpu.vector_load %arg15[%get3A_285, %get3A_286] {strides = array<i32>} : memref<128x32xf32, #tpu.memory_space<vmem>>, vector<1x16xf32>,
      %get3A_288 = vector.shape_cast %get3A_287 : vector<1x16xf32> to vector<16xf32>
      %get3A_289 = arith.index_cast %add3A_270 : i32 to index
      %get3A_290 = arith.constant 16 : index
      %get3A_291 = tpu.vector_load %arg16[%get3A_289, %get3A_290] {strides = array<i32>} : memref<128x32xf32, #tpu.memory_space<vmem>>, vector<1x16xf32>,
      %get3A_292 = vector.shape_cast %get3A_291 : vector<1x16xf32> to vector<16xf32>
      %mul3A_293 = arith.mulf %get3A_288, %get3A_292 : vector<16xf32>
      %swap3A_294 = arith.index_cast %add3A_270 : i32 to index
      %swap3A_295 = arith.constant 16 : index
      %swap3A_296 = tpu.vector_load %arg15[%swap3A_294, %swap3A_295] {strides = array<i32>} : memref<128x32xf32, #tpu.memory_space<vmem>>, vector<1x16xf32>,
      %swap3A_297 = vector.shape_cast %swap3A_296 : vector<1x16xf32> to vector<16xf32>
      %swap3A_298 = vector.shape_cast %mul3A_293 : vector<16xf32> to vector<1x16xf32>
      tpu.vector_store %arg15[%swap3A_294, %swap3A_295], %swap3A_298 {strides = array<i32>} : memref<128x32xf32, #tpu.memory_space<vmem>>, vector<1x16xf32>,
      %mul3A_299 = arith.constant 8 : i32
      %mul3A_300 = arith.muli %scan3A_203, %mul3A_299 : i32
      %add3A_301 = arith.constant 3 : i32
      %add3A_302 = arith.addi %mul3A_300, %add3A_301 : i32
      %get3A_303 = arith.index_cast %add3A_302 : i32 to index
      %get3A_304 = arith.constant 0 : index
      %get3A_305 = tpu.vector_load %arg15[%get3A_303, %get3A_304] {strides = array<i32>} : memref<128x32xf32, #tpu.memory_space<vmem>>, vector<1x16xf32>,
      %get3A_306 = vector.shape_cast %get3A_305 : vector<1x16xf32> to vector<16xf32>
      %get3A_307 = arith.index_cast %add3A_302 : i32 to index
      %get3A_308 = arith.constant 0 : index
      %get3A_309 = tpu.vector_load %arg16[%get3A_307, %get3A_308] {strides = array<i32>} : memref<128x32xf32, #tpu.memory_space<vmem>>, vector<1x16xf32>,
      %get3A_310 = vector.shape_cast %get3A_309 : vector<1x16xf32> to vector<16xf32>
      %mul3A_311 = arith.mulf %get3A_306, %get3A_310 : vector<16xf32>
      %swap3A_312 = arith.index_cast %add3A_302 : i32 to index
      %swap3A_313 = arith.constant 0 : index
      %swap3A_314 = tpu.vector_load %arg15[%swap3A_312, %swap3A_313] {strides = array<i32>} : memref<128x32xf32, #tpu.memory_space<vmem>>, vector<1x16xf32>,
      %swap3A_315 = vector.shape_cast %swap3A_314 : vector<1x16xf32> to vector<16xf32>
      %swap3A_316 = vector.shape_cast %mul3A_311 : vector<16xf32> to vector<1x16xf32>
      tpu.vector_store %arg15[%swap3A_312, %swap3A_313], %swap3A_316 {strides = array<i32>} : memref<128x32xf32, #tpu.memory_space<vmem>>, vector<1x16xf32>,
      %get3A_317 = arith.index_cast %add3A_302 : i32 to index
      %get3A_318 = arith.constant 16 : index
      %get3A_319 = tpu.vector_load %arg15[%get3A_317, %get3A_318] {strides = array<i32>} : memref<128x32xf32, #tpu.memory_space<vmem>>, vector<1x16xf32>,
      %get3A_320 = vector.shape_cast %get3A_319 : vector<1x16xf32> to vector<16xf32>
      %get3A_321 = arith.index_cast %add3A_302 : i32 to index
      %get3A_322 = arith.constant 16 : index
      %get3A_323 = tpu.vector_load %arg16[%get3A_321, %get3A_322] {strides = array<i32>} : memref<128x32xf32, #tpu.memory_space<vmem>>, vector<1x16xf32>,
      %get3A_324 = vector.shape_cast %get3A_323 : vector<1x16xf32> to vector<16xf32>
      %mul3A_325 = arith.mulf %get3A_320, %get3A_324 : vector<16xf32>
      %swap3A_326 = arith.index_cast %add3A_302 : i32 to index
      %swap3A_327 = arith.constant 16 : index
      %swap3A_328 = tpu.vector_load %arg15[%swap3A_326, %swap3A_327] {strides = array<i32>} : memref<128x32xf32, #tpu.memory_space<vmem>>, vector<1x16xf32>,
      %swap3A_329 = vector.shape_cast %swap3A_328 : vector<1x16xf32> to vector<16xf32>
      %swap3A_330 = vector.shape_cast %mul3A_325 : vector<16xf32> to vector<1x16xf32>
      tpu.vector_store %arg15[%swap3A_326, %swap3A_327], %swap3A_330 {strides = array<i32>} : memref<128x32xf32, #tpu.memory_space<vmem>>, vector<1x16xf32>,
      %mul3A_331 = arith.constant 8 : i32
      %mul3A_332 = arith.muli %scan3A_203, %mul3A_331 : i32
      %add3A_333 = arith.constant 4 : i32
      %add3A_334 = arith.addi %mul3A_332, %add3A_333 : i32
      %get3A_335 = arith.index_cast %add3A_334 : i32 to index
      %get3A_336 = arith.constant 0 : index
      %get3A_337 = tpu.vector_load %arg15[%get3A_335, %get3A_336] {strides = array<i32>} : memref<128x32xf32, #tpu.memory_space<vmem>>, vector<1x16xf32>,
      %get3A_338 = vector.shape_cast %get3A_337 : vector<1x16xf32> to vector<16xf32>
      %get3A_339 = arith.index_cast %add3A_334 : i32 to index
      %get3A_340 = arith.constant 0 : index
      %get3A_341 = tpu.vector_load %arg16[%get3A_339, %get3A_340] {strides = array<i32>} : memref<128x32xf32, #tpu.memory_space<vmem>>, vector<1x16xf32>,
      %get3A_342 = vector.shape_cast %get3A_341 : vector<1x16xf32> to vector<16xf32>
      %mul3A_343 = arith.mulf %get3A_338, %get3A_342 : vector<16xf32>
      %swap3A_344 = arith.index_cast %add3A_334 : i32 to index
      %swap3A_345 = arith.constant 0 : index
      %swap3A_346 = tpu.vector_load %arg15[%swap3A_344, %swap3A_345] {strides = array<i32>} : memref<128x32xf32, #tpu.memory_space<vmem>>, vector<1x16xf32>,
      %swap3A_347 = vector.shape_cast %swap3A_346 : vector<1x16xf32> to vector<16xf32>
      %swap3A_348 = vector.shape_cast %mul3A_343 : vector<16xf32> to vector<1x16xf32>
      tpu.vector_store %arg15[%swap3A_344, %swap3A_345], %swap3A_348 {strides = array<i32>} : memref<128x32xf32, #tpu.memory_space<vmem>>, vector<1x16xf32>,
      %get3A_349 = arith.index_cast %add3A_334 : i32 to index
      %get3A_350 = arith.constant 16 : index
      %get3A_351 = tpu.vector_load %arg15[%get3A_349, %get3A_350] {strides = array<i32>} : memref<128x32xf32, #tpu.memory_space<vmem>>, vector<1x16xf32>,
      %get3A_352 = vector.shape_cast %get3A_351 : vector<1x16xf32> to vector<16xf32>
      %get3A_353 = arith.index_cast %add3A_334 : i32 to index
      %get3A_354 = arith.constant 16 : index
      %get3A_355 = tpu.vector_load %arg16[%get3A_353, %get3A_354] {strides = array<i32>} : memref<128x32xf32, #tpu.memory_space<vmem>>, vector<1x16xf32>,
      %get3A_356 = vector.shape_cast %get3A_355 : vector<1x16xf32> to vector<16xf32>
      %mul3A_357 = arith.mulf %get3A_352, %get3A_356 : vector<16xf32>
      %swap3A_358 = arith.index_cast %add3A_334 : i32 to index
      %swap3A_359 = arith.constant 16 : index
      %swap3A_360 = tpu.vector_load %arg15[%swap3A_358, %swap3A_359] {strides = array<i32>} : memref<128x32xf32, #tpu.memory_space<vmem>>, vector<1x16xf32>,
      %swap3A_361 = vector.shape_cast %swap3A_360 : vector<1x16xf32> to vector<16xf32>
      %swap3A_362 = vector.shape_cast %mul3A_357 : vector<16xf32> to vector<1x16xf32>
      tpu.vector_store %arg15[%swap3A_358, %swap3A_359], %swap3A_362 {strides = array<i32>} : memref<128x32xf32, #tpu.memory_space<vmem>>, vector<1x16xf32>,
      %mul3A_363 = arith.constant 8 : i32
      %mul3A_364 = arith.muli %scan3A_203, %mul3A_363 : i32
      %add3A_365 = arith.constant 5 : i32
      %add3A_366 = arith.addi %mul3A_364, %add3A_365 : i32
      %get3A_367 = arith.index_cast %add3A_366 : i32 to index
      %get3A_368 = arith.constant 0 : index
      %get3A_369 = tpu.vector_load %arg15[%get3A_367, %get3A_368] {strides = array<i32>} : memref<128x32xf32, #tpu.memory_space<vmem>>, vector<1x16xf32>,
      %get3A_370 = vector.shape_cast %get3A_369 : vector<1x16xf32> to vector<16xf32>
      %get3A_371 = arith.index_cast %add3A_366 : i32 to index
      %get3A_372 = arith.constant 0 : index
      %get3A_373 = tpu.vector_load %arg16[%get3A_371, %get3A_372] {strides = array<i32>} : memref<128x32xf32, #tpu.memory_space<vmem>>, vector<1x16xf32>,
      %get3A_374 = vector.shape_cast %get3A_373 : vector<1x16xf32> to vector<16xf32>
      %mul3A_375 = arith.mulf %get3A_370, %get3A_374 : vector<16xf32>
      %swap3A_376 = arith.index_cast %add3A_366 : i32 to index
      %swap3A_377 = arith.constant 0 : index
      %swap3A_378 = tpu.vector_load %arg15[%swap3A_376, %swap3A_377] {strides = array<i32>} : memref<128x32xf32, #tpu.memory_space<vmem>>, vector<1x16xf32>,
      %swap3A_379 = vector.shape_cast %swap3A_378 : vector<1x16xf32> to vector<16xf32>
      %swap3A_380 = vector.shape_cast %mul3A_375 : vector<16xf32> to vector<1x16xf32>
      tpu.vector_store %arg15[%swap3A_376, %swap3A_377], %swap3A_380 {strides = array<i32>} : memref<128x32xf32, #tpu.memory_space<vmem>>, vector<1x16xf32>,
      %get3A_381 = arith.index_cast %add3A_366 : i32 to index
      %get3A_382 = arith.constant 16 : index
      %get3A_383 = tpu.vector_load %arg15[%get3A_381, %get3A_382] {strides = array<i32>} : memref<128x32xf32, #tpu.memory_space<vmem>>, vector<1x16xf32>,
      %get3A_384 = vector.shape_cast %get3A_383 : vector<1x16xf32> to vector<16xf32>
      %get3A_385 = arith.index_cast %add3A_366 : i32 to index
      %get3A_386 = arith.constant 16 : index
      %get3A_387 = tpu.vector_load %arg16[%get3A_385, %get3A_386] {strides = array<i32>} : memref<128x32xf32, #tpu.memory_space<vmem>>, vector<1x16xf32>,
      %get3A_388 = vector.shape_cast %get3A_387 : vector<1x16xf32> to vector<16xf32>
      %mul3A_389 = arith.mulf %get3A_384, %get3A_388 : vector<16xf32>
      %swap3A_390 = arith.index_cast %add3A_366 : i32 to index
      %swap3A_391 = arith.constant 16 : index
      %swap3A_392 = tpu.vector_load %arg15[%swap3A_390, %swap3A_391] {strides = array<i32>} : memref<128x32xf32, #tpu.memory_space<vmem>>, vector<1x16xf32>,
      %swap3A_393 = vector.shape_cast %swap3A_392 : vector<1x16xf32> to vector<16xf32>
      %swap3A_394 = vector.shape_cast %mul3A_389 : vector<16xf32> to vector<1x16xf32>
      tpu.vector_store %arg15[%swap3A_390, %swap3A_391], %swap3A_394 {strides = array<i32>} : memref<128x32xf32, #tpu.memory_space<vmem>>, vector<1x16xf32>,
      %mul3A_395 = arith.constant 8 : i32
      %mul3A_396 = arith.muli %scan3A_203, %mul3A_395 : i32
      %add3A_397 = arith.constant 6 : i32
      %add3A_398 = arith.addi %mul3A_396, %add3A_397 : i32
      %get3A_399 = arith.index_cast %add3A_398 : i32 to index
      %get3A_400 = arith.constant 0 : index
      %get3A_401 = tpu.vector_load %arg15[%get3A_399, %get3A_400] {strides = array<i32>} : memref<128x32xf32, #tpu.memory_space<vmem>>, vector<1x16xf32>,
      %get3A_402 = vector.shape_cast %get3A_401 : vector<1x16xf32> to vector<16xf32>
      %get3A_403 = arith.index_cast %add3A_398 : i32 to index
      %get3A_404 = arith.constant 0 : index
      %get3A_405 = tpu.vector_load %arg16[%get3A_403, %get3A_404] {strides = array<i32>} : memref<128x32xf32, #tpu.memory_space<vmem>>, vector<1x16xf32>,
      %get3A_406 = vector.shape_cast %get3A_405 : vector<1x16xf32> to vector<16xf32>
      %mul3A_407 = arith.mulf %get3A_402, %get3A_406 : vector<16xf32>
      %swap3A_408 = arith.index_cast %add3A_398 : i32 to index
      %swap3A_409 = arith.constant 0 : index
      %swap3A_410 = tpu.vector_load %arg15[%swap3A_408, %swap3A_409] {strides = array<i32>} : memref<128x32xf32, #tpu.memory_space<vmem>>, vector<1x16xf32>,
      %swap3A_411 = vector.shape_cast %swap3A_410 : vector<1x16xf32> to vector<16xf32>
      %swap3A_412 = vector.shape_cast %mul3A_407 : vector<16xf32> to vector<1x16xf32>
      tpu.vector_store %arg15[%swap3A_408, %swap3A_409], %swap3A_412 {strides = array<i32>} : memref<128x32xf32, #tpu.memory_space<vmem>>, vector<1x16xf32>,
      %get3A_413 = arith.index_cast %add3A_398 : i32 to index
      %get3A_414 = arith.constant 16 : index
      %get3A_415 = tpu.vector_load %arg15[%get3A_413, %get3A_414] {strides = array<i32>} : memref<128x32xf32, #tpu.memory_space<vmem>>, vector<1x16xf32>,
      %get3A_416 = vector.shape_cast %get3A_415 : vector<1x16xf32> to vector<16xf32>
      %get3A_417 = arith.index_cast %add3A_398 : i32 to index
      %get3A_418 = arith.constant 16 : index
      %get3A_419 = tpu.vector_load %arg16[%get3A_417, %get3A_418] {strides = array<i32>} : memref<128x32xf32, #tpu.memory_space<vmem>>, vector<1x16xf32>,
      %get3A_420 = vector.shape_cast %get3A_419 : vector<1x16xf32> to vector<16xf32>
      %mul3A_421 = arith.mulf %get3A_416, %get3A_420 : vector<16xf32>
      %swap3A_422 = arith.index_cast %add3A_398 : i32 to index
      %swap3A_423 = arith.constant 16 : index
      %swap3A_424 = tpu.vector_load %arg15[%swap3A_422, %swap3A_423] {strides = array<i32>} : memref<128x32xf32, #tpu.memory_space<vmem>>, vector<1x16xf32>,
      %swap3A_425 = vector.shape_cast %swap3A_424 : vector<1x16xf32> to vector<16xf32>
      %swap3A_426 = vector.shape_cast %mul3A_421 : vector<16xf32> to vector<1x16xf32>
      tpu.vector_store %arg15[%swap3A_422, %swap3A_423], %swap3A_426 {strides = array<i32>} : memref<128x32xf32, #tpu.memory_space<vmem>>, vector<1x16xf32>,
      %mul3A_427 = arith.constant 8 : i32
      %mul3A_428 = arith.muli %scan3A_203, %mul3A_427 : i32
      %add3A_429 = arith.constant 7 : i32
      %add3A_430 = arith.addi %mul3A_428, %add3A_429 : i32
      %get3A_431 = arith.index_cast %add3A_430 : i32 to index
      %get3A_432 = arith.constant 0 : index
      %get3A_433 = tpu.vector_load %arg15[%get3A_431, %get3A_432] {strides = array<i32>} : memref<128x32xf32, #tpu.memory_space<vmem>>, vector<1x16xf32>,
      %get3A_434 = vector.shape_cast %get3A_433 : vector<1x16xf32> to vector<16xf32>
      %get3A_435 = arith.index_cast %add3A_430 : i32 to index
      %get3A_436 = arith.constant 0 : index
      %get3A_437 = tpu.vector_load %arg16[%get3A_435, %get3A_436] {strides = array<i32>} : memref<128x32xf32, #tpu.memory_space<vmem>>, vector<1x16xf32>,
      %get3A_438 = vector.shape_cast %get3A_437 : vector<1x16xf32> to vector<16xf32>
      %mul3A_439 = arith.mulf %get3A_434, %get3A_438 : vector<16xf32>
      %swap3A_440 = arith.index_cast %add3A_430 : i32 to index
      %swap3A_441 = arith.constant 0 : index
      %swap3A_442 = tpu.vector_load %arg15[%swap3A_440, %swap3A_441] {strides = array<i32>} : memref<128x32xf32, #tpu.memory_space<vmem>>, vector<1x16xf32>,
      %swap3A_443 = vector.shape_cast %swap3A_442 : vector<1x16xf32> to vector<16xf32>
      %swap3A_444 = vector.shape_cast %mul3A_439 : vector<16xf32> to vector<1x16xf32>
      tpu.vector_store %arg15[%swap3A_440, %swap3A_441], %swap3A_444 {strides = array<i32>} : memref<128x32xf32, #tpu.memory_space<vmem>>, vector<1x16xf32>,
      %get3A_445 = arith.index_cast %add3A_430 : i32 to index
      %get3A_446 = arith.constant 16 : index
      %get3A_447 = tpu.vector_load %arg15[%get3A_445, %get3A_446] {strides = array<i32>} : memref<128x32xf32, #tpu.memory_space<vmem>>, vector<1x16xf32>,
      %get3A_448 = vector.shape_cast %get3A_447 : vector<1x16xf32> to vector<16xf32>
      %get3A_449 = arith.index_cast %add3A_430 : i32 to index
      %get3A_450 = arith.constant 16 : index
      %get3A_451 = tpu.vector_load %arg16[%get3A_449, %get3A_450] {strides = array<i32>} : memref<128x32xf32, #tpu.memory_space<vmem>>, vector<1x16xf32>,
      %get3A_452 = vector.shape_cast %get3A_451 : vector<1x16xf32> to vector<16xf32>
      %mul3A_453 = arith.mulf %get3A_448, %get3A_452 : vector<16xf32>
      %swap3A_454 = arith.index_cast %add3A_430 : i32 to index
      %swap3A_455 = arith.constant 16 : index
      %swap3A_456 = tpu.vector_load %arg15[%swap3A_454, %swap3A_455] {strides = array<i32>} : memref<128x32xf32, #tpu.memory_space<vmem>>, vector<1x16xf32>,
      %swap3A_457 = vector.shape_cast %swap3A_456 : vector<1x16xf32> to vector<16xf32>
      %swap3A_458 = vector.shape_cast %mul3A_453 : vector<16xf32> to vector<1x16xf32>
      tpu.vector_store %arg15[%swap3A_454, %swap3A_455], %swap3A_458 {strides = array<i32>} : memref<128x32xf32, #tpu.memory_space<vmem>>, vector<1x16xf32>,
      %scan3A_459 = arith.constant 0 : i32
      scf.yield %scan3A_459 : i32
    }
    %scan3A_156 = arith.constant 16 : i32
    "tpu.region"() ({
      %run_scoped3A = tpu.sem_alloc : memref<!tpu.dma_semaphore, #tpu.memory_space<semaphore_mem>>
      %dma_start3A_203 = arith.constant 0 : i32
      %dma_start3A_204 = arith.constant 0 : i32
      %dma_start3A_205 = tpu.memref_slice %arg8[%dma_start3A_203, %dma_start3A_204] : memref<50000x32xf32, #tpu.memory_space<vmem_shared>> -> memref<50000x32xf32, #tpu.memory_space<vmem_shared>>
      tpu.enqueue_indirect_dma source(%arg15 : memref<128x32xf32, #tpu.memory_space<vmem>>) target(%dma_start3A_205 : memref<50000x32xf32, #tpu.memory_space<vmem_shared>>) offsets(%arg14 : memref<128xi32, #tpu.memory_space<vmem>>) semaphore(%run_scoped3A : memref<!tpu.dma_semaphore, #tpu.memory_space<semaphore_mem>>) {add = true}
      %dma_wait3A_206 = arith.constant 0 : i32
      %dma_wait3A_207 = arith.constant 0 : i32
      %dma_wait3A_208 = tpu.memref_slice %arg8[%dma_wait3A_206, %dma_wait3A_207] : memref<50000x32xf32, #tpu.memory_space<vmem_shared>> -> memref<50000x32xf32, #tpu.memory_space<vmem_shared>>
      tpu.wait_indirect_dma semaphore(%run_scoped3A : memref<!tpu.dma_semaphore, #tpu.memory_space<semaphore_mem>>) src(%arg15 : memref<128x32xf32, #tpu.memory_space<vmem>>) dst(%dma_wait3A_208 : memref<50000x32xf32, #tpu.memory_space<vmem_shared>>)
      tpu.yield
    }) : () -> ()
    %dma_wait3A_157 = arith.constant 0 : i32
    %dma_wait3A_158 = arith.constant 0 : i32
    %dma_wait3A_159 = tpu.memref_slice %arg2[%arg0, %dma_wait3A_157, %dma_wait3A_158] : memref<2x50000x32xf32, #tpu.memory_space<hbm>> -> memref<1x50000x32xf32, #tpu.memory_space<hbm>>
    %dma_wait3A_160 = tpu.memref_squeeze %dma_wait3A_159 : memref<1x50000x32xf32, #tpu.memory_space<hbm>> -> memref<50000x32xf32, #tpu.memory_space<hbm>>
    %dma_wait3A_161 = arith.constant 0 : i32
    %dma_wait3A_162 = arith.constant 0 : i32
    %dma_wait3A_163 = tpu.memref_slice %dma_wait3A_160[%dma_wait3A_161, %dma_wait3A_162] : memref<50000x32xf32, #tpu.memory_space<hbm>> -> memref<50000x32xf32, #tpu.memory_space<hbm>>
    tpu.wait_indirect_dma semaphore(%arg17 : memref<!tpu.dma_semaphore, #tpu.memory_space<semaphore_mem>>) src(%dma_wait3A_163 : memref<50000x32xf32, #tpu.memory_space<hbm>>) dst(%arg11 : memref<128x32xf32, #tpu.memory_space<vmem>>)
    %dma_wait3A_164 = arith.constant 0 : i32
    %dma_wait3A_165 = arith.constant 0 : i32
    %dma_wait3A_166 = tpu.memref_slice %arg12[%dma_wait3A_164, %dma_wait3A_165] : memref<128x32xf32, #tpu.memory_space<vmem>> -> memref<80x32xf32, #tpu.memory_space<vmem>>
    %dma_wait3A_167 = arith.constant 0 : i32
    %dma_wait3A_168 = arith.constant 0 : i32
    %dma_wait3A_169 = tpu.memref_slice %arg3[%arg0, %dma_wait3A_167, %dma_wait3A_168] : memref<2x800000x32xf32, #tpu.memory_space<hbm>> -> memref<1x800000x32xf32, #tpu.memory_space<hbm>>
    %dma_wait3A_170 = tpu.memref_squeeze %dma_wait3A_169 : memref<1x800000x32xf32, #tpu.memory_space<hbm>> -> memref<800000x32xf32, #tpu.memory_space<hbm>>
    %dma_wait3A_171 = arith.constant 0 : i32
    %dma_wait3A_172 = arith.constant 0 : i32
    %dma_wait3A_173 = tpu.memref_slice %dma_wait3A_170[%dma_wait3A_171, %dma_wait3A_172] : memref<800000x32xf32, #tpu.memory_space<hbm>> -> memref<80x32xf32, #tpu.memory_space<hbm>>
    %dma_wait3A_174 = arith.constant 0 : i32
    %dma_wait3A_175 = arith.constant 0 : i32
    %dma_wait3A_176 = tpu.memref_slice %arg12[%dma_wait3A_174, %dma_wait3A_175] : memref<128x32xf32, #tpu.memory_space<vmem>> -> memref<80x32xf32, #tpu.memory_space<vmem>>
    %dma_wait3A_177 = arith.constant 0 : i32
    %dma_wait3A_178 = arith.constant 0 : i32
    %dma_wait3A_179 = tpu.memref_slice %arg3[%arg0, %dma_wait3A_177, %dma_wait3A_178] : memref<2x800000x32xf32, #tpu.memory_space<hbm>> -> memref<1x800000x32xf32, #tpu.memory_space<hbm>>
    %dma_wait3A_180 = tpu.memref_squeeze %dma_wait3A_179 : memref<1x800000x32xf32, #tpu.memory_space<hbm>> -> memref<800000x32xf32, #tpu.memory_space<hbm>>
    %dma_wait3A_181 = arith.constant 0 : i32
    %dma_wait3A_182 = arith.constant 0 : i32
    %dma_wait3A_183 = tpu.memref_slice %dma_wait3A_180[%dma_wait3A_181, %dma_wait3A_182] : memref<800000x32xf32, #tpu.memory_space<hbm>> -> memref<80x32xf32, #tpu.memory_space<hbm>>
    tpu.wait_dma2 semaphore(%arg18 : memref<!tpu.dma_semaphore, #tpu.memory_space<semaphore_mem>>) src(%dma_wait3A_183 : memref<80x32xf32, #tpu.memory_space<hbm>>) dst(%dma_wait3A_176 : memref<80x32xf32, #tpu.memory_space<vmem>>)
    %scan3A_184 = arith.constant 0 : i32
    %scan3A_185 = arith.constant 0 : i32
    %scan3A_186 = arith.constant 10 : i32
    %scan3A_187 = arith.addi %scan3A_185, %scan3A_186 : i32
    %scan3A_188 = arith.constant 1 : i32
    %scan3A_189 = scf.for %scan3A_203 = %scan3A_185 to %scan3A_187 step %scan3A_188 iter_args(%scan3A_204 = %scan3A_184) -> (i32)  : i32 {
      %mul3A_205 = arith.constant 8 : i32
      %mul3A_206 = arith.muli %scan3A_203, %mul3A_205 : i32
      %add3A_207 = arith.constant 0 : i32
      %add3A_208 = arith.addi %mul3A_206, %add3A_207 : i32
      %get3A = arith.index_cast %add3A_208 : i32 to index
      %get3A_209 = arith.constant 0 : index
      %get3A_210 = tpu.vector_load %arg11[%get3A, %get3A_209] {strides = array<i32>} : memref<128x32xf32, #tpu.memory_space<vmem>>, vector<1x16xf32>,
      %get3A_211 = vector.shape_cast %get3A_210 : vector<1x16xf32> to vector<16xf32>
      %get3A_212 = arith.index_cast %add3A_208 : i32 to index
      %get3A_213 = arith.constant 0 : index
      %get3A_214 = tpu.vector_load %arg12[%get3A_212, %get3A_213] {strides = array<i32>} : memref<128x32xf32, #tpu.memory_space<vmem>>, vector<1x16xf32>,
      %get3A_215 = vector.shape_cast %get3A_214 : vector<1x16xf32> to vector<16xf32>
      %mul3A_216 = arith.mulf %get3A_211, %get3A_215 : vector<16xf32>
      %swap3A = arith.index_cast %add3A_208 : i32 to index
      %swap3A_217 = arith.constant 0 : index
      %swap3A_218 = tpu.vector_load %arg11[%swap3A, %swap3A_217] {strides = array<i32>} : memref<128x32xf32, #tpu.memory_space<vmem>>, vector<1x16xf32>,
      %swap3A_219 = vector.shape_cast %swap3A_218 : vector<1x16xf32> to vector<16xf32>
      %swap3A_220 = vector.shape_cast %mul3A_216 : vector<16xf32> to vector<1x16xf32>
      tpu.vector_store %arg11[%swap3A, %swap3A_217], %swap3A_220 {strides = array<i32>} : memref<128x32xf32, #tpu.memory_space<vmem>>, vector<1x16xf32>,
      %get3A_221 = arith.index_cast %add3A_208 : i32 to index
      %get3A_222 = arith.constant 16 : index
      %get3A_223 = tpu.vector_load %arg11[%get3A_221, %get3A_222] {strides = array<i32>} : memref<128x32xf32, #tpu.memory_space<vmem>>, vector<1x16xf32>,
      %get3A_224 = vector.shape_cast %get3A_223 : vector<1x16xf32> to vector<16xf32>
      %get3A_225 = arith.index_cast %add3A_208 : i32 to index
      %get3A_226 = arith.constant 16 : index
      %get3A_227 = tpu.vector_load %arg12[%get3A_225, %get3A_226] {strides = array<i32>} : memref<128x32xf32, #tpu.memory_space<vmem>>, vector<1x16xf32>,
      %get3A_228 = vector.shape_cast %get3A_227 : vector<1x16xf32> to vector<16xf32>
      %mul3A_229 = arith.mulf %get3A_224, %get3A_228 : vector<16xf32>
      %swap3A_230 = arith.index_cast %add3A_208 : i32 to index
      %swap3A_231 = arith.constant 16 : index
      %swap3A_232 = tpu.vector_load %arg11[%swap3A_230, %swap3A_231] {strides = array<i32>} : memref<128x32xf32, #tpu.memory_space<vmem>>, vector<1x16xf32>,
      %swap3A_233 = vector.shape_cast %swap3A_232 : vector<1x16xf32> to vector<16xf32>
      %swap3A_234 = vector.shape_cast %mul3A_229 : vector<16xf32> to vector<1x16xf32>
      tpu.vector_store %arg11[%swap3A_230, %swap3A_231], %swap3A_234 {strides = array<i32>} : memref<128x32xf32, #tpu.memory_space<vmem>>, vector<1x16xf32>,
      %mul3A_235 = arith.constant 8 : i32
      %mul3A_236 = arith.muli %scan3A_203, %mul3A_235 : i32
      %add3A_237 = arith.constant 1 : i32
      %add3A_238 = arith.addi %mul3A_236, %add3A_237 : i32
      %get3A_239 = arith.index_cast %add3A_238 : i32 to index
      %get3A_240 = arith.constant 0 : index
      %get3A_241 = tpu.vector_load %arg11[%get3A_239, %get3A_240] {strides = array<i32>} : memref<128x32xf32, #tpu.memory_space<vmem>>, vector<1x16xf32>,
      %get3A_242 = vector.shape_cast %get3A_241 : vector<1x16xf32> to vector<16xf32>
      %get3A_243 = arith.index_cast %add3A_238 : i32 to index
      %get3A_244 = arith.constant 0 : index
      %get3A_245 = tpu.vector_load %arg12[%get3A_243, %get3A_244] {strides = array<i32>} : memref<128x32xf32, #tpu.memory_space<vmem>>, vector<1x16xf32>,
      %get3A_246 = vector.shape_cast %get3A_245 : vector<1x16xf32> to vector<16xf32>
      %mul3A_247 = arith.mulf %get3A_242, %get3A_246 : vector<16xf32>
      %swap3A_248 = arith.index_cast %add3A_238 : i32 to index
      %swap3A_249 = arith.constant 0 : index
      %swap3A_250 = tpu.vector_load %arg11[%swap3A_248, %swap3A_249] {strides = array<i32>} : memref<128x32xf32, #tpu.memory_space<vmem>>, vector<1x16xf32>,
      %swap3A_251 = vector.shape_cast %swap3A_250 : vector<1x16xf32> to vector<16xf32>
      %swap3A_252 = vector.shape_cast %mul3A_247 : vector<16xf32> to vector<1x16xf32>
      tpu.vector_store %arg11[%swap3A_248, %swap3A_249], %swap3A_252 {strides = array<i32>} : memref<128x32xf32, #tpu.memory_space<vmem>>, vector<1x16xf32>,
      %get3A_253 = arith.index_cast %add3A_238 : i32 to index
      %get3A_254 = arith.constant 16 : index
      %get3A_255 = tpu.vector_load %arg11[%get3A_253, %get3A_254] {strides = array<i32>} : memref<128x32xf32, #tpu.memory_space<vmem>>, vector<1x16xf32>,
      %get3A_256 = vector.shape_cast %get3A_255 : vector<1x16xf32> to vector<16xf32>
      %get3A_257 = arith.index_cast %add3A_238 : i32 to index
      %get3A_258 = arith.constant 16 : index
      %get3A_259 = tpu.vector_load %arg12[%get3A_257, %get3A_258] {strides = array<i32>} : memref<128x32xf32, #tpu.memory_space<vmem>>, vector<1x16xf32>,
      %get3A_260 = vector.shape_cast %get3A_259 : vector<1x16xf32> to vector<16xf32>
      %mul3A_261 = arith.mulf %get3A_256, %get3A_260 : vector<16xf32>
      %swap3A_262 = arith.index_cast %add3A_238 : i32 to index
      %swap3A_263 = arith.constant 16 : index
      %swap3A_264 = tpu.vector_load %arg11[%swap3A_262, %swap3A_263] {strides = array<i32>} : memref<128x32xf32, #tpu.memory_space<vmem>>, vector<1x16xf32>,
      %swap3A_265 = vector.shape_cast %swap3A_264 : vector<1x16xf32> to vector<16xf32>
      %swap3A_266 = vector.shape_cast %mul3A_261 : vector<16xf32> to vector<1x16xf32>
      tpu.vector_store %arg11[%swap3A_262, %swap3A_263], %swap3A_266 {strides = array<i32>} : memref<128x32xf32, #tpu.memory_space<vmem>>, vector<1x16xf32>,
      %mul3A_267 = arith.constant 8 : i32
      %mul3A_268 = arith.muli %scan3A_203, %mul3A_267 : i32
      %add3A_269 = arith.constant 2 : i32
      %add3A_270 = arith.addi %mul3A_268, %add3A_269 : i32
      %get3A_271 = arith.index_cast %add3A_270 : i32 to index
      %get3A_272 = arith.constant 0 : index
      %get3A_273 = tpu.vector_load %arg11[%get3A_271, %get3A_272] {strides = array<i32>} : memref<128x32xf32, #tpu.memory_space<vmem>>, vector<1x16xf32>,
      %get3A_274 = vector.shape_cast %get3A_273 : vector<1x16xf32> to vector<16xf32>
      %get3A_275 = arith.index_cast %add3A_270 : i32 to index
      %get3A_276 = arith.constant 0 : index
      %get3A_277 = tpu.vector_load %arg12[%get3A_275, %get3A_276] {strides = array<i32>} : memref<128x32xf32, #tpu.memory_space<vmem>>, vector<1x16xf32>,
      %get3A_278 = vector.shape_cast %get3A_277 : vector<1x16xf32> to vector<16xf32>
      %mul3A_279 = arith.mulf %get3A_274, %get3A_278 : vector<16xf32>
      %swap3A_280 = arith.index_cast %add3A_270 : i32 to index
      %swap3A_281 = arith.constant 0 : index
      %swap3A_282 = tpu.vector_load %arg11[%swap3A_280, %swap3A_281] {strides = array<i32>} : memref<128x32xf32, #tpu.memory_space<vmem>>, vector<1x16xf32>,
      %swap3A_283 = vector.shape_cast %swap3A_282 : vector<1x16xf32> to vector<16xf32>
      %swap3A_284 = vector.shape_cast %mul3A_279 : vector<16xf32> to vector<1x16xf32>
      tpu.vector_store %arg11[%swap3A_280, %swap3A_281], %swap3A_284 {strides = array<i32>} : memref<128x32xf32, #tpu.memory_space<vmem>>, vector<1x16xf32>,
      %get3A_285 = arith.index_cast %add3A_270 : i32 to index
      %get3A_286 = arith.constant 16 : index
      %get3A_287 = tpu.vector_load %arg11[%get3A_285, %get3A_286] {strides = array<i32>} : memref<128x32xf32, #tpu.memory_space<vmem>>, vector<1x16xf32>,
      %get3A_288 = vector.shape_cast %get3A_287 : vector<1x16xf32> to vector<16xf32>
      %get3A_289 = arith.index_cast %add3A_270 : i32 to index
      %get3A_290 = arith.constant 16 : index
      %get3A_291 = tpu.vector_load %arg12[%get3A_289, %get3A_290] {strides = array<i32>} : memref<128x32xf32, #tpu.memory_space<vmem>>, vector<1x16xf32>,
      %get3A_292 = vector.shape_cast %get3A_291 : vector<1x16xf32> to vector<16xf32>
      %mul3A_293 = arith.mulf %get3A_288, %get3A_292 : vector<16xf32>
      %swap3A_294 = arith.index_cast %add3A_270 : i32 to index
      %swap3A_295 = arith.constant 16 : index
      %swap3A_296 = tpu.vector_load %arg11[%swap3A_294, %swap3A_295] {strides = array<i32>} : memref<128x32xf32, #tpu.memory_space<vmem>>, vector<1x16xf32>,
      %swap3A_297 = vector.shape_cast %swap3A_296 : vector<1x16xf32> to vector<16xf32>
      %swap3A_298 = vector.shape_cast %mul3A_293 : vector<16xf32> to vector<1x16xf32>
      tpu.vector_store %arg11[%swap3A_294, %swap3A_295], %swap3A_298 {strides = array<i32>} : memref<128x32xf32, #tpu.memory_space<vmem>>, vector<1x16xf32>,
      %mul3A_299 = arith.constant 8 : i32
      %mul3A_300 = arith.muli %scan3A_203, %mul3A_299 : i32
      %add3A_301 = arith.constant 3 : i32
      %add3A_302 = arith.addi %mul3A_300, %add3A_301 : i32
      %get3A_303 = arith.index_cast %add3A_302 : i32 to index
      %get3A_304 = arith.constant 0 : index
      %get3A_305 = tpu.vector_load %arg11[%get3A_303, %get3A_304] {strides = array<i32>} : memref<128x32xf32, #tpu.memory_space<vmem>>, vector<1x16xf32>,
      %get3A_306 = vector.shape_cast %get3A_305 : vector<1x16xf32> to vector<16xf32>
      %get3A_307 = arith.index_cast %add3A_302 : i32 to index
      %get3A_308 = arith.constant 0 : index
      %get3A_309 = tpu.vector_load %arg12[%get3A_307, %get3A_308] {strides = array<i32>} : memref<128x32xf32, #tpu.memory_space<vmem>>, vector<1x16xf32>,
      %get3A_310 = vector.shape_cast %get3A_309 : vector<1x16xf32> to vector<16xf32>
      %mul3A_311 = arith.mulf %get3A_306, %get3A_310 : vector<16xf32>
      %swap3A_312 = arith.index_cast %add3A_302 : i32 to index
      %swap3A_313 = arith.constant 0 : index
      %swap3A_314 = tpu.vector_load %arg11[%swap3A_312, %swap3A_313] {strides = array<i32>} : memref<128x32xf32, #tpu.memory_space<vmem>>, vector<1x16xf32>,
      %swap3A_315 = vector.shape_cast %swap3A_314 : vector<1x16xf32> to vector<16xf32>
      %swap3A_316 = vector.shape_cast %mul3A_311 : vector<16xf32> to vector<1x16xf32>
      tpu.vector_store %arg11[%swap3A_312, %swap3A_313], %swap3A_316 {strides = array<i32>} : memref<128x32xf32, #tpu.memory_space<vmem>>, vector<1x16xf32>,
      %get3A_317 = arith.index_cast %add3A_302 : i32 to index
      %get3A_318 = arith.constant 16 : index
      %get3A_319 = tpu.vector_load %arg11[%get3A_317, %get3A_318] {strides = array<i32>} : memref<128x32xf32, #tpu.memory_space<vmem>>, vector<1x16xf32>,
      %get3A_320 = vector.shape_cast %get3A_319 : vector<1x16xf32> to vector<16xf32>
      %get3A_321 = arith.index_cast %add3A_302 : i32 to index
      %get3A_322 = arith.constant 16 : index
      %get3A_323 = tpu.vector_load %arg12[%get3A_321, %get3A_322] {strides = array<i32>} : memref<128x32xf32, #tpu.memory_space<vmem>>, vector<1x16xf32>,
      %get3A_324 = vector.shape_cast %get3A_323 : vector<1x16xf32> to vector<16xf32>
      %mul3A_325 = arith.mulf %get3A_320, %get3A_324 : vector<16xf32>
      %swap3A_326 = arith.index_cast %add3A_302 : i32 to index
      %swap3A_327 = arith.constant 16 : index
      %swap3A_328 = tpu.vector_load %arg11[%swap3A_326, %swap3A_327] {strides = array<i32>} : memref<128x32xf32, #tpu.memory_space<vmem>>, vector<1x16xf32>,
      %swap3A_329 = vector.shape_cast %swap3A_328 : vector<1x16xf32> to vector<16xf32>
      %swap3A_330 = vector.shape_cast %mul3A_325 : vector<16xf32> to vector<1x16xf32>
      tpu.vector_store %arg11[%swap3A_326, %swap3A_327], %swap3A_330 {strides = array<i32>} : memref<128x32xf32, #tpu.memory_space<vmem>>, vector<1x16xf32>,
      %mul3A_331 = arith.constant 8 : i32
      %mul3A_332 = arith.muli %scan3A_203, %mul3A_331 : i32
      %add3A_333 = arith.constant 4 : i32
      %add3A_334 = arith.addi %mul3A_332, %add3A_333 : i32
      %get3A_335 = arith.index_cast %add3A_334 : i32 to index
      %get3A_336 = arith.constant 0 : index
      %get3A_337 = tpu.vector_load %arg11[%get3A_335, %get3A_336] {strides = array<i32>} : memref<128x32xf32, #tpu.memory_space<vmem>>, vector<1x16xf32>,
      %get3A_338 = vector.shape_cast %get3A_337 : vector<1x16xf32> to vector<16xf32>
      %get3A_339 = arith.index_cast %add3A_334 : i32 to index
      %get3A_340 = arith.constant 0 : index
      %get3A_341 = tpu.vector_load %arg12[%get3A_339, %get3A_340] {strides = array<i32>} : memref<128x32xf32, #tpu.memory_space<vmem>>, vector<1x16xf32>,
      %get3A_342 = vector.shape_cast %get3A_341 : vector<1x16xf32> to vector<16xf32>
      %mul3A_343 = arith.mulf %get3A_338, %get3A_342 : vector<16xf32>
      %swap3A_344 = arith.index_cast %add3A_334 : i32 to index
      %swap3A_345 = arith.constant 0 : index
      %swap3A_346 = tpu.vector_load %arg11[%swap3A_344, %swap3A_345] {strides = array<i32>} : memref<128x32xf32, #tpu.memory_space<vmem>>, vector<1x16xf32>,
      %swap3A_347 = vector.shape_cast %swap3A_346 : vector<1x16xf32> to vector<16xf32>
      %swap3A_348 = vector.shape_cast %mul3A_343 : vector<16xf32> to vector<1x16xf32>
      tpu.vector_store %arg11[%swap3A_344, %swap3A_345], %swap3A_348 {strides = array<i32>} : memref<128x32xf32, #tpu.memory_space<vmem>>, vector<1x16xf32>,
      %get3A_349 = arith.index_cast %add3A_334 : i32 to index
      %get3A_350 = arith.constant 16 : index
      %get3A_351 = tpu.vector_load %arg11[%get3A_349, %get3A_350] {strides = array<i32>} : memref<128x32xf32, #tpu.memory_space<vmem>>, vector<1x16xf32>,
      %get3A_352 = vector.shape_cast %get3A_351 : vector<1x16xf32> to vector<16xf32>
      %get3A_353 = arith.index_cast %add3A_334 : i32 to index
      %get3A_354 = arith.constant 16 : index
      %get3A_355 = tpu.vector_load %arg12[%get3A_353, %get3A_354] {strides = array<i32>} : memref<128x32xf32, #tpu.memory_space<vmem>>, vector<1x16xf32>,
      %get3A_356 = vector.shape_cast %get3A_355 : vector<1x16xf32> to vector<16xf32>
      %mul3A_357 = arith.mulf %get3A_352, %get3A_356 : vector<16xf32>
      %swap3A_358 = arith.index_cast %add3A_334 : i32 to index
      %swap3A_359 = arith.constant 16 : index
      %swap3A_360 = tpu.vector_load %arg11[%swap3A_358, %swap3A_359] {strides = array<i32>} : memref<128x32xf32, #tpu.memory_space<vmem>>, vector<1x16xf32>,
      %swap3A_361 = vector.shape_cast %swap3A_360 : vector<1x16xf32> to vector<16xf32>
      %swap3A_362 = vector.shape_cast %mul3A_357 : vector<16xf32> to vector<1x16xf32>
      tpu.vector_store %arg11[%swap3A_358, %swap3A_359], %swap3A_362 {strides = array<i32>} : memref<128x32xf32, #tpu.memory_space<vmem>>, vector<1x16xf32>,
      %mul3A_363 = arith.constant 8 : i32
      %mul3A_364 = arith.muli %scan3A_203, %mul3A_363 : i32
      %add3A_365 = arith.constant 5 : i32
      %add3A_366 = arith.addi %mul3A_364, %add3A_365 : i32
      %get3A_367 = arith.index_cast %add3A_366 : i32 to index
      %get3A_368 = arith.constant 0 : index
      %get3A_369 = tpu.vector_load %arg11[%get3A_367, %get3A_368] {strides = array<i32>} : memref<128x32xf32, #tpu.memory_space<vmem>>, vector<1x16xf32>,
      %get3A_370 = vector.shape_cast %get3A_369 : vector<1x16xf32> to vector<16xf32>
      %get3A_371 = arith.index_cast %add3A_366 : i32 to index
      %get3A_372 = arith.constant 0 : index
      %get3A_373 = tpu.vector_load %arg12[%get3A_371, %get3A_372] {strides = array<i32>} : memref<128x32xf32, #tpu.memory_space<vmem>>, vector<1x16xf32>,
      %get3A_374 = vector.shape_cast %get3A_373 : vector<1x16xf32> to vector<16xf32>
      %mul3A_375 = arith.mulf %get3A_370, %get3A_374 : vector<16xf32>
      %swap3A_376 = arith.index_cast %add3A_366 : i32 to index
      %swap3A_377 = arith.constant 0 : index
      %swap3A_378 = tpu.vector_load %arg11[%swap3A_376, %swap3A_377] {strides = array<i32>} : memref<128x32xf32, #tpu.memory_space<vmem>>, vector<1x16xf32>,
      %swap3A_379 = vector.shape_cast %swap3A_378 : vector<1x16xf32> to vector<16xf32>
      %swap3A_380 = vector.shape_cast %mul3A_375 : vector<16xf32> to vector<1x16xf32>
      tpu.vector_store %arg11[%swap3A_376, %swap3A_377], %swap3A_380 {strides = array<i32>} : memref<128x32xf32, #tpu.memory_space<vmem>>, vector<1x16xf32>,
      %get3A_381 = arith.index_cast %add3A_366 : i32 to index
      %get3A_382 = arith.constant 16 : index
      %get3A_383 = tpu.vector_load %arg11[%get3A_381, %get3A_382] {strides = array<i32>} : memref<128x32xf32, #tpu.memory_space<vmem>>, vector<1x16xf32>,
      %get3A_384 = vector.shape_cast %get3A_383 : vector<1x16xf32> to vector<16xf32>
      %get3A_385 = arith.index_cast %add3A_366 : i32 to index
      %get3A_386 = arith.constant 16 : index
      %get3A_387 = tpu.vector_load %arg12[%get3A_385, %get3A_386] {strides = array<i32>} : memref<128x32xf32, #tpu.memory_space<vmem>>, vector<1x16xf32>,
      %get3A_388 = vector.shape_cast %get3A_387 : vector<1x16xf32> to vector<16xf32>
      %mul3A_389 = arith.mulf %get3A_384, %get3A_388 : vector<16xf32>
      %swap3A_390 = arith.index_cast %add3A_366 : i32 to index
      %swap3A_391 = arith.constant 16 : index
      %swap3A_392 = tpu.vector_load %arg11[%swap3A_390, %swap3A_391] {strides = array<i32>} : memref<128x32xf32, #tpu.memory_space<vmem>>, vector<1x16xf32>,
      %swap3A_393 = vector.shape_cast %swap3A_392 : vector<1x16xf32> to vector<16xf32>
      %swap3A_394 = vector.shape_cast %mul3A_389 : vector<16xf32> to vector<1x16xf32>
      tpu.vector_store %arg11[%swap3A_390, %swap3A_391], %swap3A_394 {strides = array<i32>} : memref<128x32xf32, #tpu.memory_space<vmem>>, vector<1x16xf32>,
      %mul3A_395 = arith.constant 8 : i32
      %mul3A_396 = arith.muli %scan3A_203, %mul3A_395 : i32
      %add3A_397 = arith.constant 6 : i32
      %add3A_398 = arith.addi %mul3A_396, %add3A_397 : i32
      %get3A_399 = arith.index_cast %add3A_398 : i32 to index
      %get3A_400 = arith.constant 0 : index
      %get3A_401 = tpu.vector_load %arg11[%get3A_399, %get3A_400] {strides = array<i32>} : memref<128x32xf32, #tpu.memory_space<vmem>>, vector<1x16xf32>,
      %get3A_402 = vector.shape_cast %get3A_401 : vector<1x16xf32> to vector<16xf32>
      %get3A_403 = arith.index_cast %add3A_398 : i32 to index
      %get3A_404 = arith.constant 0 : index
      %get3A_405 = tpu.vector_load %arg12[%get3A_403, %get3A_404] {strides = array<i32>} : memref<128x32xf32, #tpu.memory_space<vmem>>, vector<1x16xf32>,
      %get3A_406 = vector.shape_cast %get3A_405 : vector<1x16xf32> to vector<16xf32>
      %mul3A_407 = arith.mulf %get3A_402, %get3A_406 : vector<16xf32>
      %swap3A_408 = arith.index_cast %add3A_398 : i32 to index
      %swap3A_409 = arith.constant 0 : index
      %swap3A_410 = tpu.vector_load %arg11[%swap3A_408, %swap3A_409] {strides = array<i32>} : memref<128x32xf32, #tpu.memory_space<vmem>>, vector<1x16xf32>,
      %swap3A_411 = vector.shape_cast %swap3A_410 : vector<1x16xf32> to vector<16xf32>
      %swap3A_412 = vector.shape_cast %mul3A_407 : vector<16xf32> to vector<1x16xf32>
      tpu.vector_store %arg11[%swap3A_408, %swap3A_409], %swap3A_412 {strides = array<i32>} : memref<128x32xf32, #tpu.memory_space<vmem>>, vector<1x16xf32>,
      %get3A_413 = arith.index_cast %add3A_398 : i32 to index
      %get3A_414 = arith.constant 16 : index
      %get3A_415 = tpu.vector_load %arg11[%get3A_413, %get3A_414] {strides = array<i32>} : memref<128x32xf32, #tpu.memory_space<vmem>>, vector<1x16xf32>,
      %get3A_416 = vector.shape_cast %get3A_415 : vector<1x16xf32> to vector<16xf32>
      %get3A_417 = arith.index_cast %add3A_398 : i32 to index
      %get3A_418 = arith.constant 16 : index
      %get3A_419 = tpu.vector_load %arg12[%get3A_417, %get3A_418] {strides = array<i32>} : memref<128x32xf32, #tpu.memory_space<vmem>>, vector<1x16xf32>,
      %get3A_420 = vector.shape_cast %get3A_419 : vector<1x16xf32> to vector<16xf32>
      %mul3A_421 = arith.mulf %get3A_416, %get3A_420 : vector<16xf32>
      %swap3A_422 = arith.index_cast %add3A_398 : i32 to index
      %swap3A_423 = arith.constant 16 : index
      %swap3A_424 = tpu.vector_load %arg11[%swap3A_422, %swap3A_423] {strides = array<i32>} : memref<128x32xf32, #tpu.memory_space<vmem>>, vector<1x16xf32>,
      %swap3A_425 = vector.shape_cast %swap3A_424 : vector<1x16xf32> to vector<16xf32>
      %swap3A_426 = vector.shape_cast %mul3A_421 : vector<16xf32> to vector<1x16xf32>
      tpu.vector_store %arg11[%swap3A_422, %swap3A_423], %swap3A_426 {strides = array<i32>} : memref<128x32xf32, #tpu.memory_space<vmem>>, vector<1x16xf32>,
      %mul3A_427 = arith.constant 8 : i32
      %mul3A_428 = arith.muli %scan3A_203, %mul3A_427 : i32
      %add3A_429 = arith.constant 7 : i32
      %add3A_430 = arith.addi %mul3A_428, %add3A_429 : i32
      %get3A_431 = arith.index_cast %add3A_430 : i32 to index
      %get3A_432 = arith.constant 0 : index
      %get3A_433 = tpu.vector_load %arg11[%get3A_431, %get3A_432] {strides = array<i32>} : memref<128x32xf32, #tpu.memory_space<vmem>>, vector<1x16xf32>,
      %get3A_434 = vector.shape_cast %get3A_433 : vector<1x16xf32> to vector<16xf32>
      %get3A_435 = arith.index_cast %add3A_430 : i32 to index
      %get3A_436 = arith.constant 0 : index
      %get3A_437 = tpu.vector_load %arg12[%get3A_435, %get3A_436] {strides = array<i32>} : memref<128x32xf32, #tpu.memory_space<vmem>>, vector<1x16xf32>,
      %get3A_438 = vector.shape_cast %get3A_437 : vector<1x16xf32> to vector<16xf32>
      %mul3A_439 = arith.mulf %get3A_434, %get3A_438 : vector<16xf32>
      %swap3A_440 = arith.index_cast %add3A_430 : i32 to index
      %swap3A_441 = arith.constant 0 : index
      %swap3A_442 = tpu.vector_load %arg11[%swap3A_440, %swap3A_441] {strides = array<i32>} : memref<128x32xf32, #tpu.memory_space<vmem>>, vector<1x16xf32>,
      %swap3A_443 = vector.shape_cast %swap3A_442 : vector<1x16xf32> to vector<16xf32>
      %swap3A_444 = vector.shape_cast %mul3A_439 : vector<16xf32> to vector<1x16xf32>
      tpu.vector_store %arg11[%swap3A_440, %swap3A_441], %swap3A_444 {strides = array<i32>} : memref<128x32xf32, #tpu.memory_space<vmem>>, vector<1x16xf32>,
      %get3A_445 = arith.index_cast %add3A_430 : i32 to index
      %get3A_446 = arith.constant 16 : index
      %get3A_447 = tpu.vector_load %arg11[%get3A_445, %get3A_446] {strides = array<i32>} : memref<128x32xf32, #tpu.memory_space<vmem>>, vector<1x16xf32>,
      %get3A_448 = vector.shape_cast %get3A_447 : vector<1x16xf32> to vector<16xf32>
      %get3A_449 = arith.index_cast %add3A_430 : i32 to index
      %get3A_450 = arith.constant 16 : index
      %get3A_451 = tpu.vector_load %arg12[%get3A_449, %get3A_450] {strides = array<i32>} : memref<128x32xf32, #tpu.memory_space<vmem>>, vector<1x16xf32>,
      %get3A_452 = vector.shape_cast %get3A_451 : vector<1x16xf32> to vector<16xf32>
      %mul3A_453 = arith.mulf %get3A_448, %get3A_452 : vector<16xf32>
      %swap3A_454 = arith.index_cast %add3A_430 : i32 to index
      %swap3A_455 = arith.constant 16 : index
      %swap3A_456 = tpu.vector_load %arg11[%swap3A_454, %swap3A_455] {strides = array<i32>} : memref<128x32xf32, #tpu.memory_space<vmem>>, vector<1x16xf32>,
      %swap3A_457 = vector.shape_cast %swap3A_456 : vector<1x16xf32> to vector<16xf32>
      %swap3A_458 = vector.shape_cast %mul3A_453 : vector<16xf32> to vector<1x16xf32>
      tpu.vector_store %arg11[%swap3A_454, %swap3A_455], %swap3A_458 {strides = array<i32>} : memref<128x32xf32, #tpu.memory_space<vmem>>, vector<1x16xf32>,
      %scan3A_459 = arith.constant 0 : i32
      scf.yield %scan3A_459 : i32
    }
    %scan3A_190 = arith.constant 10 : i32
    %scan3A_191 = arith.constant 0 : i32
    %scan3A_192 = arith.constant 0 : i32
    %scan3A_193 = arith.constant 6 : i32
    %scan3A_194 = arith.addi %scan3A_192, %scan3A_193 : i32
    %scan3A_195 = arith.constant 1 : i32
    %scan3A_196 = scf.for %scan3A_203 = %scan3A_192 to %scan3A_194 step %scan3A_195 iter_args(%scan3A_204 = %scan3A_191) -> (i32)  : i32 {
      %mul3A_205 = arith.constant 8 : i32
      %mul3A_206 = arith.muli %scan3A_203, %mul3A_205 : i32
      %add3A_207 = arith.constant 80 : i32
      %add3A_208 = arith.addi %add3A_207, %mul3A_206 : i32
      %add3A_209 = arith.constant 0 : i32
      %add3A_210 = arith.addi %add3A_208, %add3A_209 : i32
      %broadcast_in_dim3A = arith.constant 0.000000e+00 : f32
      %broadcast_in_dim3A_211 = vector.broadcast %broadcast_in_dim3A : f32 to vector<16xf32>
      %swap3A = arith.index_cast %add3A_210 : i32 to index
      %swap3A_212 = arith.constant 0 : index
      %swap3A_213 = tpu.vector_load %arg11[%swap3A, %swap3A_212] {strides = array<i32>} : memref<128x32xf32, #tpu.memory_space<vmem>>, vector<1x16xf32>,
      %swap3A_214 = vector.shape_cast %swap3A_213 : vector<1x16xf32> to vector<16xf32>
      %swap3A_215 = vector.shape_cast %broadcast_in_dim3A_211 : vector<16xf32> to vector<1x16xf32>
      tpu.vector_store %arg11[%swap3A, %swap3A_212], %swap3A_215 {strides = array<i32>} : memref<128x32xf32, #tpu.memory_space<vmem>>, vector<1x16xf32>,
      %broadcast_in_dim3A_216 = arith.constant 0.000000e+00 : f32
      %broadcast_in_dim3A_217 = vector.broadcast %broadcast_in_dim3A_216 : f32 to vector<16xf32>
      %swap3A_218 = arith.index_cast %add3A_210 : i32 to index
      %swap3A_219 = arith.constant 16 : index
      %swap3A_220 = tpu.vector_load %arg11[%swap3A_218, %swap3A_219] {strides = array<i32>} : memref<128x32xf32, #tpu.memory_space<vmem>>, vector<1x16xf32>,
      %swap3A_221 = vector.shape_cast %swap3A_220 : vector<1x16xf32> to vector<16xf32>
      %swap3A_222 = vector.shape_cast %broadcast_in_dim3A_217 : vector<16xf32> to vector<1x16xf32>
      tpu.vector_store %arg11[%swap3A_218, %swap3A_219], %swap3A_222 {strides = array<i32>} : memref<128x32xf32, #tpu.memory_space<vmem>>, vector<1x16xf32>,
      %mul3A_223 = arith.constant 8 : i32
      %mul3A_224 = arith.muli %scan3A_203, %mul3A_223 : i32
      %add3A_225 = arith.constant 80 : i32
      %add3A_226 = arith.addi %add3A_225, %mul3A_224 : i32
      %add3A_227 = arith.constant 1 : i32
      %add3A_228 = arith.addi %add3A_226, %add3A_227 : i32
      %broadcast_in_dim3A_229 = arith.constant 0.000000e+00 : f32
      %broadcast_in_dim3A_230 = vector.broadcast %broadcast_in_dim3A_229 : f32 to vector<16xf32>
      %swap3A_231 = arith.index_cast %add3A_228 : i32 to index
      %swap3A_232 = arith.constant 0 : index
      %swap3A_233 = tpu.vector_load %arg11[%swap3A_231, %swap3A_232] {strides = array<i32>} : memref<128x32xf32, #tpu.memory_space<vmem>>, vector<1x16xf32>,
      %swap3A_234 = vector.shape_cast %swap3A_233 : vector<1x16xf32> to vector<16xf32>
      %swap3A_235 = vector.shape_cast %broadcast_in_dim3A_230 : vector<16xf32> to vector<1x16xf32>
      tpu.vector_store %arg11[%swap3A_231, %swap3A_232], %swap3A_235 {strides = array<i32>} : memref<128x32xf32, #tpu.memory_space<vmem>>, vector<1x16xf32>,
      %broadcast_in_dim3A_236 = arith.constant 0.000000e+00 : f32
      %broadcast_in_dim3A_237 = vector.broadcast %broadcast_in_dim3A_236 : f32 to vector<16xf32>
      %swap3A_238 = arith.index_cast %add3A_228 : i32 to index
      %swap3A_239 = arith.constant 16 : index
      %swap3A_240 = tpu.vector_load %arg11[%swap3A_238, %swap3A_239] {strides = array<i32>} : memref<128x32xf32, #tpu.memory_space<vmem>>, vector<1x16xf32>,
      %swap3A_241 = vector.shape_cast %swap3A_240 : vector<1x16xf32> to vector<16xf32>
      %swap3A_242 = vector.shape_cast %broadcast_in_dim3A_237 : vector<16xf32> to vector<1x16xf32>
      tpu.vector_store %arg11[%swap3A_238, %swap3A_239], %swap3A_242 {strides = array<i32>} : memref<128x32xf32, #tpu.memory_space<vmem>>, vector<1x16xf32>,
      %mul3A_243 = arith.constant 8 : i32
      %mul3A_244 = arith.muli %scan3A_203, %mul3A_243 : i32
      %add3A_245 = arith.constant 80 : i32
      %add3A_246 = arith.addi %add3A_245, %mul3A_244 : i32
      %add3A_247 = arith.constant 2 : i32
      %add3A_248 = arith.addi %add3A_246, %add3A_247 : i32
      %broadcast_in_dim3A_249 = arith.constant 0.000000e+00 : f32
      %broadcast_in_dim3A_250 = vector.broadcast %broadcast_in_dim3A_249 : f32 to vector<16xf32>
      %swap3A_251 = arith.index_cast %add3A_248 : i32 to index
      %swap3A_252 = arith.constant 0 : index
      %swap3A_253 = tpu.vector_load %arg11[%swap3A_251, %swap3A_252] {strides = array<i32>} : memref<128x32xf32, #tpu.memory_space<vmem>>, vector<1x16xf32>,
      %swap3A_254 = vector.shape_cast %swap3A_253 : vector<1x16xf32> to vector<16xf32>
      %swap3A_255 = vector.shape_cast %broadcast_in_dim3A_250 : vector<16xf32> to vector<1x16xf32>
      tpu.vector_store %arg11[%swap3A_251, %swap3A_252], %swap3A_255 {strides = array<i32>} : memref<128x32xf32, #tpu.memory_space<vmem>>, vector<1x16xf32>,
      %broadcast_in_dim3A_256 = arith.constant 0.000000e+00 : f32
      %broadcast_in_dim3A_257 = vector.broadcast %broadcast_in_dim3A_256 : f32 to vector<16xf32>
      %swap3A_258 = arith.index_cast %add3A_248 : i32 to index
      %swap3A_259 = arith.constant 16 : index
      %swap3A_260 = tpu.vector_load %arg11[%swap3A_258, %swap3A_259] {strides = array<i32>} : memref<128x32xf32, #tpu.memory_space<vmem>>, vector<1x16xf32>,
      %swap3A_261 = vector.shape_cast %swap3A_260 : vector<1x16xf32> to vector<16xf32>
      %swap3A_262 = vector.shape_cast %broadcast_in_dim3A_257 : vector<16xf32> to vector<1x16xf32>
      tpu.vector_store %arg11[%swap3A_258, %swap3A_259], %swap3A_262 {strides = array<i32>} : memref<128x32xf32, #tpu.memory_space<vmem>>, vector<1x16xf32>,
      %mul3A_263 = arith.constant 8 : i32
      %mul3A_264 = arith.muli %scan3A_203, %mul3A_263 : i32
      %add3A_265 = arith.constant 80 : i32
      %add3A_266 = arith.addi %add3A_265, %mul3A_264 : i32
      %add3A_267 = arith.constant 3 : i32
      %add3A_268 = arith.addi %add3A_266, %add3A_267 : i32
      %broadcast_in_dim3A_269 = arith.constant 0.000000e+00 : f32
      %broadcast_in_dim3A_270 = vector.broadcast %broadcast_in_dim3A_269 : f32 to vector<16xf32>
      %swap3A_271 = arith.index_cast %add3A_268 : i32 to index
      %swap3A_272 = arith.constant 0 : index
      %swap3A_273 = tpu.vector_load %arg11[%swap3A_271, %swap3A_272] {strides = array<i32>} : memref<128x32xf32, #tpu.memory_space<vmem>>, vector<1x16xf32>,
      %swap3A_274 = vector.shape_cast %swap3A_273 : vector<1x16xf32> to vector<16xf32>
      %swap3A_275 = vector.shape_cast %broadcast_in_dim3A_270 : vector<16xf32> to vector<1x16xf32>
      tpu.vector_store %arg11[%swap3A_271, %swap3A_272], %swap3A_275 {strides = array<i32>} : memref<128x32xf32, #tpu.memory_space<vmem>>, vector<1x16xf32>,
      %broadcast_in_dim3A_276 = arith.constant 0.000000e+00 : f32
      %broadcast_in_dim3A_277 = vector.broadcast %broadcast_in_dim3A_276 : f32 to vector<16xf32>
      %swap3A_278 = arith.index_cast %add3A_268 : i32 to index
      %swap3A_279 = arith.constant 16 : index
      %swap3A_280 = tpu.vector_load %arg11[%swap3A_278, %swap3A_279] {strides = array<i32>} : memref<128x32xf32, #tpu.memory_space<vmem>>, vector<1x16xf32>,
      %swap3A_281 = vector.shape_cast %swap3A_280 : vector<1x16xf32> to vector<16xf32>
      %swap3A_282 = vector.shape_cast %broadcast_in_dim3A_277 : vector<16xf32> to vector<1x16xf32>
      tpu.vector_store %arg11[%swap3A_278, %swap3A_279], %swap3A_282 {strides = array<i32>} : memref<128x32xf32, #tpu.memory_space<vmem>>, vector<1x16xf32>,
      %mul3A_283 = arith.constant 8 : i32
      %mul3A_284 = arith.muli %scan3A_203, %mul3A_283 : i32
      %add3A_285 = arith.constant 80 : i32
      %add3A_286 = arith.addi %add3A_285, %mul3A_284 : i32
      %add3A_287 = arith.constant 4 : i32
      %add3A_288 = arith.addi %add3A_286, %add3A_287 : i32
      %broadcast_in_dim3A_289 = arith.constant 0.000000e+00 : f32
      %broadcast_in_dim3A_290 = vector.broadcast %broadcast_in_dim3A_289 : f32 to vector<16xf32>
      %swap3A_291 = arith.index_cast %add3A_288 : i32 to index
      %swap3A_292 = arith.constant 0 : index
      %swap3A_293 = tpu.vector_load %arg11[%swap3A_291, %swap3A_292] {strides = array<i32>} : memref<128x32xf32, #tpu.memory_space<vmem>>, vector<1x16xf32>,
      %swap3A_294 = vector.shape_cast %swap3A_293 : vector<1x16xf32> to vector<16xf32>
      %swap3A_295 = vector.shape_cast %broadcast_in_dim3A_290 : vector<16xf32> to vector<1x16xf32>
      tpu.vector_store %arg11[%swap3A_291, %swap3A_292], %swap3A_295 {strides = array<i32>} : memref<128x32xf32, #tpu.memory_space<vmem>>, vector<1x16xf32>,
      %broadcast_in_dim3A_296 = arith.constant 0.000000e+00 : f32
      %broadcast_in_dim3A_297 = vector.broadcast %broadcast_in_dim3A_296 : f32 to vector<16xf32>
      %swap3A_298 = arith.index_cast %add3A_288 : i32 to index
      %swap3A_299 = arith.constant 16 : index
      %swap3A_300 = tpu.vector_load %arg11[%swap3A_298, %swap3A_299] {strides = array<i32>} : memref<128x32xf32, #tpu.memory_space<vmem>>, vector<1x16xf32>,
      %swap3A_301 = vector.shape_cast %swap3A_300 : vector<1x16xf32> to vector<16xf32>
      %swap3A_302 = vector.shape_cast %broadcast_in_dim3A_297 : vector<16xf32> to vector<1x16xf32>
      tpu.vector_store %arg11[%swap3A_298, %swap3A_299], %swap3A_302 {strides = array<i32>} : memref<128x32xf32, #tpu.memory_space<vmem>>, vector<1x16xf32>,
      %mul3A_303 = arith.constant 8 : i32
      %mul3A_304 = arith.muli %scan3A_203, %mul3A_303 : i32
      %add3A_305 = arith.constant 80 : i32
      %add3A_306 = arith.addi %add3A_305, %mul3A_304 : i32
      %add3A_307 = arith.constant 5 : i32
      %add3A_308 = arith.addi %add3A_306, %add3A_307 : i32
      %broadcast_in_dim3A_309 = arith.constant 0.000000e+00 : f32
      %broadcast_in_dim3A_310 = vector.broadcast %broadcast_in_dim3A_309 : f32 to vector<16xf32>
      %swap3A_311 = arith.index_cast %add3A_308 : i32 to index
      %swap3A_312 = arith.constant 0 : index
      %swap3A_313 = tpu.vector_load %arg11[%swap3A_311, %swap3A_312] {strides = array<i32>} : memref<128x32xf32, #tpu.memory_space<vmem>>, vector<1x16xf32>,
      %swap3A_314 = vector.shape_cast %swap3A_313 : vector<1x16xf32> to vector<16xf32>
      %swap3A_315 = vector.shape_cast %broadcast_in_dim3A_310 : vector<16xf32> to vector<1x16xf32>
      tpu.vector_store %arg11[%swap3A_311, %swap3A_312], %swap3A_315 {strides = array<i32>} : memref<128x32xf32, #tpu.memory_space<vmem>>, vector<1x16xf32>,
      %broadcast_in_dim3A_316 = arith.constant 0.000000e+00 : f32
      %broadcast_in_dim3A_317 = vector.broadcast %broadcast_in_dim3A_316 : f32 to vector<16xf32>
      %swap3A_318 = arith.index_cast %add3A_308 : i32 to index
      %swap3A_319 = arith.constant 16 : index
      %swap3A_320 = tpu.vector_load %arg11[%swap3A_318, %swap3A_319] {strides = array<i32>} : memref<128x32xf32, #tpu.memory_space<vmem>>, vector<1x16xf32>,
      %swap3A_321 = vector.shape_cast %swap3A_320 : vector<1x16xf32> to vector<16xf32>
      %swap3A_322 = vector.shape_cast %broadcast_in_dim3A_317 : vector<16xf32> to vector<1x16xf32>
      tpu.vector_store %arg11[%swap3A_318, %swap3A_319], %swap3A_322 {strides = array<i32>} : memref<128x32xf32, #tpu.memory_space<vmem>>, vector<1x16xf32>,
      %mul3A_323 = arith.constant 8 : i32
      %mul3A_324 = arith.muli %scan3A_203, %mul3A_323 : i32
      %add3A_325 = arith.constant 80 : i32
      %add3A_326 = arith.addi %add3A_325, %mul3A_324 : i32
      %add3A_327 = arith.constant 6 : i32
      %add3A_328 = arith.addi %add3A_326, %add3A_327 : i32
      %broadcast_in_dim3A_329 = arith.constant 0.000000e+00 : f32
      %broadcast_in_dim3A_330 = vector.broadcast %broadcast_in_dim3A_329 : f32 to vector<16xf32>
      %swap3A_331 = arith.index_cast %add3A_328 : i32 to index
      %swap3A_332 = arith.constant 0 : index
      %swap3A_333 = tpu.vector_load %arg11[%swap3A_331, %swap3A_332] {strides = array<i32>} : memref<128x32xf32, #tpu.memory_space<vmem>>, vector<1x16xf32>,
      %swap3A_334 = vector.shape_cast %swap3A_333 : vector<1x16xf32> to vector<16xf32>
      %swap3A_335 = vector.shape_cast %broadcast_in_dim3A_330 : vector<16xf32> to vector<1x16xf32>
      tpu.vector_store %arg11[%swap3A_331, %swap3A_332], %swap3A_335 {strides = array<i32>} : memref<128x32xf32, #tpu.memory_space<vmem>>, vector<1x16xf32>,
      %broadcast_in_dim3A_336 = arith.constant 0.000000e+00 : f32
      %broadcast_in_dim3A_337 = vector.broadcast %broadcast_in_dim3A_336 : f32 to vector<16xf32>
      %swap3A_338 = arith.index_cast %add3A_328 : i32 to index
      %swap3A_339 = arith.constant 16 : index
      %swap3A_340 = tpu.vector_load %arg11[%swap3A_338, %swap3A_339] {strides = array<i32>} : memref<128x32xf32, #tpu.memory_space<vmem>>, vector<1x16xf32>,
      %swap3A_341 = vector.shape_cast %swap3A_340 : vector<1x16xf32> to vector<16xf32>
      %swap3A_342 = vector.shape_cast %broadcast_in_dim3A_337 : vector<16xf32> to vector<1x16xf32>
      tpu.vector_store %arg11[%swap3A_338, %swap3A_339], %swap3A_342 {strides = array<i32>} : memref<128x32xf32, #tpu.memory_space<vmem>>, vector<1x16xf32>,
      %mul3A_343 = arith.constant 8 : i32
      %mul3A_344 = arith.muli %scan3A_203, %mul3A_343 : i32
      %add3A_345 = arith.constant 80 : i32
      %add3A_346 = arith.addi %add3A_345, %mul3A_344 : i32
      %add3A_347 = arith.constant 7 : i32
      %add3A_348 = arith.addi %add3A_346, %add3A_347 : i32
      %broadcast_in_dim3A_349 = arith.constant 0.000000e+00 : f32
      %broadcast_in_dim3A_350 = vector.broadcast %broadcast_in_dim3A_349 : f32 to vector<16xf32>
      %swap3A_351 = arith.index_cast %add3A_348 : i32 to index
      %swap3A_352 = arith.constant 0 : index
      %swap3A_353 = tpu.vector_load %arg11[%swap3A_351, %swap3A_352] {strides = array<i32>} : memref<128x32xf32, #tpu.memory_space<vmem>>, vector<1x16xf32>,
      %swap3A_354 = vector.shape_cast %swap3A_353 : vector<1x16xf32> to vector<16xf32>
      %swap3A_355 = vector.shape_cast %broadcast_in_dim3A_350 : vector<16xf32> to vector<1x16xf32>
      tpu.vector_store %arg11[%swap3A_351, %swap3A_352], %swap3A_355 {strides = array<i32>} : memref<128x32xf32, #tpu.memory_space<vmem>>, vector<1x16xf32>,
      %broadcast_in_dim3A_356 = arith.constant 0.000000e+00 : f32
      %broadcast_in_dim3A_357 = vector.broadcast %broadcast_in_dim3A_356 : f32 to vector<16xf32>
      %swap3A_358 = arith.index_cast %add3A_348 : i32 to index
      %swap3A_359 = arith.constant 16 : index
      %swap3A_360 = tpu.vector_load %arg11[%swap3A_358, %swap3A_359] {strides = array<i32>} : memref<128x32xf32, #tpu.memory_space<vmem>>, vector<1x16xf32>,
      %swap3A_361 = vector.shape_cast %swap3A_360 : vector<1x16xf32> to vector<16xf32>
      %swap3A_362 = vector.shape_cast %broadcast_in_dim3A_357 : vector<16xf32> to vector<1x16xf32>
      tpu.vector_store %arg11[%swap3A_358, %swap3A_359], %swap3A_362 {strides = array<i32>} : memref<128x32xf32, #tpu.memory_space<vmem>>, vector<1x16xf32>,
      %scan3A_363 = arith.constant 0 : i32
      scf.yield %scan3A_363 : i32
    }
    %scan3A_197 = arith.constant 6 : i32
    "tpu.region"() ({
      %run_scoped3A = tpu.sem_alloc : memref<!tpu.dma_semaphore, #tpu.memory_space<semaphore_mem>>
      %dma_start3A_203 = arith.constant 0 : i32
      %dma_start3A_204 = arith.constant 0 : i32
      %dma_start3A_205 = tpu.memref_slice %arg8[%dma_start3A_203, %dma_start3A_204] : memref<50000x32xf32, #tpu.memory_space<vmem_shared>> -> memref<50000x32xf32, #tpu.memory_space<vmem_shared>>
      tpu.enqueue_indirect_dma source(%arg11 : memref<128x32xf32, #tpu.memory_space<vmem>>) target(%dma_start3A_205 : memref<50000x32xf32, #tpu.memory_space<vmem_shared>>) offsets(%arg10 : memref<128xi32, #tpu.memory_space<vmem>>) semaphore(%run_scoped3A : memref<!tpu.dma_semaphore, #tpu.memory_space<semaphore_mem>>) {add = true}
      %dma_wait3A_206 = arith.constant 0 : i32
      %dma_wait3A_207 = arith.constant 0 : i32
      %dma_wait3A_208 = tpu.memref_slice %arg8[%dma_wait3A_206, %dma_wait3A_207] : memref<50000x32xf32, #tpu.memory_space<vmem_shared>> -> memref<50000x32xf32, #tpu.memory_space<vmem_shared>>
      tpu.wait_indirect_dma semaphore(%run_scoped3A : memref<!tpu.dma_semaphore, #tpu.memory_space<semaphore_mem>>) src(%arg11 : memref<128x32xf32, #tpu.memory_space<vmem>>) dst(%dma_wait3A_208 : memref<50000x32xf32, #tpu.memory_space<vmem_shared>>)
      tpu.yield
    }) : () -> ()
    %barrier3A_198 = arith.constant 0 : index
    tpu.barrier barrier_id(%barrier3A_198)
    %mul3A_199 = arith.constant 3125 : i32
    %mul3A_200 = arith.muli %arg1, %mul3A_199 : i32
    %mul3A_201 = arith.constant 3125 : i32
    %mul3A_202 = arith.muli %arg1, %mul3A_201 : i32
    "tpu.region"() ({
      %run_scoped3A = tpu.sem_alloc : memref<!tpu.dma_semaphore, #tpu.memory_space<semaphore_mem>>
      %dma_start3A_203 = arith.constant 0 : i32
      %dma_start3A_204 = arith.constant 0 : i32
      %dma_start3A_205 = tpu.memref_slice %arg7[%arg0, %dma_start3A_203, %dma_start3A_204] : memref<2x50000x32xf32, #tpu.memory_space<hbm>> -> memref<1x50000x32xf32, #tpu.memory_space<hbm>>
      %dma_start3A_206 = tpu.memref_squeeze %dma_start3A_205 : memref<1x50000x32xf32, #tpu.memory_space<hbm>> -> memref<50000x32xf32, #tpu.memory_space<hbm>>
      %dma_start3A_207 = arith.constant 0 : i32
      %dma_start3A_208 = tpu.memref_slice %dma_start3A_206[%mul3A_202, %dma_start3A_207] : memref<50000x32xf32, #tpu.memory_space<hbm>> -> memref<3125x32xf32, #tpu.memory_space<hbm>>
      %dma_start3A_209 = arith.constant 0 : i32
      %dma_start3A_210 = tpu.memref_slice %arg8[%mul3A_200, %dma_start3A_209] : memref<50000x32xf32, #tpu.memory_space<vmem_shared>> -> memref<3125x32xf32, #tpu.memory_space<vmem_shared>>
      tpu.enqueue_dma source(%dma_start3A_210 : memref<3125x32xf32, #tpu.memory_space<vmem_shared>>) target(%dma_start3A_208 : memref<3125x32xf32, #tpu.memory_space<hbm>>) target_semaphore(%run_scoped3A : memref<!tpu.dma_semaphore, #tpu.memory_space<semaphore_mem>>)
      %dma_wait3A_211 = arith.constant 0 : i32
      %dma_wait3A_212 = arith.constant 0 : i32
      %dma_wait3A_213 = tpu.memref_slice %arg7[%arg0, %dma_wait3A_211, %dma_wait3A_212] : memref<2x50000x32xf32, #tpu.memory_space<hbm>> -> memref<1x50000x32xf32, #tpu.memory_space<hbm>>
      %dma_wait3A_214 = tpu.memref_squeeze %dma_wait3A_213 : memref<1x50000x32xf32, #tpu.memory_space<hbm>> -> memref<50000x32xf32, #tpu.memory_space<hbm>>
      %dma_wait3A_215 = arith.constant 0 : i32
      %dma_wait3A_216 = tpu.memref_slice %dma_wait3A_214[%mul3A_202, %dma_wait3A_215] : memref<50000x32xf32, #tpu.memory_space<hbm>> -> memref<3125x32xf32, #tpu.memory_space<hbm>>
      %dma_wait3A_217 = arith.constant 0 : i32
      %dma_wait3A_218 = tpu.memref_slice %arg8[%mul3A_200, %dma_wait3A_217] : memref<50000x32xf32, #tpu.memory_space<vmem_shared>> -> memref<3125x32xf32, #tpu.memory_space<vmem_shared>>
      tpu.wait_dma2 semaphore(%run_scoped3A : memref<!tpu.dma_semaphore, #tpu.memory_space<semaphore_mem>>) src(%dma_wait3A_218 : memref<3125x32xf32, #tpu.memory_space<vmem_shared>>) dst(%dma_wait3A_216 : memref<3125x32xf32, #tpu.memory_space<hbm>>)
      tpu.yield
    }) : () -> ()
    return
  }
}

#map = affine_map<(d0, d1) -> (0, 0)>
#map1 = affine_map<(d0, d1) -> (0)>
module attributes {stable_mosaic.version = 14 : i64} {
  func.func @_k2_body(%arg0: i32, %arg1: i32, %arg2: memref<50000x16xf32, #tpu.memory_space<hbm>>, %arg3: memref<800000xi32, #tpu.memory_space<hbm>>, %arg4: memref<800000xi32, #tpu.memory_space<hbm>>, %arg5: memref<800000x16xf32, #tpu.memory_space<hbm>>, %arg6: memref<128xi32, #tpu.memory_space<vmem>>, %arg7: memref<128xi32, #tpu.memory_space<vmem>>, %arg8: memref<128x16xf32, #tpu.memory_space<vmem>>, %arg9: memref<128x16xf32, #tpu.memory_space<vmem>>, %arg10: memref<128xi32, #tpu.memory_space<vmem>>, %arg11: memref<128xi32, #tpu.memory_space<vmem>>, %arg12: memref<128x16xf32, #tpu.memory_space<vmem>>, %arg13: memref<128x16xf32, #tpu.memory_space<vmem>>, %arg14: memref<!tpu.dma_semaphore, #tpu.memory_space<semaphore_mem>>, %arg15: memref<!tpu.dma_semaphore, #tpu.memory_space<semaphore_mem>>, %arg16: memref<!tpu.dma_semaphore, #tpu.memory_space<semaphore_mem>>, %arg17: memref<!tpu.dma_semaphore, #tpu.memory_space<semaphore_mem>>) attributes {dimension_semantics = [#tpu.dimension_semantics<core_parallel>, #tpu.dimension_semantics<subcore_parallel>], iteration_bounds = array<i64: 2, 16>, scalar_prefetch = 0 : i64, scratch_operands = 12 : i64, tpu.core_type = #tpu.core_type<sc_vector_subcore>, window_params = [{transform_indices = #map}, {transform_indices = #map1}, {transform_indices = #map1}, {transform_indices = #map}]} {
    %mul3A = arith.constant 2 : i32
    %mul3A_0 = arith.muli %arg1, %mul3A : i32
    %add3A = arith.addi %mul3A_0, %arg0 : i32
    %mul3A_1 = arith.constant 25000 : i32
    %mul3A_2 = arith.muli %add3A, %mul3A_1 : i32
    %min3A = arith.constant 0 : i32
    %min3A_3 = arith.constant 24872 : i32
    %min3A_4 = arith.minsi %min3A, %min3A_3 : i32
    %add3A_5 = arith.addi %mul3A_2, %min3A_4 : i32
    "tpu.region"() ({
      %run_scoped3A = tpu.sem_alloc : memref<!tpu.dma_semaphore, #tpu.memory_space<semaphore_mem>>
      %dma_start3A_60 = tpu.memref_slice %arg3[%add3A_5] : memref<800000xi32, #tpu.memory_space<hbm>> -> memref<128xi32, #tpu.memory_space<hbm>>
      %dma_start3A_61 = tpu.memref_slice %arg3[%add3A_5] : memref<800000xi32, #tpu.memory_space<hbm>> -> memref<128xi32, #tpu.memory_space<hbm>>
      tpu.enqueue_dma source(%dma_start3A_61 : memref<128xi32, #tpu.memory_space<hbm>>) target(%arg6 : memref<128xi32, #tpu.memory_space<vmem>>) target_semaphore(%run_scoped3A : memref<!tpu.dma_semaphore, #tpu.memory_space<semaphore_mem>>)
      %dma_wait3A_62 = tpu.memref_slice %arg3[%add3A_5] : memref<800000xi32, #tpu.memory_space<hbm>> -> memref<128xi32, #tpu.memory_space<hbm>>
      %dma_wait3A_63 = tpu.memref_slice %arg3[%add3A_5] : memref<800000xi32, #tpu.memory_space<hbm>> -> memref<128xi32, #tpu.memory_space<hbm>>
      tpu.wait_dma2 semaphore(%run_scoped3A : memref<!tpu.dma_semaphore, #tpu.memory_space<semaphore_mem>>) src(%dma_wait3A_63 : memref<128xi32, #tpu.memory_space<hbm>>) dst(%arg6 : memref<128xi32, #tpu.memory_space<vmem>>)
      tpu.yield
    }) : () -> ()
    "tpu.region"() ({
      %run_scoped3A = tpu.sem_alloc : memref<!tpu.dma_semaphore, #tpu.memory_space<semaphore_mem>>
      %dma_start3A_60 = tpu.memref_slice %arg4[%add3A_5] : memref<800000xi32, #tpu.memory_space<hbm>> -> memref<128xi32, #tpu.memory_space<hbm>>
      %dma_start3A_61 = tpu.memref_slice %arg4[%add3A_5] : memref<800000xi32, #tpu.memory_space<hbm>> -> memref<128xi32, #tpu.memory_space<hbm>>
      tpu.enqueue_dma source(%dma_start3A_61 : memref<128xi32, #tpu.memory_space<hbm>>) target(%arg7 : memref<128xi32, #tpu.memory_space<vmem>>) target_semaphore(%run_scoped3A : memref<!tpu.dma_semaphore, #tpu.memory_space<semaphore_mem>>)
      %dma_wait3A_62 = tpu.memref_slice %arg4[%add3A_5] : memref<800000xi32, #tpu.memory_space<hbm>> -> memref<128xi32, #tpu.memory_space<hbm>>
      %dma_wait3A_63 = tpu.memref_slice %arg4[%add3A_5] : memref<800000xi32, #tpu.memory_space<hbm>> -> memref<128xi32, #tpu.memory_space<hbm>>
      tpu.wait_dma2 semaphore(%run_scoped3A : memref<!tpu.dma_semaphore, #tpu.memory_space<semaphore_mem>>) src(%dma_wait3A_63 : memref<128xi32, #tpu.memory_space<hbm>>) dst(%arg7 : memref<128xi32, #tpu.memory_space<vmem>>)
      tpu.yield
    }) : () -> ()
    %dma_start3A = arith.constant 0 : i32
    %dma_start3A_6 = arith.constant 0 : i32
    %dma_start3A_7 = tpu.memref_slice %arg2[%dma_start3A, %dma_start3A_6] : memref<50000x16xf32, #tpu.memory_space<hbm>> -> memref<50000x16xf32, #tpu.memory_space<hbm>>
    tpu.enqueue_indirect_dma source(%dma_start3A_7 : memref<50000x16xf32, #tpu.memory_space<hbm>>) target(%arg8 : memref<128x16xf32, #tpu.memory_space<vmem>>) offsets(%arg6 : memref<128xi32, #tpu.memory_space<vmem>>) semaphore(%arg14 : memref<!tpu.dma_semaphore, #tpu.memory_space<semaphore_mem>>)
    %dma_start3A_8 = arith.constant 0 : i32
    %dma_start3A_9 = arith.constant 0 : i32
    %dma_start3A_10 = tpu.memref_slice %arg2[%dma_start3A_8, %dma_start3A_9] : memref<50000x16xf32, #tpu.memory_space<hbm>> -> memref<50000x16xf32, #tpu.memory_space<hbm>>
    tpu.enqueue_indirect_dma source(%dma_start3A_10 : memref<50000x16xf32, #tpu.memory_space<hbm>>) target(%arg9 : memref<128x16xf32, #tpu.memory_space<vmem>>) offsets(%arg7 : memref<128xi32, #tpu.memory_space<vmem>>) semaphore(%arg15 : memref<!tpu.dma_semaphore, #tpu.memory_space<semaphore_mem>>)
    %min3A_11 = arith.constant 128 : i32
    %min3A_12 = arith.constant 24872 : i32
    %min3A_13 = arith.minsi %min3A_11, %min3A_12 : i32
    %add3A_14 = arith.addi %mul3A_2, %min3A_13 : i32
    "tpu.region"() ({
      %run_scoped3A = tpu.sem_alloc : memref<!tpu.dma_semaphore, #tpu.memory_space<semaphore_mem>>
      %dma_start3A_60 = tpu.memref_slice %arg3[%add3A_14] : memref<800000xi32, #tpu.memory_space<hbm>> -> memref<128xi32, #tpu.memory_space<hbm>>
      %dma_start3A_61 = tpu.memref_slice %arg3[%add3A_14] : memref<800000xi32, #tpu.memory_space<hbm>> -> memref<128xi32, #tpu.memory_space<hbm>>
      tpu.enqueue_dma source(%dma_start3A_61 : memref<128xi32, #tpu.memory_space<hbm>>) target(%arg10 : memref<128xi32, #tpu.memory_space<vmem>>) target_semaphore(%run_scoped3A : memref<!tpu.dma_semaphore, #tpu.memory_space<semaphore_mem>>)
      %dma_wait3A_62 = tpu.memref_slice %arg3[%add3A_14] : memref<800000xi32, #tpu.memory_space<hbm>> -> memref<128xi32, #tpu.memory_space<hbm>>
      %dma_wait3A_63 = tpu.memref_slice %arg3[%add3A_14] : memref<800000xi32, #tpu.memory_space<hbm>> -> memref<128xi32, #tpu.memory_space<hbm>>
      tpu.wait_dma2 semaphore(%run_scoped3A : memref<!tpu.dma_semaphore, #tpu.memory_space<semaphore_mem>>) src(%dma_wait3A_63 : memref<128xi32, #tpu.memory_space<hbm>>) dst(%arg10 : memref<128xi32, #tpu.memory_space<vmem>>)
      tpu.yield
    }) : () -> ()
    "tpu.region"() ({
      %run_scoped3A = tpu.sem_alloc : memref<!tpu.dma_semaphore, #tpu.memory_space<semaphore_mem>>
      %dma_start3A_60 = tpu.memref_slice %arg4[%add3A_14] : memref<800000xi32, #tpu.memory_space<hbm>> -> memref<128xi32, #tpu.memory_space<hbm>>
      %dma_start3A_61 = tpu.memref_slice %arg4[%add3A_14] : memref<800000xi32, #tpu.memory_space<hbm>> -> memref<128xi32, #tpu.memory_space<hbm>>
      tpu.enqueue_dma source(%dma_start3A_61 : memref<128xi32, #tpu.memory_space<hbm>>) target(%arg11 : memref<128xi32, #tpu.memory_space<vmem>>) target_semaphore(%run_scoped3A : memref<!tpu.dma_semaphore, #tpu.memory_space<semaphore_mem>>)
      %dma_wait3A_62 = tpu.memref_slice %arg4[%add3A_14] : memref<800000xi32, #tpu.memory_space<hbm>> -> memref<128xi32, #tpu.memory_space<hbm>>
      %dma_wait3A_63 = tpu.memref_slice %arg4[%add3A_14] : memref<800000xi32, #tpu.memory_space<hbm>> -> memref<128xi32, #tpu.memory_space<hbm>>
      tpu.wait_dma2 semaphore(%run_scoped3A : memref<!tpu.dma_semaphore, #tpu.memory_space<semaphore_mem>>) src(%dma_wait3A_63 : memref<128xi32, #tpu.memory_space<hbm>>) dst(%arg11 : memref<128xi32, #tpu.memory_space<vmem>>)
      tpu.yield
    }) : () -> ()
    %dma_start3A_15 = arith.constant 0 : i32
    %dma_start3A_16 = arith.constant 0 : i32
    %dma_start3A_17 = tpu.memref_slice %arg2[%dma_start3A_15, %dma_start3A_16] : memref<50000x16xf32, #tpu.memory_space<hbm>> -> memref<50000x16xf32, #tpu.memory_space<hbm>>
    tpu.enqueue_indirect_dma source(%dma_start3A_17 : memref<50000x16xf32, #tpu.memory_space<hbm>>) target(%arg12 : memref<128x16xf32, #tpu.memory_space<vmem>>) offsets(%arg10 : memref<128xi32, #tpu.memory_space<vmem>>) semaphore(%arg16 : memref<!tpu.dma_semaphore, #tpu.memory_space<semaphore_mem>>)
    %dma_start3A_18 = arith.constant 0 : i32
    %dma_start3A_19 = arith.constant 0 : i32
    %dma_start3A_20 = tpu.memref_slice %arg2[%dma_start3A_18, %dma_start3A_19] : memref<50000x16xf32, #tpu.memory_space<hbm>> -> memref<50000x16xf32, #tpu.memory_space<hbm>>
    tpu.enqueue_indirect_dma source(%dma_start3A_20 : memref<50000x16xf32, #tpu.memory_space<hbm>>) target(%arg13 : memref<128x16xf32, #tpu.memory_space<vmem>>) offsets(%arg11 : memref<128xi32, #tpu.memory_space<vmem>>) semaphore(%arg17 : memref<!tpu.dma_semaphore, #tpu.memory_space<semaphore_mem>>)
    %scan3A = arith.constant 0 : i32
    %scan3A_21 = arith.constant 0 : i32
    %scan3A_22 = arith.constant 97 : i32
    %scan3A_23 = arith.addi %scan3A_21, %scan3A_22 : i32
    %scan3A_24 = arith.constant 1 : i32
    %scan3A_25 = scf.for %scan3A_60 = %scan3A_21 to %scan3A_23 step %scan3A_24 iter_args(%scan3A_61 = %scan3A) -> (i32)  : i32 {
      %mul3A_62 = arith.constant 2 : i32
      %mul3A_63 = arith.muli %scan3A_60, %mul3A_62 : i32
      %dma_wait3A_64 = arith.constant 0 : i32
      %dma_wait3A_65 = arith.constant 0 : i32
      %dma_wait3A_66 = tpu.memref_slice %arg2[%dma_wait3A_64, %dma_wait3A_65] : memref<50000x16xf32, #tpu.memory_space<hbm>> -> memref<50000x16xf32, #tpu.memory_space<hbm>>
      tpu.wait_indirect_dma semaphore(%arg14 : memref<!tpu.dma_semaphore, #tpu.memory_space<semaphore_mem>>) src(%dma_wait3A_66 : memref<50000x16xf32, #tpu.memory_space<hbm>>) dst(%arg8 : memref<128x16xf32, #tpu.memory_space<vmem>>)
      %dma_wait3A_67 = arith.constant 0 : i32
      %dma_wait3A_68 = arith.constant 0 : i32
      %dma_wait3A_69 = tpu.memref_slice %arg2[%dma_wait3A_67, %dma_wait3A_68] : memref<50000x16xf32, #tpu.memory_space<hbm>> -> memref<50000x16xf32, #tpu.memory_space<hbm>>
      tpu.wait_indirect_dma semaphore(%arg15 : memref<!tpu.dma_semaphore, #tpu.memory_space<semaphore_mem>>) src(%dma_wait3A_69 : memref<50000x16xf32, #tpu.memory_space<hbm>>) dst(%arg9 : memref<128x16xf32, #tpu.memory_space<vmem>>)
      %scan3A_70 = arith.constant 0 : i32
      %scan3A_71 = arith.constant 0 : i32
      %scan3A_72 = arith.constant 16 : i32
      %scan3A_73 = arith.addi %scan3A_71, %scan3A_72 : i32
      %scan3A_74 = arith.constant 1 : i32
      %scan3A_75 = scf.for %scan3A_129 = %scan3A_71 to %scan3A_73 step %scan3A_74 iter_args(%scan3A_130 = %scan3A_70) -> (i32)  : i32 {
        %mul3A_131 = arith.constant 8 : i32
        %mul3A_132 = arith.muli %scan3A_129, %mul3A_131 : i32
        %add3A_133 = arith.constant 0 : i32
        %add3A_134 = arith.addi %mul3A_132, %add3A_133 : i32
        %get3A = arith.index_cast %add3A_134 : i32 to index
        %get3A_135 = arith.constant 0 : index
        %get3A_136 = tpu.vector_load %arg8[%get3A, %get3A_135] {strides = array<i32>} : memref<128x16xf32, #tpu.memory_space<vmem>>, vector<1x16xf32>,
        %get3A_137 = vector.shape_cast %get3A_136 : vector<1x16xf32> to vector<16xf32>
        %get3A_138 = arith.index_cast %add3A_134 : i32 to index
        %get3A_139 = arith.constant 0 : index
        %get3A_140 = tpu.vector_load %arg9[%get3A_138, %get3A_139] {strides = array<i32>} : memref<128x16xf32, #tpu.memory_space<vmem>>, vector<1x16xf32>,
        %get3A_141 = vector.shape_cast %get3A_140 : vector<1x16xf32> to vector<16xf32>
        %sub3A = arith.subf %get3A_137, %get3A_141 : vector<16xf32>
        %swap3A = arith.index_cast %add3A_134 : i32 to index
        %swap3A_142 = arith.constant 0 : index
        %swap3A_143 = tpu.vector_load %arg8[%swap3A, %swap3A_142] {strides = array<i32>} : memref<128x16xf32, #tpu.memory_space<vmem>>, vector<1x16xf32>,
        %swap3A_144 = vector.shape_cast %swap3A_143 : vector<1x16xf32> to vector<16xf32>
        %swap3A_145 = vector.shape_cast %sub3A : vector<16xf32> to vector<1x16xf32>
        tpu.vector_store %arg8[%swap3A, %swap3A_142], %swap3A_145 {strides = array<i32>} : memref<128x16xf32, #tpu.memory_space<vmem>>, vector<1x16xf32>,
        %mul3A_146 = arith.constant 8 : i32
        %mul3A_147 = arith.muli %scan3A_129, %mul3A_146 : i32
        %add3A_148 = arith.constant 1 : i32
        %add3A_149 = arith.addi %mul3A_147, %add3A_148 : i32
        %get3A_150 = arith.index_cast %add3A_149 : i32 to index
        %get3A_151 = arith.constant 0 : index
        %get3A_152 = tpu.vector_load %arg8[%get3A_150, %get3A_151] {strides = array<i32>} : memref<128x16xf32, #tpu.memory_space<vmem>>, vector<1x16xf32>,
        %get3A_153 = vector.shape_cast %get3A_152 : vector<1x16xf32> to vector<16xf32>
        %get3A_154 = arith.index_cast %add3A_149 : i32 to index
        %get3A_155 = arith.constant 0 : index
        %get3A_156 = tpu.vector_load %arg9[%get3A_154, %get3A_155] {strides = array<i32>} : memref<128x16xf32, #tpu.memory_space<vmem>>, vector<1x16xf32>,
        %get3A_157 = vector.shape_cast %get3A_156 : vector<1x16xf32> to vector<16xf32>
        %sub3A_158 = arith.subf %get3A_153, %get3A_157 : vector<16xf32>
        %swap3A_159 = arith.index_cast %add3A_149 : i32 to index
        %swap3A_160 = arith.constant 0 : index
        %swap3A_161 = tpu.vector_load %arg8[%swap3A_159, %swap3A_160] {strides = array<i32>} : memref<128x16xf32, #tpu.memory_space<vmem>>, vector<1x16xf32>,
        %swap3A_162 = vector.shape_cast %swap3A_161 : vector<1x16xf32> to vector<16xf32>
        %swap3A_163 = vector.shape_cast %sub3A_158 : vector<16xf32> to vector<1x16xf32>
        tpu.vector_store %arg8[%swap3A_159, %swap3A_160], %swap3A_163 {strides = array<i32>} : memref<128x16xf32, #tpu.memory_space<vmem>>, vector<1x16xf32>,
        %mul3A_164 = arith.constant 8 : i32
        %mul3A_165 = arith.muli %scan3A_129, %mul3A_164 : i32
        %add3A_166 = arith.constant 2 : i32
        %add3A_167 = arith.addi %mul3A_165, %add3A_166 : i32
        %get3A_168 = arith.index_cast %add3A_167 : i32 to index
        %get3A_169 = arith.constant 0 : index
        %get3A_170 = tpu.vector_load %arg8[%get3A_168, %get3A_169] {strides = array<i32>} : memref<128x16xf32, #tpu.memory_space<vmem>>, vector<1x16xf32>,
        %get3A_171 = vector.shape_cast %get3A_170 : vector<1x16xf32> to vector<16xf32>
        %get3A_172 = arith.index_cast %add3A_167 : i32 to index
        %get3A_173 = arith.constant 0 : index
        %get3A_174 = tpu.vector_load %arg9[%get3A_172, %get3A_173] {strides = array<i32>} : memref<128x16xf32, #tpu.memory_space<vmem>>, vector<1x16xf32>,
        %get3A_175 = vector.shape_cast %get3A_174 : vector<1x16xf32> to vector<16xf32>
        %sub3A_176 = arith.subf %get3A_171, %get3A_175 : vector<16xf32>
        %swap3A_177 = arith.index_cast %add3A_167 : i32 to index
        %swap3A_178 = arith.constant 0 : index
        %swap3A_179 = tpu.vector_load %arg8[%swap3A_177, %swap3A_178] {strides = array<i32>} : memref<128x16xf32, #tpu.memory_space<vmem>>, vector<1x16xf32>,
        %swap3A_180 = vector.shape_cast %swap3A_179 : vector<1x16xf32> to vector<16xf32>
        %swap3A_181 = vector.shape_cast %sub3A_176 : vector<16xf32> to vector<1x16xf32>
        tpu.vector_store %arg8[%swap3A_177, %swap3A_178], %swap3A_181 {strides = array<i32>} : memref<128x16xf32, #tpu.memory_space<vmem>>, vector<1x16xf32>,
        %mul3A_182 = arith.constant 8 : i32
        %mul3A_183 = arith.muli %scan3A_129, %mul3A_182 : i32
        %add3A_184 = arith.constant 3 : i32
        %add3A_185 = arith.addi %mul3A_183, %add3A_184 : i32
        %get3A_186 = arith.index_cast %add3A_185 : i32 to index
        %get3A_187 = arith.constant 0 : index
        %get3A_188 = tpu.vector_load %arg8[%get3A_186, %get3A_187] {strides = array<i32>} : memref<128x16xf32, #tpu.memory_space<vmem>>, vector<1x16xf32>,
        %get3A_189 = vector.shape_cast %get3A_188 : vector<1x16xf32> to vector<16xf32>
        %get3A_190 = arith.index_cast %add3A_185 : i32 to index
        %get3A_191 = arith.constant 0 : index
        %get3A_192 = tpu.vector_load %arg9[%get3A_190, %get3A_191] {strides = array<i32>} : memref<128x16xf32, #tpu.memory_space<vmem>>, vector<1x16xf32>,
        %get3A_193 = vector.shape_cast %get3A_192 : vector<1x16xf32> to vector<16xf32>
        %sub3A_194 = arith.subf %get3A_189, %get3A_193 : vector<16xf32>
        %swap3A_195 = arith.index_cast %add3A_185 : i32 to index
        %swap3A_196 = arith.constant 0 : index
        %swap3A_197 = tpu.vector_load %arg8[%swap3A_195, %swap3A_196] {strides = array<i32>} : memref<128x16xf32, #tpu.memory_space<vmem>>, vector<1x16xf32>,
        %swap3A_198 = vector.shape_cast %swap3A_197 : vector<1x16xf32> to vector<16xf32>
        %swap3A_199 = vector.shape_cast %sub3A_194 : vector<16xf32> to vector<1x16xf32>
        tpu.vector_store %arg8[%swap3A_195, %swap3A_196], %swap3A_199 {strides = array<i32>} : memref<128x16xf32, #tpu.memory_space<vmem>>, vector<1x16xf32>,
        %mul3A_200 = arith.constant 8 : i32
        %mul3A_201 = arith.muli %scan3A_129, %mul3A_200 : i32
        %add3A_202 = arith.constant 4 : i32
        %add3A_203 = arith.addi %mul3A_201, %add3A_202 : i32
        %get3A_204 = arith.index_cast %add3A_203 : i32 to index
        %get3A_205 = arith.constant 0 : index
        %get3A_206 = tpu.vector_load %arg8[%get3A_204, %get3A_205] {strides = array<i32>} : memref<128x16xf32, #tpu.memory_space<vmem>>, vector<1x16xf32>,
        %get3A_207 = vector.shape_cast %get3A_206 : vector<1x16xf32> to vector<16xf32>
        %get3A_208 = arith.index_cast %add3A_203 : i32 to index
        %get3A_209 = arith.constant 0 : index
        %get3A_210 = tpu.vector_load %arg9[%get3A_208, %get3A_209] {strides = array<i32>} : memref<128x16xf32, #tpu.memory_space<vmem>>, vector<1x16xf32>,
        %get3A_211 = vector.shape_cast %get3A_210 : vector<1x16xf32> to vector<16xf32>
        %sub3A_212 = arith.subf %get3A_207, %get3A_211 : vector<16xf32>
        %swap3A_213 = arith.index_cast %add3A_203 : i32 to index
        %swap3A_214 = arith.constant 0 : index
        %swap3A_215 = tpu.vector_load %arg8[%swap3A_213, %swap3A_214] {strides = array<i32>} : memref<128x16xf32, #tpu.memory_space<vmem>>, vector<1x16xf32>,
        %swap3A_216 = vector.shape_cast %swap3A_215 : vector<1x16xf32> to vector<16xf32>
        %swap3A_217 = vector.shape_cast %sub3A_212 : vector<16xf32> to vector<1x16xf32>
        tpu.vector_store %arg8[%swap3A_213, %swap3A_214], %swap3A_217 {strides = array<i32>} : memref<128x16xf32, #tpu.memory_space<vmem>>, vector<1x16xf32>,
        %mul3A_218 = arith.constant 8 : i32
        %mul3A_219 = arith.muli %scan3A_129, %mul3A_218 : i32
        %add3A_220 = arith.constant 5 : i32
        %add3A_221 = arith.addi %mul3A_219, %add3A_220 : i32
        %get3A_222 = arith.index_cast %add3A_221 : i32 to index
        %get3A_223 = arith.constant 0 : index
        %get3A_224 = tpu.vector_load %arg8[%get3A_222, %get3A_223] {strides = array<i32>} : memref<128x16xf32, #tpu.memory_space<vmem>>, vector<1x16xf32>,
        %get3A_225 = vector.shape_cast %get3A_224 : vector<1x16xf32> to vector<16xf32>
        %get3A_226 = arith.index_cast %add3A_221 : i32 to index
        %get3A_227 = arith.constant 0 : index
        %get3A_228 = tpu.vector_load %arg9[%get3A_226, %get3A_227] {strides = array<i32>} : memref<128x16xf32, #tpu.memory_space<vmem>>, vector<1x16xf32>,
        %get3A_229 = vector.shape_cast %get3A_228 : vector<1x16xf32> to vector<16xf32>
        %sub3A_230 = arith.subf %get3A_225, %get3A_229 : vector<16xf32>
        %swap3A_231 = arith.index_cast %add3A_221 : i32 to index
        %swap3A_232 = arith.constant 0 : index
        %swap3A_233 = tpu.vector_load %arg8[%swap3A_231, %swap3A_232] {strides = array<i32>} : memref<128x16xf32, #tpu.memory_space<vmem>>, vector<1x16xf32>,
        %swap3A_234 = vector.shape_cast %swap3A_233 : vector<1x16xf32> to vector<16xf32>
        %swap3A_235 = vector.shape_cast %sub3A_230 : vector<16xf32> to vector<1x16xf32>
        tpu.vector_store %arg8[%swap3A_231, %swap3A_232], %swap3A_235 {strides = array<i32>} : memref<128x16xf32, #tpu.memory_space<vmem>>, vector<1x16xf32>,
        %mul3A_236 = arith.constant 8 : i32
        %mul3A_237 = arith.muli %scan3A_129, %mul3A_236 : i32
        %add3A_238 = arith.constant 6 : i32
        %add3A_239 = arith.addi %mul3A_237, %add3A_238 : i32
        %get3A_240 = arith.index_cast %add3A_239 : i32 to index
        %get3A_241 = arith.constant 0 : index
        %get3A_242 = tpu.vector_load %arg8[%get3A_240, %get3A_241] {strides = array<i32>} : memref<128x16xf32, #tpu.memory_space<vmem>>, vector<1x16xf32>,
        %get3A_243 = vector.shape_cast %get3A_242 : vector<1x16xf32> to vector<16xf32>
        %get3A_244 = arith.index_cast %add3A_239 : i32 to index
        %get3A_245 = arith.constant 0 : index
        %get3A_246 = tpu.vector_load %arg9[%get3A_244, %get3A_245] {strides = array<i32>} : memref<128x16xf32, #tpu.memory_space<vmem>>, vector<1x16xf32>,
        %get3A_247 = vector.shape_cast %get3A_246 : vector<1x16xf32> to vector<16xf32>
        %sub3A_248 = arith.subf %get3A_243, %get3A_247 : vector<16xf32>
        %swap3A_249 = arith.index_cast %add3A_239 : i32 to index
        %swap3A_250 = arith.constant 0 : index
        %swap3A_251 = tpu.vector_load %arg8[%swap3A_249, %swap3A_250] {strides = array<i32>} : memref<128x16xf32, #tpu.memory_space<vmem>>, vector<1x16xf32>,
        %swap3A_252 = vector.shape_cast %swap3A_251 : vector<1x16xf32> to vector<16xf32>
        %swap3A_253 = vector.shape_cast %sub3A_248 : vector<16xf32> to vector<1x16xf32>
        tpu.vector_store %arg8[%swap3A_249, %swap3A_250], %swap3A_253 {strides = array<i32>} : memref<128x16xf32, #tpu.memory_space<vmem>>, vector<1x16xf32>,
        %mul3A_254 = arith.constant 8 : i32
        %mul3A_255 = arith.muli %scan3A_129, %mul3A_254 : i32
        %add3A_256 = arith.constant 7 : i32
        %add3A_257 = arith.addi %mul3A_255, %add3A_256 : i32
        %get3A_258 = arith.index_cast %add3A_257 : i32 to index
        %get3A_259 = arith.constant 0 : index
        %get3A_260 = tpu.vector_load %arg8[%get3A_258, %get3A_259] {strides = array<i32>} : memref<128x16xf32, #tpu.memory_space<vmem>>, vector<1x16xf32>,
        %get3A_261 = vector.shape_cast %get3A_260 : vector<1x16xf32> to vector<16xf32>
        %get3A_262 = arith.index_cast %add3A_257 : i32 to index
        %get3A_263 = arith.constant 0 : index
        %get3A_264 = tpu.vector_load %arg9[%get3A_262, %get3A_263] {strides = array<i32>} : memref<128x16xf32, #tpu.memory_space<vmem>>, vector<1x16xf32>,
        %get3A_265 = vector.shape_cast %get3A_264 : vector<1x16xf32> to vector<16xf32>
        %sub3A_266 = arith.subf %get3A_261, %get3A_265 : vector<16xf32>
        %swap3A_267 = arith.index_cast %add3A_257 : i32 to index
        %swap3A_268 = arith.constant 0 : index
        %swap3A_269 = tpu.vector_load %arg8[%swap3A_267, %swap3A_268] {strides = array<i32>} : memref<128x16xf32, #tpu.memory_space<vmem>>, vector<1x16xf32>,
        %swap3A_270 = vector.shape_cast %swap3A_269 : vector<1x16xf32> to vector<16xf32>
        %swap3A_271 = vector.shape_cast %sub3A_266 : vector<16xf32> to vector<1x16xf32>
        tpu.vector_store %arg8[%swap3A_267, %swap3A_268], %swap3A_271 {strides = array<i32>} : memref<128x16xf32, #tpu.memory_space<vmem>>, vector<1x16xf32>,
        %scan3A_272 = arith.constant 0 : i32
        scf.yield %scan3A_272 : i32
      }
      %scan3A_76 = arith.constant 16 : i32
      %mul3A_77 = arith.constant 128 : i32
      %mul3A_78 = arith.muli %mul3A_63, %mul3A_77 : i32
      %min3A_79 = arith.constant 24872 : i32
      %min3A_80 = arith.minsi %mul3A_78, %min3A_79 : i32
      %add3A_81 = arith.addi %mul3A_2, %min3A_80 : i32
      "tpu.region"() ({
        %run_scoped3A = tpu.sem_alloc : memref<!tpu.dma_semaphore, #tpu.memory_space<semaphore_mem>>
        %dma_start3A_129 = arith.constant 0 : i32
        %dma_start3A_130 = tpu.memref_slice %arg5[%add3A_81, %dma_start3A_129] : memref<800000x16xf32, #tpu.memory_space<hbm>> -> memref<128x16xf32, #tpu.memory_space<hbm>>
        %dma_start3A_131 = arith.constant 0 : i32
        %dma_start3A_132 = tpu.memref_slice %arg5[%add3A_81, %dma_start3A_131] : memref<800000x16xf32, #tpu.memory_space<hbm>> -> memref<128x16xf32, #tpu.memory_space<hbm>>
        tpu.enqueue_dma source(%arg8 : memref<128x16xf32, #tpu.memory_space<vmem>>) target(%dma_start3A_132 : memref<128x16xf32, #tpu.memory_space<hbm>>) target_semaphore(%run_scoped3A : memref<!tpu.dma_semaphore, #tpu.memory_space<semaphore_mem>>)
        %dma_wait3A_133 = arith.constant 0 : i32
        %dma_wait3A_134 = tpu.memref_slice %arg5[%add3A_81, %dma_wait3A_133] : memref<800000x16xf32, #tpu.memory_space<hbm>> -> memref<128x16xf32, #tpu.memory_space<hbm>>
        %dma_wait3A_135 = arith.constant 0 : i32
        %dma_wait3A_136 = tpu.memref_slice %arg5[%add3A_81, %dma_wait3A_135] : memref<800000x16xf32, #tpu.memory_space<hbm>> -> memref<128x16xf32, #tpu.memory_space<hbm>>
        tpu.wait_dma2 semaphore(%run_scoped3A : memref<!tpu.dma_semaphore, #tpu.memory_space<semaphore_mem>>) src(%arg8 : memref<128x16xf32, #tpu.memory_space<vmem>>) dst(%dma_wait3A_136 : memref<128x16xf32, #tpu.memory_space<hbm>>)
        tpu.yield
      }) : () -> ()
      %add3A_82 = arith.constant 2 : i32
      %add3A_83 = arith.addi %mul3A_63, %add3A_82 : i32
      %mul3A_84 = arith.constant 128 : i32
      %mul3A_85 = arith.muli %add3A_83, %mul3A_84 : i32
      %min3A_86 = arith.constant 24872 : i32
      %min3A_87 = arith.minsi %mul3A_85, %min3A_86 : i32
      %add3A_88 = arith.addi %mul3A_2, %min3A_87 : i32
      "tpu.region"() ({
        %run_scoped3A = tpu.sem_alloc : memref<!tpu.dma_semaphore, #tpu.memory_space<semaphore_mem>>
        %dma_start3A_129 = tpu.memref_slice %arg3[%add3A_88] : memref<800000xi32, #tpu.memory_space<hbm>> -> memref<128xi32, #tpu.memory_space<hbm>>
        %dma_start3A_130 = tpu.memref_slice %arg3[%add3A_88] : memref<800000xi32, #tpu.memory_space<hbm>> -> memref<128xi32, #tpu.memory_space<hbm>>
        tpu.enqueue_dma source(%dma_start3A_130 : memref<128xi32, #tpu.memory_space<hbm>>) target(%arg6 : memref<128xi32, #tpu.memory_space<vmem>>) target_semaphore(%run_scoped3A : memref<!tpu.dma_semaphore, #tpu.memory_space<semaphore_mem>>)
        %dma_wait3A_131 = tpu.memref_slice %arg3[%add3A_88] : memref<800000xi32, #tpu.memory_space<hbm>> -> memref<128xi32, #tpu.memory_space<hbm>>
        %dma_wait3A_132 = tpu.memref_slice %arg3[%add3A_88] : memref<800000xi32, #tpu.memory_space<hbm>> -> memref<128xi32, #tpu.memory_space<hbm>>
        tpu.wait_dma2 semaphore(%run_scoped3A : memref<!tpu.dma_semaphore, #tpu.memory_space<semaphore_mem>>) src(%dma_wait3A_132 : memref<128xi32, #tpu.memory_space<hbm>>) dst(%arg6 : memref<128xi32, #tpu.memory_space<vmem>>)
        tpu.yield
      }) : () -> ()
      "tpu.region"() ({
        %run_scoped3A = tpu.sem_alloc : memref<!tpu.dma_semaphore, #tpu.memory_space<semaphore_mem>>
        %dma_start3A_129 = tpu.memref_slice %arg4[%add3A_88] : memref<800000xi32, #tpu.memory_space<hbm>> -> memref<128xi32, #tpu.memory_space<hbm>>
        %dma_start3A_130 = tpu.memref_slice %arg4[%add3A_88] : memref<800000xi32, #tpu.memory_space<hbm>> -> memref<128xi32, #tpu.memory_space<hbm>>
        tpu.enqueue_dma source(%dma_start3A_130 : memref<128xi32, #tpu.memory_space<hbm>>) target(%arg7 : memref<128xi32, #tpu.memory_space<vmem>>) target_semaphore(%run_scoped3A : memref<!tpu.dma_semaphore, #tpu.memory_space<semaphore_mem>>)
        %dma_wait3A_131 = tpu.memref_slice %arg4[%add3A_88] : memref<800000xi32, #tpu.memory_space<hbm>> -> memref<128xi32, #tpu.memory_space<hbm>>
        %dma_wait3A_132 = tpu.memref_slice %arg4[%add3A_88] : memref<800000xi32, #tpu.memory_space<hbm>> -> memref<128xi32, #tpu.memory_space<hbm>>
        tpu.wait_dma2 semaphore(%run_scoped3A : memref<!tpu.dma_semaphore, #tpu.memory_space<semaphore_mem>>) src(%dma_wait3A_132 : memref<128xi32, #tpu.memory_space<hbm>>) dst(%arg7 : memref<128xi32, #tpu.memory_space<vmem>>)
        tpu.yield
      }) : () -> ()
      %dma_start3A_89 = arith.constant 0 : i32
      %dma_start3A_90 = arith.constant 0 : i32
      %dma_start3A_91 = tpu.memref_slice %arg2[%dma_start3A_89, %dma_start3A_90] : memref<50000x16xf32, #tpu.memory_space<hbm>> -> memref<50000x16xf32, #tpu.memory_space<hbm>>
      tpu.enqueue_indirect_dma source(%dma_start3A_91 : memref<50000x16xf32, #tpu.memory_space<hbm>>) target(%arg8 : memref<128x16xf32, #tpu.memory_space<vmem>>) offsets(%arg6 : memref<128xi32, #tpu.memory_space<vmem>>) semaphore(%arg14 : memref<!tpu.dma_semaphore, #tpu.memory_space<semaphore_mem>>)
      %dma_start3A_92 = arith.constant 0 : i32
      %dma_start3A_93 = arith.constant 0 : i32
      %dma_start3A_94 = tpu.memref_slice %arg2[%dma_start3A_92, %dma_start3A_93] : memref<50000x16xf32, #tpu.memory_space<hbm>> -> memref<50000x16xf32, #tpu.memory_space<hbm>>
      tpu.enqueue_indirect_dma source(%dma_start3A_94 : memref<50000x16xf32, #tpu.memory_space<hbm>>) target(%arg9 : memref<128x16xf32, #tpu.memory_space<vmem>>) offsets(%arg7 : memref<128xi32, #tpu.memory_space<vmem>>) semaphore(%arg15 : memref<!tpu.dma_semaphore, #tpu.memory_space<semaphore_mem>>)
      %add3A_95 = arith.constant 1 : i32
      %add3A_96 = arith.addi %mul3A_63, %add3A_95 : i32
      %dma_wait3A_97 = arith.constant 0 : i32
      %dma_wait3A_98 = arith.constant 0 : i32
      %dma_wait3A_99 = tpu.memref_slice %arg2[%dma_wait3A_97, %dma_wait3A_98] : memref<50000x16xf32, #tpu.memory_space<hbm>> -> memref<50000x16xf32, #tpu.memory_space<hbm>>
      tpu.wait_indirect_dma semaphore(%arg16 : memref<!tpu.dma_semaphore, #tpu.memory_space<semaphore_mem>>) src(%dma_wait3A_99 : memref<50000x16xf32, #tpu.memory_space<hbm>>) dst(%arg12 : memref<128x16xf32, #tpu.memory_space<vmem>>)
      %dma_wait3A_100 = arith.constant 0 : i32
      %dma_wait3A_101 = arith.constant 0 : i32
      %dma_wait3A_102 = tpu.memref_slice %arg2[%dma_wait3A_100, %dma_wait3A_101] : memref<50000x16xf32, #tpu.memory_space<hbm>> -> memref<50000x16xf32, #tpu.memory_space<hbm>>
      tpu.wait_indirect_dma semaphore(%arg17 : memref<!tpu.dma_semaphore, #tpu.memory_space<semaphore_mem>>) src(%dma_wait3A_102 : memref<50000x16xf32, #tpu.memory_space<hbm>>) dst(%arg13 : memref<128x16xf32, #tpu.memory_space<vmem>>)
      %scan3A_103 = arith.constant 0 : i32
      %scan3A_104 = arith.constant 0 : i32
      %scan3A_105 = arith.constant 16 : i32
      %scan3A_106 = arith.addi %scan3A_104, %scan3A_105 : i32
      %scan3A_107 = arith.constant 1 : i32
      %scan3A_108 = scf.for %scan3A_129 = %scan3A_104 to %scan3A_106 step %scan3A_107 iter_args(%scan3A_130 = %scan3A_103) -> (i32)  : i32 {
        %mul3A_131 = arith.constant 8 : i32
        %mul3A_132 = arith.muli %scan3A_129, %mul3A_131 : i32
        %add3A_133 = arith.constant 0 : i32
        %add3A_134 = arith.addi %mul3A_132, %add3A_133 : i32
        %get3A = arith.index_cast %add3A_134 : i32 to index
        %get3A_135 = arith.constant 0 : index
        %get3A_136 = tpu.vector_load %arg12[%get3A, %get3A_135] {strides = array<i32>} : memref<128x16xf32, #tpu.memory_space<vmem>>, vector<1x16xf32>,
        %get3A_137 = vector.shape_cast %get3A_136 : vector<1x16xf32> to vector<16xf32>
        %get3A_138 = arith.index_cast %add3A_134 : i32 to index
        %get3A_139 = arith.constant 0 : index
        %get3A_140 = tpu.vector_load %arg13[%get3A_138, %get3A_139] {strides = array<i32>} : memref<128x16xf32, #tpu.memory_space<vmem>>, vector<1x16xf32>,
        %get3A_141 = vector.shape_cast %get3A_140 : vector<1x16xf32> to vector<16xf32>
        %sub3A = arith.subf %get3A_137, %get3A_141 : vector<16xf32>
        %swap3A = arith.index_cast %add3A_134 : i32 to index
        %swap3A_142 = arith.constant 0 : index
        %swap3A_143 = tpu.vector_load %arg12[%swap3A, %swap3A_142] {strides = array<i32>} : memref<128x16xf32, #tpu.memory_space<vmem>>, vector<1x16xf32>,
        %swap3A_144 = vector.shape_cast %swap3A_143 : vector<1x16xf32> to vector<16xf32>
        %swap3A_145 = vector.shape_cast %sub3A : vector<16xf32> to vector<1x16xf32>
        tpu.vector_store %arg12[%swap3A, %swap3A_142], %swap3A_145 {strides = array<i32>} : memref<128x16xf32, #tpu.memory_space<vmem>>, vector<1x16xf32>,
        %mul3A_146 = arith.constant 8 : i32
        %mul3A_147 = arith.muli %scan3A_129, %mul3A_146 : i32
        %add3A_148 = arith.constant 1 : i32
        %add3A_149 = arith.addi %mul3A_147, %add3A_148 : i32
        %get3A_150 = arith.index_cast %add3A_149 : i32 to index
        %get3A_151 = arith.constant 0 : index
        %get3A_152 = tpu.vector_load %arg12[%get3A_150, %get3A_151] {strides = array<i32>} : memref<128x16xf32, #tpu.memory_space<vmem>>, vector<1x16xf32>,
        %get3A_153 = vector.shape_cast %get3A_152 : vector<1x16xf32> to vector<16xf32>
        %get3A_154 = arith.index_cast %add3A_149 : i32 to index
        %get3A_155 = arith.constant 0 : index
        %get3A_156 = tpu.vector_load %arg13[%get3A_154, %get3A_155] {strides = array<i32>} : memref<128x16xf32, #tpu.memory_space<vmem>>, vector<1x16xf32>,
        %get3A_157 = vector.shape_cast %get3A_156 : vector<1x16xf32> to vector<16xf32>
        %sub3A_158 = arith.subf %get3A_153, %get3A_157 : vector<16xf32>
        %swap3A_159 = arith.index_cast %add3A_149 : i32 to index
        %swap3A_160 = arith.constant 0 : index
        %swap3A_161 = tpu.vector_load %arg12[%swap3A_159, %swap3A_160] {strides = array<i32>} : memref<128x16xf32, #tpu.memory_space<vmem>>, vector<1x16xf32>,
        %swap3A_162 = vector.shape_cast %swap3A_161 : vector<1x16xf32> to vector<16xf32>
        %swap3A_163 = vector.shape_cast %sub3A_158 : vector<16xf32> to vector<1x16xf32>
        tpu.vector_store %arg12[%swap3A_159, %swap3A_160], %swap3A_163 {strides = array<i32>} : memref<128x16xf32, #tpu.memory_space<vmem>>, vector<1x16xf32>,
        %mul3A_164 = arith.constant 8 : i32
        %mul3A_165 = arith.muli %scan3A_129, %mul3A_164 : i32
        %add3A_166 = arith.constant 2 : i32
        %add3A_167 = arith.addi %mul3A_165, %add3A_166 : i32
        %get3A_168 = arith.index_cast %add3A_167 : i32 to index
        %get3A_169 = arith.constant 0 : index
        %get3A_170 = tpu.vector_load %arg12[%get3A_168, %get3A_169] {strides = array<i32>} : memref<128x16xf32, #tpu.memory_space<vmem>>, vector<1x16xf32>,
        %get3A_171 = vector.shape_cast %get3A_170 : vector<1x16xf32> to vector<16xf32>
        %get3A_172 = arith.index_cast %add3A_167 : i32 to index
        %get3A_173 = arith.constant 0 : index
        %get3A_174 = tpu.vector_load %arg13[%get3A_172, %get3A_173] {strides = array<i32>} : memref<128x16xf32, #tpu.memory_space<vmem>>, vector<1x16xf32>,
        %get3A_175 = vector.shape_cast %get3A_174 : vector<1x16xf32> to vector<16xf32>
        %sub3A_176 = arith.subf %get3A_171, %get3A_175 : vector<16xf32>
        %swap3A_177 = arith.index_cast %add3A_167 : i32 to index
        %swap3A_178 = arith.constant 0 : index
        %swap3A_179 = tpu.vector_load %arg12[%swap3A_177, %swap3A_178] {strides = array<i32>} : memref<128x16xf32, #tpu.memory_space<vmem>>, vector<1x16xf32>,
        %swap3A_180 = vector.shape_cast %swap3A_179 : vector<1x16xf32> to vector<16xf32>
        %swap3A_181 = vector.shape_cast %sub3A_176 : vector<16xf32> to vector<1x16xf32>
        tpu.vector_store %arg12[%swap3A_177, %swap3A_178], %swap3A_181 {strides = array<i32>} : memref<128x16xf32, #tpu.memory_space<vmem>>, vector<1x16xf32>,
        %mul3A_182 = arith.constant 8 : i32
        %mul3A_183 = arith.muli %scan3A_129, %mul3A_182 : i32
        %add3A_184 = arith.constant 3 : i32
        %add3A_185 = arith.addi %mul3A_183, %add3A_184 : i32
        %get3A_186 = arith.index_cast %add3A_185 : i32 to index
        %get3A_187 = arith.constant 0 : index
        %get3A_188 = tpu.vector_load %arg12[%get3A_186, %get3A_187] {strides = array<i32>} : memref<128x16xf32, #tpu.memory_space<vmem>>, vector<1x16xf32>,
        %get3A_189 = vector.shape_cast %get3A_188 : vector<1x16xf32> to vector<16xf32>
        %get3A_190 = arith.index_cast %add3A_185 : i32 to index
        %get3A_191 = arith.constant 0 : index
        %get3A_192 = tpu.vector_load %arg13[%get3A_190, %get3A_191] {strides = array<i32>} : memref<128x16xf32, #tpu.memory_space<vmem>>, vector<1x16xf32>,
        %get3A_193 = vector.shape_cast %get3A_192 : vector<1x16xf32> to vector<16xf32>
        %sub3A_194 = arith.subf %get3A_189, %get3A_193 : vector<16xf32>
        %swap3A_195 = arith.index_cast %add3A_185 : i32 to index
        %swap3A_196 = arith.constant 0 : index
        %swap3A_197 = tpu.vector_load %arg12[%swap3A_195, %swap3A_196] {strides = array<i32>} : memref<128x16xf32, #tpu.memory_space<vmem>>, vector<1x16xf32>,
        %swap3A_198 = vector.shape_cast %swap3A_197 : vector<1x16xf32> to vector<16xf32>
        %swap3A_199 = vector.shape_cast %sub3A_194 : vector<16xf32> to vector<1x16xf32>
        tpu.vector_store %arg12[%swap3A_195, %swap3A_196], %swap3A_199 {strides = array<i32>} : memref<128x16xf32, #tpu.memory_space<vmem>>, vector<1x16xf32>,
        %mul3A_200 = arith.constant 8 : i32
        %mul3A_201 = arith.muli %scan3A_129, %mul3A_200 : i32
        %add3A_202 = arith.constant 4 : i32
        %add3A_203 = arith.addi %mul3A_201, %add3A_202 : i32
        %get3A_204 = arith.index_cast %add3A_203 : i32 to index
        %get3A_205 = arith.constant 0 : index
        %get3A_206 = tpu.vector_load %arg12[%get3A_204, %get3A_205] {strides = array<i32>} : memref<128x16xf32, #tpu.memory_space<vmem>>, vector<1x16xf32>,
        %get3A_207 = vector.shape_cast %get3A_206 : vector<1x16xf32> to vector<16xf32>
        %get3A_208 = arith.index_cast %add3A_203 : i32 to index
        %get3A_209 = arith.constant 0 : index
        %get3A_210 = tpu.vector_load %arg13[%get3A_208, %get3A_209] {strides = array<i32>} : memref<128x16xf32, #tpu.memory_space<vmem>>, vector<1x16xf32>,
        %get3A_211 = vector.shape_cast %get3A_210 : vector<1x16xf32> to vector<16xf32>
        %sub3A_212 = arith.subf %get3A_207, %get3A_211 : vector<16xf32>
        %swap3A_213 = arith.index_cast %add3A_203 : i32 to index
        %swap3A_214 = arith.constant 0 : index
        %swap3A_215 = tpu.vector_load %arg12[%swap3A_213, %swap3A_214] {strides = array<i32>} : memref<128x16xf32, #tpu.memory_space<vmem>>, vector<1x16xf32>,
        %swap3A_216 = vector.shape_cast %swap3A_215 : vector<1x16xf32> to vector<16xf32>
        %swap3A_217 = vector.shape_cast %sub3A_212 : vector<16xf32> to vector<1x16xf32>
        tpu.vector_store %arg12[%swap3A_213, %swap3A_214], %swap3A_217 {strides = array<i32>} : memref<128x16xf32, #tpu.memory_space<vmem>>, vector<1x16xf32>,
        %mul3A_218 = arith.constant 8 : i32
        %mul3A_219 = arith.muli %scan3A_129, %mul3A_218 : i32
        %add3A_220 = arith.constant 5 : i32
        %add3A_221 = arith.addi %mul3A_219, %add3A_220 : i32
        %get3A_222 = arith.index_cast %add3A_221 : i32 to index
        %get3A_223 = arith.constant 0 : index
        %get3A_224 = tpu.vector_load %arg12[%get3A_222, %get3A_223] {strides = array<i32>} : memref<128x16xf32, #tpu.memory_space<vmem>>, vector<1x16xf32>,
        %get3A_225 = vector.shape_cast %get3A_224 : vector<1x16xf32> to vector<16xf32>
        %get3A_226 = arith.index_cast %add3A_221 : i32 to index
        %get3A_227 = arith.constant 0 : index
        %get3A_228 = tpu.vector_load %arg13[%get3A_226, %get3A_227] {strides = array<i32>} : memref<128x16xf32, #tpu.memory_space<vmem>>, vector<1x16xf32>,
        %get3A_229 = vector.shape_cast %get3A_228 : vector<1x16xf32> to vector<16xf32>
        %sub3A_230 = arith.subf %get3A_225, %get3A_229 : vector<16xf32>
        %swap3A_231 = arith.index_cast %add3A_221 : i32 to index
        %swap3A_232 = arith.constant 0 : index
        %swap3A_233 = tpu.vector_load %arg12[%swap3A_231, %swap3A_232] {strides = array<i32>} : memref<128x16xf32, #tpu.memory_space<vmem>>, vector<1x16xf32>,
        %swap3A_234 = vector.shape_cast %swap3A_233 : vector<1x16xf32> to vector<16xf32>
        %swap3A_235 = vector.shape_cast %sub3A_230 : vector<16xf32> to vector<1x16xf32>
        tpu.vector_store %arg12[%swap3A_231, %swap3A_232], %swap3A_235 {strides = array<i32>} : memref<128x16xf32, #tpu.memory_space<vmem>>, vector<1x16xf32>,
        %mul3A_236 = arith.constant 8 : i32
        %mul3A_237 = arith.muli %scan3A_129, %mul3A_236 : i32
        %add3A_238 = arith.constant 6 : i32
        %add3A_239 = arith.addi %mul3A_237, %add3A_238 : i32
        %get3A_240 = arith.index_cast %add3A_239 : i32 to index
        %get3A_241 = arith.constant 0 : index
        %get3A_242 = tpu.vector_load %arg12[%get3A_240, %get3A_241] {strides = array<i32>} : memref<128x16xf32, #tpu.memory_space<vmem>>, vector<1x16xf32>,
        %get3A_243 = vector.shape_cast %get3A_242 : vector<1x16xf32> to vector<16xf32>
        %get3A_244 = arith.index_cast %add3A_239 : i32 to index
        %get3A_245 = arith.constant 0 : index
        %get3A_246 = tpu.vector_load %arg13[%get3A_244, %get3A_245] {strides = array<i32>} : memref<128x16xf32, #tpu.memory_space<vmem>>, vector<1x16xf32>,
        %get3A_247 = vector.shape_cast %get3A_246 : vector<1x16xf32> to vector<16xf32>
        %sub3A_248 = arith.subf %get3A_243, %get3A_247 : vector<16xf32>
        %swap3A_249 = arith.index_cast %add3A_239 : i32 to index
        %swap3A_250 = arith.constant 0 : index
        %swap3A_251 = tpu.vector_load %arg12[%swap3A_249, %swap3A_250] {strides = array<i32>} : memref<128x16xf32, #tpu.memory_space<vmem>>, vector<1x16xf32>,
        %swap3A_252 = vector.shape_cast %swap3A_251 : vector<1x16xf32> to vector<16xf32>
        %swap3A_253 = vector.shape_cast %sub3A_248 : vector<16xf32> to vector<1x16xf32>
        tpu.vector_store %arg12[%swap3A_249, %swap3A_250], %swap3A_253 {strides = array<i32>} : memref<128x16xf32, #tpu.memory_space<vmem>>, vector<1x16xf32>,
        %mul3A_254 = arith.constant 8 : i32
        %mul3A_255 = arith.muli %scan3A_129, %mul3A_254 : i32
        %add3A_256 = arith.constant 7 : i32
        %add3A_257 = arith.addi %mul3A_255, %add3A_256 : i32
        %get3A_258 = arith.index_cast %add3A_257 : i32 to index
        %get3A_259 = arith.constant 0 : index
        %get3A_260 = tpu.vector_load %arg12[%get3A_258, %get3A_259] {strides = array<i32>} : memref<128x16xf32, #tpu.memory_space<vmem>>, vector<1x16xf32>,
        %get3A_261 = vector.shape_cast %get3A_260 : vector<1x16xf32> to vector<16xf32>
        %get3A_262 = arith.index_cast %add3A_257 : i32 to index
        %get3A_263 = arith.constant 0 : index
        %get3A_264 = tpu.vector_load %arg13[%get3A_262, %get3A_263] {strides = array<i32>} : memref<128x16xf32, #tpu.memory_space<vmem>>, vector<1x16xf32>,
        %get3A_265 = vector.shape_cast %get3A_264 : vector<1x16xf32> to vector<16xf32>
        %sub3A_266 = arith.subf %get3A_261, %get3A_265 : vector<16xf32>
        %swap3A_267 = arith.index_cast %add3A_257 : i32 to index
        %swap3A_268 = arith.constant 0 : index
        %swap3A_269 = tpu.vector_load %arg12[%swap3A_267, %swap3A_268] {strides = array<i32>} : memref<128x16xf32, #tpu.memory_space<vmem>>, vector<1x16xf32>,
        %swap3A_270 = vector.shape_cast %swap3A_269 : vector<1x16xf32> to vector<16xf32>
        %swap3A_271 = vector.shape_cast %sub3A_266 : vector<16xf32> to vector<1x16xf32>
        tpu.vector_store %arg12[%swap3A_267, %swap3A_268], %swap3A_271 {strides = array<i32>} : memref<128x16xf32, #tpu.memory_space<vmem>>, vector<1x16xf32>,
        %scan3A_272 = arith.constant 0 : i32
        scf.yield %scan3A_272 : i32
      }
      %scan3A_109 = arith.constant 16 : i32
      %mul3A_110 = arith.constant 128 : i32
      %mul3A_111 = arith.muli %add3A_96, %mul3A_110 : i32
      %min3A_112 = arith.constant 24872 : i32
      %min3A_113 = arith.minsi %mul3A_111, %min3A_112 : i32
      %add3A_114 = arith.addi %mul3A_2, %min3A_113 : i32
      "tpu.region"() ({
        %run_scoped3A = tpu.sem_alloc : memref<!tpu.dma_semaphore, #tpu.memory_space<semaphore_mem>>
        %dma_start3A_129 = arith.constant 0 : i32
        %dma_start3A_130 = tpu.memref_slice %arg5[%add3A_114, %dma_start3A_129] : memref<800000x16xf32, #tpu.memory_space<hbm>> -> memref<128x16xf32, #tpu.memory_space<hbm>>
        %dma_start3A_131 = arith.constant 0 : i32
        %dma_start3A_132 = tpu.memref_slice %arg5[%add3A_114, %dma_start3A_131] : memref<800000x16xf32, #tpu.memory_space<hbm>> -> memref<128x16xf32, #tpu.memory_space<hbm>>
        tpu.enqueue_dma source(%arg12 : memref<128x16xf32, #tpu.memory_space<vmem>>) target(%dma_start3A_132 : memref<128x16xf32, #tpu.memory_space<hbm>>) target_semaphore(%run_scoped3A : memref<!tpu.dma_semaphore, #tpu.memory_space<semaphore_mem>>)
        %dma_wait3A_133 = arith.constant 0 : i32
        %dma_wait3A_134 = tpu.memref_slice %arg5[%add3A_114, %dma_wait3A_133] : memref<800000x16xf32, #tpu.memory_space<hbm>> -> memref<128x16xf32, #tpu.memory_space<hbm>>
        %dma_wait3A_135 = arith.constant 0 : i32
        %dma_wait3A_136 = tpu.memref_slice %arg5[%add3A_114, %dma_wait3A_135] : memref<800000x16xf32, #tpu.memory_space<hbm>> -> memref<128x16xf32, #tpu.memory_space<hbm>>
        tpu.wait_dma2 semaphore(%run_scoped3A : memref<!tpu.dma_semaphore, #tpu.memory_space<semaphore_mem>>) src(%arg12 : memref<128x16xf32, #tpu.memory_space<vmem>>) dst(%dma_wait3A_136 : memref<128x16xf32, #tpu.memory_space<hbm>>)
        tpu.yield
      }) : () -> ()
      %add3A_115 = arith.constant 3 : i32
      %add3A_116 = arith.addi %mul3A_63, %add3A_115 : i32
      %mul3A_117 = arith.constant 128 : i32
      %mul3A_118 = arith.muli %add3A_116, %mul3A_117 : i32
      %min3A_119 = arith.constant 24872 : i32
      %min3A_120 = arith.minsi %mul3A_118, %min3A_119 : i32
      %add3A_121 = arith.addi %mul3A_2, %min3A_120 : i32
      "tpu.region"() ({
        %run_scoped3A = tpu.sem_alloc : memref<!tpu.dma_semaphore, #tpu.memory_space<semaphore_mem>>
        %dma_start3A_129 = tpu.memref_slice %arg3[%add3A_121] : memref<800000xi32, #tpu.memory_space<hbm>> -> memref<128xi32, #tpu.memory_space<hbm>>
        %dma_start3A_130 = tpu.memref_slice %arg3[%add3A_121] : memref<800000xi32, #tpu.memory_space<hbm>> -> memref<128xi32, #tpu.memory_space<hbm>>
        tpu.enqueue_dma source(%dma_start3A_130 : memref<128xi32, #tpu.memory_space<hbm>>) target(%arg10 : memref<128xi32, #tpu.memory_space<vmem>>) target_semaphore(%run_scoped3A : memref<!tpu.dma_semaphore, #tpu.memory_space<semaphore_mem>>)
        %dma_wait3A_131 = tpu.memref_slice %arg3[%add3A_121] : memref<800000xi32, #tpu.memory_space<hbm>> -> memref<128xi32, #tpu.memory_space<hbm>>
        %dma_wait3A_132 = tpu.memref_slice %arg3[%add3A_121] : memref<800000xi32, #tpu.memory_space<hbm>> -> memref<128xi32, #tpu.memory_space<hbm>>
        tpu.wait_dma2 semaphore(%run_scoped3A : memref<!tpu.dma_semaphore, #tpu.memory_space<semaphore_mem>>) src(%dma_wait3A_132 : memref<128xi32, #tpu.memory_space<hbm>>) dst(%arg10 : memref<128xi32, #tpu.memory_space<vmem>>)
        tpu.yield
      }) : () -> ()
      "tpu.region"() ({
        %run_scoped3A = tpu.sem_alloc : memref<!tpu.dma_semaphore, #tpu.memory_space<semaphore_mem>>
        %dma_start3A_129 = tpu.memref_slice %arg4[%add3A_121] : memref<800000xi32, #tpu.memory_space<hbm>> -> memref<128xi32, #tpu.memory_space<hbm>>
        %dma_start3A_130 = tpu.memref_slice %arg4[%add3A_121] : memref<800000xi32, #tpu.memory_space<hbm>> -> memref<128xi32, #tpu.memory_space<hbm>>
        tpu.enqueue_dma source(%dma_start3A_130 : memref<128xi32, #tpu.memory_space<hbm>>) target(%arg11 : memref<128xi32, #tpu.memory_space<vmem>>) target_semaphore(%run_scoped3A : memref<!tpu.dma_semaphore, #tpu.memory_space<semaphore_mem>>)
        %dma_wait3A_131 = tpu.memref_slice %arg4[%add3A_121] : memref<800000xi32, #tpu.memory_space<hbm>> -> memref<128xi32, #tpu.memory_space<hbm>>
        %dma_wait3A_132 = tpu.memref_slice %arg4[%add3A_121] : memref<800000xi32, #tpu.memory_space<hbm>> -> memref<128xi32, #tpu.memory_space<hbm>>
        tpu.wait_dma2 semaphore(%run_scoped3A : memref<!tpu.dma_semaphore, #tpu.memory_space<semaphore_mem>>) src(%dma_wait3A_132 : memref<128xi32, #tpu.memory_space<hbm>>) dst(%arg11 : memref<128xi32, #tpu.memory_space<vmem>>)
        tpu.yield
      }) : () -> ()
      %dma_start3A_122 = arith.constant 0 : i32
      %dma_start3A_123 = arith.constant 0 : i32
      %dma_start3A_124 = tpu.memref_slice %arg2[%dma_start3A_122, %dma_start3A_123] : memref<50000x16xf32, #tpu.memory_space<hbm>> -> memref<50000x16xf32, #tpu.memory_space<hbm>>
      tpu.enqueue_indirect_dma source(%dma_start3A_124 : memref<50000x16xf32, #tpu.memory_space<hbm>>) target(%arg12 : memref<128x16xf32, #tpu.memory_space<vmem>>) offsets(%arg10 : memref<128xi32, #tpu.memory_space<vmem>>) semaphore(%arg16 : memref<!tpu.dma_semaphore, #tpu.memory_space<semaphore_mem>>)
      %dma_start3A_125 = arith.constant 0 : i32
      %dma_start3A_126 = arith.constant 0 : i32
      %dma_start3A_127 = tpu.memref_slice %arg2[%dma_start3A_125, %dma_start3A_126] : memref<50000x16xf32, #tpu.memory_space<hbm>> -> memref<50000x16xf32, #tpu.memory_space<hbm>>
      tpu.enqueue_indirect_dma source(%dma_start3A_127 : memref<50000x16xf32, #tpu.memory_space<hbm>>) target(%arg13 : memref<128x16xf32, #tpu.memory_space<vmem>>) offsets(%arg11 : memref<128xi32, #tpu.memory_space<vmem>>) semaphore(%arg17 : memref<!tpu.dma_semaphore, #tpu.memory_space<semaphore_mem>>)
      %scan3A_128 = arith.constant 0 : i32
      scf.yield %scan3A_128 : i32
    }
    %scan3A_26 = arith.constant 97 : i32
    %dma_wait3A = arith.constant 0 : i32
    %dma_wait3A_27 = arith.constant 0 : i32
    %dma_wait3A_28 = tpu.memref_slice %arg2[%dma_wait3A, %dma_wait3A_27] : memref<50000x16xf32, #tpu.memory_space<hbm>> -> memref<50000x16xf32, #tpu.memory_space<hbm>>
    tpu.wait_indirect_dma semaphore(%arg14 : memref<!tpu.dma_semaphore, #tpu.memory_space<semaphore_mem>>) src(%dma_wait3A_28 : memref<50000x16xf32, #tpu.memory_space<hbm>>) dst(%arg8 : memref<128x16xf32, #tpu.memory_space<vmem>>)
    %dma_wait3A_29 = arith.constant 0 : i32
    %dma_wait3A_30 = arith.constant 0 : i32
    %dma_wait3A_31 = tpu.memref_slice %arg2[%dma_wait3A_29, %dma_wait3A_30] : memref<50000x16xf32, #tpu.memory_space<hbm>> -> memref<50000x16xf32, #tpu.memory_space<hbm>>
    tpu.wait_indirect_dma semaphore(%arg15 : memref<!tpu.dma_semaphore, #tpu.memory_space<semaphore_mem>>) src(%dma_wait3A_31 : memref<50000x16xf32, #tpu.memory_space<hbm>>) dst(%arg9 : memref<128x16xf32, #tpu.memory_space<vmem>>)
    %scan3A_32 = arith.constant 0 : i32
    %scan3A_33 = arith.constant 0 : i32
    %scan3A_34 = arith.constant 16 : i32
    %scan3A_35 = arith.addi %scan3A_33, %scan3A_34 : i32
    %scan3A_36 = arith.constant 1 : i32
    %scan3A_37 = scf.for %scan3A_60 = %scan3A_33 to %scan3A_35 step %scan3A_36 iter_args(%scan3A_61 = %scan3A_32) -> (i32)  : i32 {
      %mul3A_62 = arith.constant 8 : i32
      %mul3A_63 = arith.muli %scan3A_60, %mul3A_62 : i32
      %add3A_64 = arith.constant 0 : i32
      %add3A_65 = arith.addi %mul3A_63, %add3A_64 : i32
      %get3A = arith.index_cast %add3A_65 : i32 to index
      %get3A_66 = arith.constant 0 : index
      %get3A_67 = tpu.vector_load %arg8[%get3A, %get3A_66] {strides = array<i32>} : memref<128x16xf32, #tpu.memory_space<vmem>>, vector<1x16xf32>,
      %get3A_68 = vector.shape_cast %get3A_67 : vector<1x16xf32> to vector<16xf32>
      %get3A_69 = arith.index_cast %add3A_65 : i32 to index
      %get3A_70 = arith.constant 0 : index
      %get3A_71 = tpu.vector_load %arg9[%get3A_69, %get3A_70] {strides = array<i32>} : memref<128x16xf32, #tpu.memory_space<vmem>>, vector<1x16xf32>,
      %get3A_72 = vector.shape_cast %get3A_71 : vector<1x16xf32> to vector<16xf32>
      %sub3A = arith.subf %get3A_68, %get3A_72 : vector<16xf32>
      %swap3A = arith.index_cast %add3A_65 : i32 to index
      %swap3A_73 = arith.constant 0 : index
      %swap3A_74 = tpu.vector_load %arg8[%swap3A, %swap3A_73] {strides = array<i32>} : memref<128x16xf32, #tpu.memory_space<vmem>>, vector<1x16xf32>,
      %swap3A_75 = vector.shape_cast %swap3A_74 : vector<1x16xf32> to vector<16xf32>
      %swap3A_76 = vector.shape_cast %sub3A : vector<16xf32> to vector<1x16xf32>
      tpu.vector_store %arg8[%swap3A, %swap3A_73], %swap3A_76 {strides = array<i32>} : memref<128x16xf32, #tpu.memory_space<vmem>>, vector<1x16xf32>,
      %mul3A_77 = arith.constant 8 : i32
      %mul3A_78 = arith.muli %scan3A_60, %mul3A_77 : i32
      %add3A_79 = arith.constant 1 : i32
      %add3A_80 = arith.addi %mul3A_78, %add3A_79 : i32
      %get3A_81 = arith.index_cast %add3A_80 : i32 to index
      %get3A_82 = arith.constant 0 : index
      %get3A_83 = tpu.vector_load %arg8[%get3A_81, %get3A_82] {strides = array<i32>} : memref<128x16xf32, #tpu.memory_space<vmem>>, vector<1x16xf32>,
      %get3A_84 = vector.shape_cast %get3A_83 : vector<1x16xf32> to vector<16xf32>
      %get3A_85 = arith.index_cast %add3A_80 : i32 to index
      %get3A_86 = arith.constant 0 : index
      %get3A_87 = tpu.vector_load %arg9[%get3A_85, %get3A_86] {strides = array<i32>} : memref<128x16xf32, #tpu.memory_space<vmem>>, vector<1x16xf32>,
      %get3A_88 = vector.shape_cast %get3A_87 : vector<1x16xf32> to vector<16xf32>
      %sub3A_89 = arith.subf %get3A_84, %get3A_88 : vector<16xf32>
      %swap3A_90 = arith.index_cast %add3A_80 : i32 to index
      %swap3A_91 = arith.constant 0 : index
      %swap3A_92 = tpu.vector_load %arg8[%swap3A_90, %swap3A_91] {strides = array<i32>} : memref<128x16xf32, #tpu.memory_space<vmem>>, vector<1x16xf32>,
      %swap3A_93 = vector.shape_cast %swap3A_92 : vector<1x16xf32> to vector<16xf32>
      %swap3A_94 = vector.shape_cast %sub3A_89 : vector<16xf32> to vector<1x16xf32>
      tpu.vector_store %arg8[%swap3A_90, %swap3A_91], %swap3A_94 {strides = array<i32>} : memref<128x16xf32, #tpu.memory_space<vmem>>, vector<1x16xf32>,
      %mul3A_95 = arith.constant 8 : i32
      %mul3A_96 = arith.muli %scan3A_60, %mul3A_95 : i32
      %add3A_97 = arith.constant 2 : i32
      %add3A_98 = arith.addi %mul3A_96, %add3A_97 : i32
      %get3A_99 = arith.index_cast %add3A_98 : i32 to index
      %get3A_100 = arith.constant 0 : index
      %get3A_101 = tpu.vector_load %arg8[%get3A_99, %get3A_100] {strides = array<i32>} : memref<128x16xf32, #tpu.memory_space<vmem>>, vector<1x16xf32>,
      %get3A_102 = vector.shape_cast %get3A_101 : vector<1x16xf32> to vector<16xf32>
      %get3A_103 = arith.index_cast %add3A_98 : i32 to index
      %get3A_104 = arith.constant 0 : index
      %get3A_105 = tpu.vector_load %arg9[%get3A_103, %get3A_104] {strides = array<i32>} : memref<128x16xf32, #tpu.memory_space<vmem>>, vector<1x16xf32>,
      %get3A_106 = vector.shape_cast %get3A_105 : vector<1x16xf32> to vector<16xf32>
      %sub3A_107 = arith.subf %get3A_102, %get3A_106 : vector<16xf32>
      %swap3A_108 = arith.index_cast %add3A_98 : i32 to index
      %swap3A_109 = arith.constant 0 : index
      %swap3A_110 = tpu.vector_load %arg8[%swap3A_108, %swap3A_109] {strides = array<i32>} : memref<128x16xf32, #tpu.memory_space<vmem>>, vector<1x16xf32>,
      %swap3A_111 = vector.shape_cast %swap3A_110 : vector<1x16xf32> to vector<16xf32>
      %swap3A_112 = vector.shape_cast %sub3A_107 : vector<16xf32> to vector<1x16xf32>
      tpu.vector_store %arg8[%swap3A_108, %swap3A_109], %swap3A_112 {strides = array<i32>} : memref<128x16xf32, #tpu.memory_space<vmem>>, vector<1x16xf32>,
      %mul3A_113 = arith.constant 8 : i32
      %mul3A_114 = arith.muli %scan3A_60, %mul3A_113 : i32
      %add3A_115 = arith.constant 3 : i32
      %add3A_116 = arith.addi %mul3A_114, %add3A_115 : i32
      %get3A_117 = arith.index_cast %add3A_116 : i32 to index
      %get3A_118 = arith.constant 0 : index
      %get3A_119 = tpu.vector_load %arg8[%get3A_117, %get3A_118] {strides = array<i32>} : memref<128x16xf32, #tpu.memory_space<vmem>>, vector<1x16xf32>,
      %get3A_120 = vector.shape_cast %get3A_119 : vector<1x16xf32> to vector<16xf32>
      %get3A_121 = arith.index_cast %add3A_116 : i32 to index
      %get3A_122 = arith.constant 0 : index
      %get3A_123 = tpu.vector_load %arg9[%get3A_121, %get3A_122] {strides = array<i32>} : memref<128x16xf32, #tpu.memory_space<vmem>>, vector<1x16xf32>,
      %get3A_124 = vector.shape_cast %get3A_123 : vector<1x16xf32> to vector<16xf32>
      %sub3A_125 = arith.subf %get3A_120, %get3A_124 : vector<16xf32>
      %swap3A_126 = arith.index_cast %add3A_116 : i32 to index
      %swap3A_127 = arith.constant 0 : index
      %swap3A_128 = tpu.vector_load %arg8[%swap3A_126, %swap3A_127] {strides = array<i32>} : memref<128x16xf32, #tpu.memory_space<vmem>>, vector<1x16xf32>,
      %swap3A_129 = vector.shape_cast %swap3A_128 : vector<1x16xf32> to vector<16xf32>
      %swap3A_130 = vector.shape_cast %sub3A_125 : vector<16xf32> to vector<1x16xf32>
      tpu.vector_store %arg8[%swap3A_126, %swap3A_127], %swap3A_130 {strides = array<i32>} : memref<128x16xf32, #tpu.memory_space<vmem>>, vector<1x16xf32>,
      %mul3A_131 = arith.constant 8 : i32
      %mul3A_132 = arith.muli %scan3A_60, %mul3A_131 : i32
      %add3A_133 = arith.constant 4 : i32
      %add3A_134 = arith.addi %mul3A_132, %add3A_133 : i32
      %get3A_135 = arith.index_cast %add3A_134 : i32 to index
      %get3A_136 = arith.constant 0 : index
      %get3A_137 = tpu.vector_load %arg8[%get3A_135, %get3A_136] {strides = array<i32>} : memref<128x16xf32, #tpu.memory_space<vmem>>, vector<1x16xf32>,
      %get3A_138 = vector.shape_cast %get3A_137 : vector<1x16xf32> to vector<16xf32>
      %get3A_139 = arith.index_cast %add3A_134 : i32 to index
      %get3A_140 = arith.constant 0 : index
      %get3A_141 = tpu.vector_load %arg9[%get3A_139, %get3A_140] {strides = array<i32>} : memref<128x16xf32, #tpu.memory_space<vmem>>, vector<1x16xf32>,
      %get3A_142 = vector.shape_cast %get3A_141 : vector<1x16xf32> to vector<16xf32>
      %sub3A_143 = arith.subf %get3A_138, %get3A_142 : vector<16xf32>
      %swap3A_144 = arith.index_cast %add3A_134 : i32 to index
      %swap3A_145 = arith.constant 0 : index
      %swap3A_146 = tpu.vector_load %arg8[%swap3A_144, %swap3A_145] {strides = array<i32>} : memref<128x16xf32, #tpu.memory_space<vmem>>, vector<1x16xf32>,
      %swap3A_147 = vector.shape_cast %swap3A_146 : vector<1x16xf32> to vector<16xf32>
      %swap3A_148 = vector.shape_cast %sub3A_143 : vector<16xf32> to vector<1x16xf32>
      tpu.vector_store %arg8[%swap3A_144, %swap3A_145], %swap3A_148 {strides = array<i32>} : memref<128x16xf32, #tpu.memory_space<vmem>>, vector<1x16xf32>,
      %mul3A_149 = arith.constant 8 : i32
      %mul3A_150 = arith.muli %scan3A_60, %mul3A_149 : i32
      %add3A_151 = arith.constant 5 : i32
      %add3A_152 = arith.addi %mul3A_150, %add3A_151 : i32
      %get3A_153 = arith.index_cast %add3A_152 : i32 to index
      %get3A_154 = arith.constant 0 : index
      %get3A_155 = tpu.vector_load %arg8[%get3A_153, %get3A_154] {strides = array<i32>} : memref<128x16xf32, #tpu.memory_space<vmem>>, vector<1x16xf32>,
      %get3A_156 = vector.shape_cast %get3A_155 : vector<1x16xf32> to vector<16xf32>
      %get3A_157 = arith.index_cast %add3A_152 : i32 to index
      %get3A_158 = arith.constant 0 : index
      %get3A_159 = tpu.vector_load %arg9[%get3A_157, %get3A_158] {strides = array<i32>} : memref<128x16xf32, #tpu.memory_space<vmem>>, vector<1x16xf32>,
      %get3A_160 = vector.shape_cast %get3A_159 : vector<1x16xf32> to vector<16xf32>
      %sub3A_161 = arith.subf %get3A_156, %get3A_160 : vector<16xf32>
      %swap3A_162 = arith.index_cast %add3A_152 : i32 to index
      %swap3A_163 = arith.constant 0 : index
      %swap3A_164 = tpu.vector_load %arg8[%swap3A_162, %swap3A_163] {strides = array<i32>} : memref<128x16xf32, #tpu.memory_space<vmem>>, vector<1x16xf32>,
      %swap3A_165 = vector.shape_cast %swap3A_164 : vector<1x16xf32> to vector<16xf32>
      %swap3A_166 = vector.shape_cast %sub3A_161 : vector<16xf32> to vector<1x16xf32>
      tpu.vector_store %arg8[%swap3A_162, %swap3A_163], %swap3A_166 {strides = array<i32>} : memref<128x16xf32, #tpu.memory_space<vmem>>, vector<1x16xf32>,
      %mul3A_167 = arith.constant 8 : i32
      %mul3A_168 = arith.muli %scan3A_60, %mul3A_167 : i32
      %add3A_169 = arith.constant 6 : i32
      %add3A_170 = arith.addi %mul3A_168, %add3A_169 : i32
      %get3A_171 = arith.index_cast %add3A_170 : i32 to index
      %get3A_172 = arith.constant 0 : index
      %get3A_173 = tpu.vector_load %arg8[%get3A_171, %get3A_172] {strides = array<i32>} : memref<128x16xf32, #tpu.memory_space<vmem>>, vector<1x16xf32>,
      %get3A_174 = vector.shape_cast %get3A_173 : vector<1x16xf32> to vector<16xf32>
      %get3A_175 = arith.index_cast %add3A_170 : i32 to index
      %get3A_176 = arith.constant 0 : index
      %get3A_177 = tpu.vector_load %arg9[%get3A_175, %get3A_176] {strides = array<i32>} : memref<128x16xf32, #tpu.memory_space<vmem>>, vector<1x16xf32>,
      %get3A_178 = vector.shape_cast %get3A_177 : vector<1x16xf32> to vector<16xf32>
      %sub3A_179 = arith.subf %get3A_174, %get3A_178 : vector<16xf32>
      %swap3A_180 = arith.index_cast %add3A_170 : i32 to index
      %swap3A_181 = arith.constant 0 : index
      %swap3A_182 = tpu.vector_load %arg8[%swap3A_180, %swap3A_181] {strides = array<i32>} : memref<128x16xf32, #tpu.memory_space<vmem>>, vector<1x16xf32>,
      %swap3A_183 = vector.shape_cast %swap3A_182 : vector<1x16xf32> to vector<16xf32>
      %swap3A_184 = vector.shape_cast %sub3A_179 : vector<16xf32> to vector<1x16xf32>
      tpu.vector_store %arg8[%swap3A_180, %swap3A_181], %swap3A_184 {strides = array<i32>} : memref<128x16xf32, #tpu.memory_space<vmem>>, vector<1x16xf32>,
      %mul3A_185 = arith.constant 8 : i32
      %mul3A_186 = arith.muli %scan3A_60, %mul3A_185 : i32
      %add3A_187 = arith.constant 7 : i32
      %add3A_188 = arith.addi %mul3A_186, %add3A_187 : i32
      %get3A_189 = arith.index_cast %add3A_188 : i32 to index
      %get3A_190 = arith.constant 0 : index
      %get3A_191 = tpu.vector_load %arg8[%get3A_189, %get3A_190] {strides = array<i32>} : memref<128x16xf32, #tpu.memory_space<vmem>>, vector<1x16xf32>,
      %get3A_192 = vector.shape_cast %get3A_191 : vector<1x16xf32> to vector<16xf32>
      %get3A_193 = arith.index_cast %add3A_188 : i32 to index
      %get3A_194 = arith.constant 0 : index
      %get3A_195 = tpu.vector_load %arg9[%get3A_193, %get3A_194] {strides = array<i32>} : memref<128x16xf32, #tpu.memory_space<vmem>>, vector<1x16xf32>,
      %get3A_196 = vector.shape_cast %get3A_195 : vector<1x16xf32> to vector<16xf32>
      %sub3A_197 = arith.subf %get3A_192, %get3A_196 : vector<16xf32>
      %swap3A_198 = arith.index_cast %add3A_188 : i32 to index
      %swap3A_199 = arith.constant 0 : index
      %swap3A_200 = tpu.vector_load %arg8[%swap3A_198, %swap3A_199] {strides = array<i32>} : memref<128x16xf32, #tpu.memory_space<vmem>>, vector<1x16xf32>,
      %swap3A_201 = vector.shape_cast %swap3A_200 : vector<1x16xf32> to vector<16xf32>
      %swap3A_202 = vector.shape_cast %sub3A_197 : vector<16xf32> to vector<1x16xf32>
      tpu.vector_store %arg8[%swap3A_198, %swap3A_199], %swap3A_202 {strides = array<i32>} : memref<128x16xf32, #tpu.memory_space<vmem>>, vector<1x16xf32>,
      %scan3A_203 = arith.constant 0 : i32
      scf.yield %scan3A_203 : i32
    }
    %scan3A_38 = arith.constant 16 : i32
    %min3A_39 = arith.constant 24832 : i32
    %min3A_40 = arith.constant 24872 : i32
    %min3A_41 = arith.minsi %min3A_39, %min3A_40 : i32
    %add3A_42 = arith.addi %mul3A_2, %min3A_41 : i32
    "tpu.region"() ({
      %run_scoped3A = tpu.sem_alloc : memref<!tpu.dma_semaphore, #tpu.memory_space<semaphore_mem>>
      %dma_start3A_60 = arith.constant 0 : i32
      %dma_start3A_61 = tpu.memref_slice %arg5[%add3A_42, %dma_start3A_60] : memref<800000x16xf32, #tpu.memory_space<hbm>> -> memref<128x16xf32, #tpu.memory_space<hbm>>
      %dma_start3A_62 = arith.constant 0 : i32
      %dma_start3A_63 = tpu.memref_slice %arg5[%add3A_42, %dma_start3A_62] : memref<800000x16xf32, #tpu.memory_space<hbm>> -> memref<128x16xf32, #tpu.memory_space<hbm>>
      tpu.enqueue_dma source(%arg8 : memref<128x16xf32, #tpu.memory_space<vmem>>) target(%dma_start3A_63 : memref<128x16xf32, #tpu.memory_space<hbm>>) target_semaphore(%run_scoped3A : memref<!tpu.dma_semaphore, #tpu.memory_space<semaphore_mem>>)
      %dma_wait3A_64 = arith.constant 0 : i32
      %dma_wait3A_65 = tpu.memref_slice %arg5[%add3A_42, %dma_wait3A_64] : memref<800000x16xf32, #tpu.memory_space<hbm>> -> memref<128x16xf32, #tpu.memory_space<hbm>>
      %dma_wait3A_66 = arith.constant 0 : i32
      %dma_wait3A_67 = tpu.memref_slice %arg5[%add3A_42, %dma_wait3A_66] : memref<800000x16xf32, #tpu.memory_space<hbm>> -> memref<128x16xf32, #tpu.memory_space<hbm>>
      tpu.wait_dma2 semaphore(%run_scoped3A : memref<!tpu.dma_semaphore, #tpu.memory_space<semaphore_mem>>) src(%arg8 : memref<128x16xf32, #tpu.memory_space<vmem>>) dst(%dma_wait3A_67 : memref<128x16xf32, #tpu.memory_space<hbm>>)
      tpu.yield
    }) : () -> ()
    %dma_wait3A_43 = arith.constant 0 : i32
    %dma_wait3A_44 = arith.constant 0 : i32
    %dma_wait3A_45 = tpu.memref_slice %arg2[%dma_wait3A_43, %dma_wait3A_44] : memref<50000x16xf32, #tpu.memory_space<hbm>> -> memref<50000x16xf32, #tpu.memory_space<hbm>>
    tpu.wait_indirect_dma semaphore(%arg16 : memref<!tpu.dma_semaphore, #tpu.memory_space<semaphore_mem>>) src(%dma_wait3A_45 : memref<50000x16xf32, #tpu.memory_space<hbm>>) dst(%arg12 : memref<128x16xf32, #tpu.memory_space<vmem>>)
    %dma_wait3A_46 = arith.constant 0 : i32
    %dma_wait3A_47 = arith.constant 0 : i32
    %dma_wait3A_48 = tpu.memref_slice %arg2[%dma_wait3A_46, %dma_wait3A_47] : memref<50000x16xf32, #tpu.memory_space<hbm>> -> memref<50000x16xf32, #tpu.memory_space<hbm>>
    tpu.wait_indirect_dma semaphore(%arg17 : memref<!tpu.dma_semaphore, #tpu.memory_space<semaphore_mem>>) src(%dma_wait3A_48 : memref<50000x16xf32, #tpu.memory_space<hbm>>) dst(%arg13 : memref<128x16xf32, #tpu.memory_space<vmem>>)
    %scan3A_49 = arith.constant 0 : i32
    %scan3A_50 = arith.constant 0 : i32
    %scan3A_51 = arith.constant 16 : i32
    %scan3A_52 = arith.addi %scan3A_50, %scan3A_51 : i32
    %scan3A_53 = arith.constant 1 : i32
    %scan3A_54 = scf.for %scan3A_60 = %scan3A_50 to %scan3A_52 step %scan3A_53 iter_args(%scan3A_61 = %scan3A_49) -> (i32)  : i32 {
      %mul3A_62 = arith.constant 8 : i32
      %mul3A_63 = arith.muli %scan3A_60, %mul3A_62 : i32
      %add3A_64 = arith.constant 0 : i32
      %add3A_65 = arith.addi %mul3A_63, %add3A_64 : i32
      %get3A = arith.index_cast %add3A_65 : i32 to index
      %get3A_66 = arith.constant 0 : index
      %get3A_67 = tpu.vector_load %arg12[%get3A, %get3A_66] {strides = array<i32>} : memref<128x16xf32, #tpu.memory_space<vmem>>, vector<1x16xf32>,
      %get3A_68 = vector.shape_cast %get3A_67 : vector<1x16xf32> to vector<16xf32>
      %get3A_69 = arith.index_cast %add3A_65 : i32 to index
      %get3A_70 = arith.constant 0 : index
      %get3A_71 = tpu.vector_load %arg13[%get3A_69, %get3A_70] {strides = array<i32>} : memref<128x16xf32, #tpu.memory_space<vmem>>, vector<1x16xf32>,
      %get3A_72 = vector.shape_cast %get3A_71 : vector<1x16xf32> to vector<16xf32>
      %sub3A = arith.subf %get3A_68, %get3A_72 : vector<16xf32>
      %swap3A = arith.index_cast %add3A_65 : i32 to index
      %swap3A_73 = arith.constant 0 : index
      %swap3A_74 = tpu.vector_load %arg12[%swap3A, %swap3A_73] {strides = array<i32>} : memref<128x16xf32, #tpu.memory_space<vmem>>, vector<1x16xf32>,
      %swap3A_75 = vector.shape_cast %swap3A_74 : vector<1x16xf32> to vector<16xf32>
      %swap3A_76 = vector.shape_cast %sub3A : vector<16xf32> to vector<1x16xf32>
      tpu.vector_store %arg12[%swap3A, %swap3A_73], %swap3A_76 {strides = array<i32>} : memref<128x16xf32, #tpu.memory_space<vmem>>, vector<1x16xf32>,
      %mul3A_77 = arith.constant 8 : i32
      %mul3A_78 = arith.muli %scan3A_60, %mul3A_77 : i32
      %add3A_79 = arith.constant 1 : i32
      %add3A_80 = arith.addi %mul3A_78, %add3A_79 : i32
      %get3A_81 = arith.index_cast %add3A_80 : i32 to index
      %get3A_82 = arith.constant 0 : index
      %get3A_83 = tpu.vector_load %arg12[%get3A_81, %get3A_82] {strides = array<i32>} : memref<128x16xf32, #tpu.memory_space<vmem>>, vector<1x16xf32>,
      %get3A_84 = vector.shape_cast %get3A_83 : vector<1x16xf32> to vector<16xf32>
      %get3A_85 = arith.index_cast %add3A_80 : i32 to index
      %get3A_86 = arith.constant 0 : index
      %get3A_87 = tpu.vector_load %arg13[%get3A_85, %get3A_86] {strides = array<i32>} : memref<128x16xf32, #tpu.memory_space<vmem>>, vector<1x16xf32>,
      %get3A_88 = vector.shape_cast %get3A_87 : vector<1x16xf32> to vector<16xf32>
      %sub3A_89 = arith.subf %get3A_84, %get3A_88 : vector<16xf32>
      %swap3A_90 = arith.index_cast %add3A_80 : i32 to index
      %swap3A_91 = arith.constant 0 : index
      %swap3A_92 = tpu.vector_load %arg12[%swap3A_90, %swap3A_91] {strides = array<i32>} : memref<128x16xf32, #tpu.memory_space<vmem>>, vector<1x16xf32>,
      %swap3A_93 = vector.shape_cast %swap3A_92 : vector<1x16xf32> to vector<16xf32>
      %swap3A_94 = vector.shape_cast %sub3A_89 : vector<16xf32> to vector<1x16xf32>
      tpu.vector_store %arg12[%swap3A_90, %swap3A_91], %swap3A_94 {strides = array<i32>} : memref<128x16xf32, #tpu.memory_space<vmem>>, vector<1x16xf32>,
      %mul3A_95 = arith.constant 8 : i32
      %mul3A_96 = arith.muli %scan3A_60, %mul3A_95 : i32
      %add3A_97 = arith.constant 2 : i32
      %add3A_98 = arith.addi %mul3A_96, %add3A_97 : i32
      %get3A_99 = arith.index_cast %add3A_98 : i32 to index
      %get3A_100 = arith.constant 0 : index
      %get3A_101 = tpu.vector_load %arg12[%get3A_99, %get3A_100] {strides = array<i32>} : memref<128x16xf32, #tpu.memory_space<vmem>>, vector<1x16xf32>,
      %get3A_102 = vector.shape_cast %get3A_101 : vector<1x16xf32> to vector<16xf32>
      %get3A_103 = arith.index_cast %add3A_98 : i32 to index
      %get3A_104 = arith.constant 0 : index
      %get3A_105 = tpu.vector_load %arg13[%get3A_103, %get3A_104] {strides = array<i32>} : memref<128x16xf32, #tpu.memory_space<vmem>>, vector<1x16xf32>,
      %get3A_106 = vector.shape_cast %get3A_105 : vector<1x16xf32> to vector<16xf32>
      %sub3A_107 = arith.subf %get3A_102, %get3A_106 : vector<16xf32>
      %swap3A_108 = arith.index_cast %add3A_98 : i32 to index
      %swap3A_109 = arith.constant 0 : index
      %swap3A_110 = tpu.vector_load %arg12[%swap3A_108, %swap3A_109] {strides = array<i32>} : memref<128x16xf32, #tpu.memory_space<vmem>>, vector<1x16xf32>,
      %swap3A_111 = vector.shape_cast %swap3A_110 : vector<1x16xf32> to vector<16xf32>
      %swap3A_112 = vector.shape_cast %sub3A_107 : vector<16xf32> to vector<1x16xf32>
      tpu.vector_store %arg12[%swap3A_108, %swap3A_109], %swap3A_112 {strides = array<i32>} : memref<128x16xf32, #tpu.memory_space<vmem>>, vector<1x16xf32>,
      %mul3A_113 = arith.constant 8 : i32
      %mul3A_114 = arith.muli %scan3A_60, %mul3A_113 : i32
      %add3A_115 = arith.constant 3 : i32
      %add3A_116 = arith.addi %mul3A_114, %add3A_115 : i32
      %get3A_117 = arith.index_cast %add3A_116 : i32 to index
      %get3A_118 = arith.constant 0 : index
      %get3A_119 = tpu.vector_load %arg12[%get3A_117, %get3A_118] {strides = array<i32>} : memref<128x16xf32, #tpu.memory_space<vmem>>, vector<1x16xf32>,
      %get3A_120 = vector.shape_cast %get3A_119 : vector<1x16xf32> to vector<16xf32>
      %get3A_121 = arith.index_cast %add3A_116 : i32 to index
      %get3A_122 = arith.constant 0 : index
      %get3A_123 = tpu.vector_load %arg13[%get3A_121, %get3A_122] {strides = array<i32>} : memref<128x16xf32, #tpu.memory_space<vmem>>, vector<1x16xf32>,
      %get3A_124 = vector.shape_cast %get3A_123 : vector<1x16xf32> to vector<16xf32>
      %sub3A_125 = arith.subf %get3A_120, %get3A_124 : vector<16xf32>
      %swap3A_126 = arith.index_cast %add3A_116 : i32 to index
      %swap3A_127 = arith.constant 0 : index
      %swap3A_128 = tpu.vector_load %arg12[%swap3A_126, %swap3A_127] {strides = array<i32>} : memref<128x16xf32, #tpu.memory_space<vmem>>, vector<1x16xf32>,
      %swap3A_129 = vector.shape_cast %swap3A_128 : vector<1x16xf32> to vector<16xf32>
      %swap3A_130 = vector.shape_cast %sub3A_125 : vector<16xf32> to vector<1x16xf32>
      tpu.vector_store %arg12[%swap3A_126, %swap3A_127], %swap3A_130 {strides = array<i32>} : memref<128x16xf32, #tpu.memory_space<vmem>>, vector<1x16xf32>,
      %mul3A_131 = arith.constant 8 : i32
      %mul3A_132 = arith.muli %scan3A_60, %mul3A_131 : i32
      %add3A_133 = arith.constant 4 : i32
      %add3A_134 = arith.addi %mul3A_132, %add3A_133 : i32
      %get3A_135 = arith.index_cast %add3A_134 : i32 to index
      %get3A_136 = arith.constant 0 : index
      %get3A_137 = tpu.vector_load %arg12[%get3A_135, %get3A_136] {strides = array<i32>} : memref<128x16xf32, #tpu.memory_space<vmem>>, vector<1x16xf32>,
      %get3A_138 = vector.shape_cast %get3A_137 : vector<1x16xf32> to vector<16xf32>
      %get3A_139 = arith.index_cast %add3A_134 : i32 to index
      %get3A_140 = arith.constant 0 : index
      %get3A_141 = tpu.vector_load %arg13[%get3A_139, %get3A_140] {strides = array<i32>} : memref<128x16xf32, #tpu.memory_space<vmem>>, vector<1x16xf32>,
      %get3A_142 = vector.shape_cast %get3A_141 : vector<1x16xf32> to vector<16xf32>
      %sub3A_143 = arith.subf %get3A_138, %get3A_142 : vector<16xf32>
      %swap3A_144 = arith.index_cast %add3A_134 : i32 to index
      %swap3A_145 = arith.constant 0 : index
      %swap3A_146 = tpu.vector_load %arg12[%swap3A_144, %swap3A_145] {strides = array<i32>} : memref<128x16xf32, #tpu.memory_space<vmem>>, vector<1x16xf32>,
      %swap3A_147 = vector.shape_cast %swap3A_146 : vector<1x16xf32> to vector<16xf32>
      %swap3A_148 = vector.shape_cast %sub3A_143 : vector<16xf32> to vector<1x16xf32>
      tpu.vector_store %arg12[%swap3A_144, %swap3A_145], %swap3A_148 {strides = array<i32>} : memref<128x16xf32, #tpu.memory_space<vmem>>, vector<1x16xf32>,
      %mul3A_149 = arith.constant 8 : i32
      %mul3A_150 = arith.muli %scan3A_60, %mul3A_149 : i32
      %add3A_151 = arith.constant 5 : i32
      %add3A_152 = arith.addi %mul3A_150, %add3A_151 : i32
      %get3A_153 = arith.index_cast %add3A_152 : i32 to index
      %get3A_154 = arith.constant 0 : index
      %get3A_155 = tpu.vector_load %arg12[%get3A_153, %get3A_154] {strides = array<i32>} : memref<128x16xf32, #tpu.memory_space<vmem>>, vector<1x16xf32>,
      %get3A_156 = vector.shape_cast %get3A_155 : vector<1x16xf32> to vector<16xf32>
      %get3A_157 = arith.index_cast %add3A_152 : i32 to index
      %get3A_158 = arith.constant 0 : index
      %get3A_159 = tpu.vector_load %arg13[%get3A_157, %get3A_158] {strides = array<i32>} : memref<128x16xf32, #tpu.memory_space<vmem>>, vector<1x16xf32>,
      %get3A_160 = vector.shape_cast %get3A_159 : vector<1x16xf32> to vector<16xf32>
      %sub3A_161 = arith.subf %get3A_156, %get3A_160 : vector<16xf32>
      %swap3A_162 = arith.index_cast %add3A_152 : i32 to index
      %swap3A_163 = arith.constant 0 : index
      %swap3A_164 = tpu.vector_load %arg12[%swap3A_162, %swap3A_163] {strides = array<i32>} : memref<128x16xf32, #tpu.memory_space<vmem>>, vector<1x16xf32>,
      %swap3A_165 = vector.shape_cast %swap3A_164 : vector<1x16xf32> to vector<16xf32>
      %swap3A_166 = vector.shape_cast %sub3A_161 : vector<16xf32> to vector<1x16xf32>
      tpu.vector_store %arg12[%swap3A_162, %swap3A_163], %swap3A_166 {strides = array<i32>} : memref<128x16xf32, #tpu.memory_space<vmem>>, vector<1x16xf32>,
      %mul3A_167 = arith.constant 8 : i32
      %mul3A_168 = arith.muli %scan3A_60, %mul3A_167 : i32
      %add3A_169 = arith.constant 6 : i32
      %add3A_170 = arith.addi %mul3A_168, %add3A_169 : i32
      %get3A_171 = arith.index_cast %add3A_170 : i32 to index
      %get3A_172 = arith.constant 0 : index
      %get3A_173 = tpu.vector_load %arg12[%get3A_171, %get3A_172] {strides = array<i32>} : memref<128x16xf32, #tpu.memory_space<vmem>>, vector<1x16xf32>,
      %get3A_174 = vector.shape_cast %get3A_173 : vector<1x16xf32> to vector<16xf32>
      %get3A_175 = arith.index_cast %add3A_170 : i32 to index
      %get3A_176 = arith.constant 0 : index
      %get3A_177 = tpu.vector_load %arg13[%get3A_175, %get3A_176] {strides = array<i32>} : memref<128x16xf32, #tpu.memory_space<vmem>>, vector<1x16xf32>,
      %get3A_178 = vector.shape_cast %get3A_177 : vector<1x16xf32> to vector<16xf32>
      %sub3A_179 = arith.subf %get3A_174, %get3A_178 : vector<16xf32>
      %swap3A_180 = arith.index_cast %add3A_170 : i32 to index
      %swap3A_181 = arith.constant 0 : index
      %swap3A_182 = tpu.vector_load %arg12[%swap3A_180, %swap3A_181] {strides = array<i32>} : memref<128x16xf32, #tpu.memory_space<vmem>>, vector<1x16xf32>,
      %swap3A_183 = vector.shape_cast %swap3A_182 : vector<1x16xf32> to vector<16xf32>
      %swap3A_184 = vector.shape_cast %sub3A_179 : vector<16xf32> to vector<1x16xf32>
      tpu.vector_store %arg12[%swap3A_180, %swap3A_181], %swap3A_184 {strides = array<i32>} : memref<128x16xf32, #tpu.memory_space<vmem>>, vector<1x16xf32>,
      %mul3A_185 = arith.constant 8 : i32
      %mul3A_186 = arith.muli %scan3A_60, %mul3A_185 : i32
      %add3A_187 = arith.constant 7 : i32
      %add3A_188 = arith.addi %mul3A_186, %add3A_187 : i32
      %get3A_189 = arith.index_cast %add3A_188 : i32 to index
      %get3A_190 = arith.constant 0 : index
      %get3A_191 = tpu.vector_load %arg12[%get3A_189, %get3A_190] {strides = array<i32>} : memref<128x16xf32, #tpu.memory_space<vmem>>, vector<1x16xf32>,
      %get3A_192 = vector.shape_cast %get3A_191 : vector<1x16xf32> to vector<16xf32>
      %get3A_193 = arith.index_cast %add3A_188 : i32 to index
      %get3A_194 = arith.constant 0 : index
      %get3A_195 = tpu.vector_load %arg13[%get3A_193, %get3A_194] {strides = array<i32>} : memref<128x16xf32, #tpu.memory_space<vmem>>, vector<1x16xf32>,
      %get3A_196 = vector.shape_cast %get3A_195 : vector<1x16xf32> to vector<16xf32>
      %sub3A_197 = arith.subf %get3A_192, %get3A_196 : vector<16xf32>
      %swap3A_198 = arith.index_cast %add3A_188 : i32 to index
      %swap3A_199 = arith.constant 0 : index
      %swap3A_200 = tpu.vector_load %arg12[%swap3A_198, %swap3A_199] {strides = array<i32>} : memref<128x16xf32, #tpu.memory_space<vmem>>, vector<1x16xf32>,
      %swap3A_201 = vector.shape_cast %swap3A_200 : vector<1x16xf32> to vector<16xf32>
      %swap3A_202 = vector.shape_cast %sub3A_197 : vector<16xf32> to vector<1x16xf32>
      tpu.vector_store %arg12[%swap3A_198, %swap3A_199], %swap3A_202 {strides = array<i32>} : memref<128x16xf32, #tpu.memory_space<vmem>>, vector<1x16xf32>,
      %scan3A_203 = arith.constant 0 : i32
      scf.yield %scan3A_203 : i32
    }
    %scan3A_55 = arith.constant 16 : i32
    %min3A_56 = arith.constant 24960 : i32
    %min3A_57 = arith.constant 24872 : i32
    %min3A_58 = arith.minsi %min3A_56, %min3A_57 : i32
    %add3A_59 = arith.addi %mul3A_2, %min3A_58 : i32
    "tpu.region"() ({
      %run_scoped3A = tpu.sem_alloc : memref<!tpu.dma_semaphore, #tpu.memory_space<semaphore_mem>>
      %dma_start3A_60 = arith.constant 0 : i32
      %dma_start3A_61 = tpu.memref_slice %arg5[%add3A_59, %dma_start3A_60] : memref<800000x16xf32, #tpu.memory_space<hbm>> -> memref<128x16xf32, #tpu.memory_space<hbm>>
      %dma_start3A_62 = arith.constant 0 : i32
      %dma_start3A_63 = tpu.memref_slice %arg5[%add3A_59, %dma_start3A_62] : memref<800000x16xf32, #tpu.memory_space<hbm>> -> memref<128x16xf32, #tpu.memory_space<hbm>>
      tpu.enqueue_dma source(%arg12 : memref<128x16xf32, #tpu.memory_space<vmem>>) target(%dma_start3A_63 : memref<128x16xf32, #tpu.memory_space<hbm>>) target_semaphore(%run_scoped3A : memref<!tpu.dma_semaphore, #tpu.memory_space<semaphore_mem>>)
      %dma_wait3A_64 = arith.constant 0 : i32
      %dma_wait3A_65 = tpu.memref_slice %arg5[%add3A_59, %dma_wait3A_64] : memref<800000x16xf32, #tpu.memory_space<hbm>> -> memref<128x16xf32, #tpu.memory_space<hbm>>
      %dma_wait3A_66 = arith.constant 0 : i32
      %dma_wait3A_67 = tpu.memref_slice %arg5[%add3A_59, %dma_wait3A_66] : memref<800000x16xf32, #tpu.memory_space<hbm>> -> memref<128x16xf32, #tpu.memory_space<hbm>>
      tpu.wait_dma2 semaphore(%run_scoped3A : memref<!tpu.dma_semaphore, #tpu.memory_space<semaphore_mem>>) src(%arg12 : memref<128x16xf32, #tpu.memory_space<vmem>>) dst(%dma_wait3A_67 : memref<128x16xf32, #tpu.memory_space<hbm>>)
      tpu.yield
    }) : () -> ()
    return
  }
}

module attributes {stable_mosaic.version = 14 : i64} {
  func.func @_k1_body(%arg0: i32, %arg1: memref<2000x128xf32, #tpu.memory_space<vmem>>, %arg2: memref<128x128xf32, #tpu.memory_space<vmem>>, %arg3: memref<1x128xf32, #tpu.memory_space<vmem>>, %arg4: memref<128x64xf32, #tpu.memory_space<vmem>>, %arg5: memref<2000x128xf32, #tpu.memory_space<vmem>>, %arg6: memref<2x2000x32xf32, #tpu.memory_space<vmem>>) attributes {dimension_semantics = [#tpu.dimension_semantics<arbitrary>], iteration_bounds = array<i64: 25>, scalar_prefetch = 0 : i64, scratch_operands = 0 : i64, tpu.core_type = #tpu.core_type<tc>, window_params = [{transform_indices = @transform_0, window_bounds = array<i64: 2000, 128>}, {pipeline_mode = #tpu.pipeline_mode<synchronous>, transform_indices = @transform_1, window_bounds = array<i64: 128, 128>}, {pipeline_mode = #tpu.pipeline_mode<synchronous>, transform_indices = @transform_2, window_bounds = array<i64: 1, 128>}, {pipeline_mode = #tpu.pipeline_mode<synchronous>, transform_indices = @transform_3, window_bounds = array<i64: 128, 64>}, {transform_indices = @transform_4, window_bounds = array<i64: 2000, 128>}, {transform_indices = @transform_5, window_bounds = array<i64: 2, 2000, 32>}]} {
    %get3A = arith.constant 0 : index
    %get3A_0 = arith.constant 0 : index
    %get3A_1 = vector.load %arg1[%get3A, %get3A_0] : memref<2000x128xf32, #tpu.memory_space<vmem>>, vector<2000x128xf32>
    %get3A_2 = arith.constant 0 : index
    %get3A_3 = arith.constant 0 : index
    %get3A_4 = vector.load %arg2[%get3A_2, %get3A_3] : memref<128x128xf32, #tpu.memory_space<vmem>>, vector<128x128xf32>
    %dot_general3A = arith.constant dense<0.000000e+00> : vector<2000x128xf32>
    %dot_general3A_5 = tpu.matmul %get3A_1, %get3A_4, %dot_general3A {dimension_numbers = #tpu.dot_dimension_numbers<[1], [0], [0], [1], [0, 0, 1, 1], [], []>, transpose_lhs_hint = false} : vector<2000x128xf32>, vector<128x128xf32>, vector<2000x128xf32> -> vector<2000x128xf32>
    %get3A_6 = arith.constant 0 : index
    %get3A_7 = arith.constant 0 : index
    %get3A_8 = vector.load %arg3[%get3A_6, %get3A_7] : memref<1x128xf32, #tpu.memory_space<vmem>>, vector<1x128xf32>
    %add3A = vector.broadcast %get3A_8 : vector<1x128xf32> to vector<2000x128xf32>
    %add3A_9 = arith.addf %dot_general3A_5, %add3A : vector<2000x128xf32>
    %integer_pow3A = arith.mulf %add3A_9, %add3A_9 : vector<2000x128xf32>
    %integer_pow3A_10 = arith.mulf %add3A_9, %integer_pow3A : vector<2000x128xf32>
    %mul3A = arith.constant 4.471500e-02 : f32
    %mul3A_11 = vector.broadcast %mul3A : f32 to vector<2000x128xf32>
    %mul3A_12 = arith.mulf %mul3A_11, %integer_pow3A_10 : vector<2000x128xf32>
    %add3A_13 = arith.addf %add3A_9, %mul3A_12 : vector<2000x128xf32>
    %mul3A_14 = arith.constant 0.797884583 : f32
    %mul3A_15 = vector.broadcast %mul3A_14 : f32 to vector<2000x128xf32>
    %mul3A_16 = arith.mulf %mul3A_15, %add3A_13 : vector<2000x128xf32>
    %tanh3A = math.tanh %mul3A_16 : vector<2000x128xf32>
    %add3A_17 = arith.constant 1.000000e+00 : f32
    %add3A_18 = vector.broadcast %add3A_17 : f32 to vector<2000x128xf32>
    %add3A_19 = arith.addf %add3A_18, %tanh3A : vector<2000x128xf32>
    %mul3A_20 = arith.constant 5.000000e-01 : f32
    %mul3A_21 = vector.broadcast %mul3A_20 : f32 to vector<2000x128xf32>
    %mul3A_22 = arith.mulf %mul3A_21, %add3A_19 : vector<2000x128xf32>
    %mul3A_23 = arith.mulf %add3A_9, %mul3A_22 : vector<2000x128xf32>
    %swap3A = arith.constant 0 : index
    %swap3A_24 = arith.constant 0 : index
    %swap3A_25 = vector.load %arg5[%swap3A, %swap3A_24] : memref<2000x128xf32, #tpu.memory_space<vmem>>, vector<2000x128xf32>
    tpu.vector_store %arg5[%swap3A, %swap3A_24], %mul3A_23 {strides = array<i32>} : memref<2000x128xf32, #tpu.memory_space<vmem>>, vector<2000x128xf32>,
    %get3A_26 = arith.constant 0 : index
    %get3A_27 = arith.constant 0 : index
    %get3A_28 = vector.load %arg4[%get3A_26, %get3A_27] : memref<128x64xf32, #tpu.memory_space<vmem>>, vector<128x64xf32>
    %dot_general3A_29 = arith.constant dense<0.000000e+00> : vector<2000x64xf32>
    %dot_general3A_30 = tpu.matmul %mul3A_23, %get3A_28, %dot_general3A_29 {dimension_numbers = #tpu.dot_dimension_numbers<[1], [0], [0], [1], [0, 0, 1, 1], [], []>, transpose_lhs_hint = false} : vector<2000x128xf32>, vector<128x64xf32>, vector<2000x64xf32> -> vector<2000x64xf32>
    %slice3A = vector.extract_strided_slice %dot_general3A_30 {offsets = [0, 0], sizes = [2000, 32], strides = [1, 1]} : vector<2000x64xf32> to vector<2000x32xf32>
    %slice3A_31 = vector.extract_strided_slice %dot_general3A_30 {offsets = [0, 32], sizes = [2000, 32], strides = [1, 1]} : vector<2000x64xf32> to vector<2000x32xf32>
    %stack3A = vector.shape_cast %slice3A : vector<2000x32xf32> to vector<1x2000x32xf32>
    %stack3A_32 = vector.shape_cast %slice3A_31 : vector<2000x32xf32> to vector<1x2000x32xf32>
    %stack3A_33 = tpu.concatenate %stack3A, %stack3A_32 in 0 : vector<1x2000x32xf32>, vector<1x2000x32xf32> -> vector<2x2000x32xf32>
    %swap3A_34 = arith.constant 0 : index
    %swap3A_35 = arith.constant 0 : index
    %swap3A_36 = arith.constant 0 : index
    %swap3A_37 = vector.load %arg6[%swap3A_34, %swap3A_35, %swap3A_36] : memref<2x2000x32xf32, #tpu.memory_space<vmem>>, vector<2x2000x32xf32>
    tpu.vector_store %arg6[%swap3A_34, %swap3A_35, %swap3A_36], %stack3A_33 {strides = array<i32>} : memref<2x2000x32xf32, #tpu.memory_space<vmem>>, vector<2x2000x32xf32>,
    return
  }
  func.func @transform_0(%arg0: i32) -> (i32, i32) {
    %c0_i32 = arith.constant 0 : i32
    %c0_i32_0 = arith.constant 0 : i32
    return %arg0, %c0_i32 : i32, i32
  }
  func.func @transform_1(%arg0: i32) -> (i32, i32) {
    %c0_i32 = arith.constant 0 : i32
    %c0_i32_0 = arith.constant 0 : i32
    %c0_i32_1 = arith.constant 0 : i32
    return %c0_i32, %c0_i32_0 : i32, i32
  }
  func.func @transform_2(%arg0: i32) -> (i32, i32) {
    %c0_i32 = arith.constant 0 : i32
    %c0_i32_0 = arith.constant 0 : i32
    %c0_i32_1 = arith.constant 0 : i32
    return %c0_i32, %c0_i32_0 : i32, i32
  }
  func.func @transform_3(%arg0: i32) -> (i32, i32) {
    %c0_i32 = arith.constant 0 : i32
    %c0_i32_0 = arith.constant 0 : i32
    %c0_i32_1 = arith.constant 0 : i32
    return %c0_i32, %c0_i32_0 : i32, i32
  }
  func.func @transform_4(%arg0: i32) -> (i32, i32) {
    %c0_i32 = arith.constant 0 : i32
    %c0_i32_0 = arith.constant 0 : i32
    return %arg0, %c0_i32 : i32, i32
  }
  func.func @transform_5(%arg0: i32) -> (i32, i32, i32) {
    %c0_i32 = arith.constant 0 : i32
    %c0_i32_0 = arith.constant 0 : i32
    %c0_i32_1 = arith.constant 0 : i32
    return %c0_i32, %arg0, %c0_i32_0 : i32, i32, i32
  }
}

module attributes {stable_mosaic.version = 14 : i64} {
  func.func @_k3_body(%arg0: i32, %arg1: memref<8000x16xf32, #tpu.memory_space<vmem>>, %arg2: memref<32x64xf32, #tpu.memory_space<vmem>>, %arg3: memref<2x8000x32xf32, #tpu.memory_space<vmem>>) attributes {dimension_semantics = [#tpu.dimension_semantics<arbitrary>], iteration_bounds = array<i64: 100>, scalar_prefetch = 0 : i64, scratch_operands = 0 : i64, tpu.core_type = #tpu.core_type<tc>, window_params = [{transform_indices = @transform_0, window_bounds = array<i64: 8000, 16>}, {pipeline_mode = #tpu.pipeline_mode<synchronous>, transform_indices = @transform_1, window_bounds = array<i64: 32, 64>}, {transform_indices = @transform_2, window_bounds = array<i64: 2, 8000, 32>}]} {
    %get3A = arith.constant 0 : index
    %get3A_0 = arith.constant 0 : index
    %get3A_1 = vector.load %arg1[%get3A, %get3A_0] : memref<8000x16xf32, #tpu.memory_space<vmem>>, vector<8000x16xf32>
    %mul3A = arith.mulf %get3A_1, %get3A_1 : vector<8000x16xf32>
    %reduce_sum3A = arith.constant dense<0.000000e+00> : vector<8000xf32>
    %reduce_sum3A_2 = vector.multi_reduction <add>, %mul3A, %reduce_sum3A [1] : vector<8000x16xf32> to vector<8000xf32>
    %broadcast_in_dim3A = vector.shape_cast %reduce_sum3A_2 : vector<8000xf32> to vector<8000x1xf32>
    %add3A = arith.constant 9.99999993E-9 : f32
    %add3A_3 = vector.broadcast %add3A : f32 to vector<8000x1xf32>
    %add3A_4 = arith.addf %broadcast_in_dim3A, %add3A_3 : vector<8000x1xf32>
    %sqrt3A = math.sqrt %add3A_4 : vector<8000x1xf32>
    %iota3A = tpu.iota {dimensions = array<i32: 1>} : vector<1x32xi32>
    %convert_element_type3A = arith.sitofp %iota3A : vector<1x32xi32> to vector<1x32xf32>
    %mul3A_5 = arith.constant 0.193548381 : f32
    %mul3A_6 = vector.broadcast %mul3A_5 : f32 to vector<1x32xf32>
    %mul3A_7 = arith.mulf %convert_element_type3A, %mul3A_6 : vector<1x32xf32>
    %broadcast_in_dim3A_8 = vector.shape_cast %sqrt3A : vector<8000x1xf32> to vector<8000x1xf32>
    %broadcast_in_dim3A_9 = vector.broadcast %broadcast_in_dim3A_8 : vector<8000x1xf32> to vector<8000x32xf32>
    %sub3A = vector.broadcast %mul3A_7 : vector<1x32xf32> to vector<8000x32xf32>
    %sub3A_10 = arith.subf %broadcast_in_dim3A_9, %sub3A : vector<8000x32xf32>
    %mul3A_11 = arith.mulf %sub3A_10, %sub3A_10 : vector<8000x32xf32>
    %mul3A_12 = arith.constant -14.2222223 : f32
    %mul3A_13 = vector.broadcast %mul3A_12 : f32 to vector<8000x32xf32>
    %mul3A_14 = arith.mulf %mul3A_11, %mul3A_13 : vector<8000x32xf32>
    %exp3A = math.exp %mul3A_14 : vector<8000x32xf32>
    %get3A_15 = arith.constant 0 : index
    %get3A_16 = arith.constant 0 : index
    %get3A_17 = vector.load %arg2[%get3A_15, %get3A_16] : memref<32x64xf32, #tpu.memory_space<vmem>>, vector<32x64xf32>
    %slice3A = vector.extract_strided_slice %get3A_17 {offsets = [0, 0], sizes = [32, 32], strides = [1, 1]} : vector<32x64xf32> to vector<32x32xf32>
    %dot_general3A = arith.constant dense<0.000000e+00> : vector<8000x32xf32>
    %dot_general3A_18 = tpu.matmul %exp3A, %slice3A, %dot_general3A {dimension_numbers = #tpu.dot_dimension_numbers<[1], [0], [0], [1], [0, 0, 1, 1], [], []>, transpose_lhs_hint = false} : vector<8000x32xf32>, vector<32x32xf32>, vector<8000x32xf32> -> vector<8000x32xf32>
    %slice3A_19 = vector.extract_strided_slice %get3A_17 {offsets = [0, 32], sizes = [32, 32], strides = [1, 1]} : vector<32x64xf32> to vector<32x32xf32>
    %dot_general3A_20 = arith.constant dense<0.000000e+00> : vector<8000x32xf32>
    %dot_general3A_21 = tpu.matmul %exp3A, %slice3A_19, %dot_general3A_20 {dimension_numbers = #tpu.dot_dimension_numbers<[1], [0], [0], [1], [0, 0, 1, 1], [], []>, transpose_lhs_hint = false} : vector<8000x32xf32>, vector<32x32xf32>, vector<8000x32xf32> -> vector<8000x32xf32>
    %stack3A = vector.shape_cast %dot_general3A_18 : vector<8000x32xf32> to vector<1x8000x32xf32>
    %stack3A_22 = vector.shape_cast %dot_general3A_21 : vector<8000x32xf32> to vector<1x8000x32xf32>
    %stack3A_23 = tpu.concatenate %stack3A, %stack3A_22 in 0 : vector<1x8000x32xf32>, vector<1x8000x32xf32> -> vector<2x8000x32xf32>
    %swap3A = arith.constant 0 : index
    %swap3A_24 = arith.constant 0 : index
    %swap3A_25 = arith.constant 0 : index
    %swap3A_26 = vector.load %arg3[%swap3A, %swap3A_24, %swap3A_25] : memref<2x8000x32xf32, #tpu.memory_space<vmem>>, vector<2x8000x32xf32>
    tpu.vector_store %arg3[%swap3A, %swap3A_24, %swap3A_25], %stack3A_23 {strides = array<i32>} : memref<2x8000x32xf32, #tpu.memory_space<vmem>>, vector<2x8000x32xf32>,
    return
  }
  func.func @transform_0(%arg0: i32) -> (i32, i32) {
    %c0_i32 = arith.constant 0 : i32
    %c0_i32_0 = arith.constant 0 : i32
    return %arg0, %c0_i32 : i32, i32
  }
  func.func @transform_1(%arg0: i32) -> (i32, i32) {
    %c0_i32 = arith.constant 0 : i32
    %c0_i32_0 = arith.constant 0 : i32
    %c0_i32_1 = arith.constant 0 : i32
    return %c0_i32, %c0_i32_0 : i32, i32
  }
  func.func @transform_2(%arg0: i32) -> (i32, i32, i32) {
    %c0_i32 = arith.constant 0 : i32
    %c0_i32_0 = arith.constant 0 : i32
    %c0_i32_1 = arith.constant 0 : i32
    return %c0_i32, %arg0, %c0_i32_0 : i32, i32, i32
  }
}

module attributes {stable_mosaic.version = 14 : i64} {
  func.func @_k5_body(%arg0: i32, %arg1: memref<2000x128xf32, #tpu.memory_space<vmem>>, %arg2: memref<2x2000x32xf32, #tpu.memory_space<vmem>>, %arg3: memref<1x1x2000xf32, #tpu.memory_space<vmem>>, %arg4: memref<64x128xf32, #tpu.memory_space<vmem>>, %arg5: memref<1x128xf32, #tpu.memory_space<vmem>>, %arg6: memref<128x256xf32, #tpu.memory_space<vmem>>, %arg7: memref<256x256xf32, #tpu.memory_space<vmem>>, %arg8: memref<1x256xf32, #tpu.memory_space<vmem>>, %arg9: memref<256x256xf32, #tpu.memory_space<vmem>>, %arg10: memref<1x256xf32, #tpu.memory_space<vmem>>, %arg11: memref<256x256xf32, #tpu.memory_space<vmem>>, %arg12: memref<1x256xf32, #tpu.memory_space<vmem>>, %arg13: memref<256x256xf32, #tpu.memory_space<vmem>>, %arg14: memref<1x256xf32, #tpu.memory_space<vmem>>, %arg15: memref<256x128xf32, #tpu.memory_space<vmem>>, %arg16: memref<128x128xf32, #tpu.memory_space<vmem>>, %arg17: memref<128x256xf32, #tpu.memory_space<vmem>>, %arg18: memref<128x128xf32, #tpu.memory_space<vmem>>) attributes {dimension_semantics = [#tpu.dimension_semantics<arbitrary>], iteration_bounds = array<i64: 25>, scalar_prefetch = 0 : i64, scratch_operands = 2 : i64, tpu.core_type = #tpu.core_type<tc>, window_params = [{transform_indices = @transform_0, window_bounds = array<i64: 2000, 128>}, {transform_indices = @transform_1, window_bounds = array<i64: 2, 2000, 32>}, {transform_indices = @transform_2, window_bounds = array<i64: 1, 1, 2000>}, {pipeline_mode = #tpu.pipeline_mode<synchronous>, transform_indices = @transform_3, window_bounds = array<i64: 64, 128>}, {pipeline_mode = #tpu.pipeline_mode<synchronous>, transform_indices = @transform_4, window_bounds = array<i64: 1, 128>}, {pipeline_mode = #tpu.pipeline_mode<synchronous>, transform_indices = @transform_5, window_bounds = array<i64: 128, 256>}, {pipeline_mode = #tpu.pipeline_mode<synchronous>, transform_indices = @transform_6, window_bounds = array<i64: 256, 256>}, {pipeline_mode = #tpu.pipeline_mode<synchronous>, transform_indices = @transform_7, window_bounds = array<i64: 1, 256>}, {pipeline_mode = #tpu.pipeline_mode<synchronous>, transform_indices = @transform_8, window_bounds = array<i64: 256, 256>}, {pipeline_mode = #tpu.pipeline_mode<synchronous>, transform_indices = @transform_9, window_bounds = array<i64: 1, 256>}, {pipeline_mode = #tpu.pipeline_mode<synchronous>, transform_indices = @transform_10, window_bounds = array<i64: 256, 256>}, {pipeline_mode = #tpu.pipeline_mode<synchronous>, transform_indices = @transform_11, window_bounds = array<i64: 1, 256>}, {pipeline_mode = #tpu.pipeline_mode<synchronous>, transform_indices = @transform_12, window_bounds = array<i64: 256, 256>}, {pipeline_mode = #tpu.pipeline_mode<synchronous>, transform_indices = @transform_13, window_bounds = array<i64: 1, 256>}, {pipeline_mode = #tpu.pipeline_mode<synchronous>, transform_indices = @transform_14, window_bounds = array<i64: 256, 128>}, {pipeline_mode = #tpu.pipeline_mode<synchronous>, transform_indices = @transform_15, window_bounds = array<i64: 128, 128>}]} {
    %get3A = arith.constant 0 : index
    %get3A_0 = arith.constant 0 : index
    %get3A_1 = arith.constant 0 : index
    %get3A_2 = vector.load %arg2[%get3A, %get3A_0, %get3A_1] : memref<2x2000x32xf32, #tpu.memory_space<vmem>>, vector<1x2000x32xf32>
    %get3A_3 = vector.shape_cast %get3A_2 : vector<1x2000x32xf32> to vector<2000x32xf32>
    %get3A_4 = arith.constant 1 : index
    %get3A_5 = arith.constant 0 : index
    %get3A_6 = arith.constant 0 : index
    %get3A_7 = vector.load %arg2[%get3A_4, %get3A_5, %get3A_6] : memref<2x2000x32xf32, #tpu.memory_space<vmem>>, vector<1x2000x32xf32>
    %get3A_8 = vector.shape_cast %get3A_7 : vector<1x2000x32xf32> to vector<2000x32xf32>
    %concatenate3A = tpu.concatenate %get3A_3, %get3A_8 in 1 : vector<2000x32xf32>, vector<2000x32xf32> -> vector<2000x64xf32>
    %get3A_9 = arith.constant 0 : index
    %get3A_10 = arith.constant 0 : index
    %get3A_11 = vector.load %arg4[%get3A_9, %get3A_10] : memref<64x128xf32, #tpu.memory_space<vmem>>, vector<64x128xf32>
    %dot_general3A = arith.constant dense<0.000000e+00> : vector<2000x128xf32>
    %dot_general3A_12 = tpu.matmul %concatenate3A, %get3A_11, %dot_general3A {dimension_numbers = #tpu.dot_dimension_numbers<[1], [0], [0], [1], [0, 0, 1, 1], [], []>, transpose_lhs_hint = false} : vector<2000x64xf32>, vector<64x128xf32>, vector<2000x128xf32> -> vector<2000x128xf32>
    %get3A_13 = arith.constant 0 : index
    %get3A_14 = arith.constant 0 : index
    %get3A_15 = vector.load %arg5[%get3A_13, %get3A_14] : memref<1x128xf32, #tpu.memory_space<vmem>>, vector<1x128xf32>
    %add3A = vector.broadcast %get3A_15 : vector<1x128xf32> to vector<2000x128xf32>
    %add3A_16 = arith.addf %dot_general3A_12, %add3A : vector<2000x128xf32>
    %get3A_17 = arith.constant 0 : index
    %get3A_18 = arith.constant 0 : index
    %get3A_19 = vector.load %arg1[%get3A_17, %get3A_18] : memref<2000x128xf32, #tpu.memory_space<vmem>>, vector<2000x128xf32>
    %integer_pow3A = arith.mulf %add3A_16, %add3A_16 : vector<2000x128xf32>
    %integer_pow3A_20 = arith.mulf %add3A_16, %integer_pow3A : vector<2000x128xf32>
    %mul3A = arith.constant 4.471500e-02 : f32
    %mul3A_21 = vector.broadcast %mul3A : f32 to vector<2000x128xf32>
    %mul3A_22 = arith.mulf %mul3A_21, %integer_pow3A_20 : vector<2000x128xf32>
    %add3A_23 = arith.addf %add3A_16, %mul3A_22 : vector<2000x128xf32>
    %mul3A_24 = arith.constant 0.797884583 : f32
    %mul3A_25 = vector.broadcast %mul3A_24 : f32 to vector<2000x128xf32>
    %mul3A_26 = arith.mulf %mul3A_25, %add3A_23 : vector<2000x128xf32>
    %tanh3A = math.tanh %mul3A_26 : vector<2000x128xf32>
    %add3A_27 = arith.constant 1.000000e+00 : f32
    %add3A_28 = vector.broadcast %add3A_27 : f32 to vector<2000x128xf32>
    %add3A_29 = arith.addf %add3A_28, %tanh3A : vector<2000x128xf32>
    %mul3A_30 = arith.constant 5.000000e-01 : f32
    %mul3A_31 = vector.broadcast %mul3A_30 : f32 to vector<2000x128xf32>
    %mul3A_32 = arith.mulf %mul3A_31, %add3A_29 : vector<2000x128xf32>
    %mul3A_33 = arith.mulf %add3A_16, %mul3A_32 : vector<2000x128xf32>
    %add3A_34 = arith.addf %get3A_19, %mul3A_33 : vector<2000x128xf32>
    %get3A_35 = arith.constant 0 : index
    %get3A_36 = arith.constant 0 : index
    %get3A_37 = vector.load %arg6[%get3A_35, %get3A_36] : memref<128x256xf32, #tpu.memory_space<vmem>>, vector<128x256xf32>
    %dot_general3A_38 = arith.constant dense<0.000000e+00> : vector<2000x256xf32>
    %dot_general3A_39 = tpu.matmul %add3A_34, %get3A_37, %dot_general3A_38 {dimension_numbers = #tpu.dot_dimension_numbers<[1], [0], [0], [1], [0, 0, 1, 1], [], []>, transpose_lhs_hint = false} : vector<2000x128xf32>, vector<128x256xf32>, vector<2000x256xf32> -> vector<2000x256xf32>
    %get3A_40 = arith.constant 0 : index
    %get3A_41 = arith.constant 0 : index
    %get3A_42 = arith.constant 0 : index
    %get3A_43 = vector.load %arg3[%get3A_40, %get3A_41, %get3A_42] : memref<1x1x2000xf32, #tpu.memory_space<vmem>>, vector<1x1x2000xf32>
    %get3A_44 = vector.shape_cast %get3A_43 : vector<1x1x2000xf32> to vector<1x2000xf32>
    %broadcast_in_dim3A = vector.shape_cast %get3A_44 : vector<1x2000xf32> to vector<1x2000xf32>
    %broadcast_in_dim3A_45 = vector.broadcast %broadcast_in_dim3A : vector<1x2000xf32> to vector<128x2000xf32>
    %iota3A = tpu.iota {dimensions = array<i32: 0>} : vector<128x2000xi32>
    %convert_element_type3A = arith.sitofp %iota3A : vector<128x2000xi32> to vector<128x2000xf32>
    %eq3A = arith.cmpf oeq, %broadcast_in_dim3A_45, %convert_element_type3A : vector<128x2000xf32>
    %jit3A = arith.constant 1.000000e+00 : f32
    %jit3A_46 = arith.constant 0.000000e+00 : f32
    %broadcast_in_dim3A_47 = vector.broadcast %jit3A : f32 to vector<128x2000xf32>
    %broadcast_in_dim3A_48 = vector.broadcast %jit3A_46 : f32 to vector<128x2000xf32>
    %select_n3A = arith.select %eq3A, %broadcast_in_dim3A_47, %broadcast_in_dim3A_48 : vector<128x2000xi1>, vector<128x2000xf32>
    %eq3A_49 = arith.constant 0 : i32
    %eq3A_50 = arith.cmpi eq, %arg0, %eq3A_49 : i32
    %convert_element_type3A_51 = arith.extui %eq3A_50 : i1 to i32
    %cond3A = arith.constant 0 : i32
    %cond3A_52 = arith.cmpi ne, %convert_element_type3A_51, %cond3A : i32
    scf.if %cond3A_52 {
      %broadcast_in_dim3A_77 = arith.constant 0.000000e+00 : f32
      %broadcast_in_dim3A_78 = vector.broadcast %broadcast_in_dim3A_77 : f32 to vector<128x256xf32>
      %swap3A_79 = arith.constant 0 : index
      %swap3A_80 = arith.constant 0 : index
      %swap3A_81 = vector.load %arg17[%swap3A_79, %swap3A_80] : memref<128x256xf32, #tpu.memory_space<vmem>>, vector<128x256xf32>
      tpu.vector_store %arg17[%swap3A_79, %swap3A_80], %broadcast_in_dim3A_78 {strides = array<i32>} : memref<128x256xf32, #tpu.memory_space<vmem>>, vector<128x256xf32>,
      %broadcast_in_dim3A_82 = arith.constant 0.000000e+00 : f32
      %broadcast_in_dim3A_83 = vector.broadcast %broadcast_in_dim3A_82 : f32 to vector<128x128xf32>
      %swap3A_84 = arith.constant 0 : index
      %swap3A_85 = arith.constant 0 : index
      %swap3A_86 = vector.load %arg18[%swap3A_84, %swap3A_85] : memref<128x128xf32, #tpu.memory_space<vmem>>, vector<128x128xf32>
      tpu.vector_store %arg18[%swap3A_84, %swap3A_85], %broadcast_in_dim3A_83 {strides = array<i32>} : memref<128x128xf32, #tpu.memory_space<vmem>>, vector<128x128xf32>,
    } else {
    }
    %get3A_53 = arith.constant 0 : index
    %get3A_54 = arith.constant 0 : index
    %get3A_55 = vector.load %arg17[%get3A_53, %get3A_54] : memref<128x256xf32, #tpu.memory_space<vmem>>, vector<128x256xf32>
    %dot_general3A_56 = arith.constant dense<0.000000e+00> : vector<128x256xf32>
    %dot_general3A_57 = tpu.matmul %select_n3A, %dot_general3A_39, %dot_general3A_56 {dimension_numbers = #tpu.dot_dimension_numbers<[1], [0], [0], [1], [0, 0, 1, 1], [], []>, transpose_lhs_hint = false} : vector<128x2000xf32>, vector<2000x256xf32>, vector<128x256xf32> -> vector<128x256xf32>
    %add3A_58 = arith.addf %get3A_55, %dot_general3A_57 : vector<128x256xf32>
    %swap3A = arith.constant 0 : index
    %swap3A_59 = arith.constant 0 : index
    %swap3A_60 = vector.load %arg17[%swap3A, %swap3A_59] : memref<128x256xf32, #tpu.memory_space<vmem>>, vector<128x256xf32>
    tpu.vector_store %arg17[%swap3A, %swap3A_59], %add3A_58 {strides = array<i32>} : memref<128x256xf32, #tpu.memory_space<vmem>>, vector<128x256xf32>,
    %get3A_61 = arith.constant 0 : index
    %get3A_62 = arith.constant 0 : index
    %get3A_63 = vector.load %arg18[%get3A_61, %get3A_62] : memref<128x128xf32, #tpu.memory_space<vmem>>, vector<128x128xf32>
    %reduce_sum3A = arith.constant dense<0.000000e+00> : vector<128xf32>
    %reduce_sum3A_64 = vector.multi_reduction <add>, %select_n3A, %reduce_sum3A [1] : vector<128x2000xf32> to vector<128xf32>
    %broadcast_in_dim3A_65 = vector.shape_cast %reduce_sum3A_64 : vector<128xf32> to vector<128x1xf32>
    %broadcast_in_dim3A_66 = vector.shape_cast %broadcast_in_dim3A_65 : vector<128x1xf32> to vector<128x1xf32>
    %broadcast_in_dim3A_67 = vector.broadcast %broadcast_in_dim3A_66 : vector<128x1xf32> to vector<128x128xf32>
    %add3A_68 = arith.addf %get3A_63, %broadcast_in_dim3A_67 : vector<128x128xf32>
    %swap3A_69 = arith.constant 0 : index
    %swap3A_70 = arith.constant 0 : index
    %swap3A_71 = vector.load %arg18[%swap3A_69, %swap3A_70] : memref<128x128xf32, #tpu.memory_space<vmem>>, vector<128x128xf32>
    tpu.vector_store %arg18[%swap3A_69, %swap3A_70], %add3A_68 {strides = array<i32>} : memref<128x128xf32, #tpu.memory_space<vmem>>, vector<128x128xf32>,
    %eq3A_72 = arith.constant 24 : i32
    %eq3A_73 = arith.cmpi eq, %arg0, %eq3A_72 : i32
    %convert_element_type3A_74 = arith.extui %eq3A_73 : i1 to i32
    %cond3A_75 = arith.constant 0 : i32
    %cond3A_76 = arith.cmpi ne, %convert_element_type3A_74, %cond3A_75 : i32
    scf.if %cond3A_76 {
      %get3A_77 = arith.constant 0 : index
      %get3A_78 = arith.constant 0 : index
      %get3A_79 = vector.load %arg18[%get3A_77, %get3A_78] : memref<128x128xf32, #tpu.memory_space<vmem>>, vector<128x128xf32>
      %slice3A = vector.extract_strided_slice %get3A_79 {offsets = [0, 0], sizes = [128, 1], strides = [1, 1]} : vector<128x128xf32> to vector<128x1xf32>
      %max3A = arith.constant 1.000000e+00 : f32
      %max3A_80 = vector.broadcast %max3A : f32 to vector<128x1xf32>
      %max3A_81 = arith.maximumf %slice3A, %max3A_80 : vector<128x1xf32>
      %get3A_82 = arith.constant 0 : index
      %get3A_83 = arith.constant 0 : index
      %get3A_84 = vector.load %arg17[%get3A_82, %get3A_83] : memref<128x256xf32, #tpu.memory_space<vmem>>, vector<128x256xf32>
      %div3A = vector.broadcast %max3A_81 : vector<128x1xf32> to vector<128x256xf32>
      %div3A_85 = arith.divf %get3A_84, %div3A : vector<128x256xf32>
      %get3A_86 = arith.constant 0 : index
      %get3A_87 = arith.constant 0 : index
      %get3A_88 = vector.load %arg7[%get3A_86, %get3A_87] : memref<256x256xf32, #tpu.memory_space<vmem>>, vector<256x256xf32>
      %dot_general3A_89 = arith.constant dense<0.000000e+00> : vector<128x256xf32>
      %dot_general3A_90 = tpu.matmul %div3A_85, %get3A_88, %dot_general3A_89 {dimension_numbers = #tpu.dot_dimension_numbers<[1], [0], [0], [1], [0, 0, 1, 1], [], []>, transpose_lhs_hint = false} : vector<128x256xf32>, vector<256x256xf32>, vector<128x256xf32> -> vector<128x256xf32>
      %get3A_91 = arith.constant 0 : index
      %get3A_92 = arith.constant 0 : index
      %get3A_93 = vector.load %arg8[%get3A_91, %get3A_92] : memref<1x256xf32, #tpu.memory_space<vmem>>, vector<1x256xf32>
      %add3A_94 = vector.broadcast %get3A_93 : vector<1x256xf32> to vector<128x256xf32>
      %add3A_95 = arith.addf %dot_general3A_90, %add3A_94 : vector<128x256xf32>
      %integer_pow3A_96 = arith.mulf %add3A_95, %add3A_95 : vector<128x256xf32>
      %integer_pow3A_97 = arith.mulf %add3A_95, %integer_pow3A_96 : vector<128x256xf32>
      %mul3A_98 = arith.constant 4.471500e-02 : f32
      %mul3A_99 = vector.broadcast %mul3A_98 : f32 to vector<128x256xf32>
      %mul3A_100 = arith.mulf %mul3A_99, %integer_pow3A_97 : vector<128x256xf32>
      %add3A_101 = arith.addf %add3A_95, %mul3A_100 : vector<128x256xf32>
      %mul3A_102 = arith.constant 0.797884583 : f32
      %mul3A_103 = vector.broadcast %mul3A_102 : f32 to vector<128x256xf32>
      %mul3A_104 = arith.mulf %mul3A_103, %add3A_101 : vector<128x256xf32>
      %tanh3A_105 = math.tanh %mul3A_104 : vector<128x256xf32>
      %add3A_106 = arith.constant 1.000000e+00 : f32
      %add3A_107 = vector.broadcast %add3A_106 : f32 to vector<128x256xf32>
      %add3A_108 = arith.addf %add3A_107, %tanh3A_105 : vector<128x256xf32>
      %mul3A_109 = arith.constant 5.000000e-01 : f32
      %mul3A_110 = vector.broadcast %mul3A_109 : f32 to vector<128x256xf32>
      %mul3A_111 = arith.mulf %mul3A_110, %add3A_108 : vector<128x256xf32>
      %mul3A_112 = arith.mulf %add3A_95, %mul3A_111 : vector<128x256xf32>
      %get3A_113 = arith.constant 0 : index
      %get3A_114 = arith.constant 0 : index
      %get3A_115 = vector.load %arg9[%get3A_113, %get3A_114] : memref<256x256xf32, #tpu.memory_space<vmem>>, vector<256x256xf32>
      %dot_general3A_116 = arith.constant dense<0.000000e+00> : vector<128x256xf32>
      %dot_general3A_117 = tpu.matmul %mul3A_112, %get3A_115, %dot_general3A_116 {dimension_numbers = #tpu.dot_dimension_numbers<[1], [0], [0], [1], [0, 0, 1, 1], [], []>, transpose_lhs_hint = false} : vector<128x256xf32>, vector<256x256xf32>, vector<128x256xf32> -> vector<128x256xf32>
      %get3A_118 = arith.constant 0 : index
      %get3A_119 = arith.constant 0 : index
      %get3A_120 = vector.load %arg10[%get3A_118, %get3A_119] : memref<1x256xf32, #tpu.memory_space<vmem>>, vector<1x256xf32>
      %add3A_121 = vector.broadcast %get3A_120 : vector<1x256xf32> to vector<128x256xf32>
      %add3A_122 = arith.addf %dot_general3A_117, %add3A_121 : vector<128x256xf32>
      %integer_pow3A_123 = arith.mulf %add3A_122, %add3A_122 : vector<128x256xf32>
      %integer_pow3A_124 = arith.mulf %add3A_122, %integer_pow3A_123 : vector<128x256xf32>
      %mul3A_125 = arith.constant 4.471500e-02 : f32
      %mul3A_126 = vector.broadcast %mul3A_125 : f32 to vector<128x256xf32>
      %mul3A_127 = arith.mulf %mul3A_126, %integer_pow3A_124 : vector<128x256xf32>
      %add3A_128 = arith.addf %add3A_122, %mul3A_127 : vector<128x256xf32>
      %mul3A_129 = arith.constant 0.797884583 : f32
      %mul3A_130 = vector.broadcast %mul3A_129 : f32 to vector<128x256xf32>
      %mul3A_131 = arith.mulf %mul3A_130, %add3A_128 : vector<128x256xf32>
      %tanh3A_132 = math.tanh %mul3A_131 : vector<128x256xf32>
      %add3A_133 = arith.constant 1.000000e+00 : f32
      %add3A_134 = vector.broadcast %add3A_133 : f32 to vector<128x256xf32>
      %add3A_135 = arith.addf %add3A_134, %tanh3A_132 : vector<128x256xf32>
      %mul3A_136 = arith.constant 5.000000e-01 : f32
      %mul3A_137 = vector.broadcast %mul3A_136 : f32 to vector<128x256xf32>
      %mul3A_138 = arith.mulf %mul3A_137, %add3A_135 : vector<128x256xf32>
      %mul3A_139 = arith.mulf %add3A_122, %mul3A_138 : vector<128x256xf32>
      %get3A_140 = arith.constant 0 : index
      %get3A_141 = arith.constant 0 : index
      %get3A_142 = vector.load %arg11[%get3A_140, %get3A_141] : memref<256x256xf32, #tpu.memory_space<vmem>>, vector<256x256xf32>
      %dot_general3A_143 = arith.constant dense<0.000000e+00> : vector<128x256xf32>
      %dot_general3A_144 = tpu.matmul %mul3A_139, %get3A_142, %dot_general3A_143 {dimension_numbers = #tpu.dot_dimension_numbers<[1], [0], [0], [1], [0, 0, 1, 1], [], []>, transpose_lhs_hint = false} : vector<128x256xf32>, vector<256x256xf32>, vector<128x256xf32> -> vector<128x256xf32>
      %get3A_145 = arith.constant 0 : index
      %get3A_146 = arith.constant 0 : index
      %get3A_147 = vector.load %arg12[%get3A_145, %get3A_146] : memref<1x256xf32, #tpu.memory_space<vmem>>, vector<1x256xf32>
      %add3A_148 = vector.broadcast %get3A_147 : vector<1x256xf32> to vector<128x256xf32>
      %add3A_149 = arith.addf %dot_general3A_144, %add3A_148 : vector<128x256xf32>
      %integer_pow3A_150 = arith.mulf %add3A_149, %add3A_149 : vector<128x256xf32>
      %integer_pow3A_151 = arith.mulf %add3A_149, %integer_pow3A_150 : vector<128x256xf32>
      %mul3A_152 = arith.constant 4.471500e-02 : f32
      %mul3A_153 = vector.broadcast %mul3A_152 : f32 to vector<128x256xf32>
      %mul3A_154 = arith.mulf %mul3A_153, %integer_pow3A_151 : vector<128x256xf32>
      %add3A_155 = arith.addf %add3A_149, %mul3A_154 : vector<128x256xf32>
      %mul3A_156 = arith.constant 0.797884583 : f32
      %mul3A_157 = vector.broadcast %mul3A_156 : f32 to vector<128x256xf32>
      %mul3A_158 = arith.mulf %mul3A_157, %add3A_155 : vector<128x256xf32>
      %tanh3A_159 = math.tanh %mul3A_158 : vector<128x256xf32>
      %add3A_160 = arith.constant 1.000000e+00 : f32
      %add3A_161 = vector.broadcast %add3A_160 : f32 to vector<128x256xf32>
      %add3A_162 = arith.addf %add3A_161, %tanh3A_159 : vector<128x256xf32>
      %mul3A_163 = arith.constant 5.000000e-01 : f32
      %mul3A_164 = vector.broadcast %mul3A_163 : f32 to vector<128x256xf32>
      %mul3A_165 = arith.mulf %mul3A_164, %add3A_162 : vector<128x256xf32>
      %mul3A_166 = arith.mulf %add3A_149, %mul3A_165 : vector<128x256xf32>
      %get3A_167 = arith.constant 0 : index
      %get3A_168 = arith.constant 0 : index
      %get3A_169 = vector.load %arg13[%get3A_167, %get3A_168] : memref<256x256xf32, #tpu.memory_space<vmem>>, vector<256x256xf32>
      %dot_general3A_170 = arith.constant dense<0.000000e+00> : vector<128x256xf32>
      %dot_general3A_171 = tpu.matmul %mul3A_166, %get3A_169, %dot_general3A_170 {dimension_numbers = #tpu.dot_dimension_numbers<[1], [0], [0], [1], [0, 0, 1, 1], [], []>, transpose_lhs_hint = false} : vector<128x256xf32>, vector<256x256xf32>, vector<128x256xf32> -> vector<128x256xf32>
      %get3A_172 = arith.constant 0 : index
      %get3A_173 = arith.constant 0 : index
      %get3A_174 = vector.load %arg14[%get3A_172, %get3A_173] : memref<1x256xf32, #tpu.memory_space<vmem>>, vector<1x256xf32>
      %add3A_175 = vector.broadcast %get3A_174 : vector<1x256xf32> to vector<128x256xf32>
      %add3A_176 = arith.addf %dot_general3A_171, %add3A_175 : vector<128x256xf32>
      %integer_pow3A_177 = arith.mulf %add3A_176, %add3A_176 : vector<128x256xf32>
      %integer_pow3A_178 = arith.mulf %add3A_176, %integer_pow3A_177 : vector<128x256xf32>
      %mul3A_179 = arith.constant 4.471500e-02 : f32
      %mul3A_180 = vector.broadcast %mul3A_179 : f32 to vector<128x256xf32>
      %mul3A_181 = arith.mulf %mul3A_180, %integer_pow3A_178 : vector<128x256xf32>
      %add3A_182 = arith.addf %add3A_176, %mul3A_181 : vector<128x256xf32>
      %mul3A_183 = arith.constant 0.797884583 : f32
      %mul3A_184 = vector.broadcast %mul3A_183 : f32 to vector<128x256xf32>
      %mul3A_185 = arith.mulf %mul3A_184, %add3A_182 : vector<128x256xf32>
      %tanh3A_186 = math.tanh %mul3A_185 : vector<128x256xf32>
      %add3A_187 = arith.constant 1.000000e+00 : f32
      %add3A_188 = vector.broadcast %add3A_187 : f32 to vector<128x256xf32>
      %add3A_189 = arith.addf %add3A_188, %tanh3A_186 : vector<128x256xf32>
      %mul3A_190 = arith.constant 5.000000e-01 : f32
      %mul3A_191 = vector.broadcast %mul3A_190 : f32 to vector<128x256xf32>
      %mul3A_192 = arith.mulf %mul3A_191, %add3A_189 : vector<128x256xf32>
      %mul3A_193 = arith.mulf %add3A_176, %mul3A_192 : vector<128x256xf32>
      %get3A_194 = arith.constant 0 : index
      %get3A_195 = arith.constant 0 : index
      %get3A_196 = vector.load %arg15[%get3A_194, %get3A_195] : memref<256x128xf32, #tpu.memory_space<vmem>>, vector<256x128xf32>
      %dot_general3A_197 = arith.constant dense<0.000000e+00> : vector<128x128xf32>
      %dot_general3A_198 = tpu.matmul %mul3A_193, %get3A_196, %dot_general3A_197 {dimension_numbers = #tpu.dot_dimension_numbers<[1], [0], [0], [1], [0, 0, 1, 1], [], []>, transpose_lhs_hint = false} : vector<128x256xf32>, vector<256x128xf32>, vector<128x128xf32> -> vector<128x128xf32>
      %swap3A_199 = arith.constant 0 : index
      %swap3A_200 = arith.constant 0 : index
      %swap3A_201 = vector.load %arg16[%swap3A_199, %swap3A_200] : memref<128x128xf32, #tpu.memory_space<vmem>>, vector<128x128xf32>
      tpu.vector_store %arg16[%swap3A_199, %swap3A_200], %dot_general3A_198 {strides = array<i32>} : memref<128x128xf32, #tpu.memory_space<vmem>>, vector<128x128xf32>,
    } else {
    }
    return
  }
  func.func @transform_0(%arg0: i32) -> (i32, i32) {
    %c0_i32 = arith.constant 0 : i32
    %c0_i32_0 = arith.constant 0 : i32
    return %arg0, %c0_i32 : i32, i32
  }
  func.func @transform_1(%arg0: i32) -> (i32, i32, i32) {
    %c0_i32 = arith.constant 0 : i32
    %c0_i32_0 = arith.constant 0 : i32
    %c0_i32_1 = arith.constant 0 : i32
    return %c0_i32, %arg0, %c0_i32_0 : i32, i32, i32
  }
  func.func @transform_2(%arg0: i32) -> (i32, i32, i32) {
    %c0_i32 = arith.constant 0 : i32
    %c0_i32_0 = arith.constant 0 : i32
    %c0_i32_1 = arith.constant 0 : i32
    return %arg0, %c0_i32, %c0_i32_0 : i32, i32, i32
  }
  func.func @transform_3(%arg0: i32) -> (i32, i32) {
    %c0_i32 = arith.constant 0 : i32
    %c0_i32_0 = arith.constant 0 : i32
    %c0_i32_1 = arith.constant 0 : i32
    return %c0_i32, %c0_i32_0 : i32, i32
  }
  func.func @transform_4(%arg0: i32) -> (i32, i32) {
    %c0_i32 = arith.constant 0 : i32
    %c0_i32_0 = arith.constant 0 : i32
    %c0_i32_1 = arith.constant 0 : i32
    return %c0_i32, %c0_i32_0 : i32, i32
  }
  func.func @transform_5(%arg0: i32) -> (i32, i32) {
    %c0_i32 = arith.constant 0 : i32
    %c0_i32_0 = arith.constant 0 : i32
    %c0_i32_1 = arith.constant 0 : i32
    return %c0_i32, %c0_i32_0 : i32, i32
  }
  func.func @transform_6(%arg0: i32) -> (i32, i32) {
    %c0_i32 = arith.constant 0 : i32
    %c0_i32_0 = arith.constant 0 : i32
    %c0_i32_1 = arith.constant 0 : i32
    return %c0_i32, %c0_i32_0 : i32, i32
  }
  func.func @transform_7(%arg0: i32) -> (i32, i32) {
    %c0_i32 = arith.constant 0 : i32
    %c0_i32_0 = arith.constant 0 : i32
    %c0_i32_1 = arith.constant 0 : i32
    return %c0_i32, %c0_i32_0 : i32, i32
  }
  func.func @transform_8(%arg0: i32) -> (i32, i32) {
    %c0_i32 = arith.constant 0 : i32
    %c0_i32_0 = arith.constant 0 : i32
    %c0_i32_1 = arith.constant 0 : i32
    return %c0_i32, %c0_i32_0 : i32, i32
  }
  func.func @transform_9(%arg0: i32) -> (i32, i32) {
    %c0_i32 = arith.constant 0 : i32
    %c0_i32_0 = arith.constant 0 : i32
    %c0_i32_1 = arith.constant 0 : i32
    return %c0_i32, %c0_i32_0 : i32, i32
  }
  func.func @transform_10(%arg0: i32) -> (i32, i32) {
    %c0_i32 = arith.constant 0 : i32
    %c0_i32_0 = arith.constant 0 : i32
    %c0_i32_1 = arith.constant 0 : i32
    return %c0_i32, %c0_i32_0 : i32, i32
  }
  func.func @transform_11(%arg0: i32) -> (i32, i32) {
    %c0_i32 = arith.constant 0 : i32
    %c0_i32_0 = arith.constant 0 : i32
    %c0_i32_1 = arith.constant 0 : i32
    return %c0_i32, %c0_i32_0 : i32, i32
  }
  func.func @transform_12(%arg0: i32) -> (i32, i32) {
    %c0_i32 = arith.constant 0 : i32
    %c0_i32_0 = arith.constant 0 : i32
    %c0_i32_1 = arith.constant 0 : i32
    return %c0_i32, %c0_i32_0 : i32, i32
  }
  func.func @transform_13(%arg0: i32) -> (i32, i32) {
    %c0_i32 = arith.constant 0 : i32
    %c0_i32_0 = arith.constant 0 : i32
    %c0_i32_1 = arith.constant 0 : i32
    return %c0_i32, %c0_i32_0 : i32, i32
  }
  func.func @transform_14(%arg0: i32) -> (i32, i32) {
    %c0_i32 = arith.constant 0 : i32
    %c0_i32_0 = arith.constant 0 : i32
    %c0_i32_1 = arith.constant 0 : i32
    return %c0_i32, %c0_i32_0 : i32, i32
  }
  func.func @transform_15(%arg0: i32) -> (i32, i32) {
    %c0_i32 = arith.constant 0 : i32
    %c0_i32_0 = arith.constant 0 : i32
    %c0_i32_1 = arith.constant 0 : i32
    return %c0_i32, %c0_i32_0 : i32, i32
  }
}

</mosaic_0001>

<sc_bundles>
// kernel: kernel.10.cloned.1.call-start
scs
__scs_entry_jumppad:
0x0: {  	(pc) =	sbr.rel $0x88, $3  }
0x1: {  	(tag) =	ssettag $0x0;
	lr =	simm.s32 $0x1  }
0x2: {  	[smem:$0x3F8D] =	sst lr;
	_ =	strace $0xD0000000  }
0x3: {  	_ = 	snop  }
0x4: {  	_ = 	snop  }
0x5: {  	_ = 	snop  }
0x6: {  	_ = 	snop  }
0x7: {  	_ = 	snop  }
__scs_overlays_trampoline_lowered:
0x8: {  	[smem:$0x3F9C] =	sst s0  }
0x9: {  	[smem:$0x3F9D] =	sst s1  }
0xa: {  	[smem:$0x3F9E] =	sst s2  }
0xb: {  	[smem:$0x3F9F] =	sst s3  }
0xc: {  	[smem:$0x3FA0] =	sst s4  }
0xd: {  	[smem:$0x3FA1] =	sst s5  }
0xe: {  	[smem:$0x3FA2] =	sst s6  }
0xf: {  	[smem:$0x3FA3] =	sst s7  }
0x10: {  	[smem:$0x3FA4] =	sst s8  }
0x11: {  	[smem:$0x3FA5] =	sst s9;
	s0 =	simm.s32 @!p0 $0x0  }
0x12: {  	s1 =	sld [smem:$0x3F8B];
	s0 =	simm.s32 @p0 $0x1  }
0x13: {  	[smem:$0x3FA6] =	sst s0;
	s0 =	simm.s32 @!p1 $0x0  }
0x14: {  	s2 =	sld [smem:$0x3F8A];
	s0 =	simm.s32 @p1 $0x1  }
0x15: {  	[smem:$0x3FA7] =	sst s0;
	s0 =	simm.s32 @!p2 $0x0  }
0x16: {  	s3 =	sld [smem:$0x3FDB];
	s0 =	simm.s32 @p2 $0x1  }
0x17: {  	s4 =	simm.s32 $0x1BF5;
	[smem:$0x3FA9] =	sst s0  }
0x18: {  	s0 =	sld [smem:$0x3F8C];
	_ =	swait.ge [sflag:s4], $0x0  }
0x19: {  	s7 =	sld [smem:$0x3F8D]  }
0x1a: {  	s8 =	sadd.s32 $0xFFFFE003, lr  }
0x1b: {  	s9 =	sadd.s32 $0xFFFFFEF7, lr;
	s5 =	simm.s32 $0xFFFFFFFF;
	p2 =	slt.u32 s8, $0xFFFFF086  }
0x1c: {  	p1 =	slt.u32 s9, $0xF7A;
	s5 =	simm.s32 @!p2 $0x0  }
0x1d: {  	s5 =	simm.s32 @p1 $0x1;
	p0 =	seq.s32 s7, s2  }
0x1e: {  	s7 =	smul.u32 @!p0 $0xF7A, s2;
	p2 =	seq.s32 @!p0 s5, $0x0  }
0x1f: {  	s9 =	smul.u32 $0xF7A, s1;
	s8 =	simm.s32 @!p0 $0x1BF5;
	p2 =	por !p2, p0  }
0x20: {  	[sflag:s8] =	ssyncset.s32 @!p0 $0xFFFFF086;
	s6 =	sadd.s32 @!p0 s3, s7;
	s7 =	simm.s32 @!p0 $0x108  }
0x21: {  	s3 =	sadd.s32 s3, s9;
	s6 =	sadd.s32 @!p0 $0x88, s6;
	s7 =	simm.s32 @p2 $0x1082  }
0x22: {  	[simem:s7], [sflag:s8] =	dma.local @!p0 [hbm:s6], $0xF7A  }
0x23: {  	s9 =	sor.u32 $0xD0000000, s2;
	s6 =	simm.s32 $0x108;
	_ =	swait.ge @!p0 [sflag:s8], $0x0  }
0x24: {  	s3 =	sadd.s32 $0x88, s3;
	s6 =	simm.s32 @!p1 $0x1082;
	[sflag:s4] =	ssyncset.s32 $0xFFFFF086  }
0x25: {  	[simem:s6], [sflag:s4] =	dma.local [hbm:s3], $0xF7A  }
0x26: {  	[smem:$0x3F8D] =	sst s1;
	(tag) =	ssettag s2;
	_ =	strace s9  }
0x27: {  	s1 =	sld [smem:$0x3F9D]  }
0x28: {  	s2 =	sld [smem:$0x3F9E]  }
0x29: {  	s4 =	sld [smem:$0x3FA0]  }
0x2a: {  	p0 =	seq.s32 s5, $0x0;
	s5 =	sld [smem:$0x3FA1]  }
0x2b: {  	s6 =	sld [smem:$0x3FA2]  }
0x2c: {  	s7 =	sld [smem:$0x3FA3]  }
0x2d: {  	s3 =	simm.s32 $0x108;
	s8 =	sld [smem:$0x3FA4]  }
0x2e: {  	s3 =	simm.s32 @!p0 $0x1082;
	s9 =	sld [smem:$0x3FA5]  }
0x2f: {  	lr =	sadd.s32 s0, s3;
	s0 =	sld [smem:$0x3F9C]  }
0x30: {  	s3 =	sld [smem:$0x3F9F]  }
0x31: {  	[smem:$0x3FA8] =	sst s10  }
0x32: {  	s10 =	sld [smem:$0x3FA6];
	_ =	sdelay $0x3  }
0x33: {  	p0 =	seq.s32 s10, $0x1;
	s10 =	sld [smem:$0x3FA8];
	_ =	sdelay $0x3  }
0x34: {  	[smem:$0x3FA8] =	sst s10  }
0x35: {  	s10 =	sld [smem:$0x3FA7];
	_ =	sdelay $0x3  }
0x36: {  	p1 =	seq.s32 s10, $0x1;
	s10 =	sld [smem:$0x3FA8];
	_ =	sdelay $0x3  }
0x37: {  	[smem:$0x3FA8] =	sst s10  }
0x38: {  	s10 =	sld [smem:$0x3FA9]  }
0x39: {  	_ = 	snop;
	(pc) =	sbr.ind lr, $3  }
0x3a: {  	_ = 	snop  }
0x3b: {  	_ = 	snop  }
0x3c: {  	p2 =	seq.s32 s10, $0x1;
	s10 =	sld [smem:$0x3FA8]  }
0x3d: {  	_ =	shalt  }
0x3e: {  	_ =	shalt  }
0x3f: {  	_ =	shalt  }
0x40: {  	_ =	shalt  }
0x41: {  	_ =	shalt  }
0x42: {  	_ =	shalt  }
0x43: {  	_ =	shalt  }
0x44: {  	_ =	shalt  }
0x45: {  	_ =	shalt  }
0x46: {  	_ =	shalt  }
0x47: {  	_ =	shalt  }
0x48: {  	_ =	shalt  }
0x49: {  	_ =	shalt  }
0x4a: {  	_ =	shalt  }
0x4b: {  	_ =	shalt  }
0x4c: {  	_ =	shalt  }
0x4d: {  	_ =	shalt  }
0x4e: {  	_ =	shalt  }
0x4f: {  	_ =	shalt  }
0x50: {  	_ =	shalt  }
0x51: {  	_ =	shalt  }
0x52: {  	_ =	shalt  }
0x53: {  	_ =	shalt  }
0x54: {  	_ =	shalt  }
0x55: {  	_ =	shalt  }
0x56: {  	_ =	shalt  }
0x57: {  	_ =	shalt  }
0x58: {  	_ =	shalt  }
0x59: {  	_ =	shalt  }
0x5a: {  	_ =	shalt  }
0x5b: {  	_ =	shalt  }
0x5c: {  	_ =	shalt  }
0x5d: {  	_ =	shalt  }
0x5e: {  	_ =	shalt  }
0x5f: {  	_ =	shalt  }
0x60: {  	_ =	shalt  }
0x61: {  	_ =	shalt  }
0x62: {  	_ =	shalt  }
0x63: {  	_ =	shalt  }
0x64: {  	_ =	shalt  }
0x65: {  	_ =	shalt  }
0x66: {  	_ =	shalt  }
0x67: {  	_ =	shalt  }
0x68: {  	_ =	shalt  }
0x69: {  	_ =	shalt  }
0x6a: {  	_ =	shalt  }
0x6b: {  	_ =	shalt  }
0x6c: {  	_ =	shalt  }
0x6d: {  	_ =	shalt  }
0x6e: {  	_ =	shalt  }
0x6f: {  	_ =	shalt  }
0x70: {  	_ =	shalt  }
0x71: {  	_ =	shalt  }
0x72: {  	_ =	shalt  }
0x73: {  	_ =	shalt  }
0x74: {  	_ =	shalt  }
0x75: {  	_ =	shalt  }
0x76: {  	_ =	shalt  }
0x77: {  	_ =	shalt  }
0x78: {  	_ =	shalt  }
0x79: {  	_ =	shalt  }
0x7a: {  	_ =	shalt  }
0x7b: {  	_ =	shalt  }
0x7c: {  	_ =	shalt  }
0x7d: {  	_ =	shalt  }
0x7e: {  	_ =	shalt  }
0x7f: {  	_ =	shalt  }
0x80: {  	_ =	shalt  }
0x81: {  	_ =	shalt  }
0x82: {  	_ =	shalt  }
0x83: {  	_ =	shalt  }
0x84: {  	_ =	shalt  }
0x85: {  	_ =	shalt  }
0x86: {  	_ =	shalt  }
0x87: {  	_ =	shalt  }
.Lfunc_end0:
.L_simem_size_0:
called_computation.1_lowered:
.L_overlay_start_0:
0x88: {  	s2 =	sld [smem:$0x3FD9]  }
0x89: {  	s3 =	sld [smem:$0x3FFE];
	_ =	sdelay $0x1  }
0x8a: {  	s1 =	srdreg.scid  }
0x8b: {  	s0 =	sand.u32 $0x1, s1  }
0x8c: {  	s16 =	sshll.u32 s0, $0xA;
	s2 =	sadd.s32 s3, s2  }
0x8d: {  	s2 =	sadd.s32 s2, s16  }
0x8e: {  	[smem:$0x3FB4] =	sst s2  }
0x8f: {  	_ = 	snop  }
0x90: {  	(tm) =	ssettm $0x1  }
0x91: {  	s17 =	sld [smem:$0x3FFB];
	_ =	sdelay $0x3  }
0x92: {  	_ =	strace s17  }
0x93: {  	s2 =	sld [smem:$0x3FFC];
	_ =	sdelay $0x3  }
0x94: {  	_ =	strace s2  }
0x95: {  	s2 =	sld [smem:$0x3FFD];
	_ =	sdelay $0x3  }
0x96: {  	_ =	strace s2  }
0x97: {  	_ =	strace $0x8FFFFFFF  }
0x98: {  	s18 =	sld [smem:$0x3FDB];
	_ =	sdelay $0x1  }
0x99: {  	s19 =	simm.s32 $_scs_section_size  }
0x9a: {  	s4 =	simm.s32 $_size__tile_overlayer_lowered;
	s5 =	simm.s32 $_tile_overlayer_lowered  }
0x9b: {  	s22 =	simm.s32 $0x1BFF;
	s21 =	sshll.u32 s5, $0x1;
	s2 =	sadd.s32 s19, s18  }
0x9c: {  	s6 =	simm.s32 $0x0;
	s20 =	sshll.u32 s4, $0x1;
	s4 =	sadd.s32 s21, s2  }
0x9d: {  	[timem:s6], [sflag:s22] =	dma.local [hbm:s4], s20  }
0x9e: {  	_ =	swait.ge [sflag:s22], s20  }
0x9f: {  	s3 =	ssub.s32 $0x0, s20;
	[sflag:s22] =	ssyncset.done $0x0  }
0xa0: {  	[sflag:s22] =	ssyncadd.s32 s3;
	_ =	sdelay $0x1  }
0xa1: {  	s23 =	simm.s32 $0x1B8B  }
0xa2: {  	_ =	swait.ge [sflag:s23], $0x1  }
0xa3: {  	[sflag:s23] =	ssyncset.done $0x0  }
0xa4: {  	s25 =	simm.s32 $0x1B8E;
	s24 =	sld [smem:$0x3FFE];
	[sflag:s23] =	ssyncadd.s32 $0xFFFFFFFF  }
0xa5: {  	s26 =	simm.s32 $execute0_lowered;
	[smem:$0x3FD2] =	sst s25  }
0xa6: {  	s4 =	sshll.u32 s26, $0x1;
	_ =	strace $0x80000049;
	[dreg:$0x1] =	wrdreg $0xFFFFFFFF  }
0xa7: {  	s28 =	simm.s32 $_size_execute0_lowered;
	s2 =	sadd.s32 s2, s4;
	[dreg:$0x0] =	wrdreg $0x0  }
0xa8: {  	s4 =	sshll.u32 s28, $0x1;
	[dreg:$0x2] =	wrdreg s2  }
0xa9: {  	[dreg:$0x3] =	wrdreg s4  }
0xaa: {  	[dreg:$0x4] =	wrdreg $0xC0  }
0xab: {  	_ =	task [dreg:s6], $0x5FFFF  }
0xac: {  	[dreg:$0x1] =	wrdreg $0xFFFFFFFF  }
0xad: {  	[dreg:$0x0] =	wrdreg $0x60  }
0xae: {  	[dreg:$0x2] =	wrdreg s24  }
0xaf: {  	[dreg:$0x3] =	wrdreg $0x0  }
0xb0: {  	[dreg:$0x4] =	wrdreg $0x9  }
0xb1: {  	_ =	task.clear_ibuf [dreg:s6], $0x5FFFF;
	_ =	strace $0x90000049  }
0xb2: {  	s29 =	simm.s32 $0x9;
	_ =	strace $0x8000004B  }
0xb3: {  	_ =	swait.ge [sflag:s29], $0x1  }
0xb4: {  	[sflag:s29] =	ssyncadd.s32 $0xFFFFFFFF  }
0xb5: {  	_ =	strace $0x9000004B  }
0xb6: {  	_ =	sfence  }
0xb7: {  	s30 =	sld [smem:$0x0];
	_ =	sdelay $0x2  }
0xb8: {  	s31 =	sshll.u32 s1, $0xD;
	s1 =	sshrl.u32 s1, $0x2  }
0xb9: {  	s3 =	sand.u32 $0x4000, s31;
	s1 =	sadd.s32 s1, s30  }
0xba: {  	s0 =	sor.u32 s3, s0;
	s1 =	sshll.u32 s1, $0x11  }
0xbb: {  	s0 =	sor.u32 s1, s0  }
0xbc: {  	s0 =	sadd.s32 $0x8F2B, s0  }
0xbd: {  	[sflag:s0] =	ssyncadd.remote.s32 $0x1  }
0xbe: {  	_ =	sfence.sel $0xFFFF  }
0xbf: {  	[dreg:$0x0] =	wrdreg $0xFFFFFFFF;
	(pc) =	sbr.abs _section_cstart, $3  }
0xc0: {  	[dreg:$0x1] =	wrdreg $0xFFFFFFFF  }
0xc1: {  	_ =	task.clear_ibuf [dreg:s6], $0x2FFFF;
	_ =	strace $0x9FFFFFFF  }
0xc2: {  	(tm) =	ssettm $0x7FFFFFFF  }
0xc3: {  	_ =	shalt  }
tec
execute0_lowered:
.L_overlay_start_1:
0x0: {  	(tag) =	ssettag $0x1  }
0x1: {  	s0 =	rddreg [dreg:$0x0]  }
0x2: {  	s1 =	rddreg [dreg:$0x1];
	s2 =	simm.s32 $0x0  }
0x3: {  	s3 =	srdreg.scid;
	s14 =	stileid.u32;
	s28 =	simm.s32 $0x80  }
0x4: {  	s29 =	simm.s32 $0x187A0;
	s30 =	simm.s32 $0x197A0;
	s6 =	smul.u32 $0x186A0, s14  }
0x5: {  	s31 =	simm.s32 $0x1A7A0;
	[smem:$0x7FF] =	sst s2;
	s13 =	smul.u32 $0xC350, s14  }
0x6: {  	s3 =	sand.u32 $0x1, s3;
	s5 =	sadd.s32 $0x2600, s0;
	s19 =	smul.u32 $0x30D40, s14  }
0x7: {  	s12 =	sshll.u32 s14, $0x6;
	s14 =	simm.s32 $0x0;
	s4 =	smul.u32 $0x30D400, s3  }
0x8: {  	_ =	strace $0x8000004A;
	s8 =	smul.u32 $0x30D40, s3;
	s3 =	ssub.s32 $0x2, s3  }
0x9: {  	s9 =	sshrl.u32 s6, $0x3;
	s11 =	sshrl.u32 s3, $0x1;
	s6 =	sadd.s32 s6, s1  }
0xa: {  	s15 =	sshrl.u32 s13, $0x3;
	s17 =	sadd.s32 $0x80, s13;
	s21 =	sadd.s32 $0xC300, s13  }
0xb: {  	s7 =	sadd.s32 s4, s0;
	s4 =	sadd.s32 $0x1AE00, s0;
	s10 =	sadd.s32 s9, s0  }
0xc: {  	s0 =	sadd.s32 s8, s0;
	s3 =	ssub.s32 s3, s11;
	[dreg:$0x3] =	wrdreg s6  }
0xd: {  	s8 =	sor.u32 $0x1C05, s12;
	s18 =	sshrl.u32 s17, $0x3;
	s6 =	sshll.u32 s17, $0x2  }
0xe: {  	s22 =	sshrl.u32 s21, $0x3;
	s11 =	sadd.s32 $0xF6C00, s10;
	s16 =	sadd.s32 s4, s15  }
0xf: {  	s10 =	sadd.s32 s5, s15;
	s12 =	sadd.s32 $0x47E400, s7;
	[dreg:$0x4] =	wrdreg s11  }
0x10: {  	s20 =	sadd.s32 s4, s18;
	s15 =	sadd.s32 $0x100, s13;
	[dreg:$0x5] =	wrdreg s16  }
0x11: {  	s23 =	sadd.s32 s4, s22;
	s3 =	smax.u32 s3, $0x1;
	[dreg:$0x6] =	wrdreg s10  }
0x12: {  	s7 =	simm.s32 $0x1;
	s11 =	sadd.s32 $0x41C800, s0;
	[dreg:$0x7] =	wrdreg s20  }
0x13: {  	s10 =	sadd.s32 s5, s18;
	s16 =	sadd.s32 $0x180, s13;
	[dreg:$0x9] =	wrdreg s23  }
0x14: {  	s13 =	sadd.s32 s5, s22;
	s0 =	sadd.s32 $0x127A00, s0;
	[dreg:$0xb] =	wrdreg s3  }
0x15: {  	s20 =	simm.s32 $0x5;
	s22 =	simm.s32 $0x186A0;
	[dreg:$0x8] =	wrdreg s10  }
0x16: {  	s24 =	sadd.s32 s19, s12;
	s25 =	sadd.s32 s6, s12;
	[dreg:$0xa] =	wrdreg s13  }
0x17: {  	s3 =	simm.s32 $0x1A8A0;
	s6 =	simm.s32 $0x1B8A0;
	[dreg:$0xd] =	wrdreg s24  }
0x18: {  	s10 =	sshll.u32 s21, $0x2;
	s0 =	sadd.s32 s9, s0;
	[dreg:$0xe] =	wrdreg s25  }
0x19: {  	s9 =	simm.s32 $0x2;
	s13 =	simm.s32 $0x4;
	s25 =	simm.s32 $0x0  }
0x1a: {  	[dreg:$0xc] =	wrdreg s0;
	s26 =	sadd.s32 s10, s12;
	s0 =	simm.s32 $0x1A820  }
0x1b: {  	v0 =	vimm.f32 $0.0e+00;
	s10 =	simm.s32 $0x3;
	[dreg:$0xf] =	wrdreg s26;
	s26 =	simm.s32 $0x18720  }
.LBB2_1:
0x1c: {  	s17 =	rddreg [dreg:$0x3]  }
0x1d: {  	s18 =	rddreg [dreg:$0x4];
	s17 =	sshrl.u32 s17, $0x3  }
0x1e: {  	[spmem:s17], [sflag:s8] =	dma.local [hbm:s18], $0x30D4  }
0x1f: {  	_ =	swait.ge [sflag:s20], $0x30D4  }
0x20: {  	[sflag:s20] =	ssyncset.done $0x0  }
0x21: {  	[sflag:s20] =	ssyncadd.s32 $0xFFFFCF2C  }
0x22: {  	[bflag:$0x0] =	sbarrier.arrive $0xFFFF  }
0x23: {  	s23 =	rddreg [dreg:$0x5]  }
0x24: {  	[tilespmem:s22], [sflag:$0x5] =	stream.linear.gather [hbm4b:s23+s2], $0x80, $0x38;
	[tilespmem:$0x1C8A0] =	vst v63  }
0x25: {  	_ =	swait.ge [sflag:s20], $0x80  }
0x26: {  	[sflag:s20] =	ssyncset.done $0x0  }
0x27: {  	s24 =	rddreg [dreg:$0x6];
	[sflag:s20] =	ssyncadd.s32 $0xFFFFFF80  }
0x28: {  	[tilespmem:s26], [sflag:$0x5] =	stream.linear.gather [hbm4b:s24+s2], $0x80, $0x38;
	[tilespmem:$0x1C8A0] =	vst v63  }
0x29: {  	_ =	swait.ge [sflag:s20], $0x80  }
0x2a: {  	[sflag:s20] =	ssyncset.done $0x0  }
0x2b: {  	[sflag:s20] =	ssyncadd.s32 $0xFFFFFF80  }
0x2c: {  	[tilespmem:s29], [sflag:$0x1] =	stream.indirect.gather [hbm4b:s11+s28], $0x20, s22, s28, $0xb8;
	[tilespmem:$0x1C8A0] =	vst v63  }
0x2d: {  	s19 =	rddreg [dreg:$0xd]  }
0x2e: {  	[tilespmem:s30], [sflag:$0x2] =	stream.linear.gather [hbm4b:s19+s2], $0x1000, $0x38;
	[tilespmem:$0x1C8A0] =	vst v63  }
0x2f: {  	s21 =	rddreg [dreg:$0x7]  }
0x30: {  	[tilespmem:s31], [sflag:$0x5] =	stream.linear.gather [hbm4b:s21+s2], $0x80, $0x38;
	[tilespmem:$0x1C8A0] =	vst v63  }
0x31: {  	_ =	swait.ge [sflag:s20], $0x80  }
0x32: {  	[sflag:s20] =	ssyncset.done $0x0  }
0x33: {  	s23 =	rddreg [dreg:$0x8];
	[sflag:s20] =	ssyncadd.s32 $0xFFFFFF80  }
0x34: {  	[tilespmem:s0], [sflag:$0x5] =	stream.linear.gather [hbm4b:s23+s2], $0x80, $0x38;
	[tilespmem:$0x1C8A0] =	vst v63  }
0x35: {  	_ =	swait.ge [sflag:s20], $0x80  }
0x36: {  	[sflag:s20] =	ssyncset.done $0x0  }
0x37: {  	[sflag:s20] =	ssyncadd.s32 $0xFFFFFF80  }
0x38: {  	[tilespmem:s3], [sflag:$0x3] =	stream.indirect.gather [hbm4b:s11+s28], $0x20, s31, s28, $0xb8;
	[tilespmem:$0x1C8A0] =	vst v63  }
0x39: {  	s18 =	simm.s32 $0x0;
	s24 =	rddreg [dreg:$0xe]  }
0x3a: {  	[tilespmem:s6], [sflag:$0x4] =	stream.linear.gather [hbm4b:s24+s2], $0x1000, $0x38;
	[tilespmem:$0x1C8A0] =	vst v63  }
.LBB2_2:
0x3b: {  	_ =	swait.ge [sflag:s7], $0x1000  }
0x3c: {  	[sflag:s7] =	ssyncset.done $0x0  }
0x3d: {  	[sflag:s7] =	ssyncadd.s32 $0xFFFFF000  }
0x3e: {  	_ =	swait.ge [sflag:s9], $0x1000  }
0x3f: {  	[sflag:s9] =	ssyncset.done $0x0  }
0x40: {  	s19 =	simm.s32 $0x0;
	[sflag:s9] =	ssyncadd.s32 $0xFFFFF000  }
0x41: {  	v7 =	vld [tilespmem:s19+$0x197A0]  }
0x42: {  	v8 =	vld [tilespmem:s19+$0x197B0]  }
0x43: {  	v9 =	vld [tilespmem:s19+$0x197C0]  }
0x44: {  	v10 =	vld [tilespmem:s19+$0x197D0]  }
0x45: {  	v11 =	vld [tilespmem:s19+$0x197E0]  }
0x46: {  	v12 =	vld [tilespmem:s19+$0x197F0]  }
0x47: {  	v13 =	vld [tilespmem:s19+$0x19800]  }
0x48: {  	v14 =	vld [tilespmem:s19+$0x19810]  }
0x49: {  	v15 =	vld [tilespmem:s19+$0x19820]  }
0x4a: {  	v16 =	vld [tilespmem:s19+$0x19830]  }
0x4b: {  	v6 =	vld [tilespmem:s19+$0x19840]  }
0x4c: {  	v5 =	vld [tilespmem:s19+$0x19850]  }
0x4d: {  	v4 =	vld [tilespmem:s19+$0x19860]  }
0x4e: {  	v3 =	vld [tilespmem:s19+$0x19870]  }
0x4f: {  	v2 =	vld [tilespmem:s19+$0x19880]  }
0x50: {  	v1 =	vld [tilespmem:s19+$0x19890]  }
0x51: {  	v17 =	vld [tilespmem:s19+$0x187A0]  }
0x52: {  	v18 =	vld [tilespmem:s19+$0x187B0]  }
0x53: {  	v19 =	vld [tilespmem:s19+$0x187C0]  }
0x54: {  	v20 =	vld [tilespmem:s19+$0x187D0]  }
0x55: {  	v21 =	vld [tilespmem:s19+$0x187E0]  }
0x56: {  	v60 =	vld [tilespmem:s19+$0x187F0];
	v7 =	vmul.f32 v7, v17  }
0x57: {  	v22 =	vld [tilespmem:s19+$0x18800];
	v8 =	vmul.f32 v8, v18  }
0x58: {  	v61 =	vld [tilespmem:s19+$0x18810];
	[tilespmem:s19+$0x187A0] =	vst v7;
	v7 =	vmul.f32 v9, v19  }
0x59: {  	v62 =	vld [tilespmem:s19+$0x18820];
	[tilespmem:s19+$0x187B0] =	vst v8;
	v8 =	vmul.f32 v10, v20  }
0x5a: {  	v63 =	vld [tilespmem:s19+$0x18830];
	[tilespmem:s19+$0x187C0] =	vst v7;
	v7 =	vmul.f32 v11, v21  }
0x5b: {  	v9 =	vmul.f32 v12, v60;
	[tilespmem:s19+$0x187D0] =	vst v8;
	v8 =	vld [tilespmem:s19+$0x18840]  }
0x5c: {  	v10 =	vmul.f32 v13, v22;
	[tilespmem:s19+$0x187E0] =	vst v7;
	v7 =	vld [tilespmem:s19+$0x18850]  }
0x5d: {  	[tilespmem:s19+$0x187F0] =	vst v9;
	v9 =	vld [tilespmem:s19+$0x18860];
	v11 =	vmul.f32 v14, v61  }
0x5e: {  	v13 =	vmul.f32 v15, v62;
	[tilespmem:s19+$0x18800] =	vst v10;
	v10 =	vld [tilespmem:s19+$0x18870]  }
0x5f: {  	s21 =	simm.s32 $0x400;
	v12 =	vmul.f32 v16, v63;
	[tilespmem:s19+$0x18810] =	vst v11;
	v11 =	vld [tilespmem:s19+$0x18880]  }
.LBB2_3:
0x60: {  	s23 =	sshra.s32 s21, $0x2;
	p0 =	sne.s32 s21, $0x3C00;
	[tilespmem:s19+$0x18820] =	vst v13;
	v6 =	vmul.f32 v6, v8;
	v8 =	vld [tilespmem:s19+$0x18890]  }
0x61: {  	v13 =	vld [tilespmem:s23+$0x197A0];
	[tilespmem:s19+$0x18830] =	vst v12;
	v5 =	vmul.f32 v5, v7  }
0x62: {  	v7 =	vld [tilespmem:s23+$0x197B0];
	[tilespmem:s19+$0x18840] =	vst v6;
	v4 =	vmul.f32 v4, v9  }
0x63: {  	v9 =	vld [tilespmem:s23+$0x197C0];
	[tilespmem:s19+$0x18850] =	vst v5;
	v3 =	vmul.f32 v3, v10  }
0x64: {  	v10 =	vld [tilespmem:s23+$0x197D0];
	[tilespmem:s19+$0x18860] =	vst v4;
	v2 =	vmul.f32 v2, v11  }
0x65: {  	v11 =	vld [tilespmem:s23+$0x197E0];
	[tilespmem:s19+$0x18870] =	vst v3;
	v1 =	vmul.f32 v1, v8  }
0x66: {  	v8 =	vld [tilespmem:s23+$0x197F0];
	[tilespmem:s19+$0x18880] =	vst v2  }
0x67: {  	v12 =	vld [tilespmem:s23+$0x19800];
	[tilespmem:s19+$0x18890] =	vst v1;
	s19 =	smov.u32 s23  }
0x68: {  	v14 =	vld [tilespmem:s19+$0x19810]  }
0x69: {  	v15 =	vld [tilespmem:s19+$0x19820]  }
0x6a: {  	v16 =	vld [tilespmem:s19+$0x19830]  }
0x6b: {  	v6 =	vld [tilespmem:s19+$0x19840]  }
0x6c: {  	v5 =	vld [tilespmem:s19+$0x19850]  }
0x6d: {  	v4 =	vld [tilespmem:s19+$0x19860]  }
0x6e: {  	v3 =	vld [tilespmem:s19+$0x19870]  }
0x6f: {  	v2 =	vld [tilespmem:s19+$0x19880]  }
0x70: {  	v1 =	vld [tilespmem:s19+$0x19890]  }
0x71: {  	v17 =	vld [tilespmem:s19+$0x187A0]  }
0x72: {  	v18 =	vld [tilespmem:s19+$0x187B0]  }
0x73: {  	v19 =	vld [tilespmem:s19+$0x187C0]  }
0x74: {  	v20 =	vld [tilespmem:s19+$0x187D0]  }
0x75: {  	v21 =	vld [tilespmem:s19+$0x187E0]  }
0x76: {  	v13 =	vmul.f32 v13, v17;
	v17 =	vld [tilespmem:s19+$0x187F0]  }
0x77: {  	v7 =	vmul.f32 v7, v18;
	v18 =	vld [tilespmem:s19+$0x18800]  }
0x78: {  	[tilespmem:s19+$0x187A0] =	vst v13;
	v9 =	vmul.f32 v9, v19;
	v13 =	vld [tilespmem:s19+$0x18810]  }
0x79: {  	[tilespmem:s19+$0x187B0] =	vst v7;
	v7 =	vmul.f32 v10, v20;
	v10 =	vld [tilespmem:s19+$0x18820]  }
0x7a: {  	[tilespmem:s19+$0x187C0] =	vst v9;
	v9 =	vmul.f32 v11, v21;
	v11 =	vld [tilespmem:s19+$0x18830]  }
.Ltmp0:
0x7b: {  	[tilespmem:s19+$0x187D0] =	vst v7;
	v17 =	vmul.f32 v8, v17;
	v8 =	vld [tilespmem:s19+$0x18840];
	(pc) =	sbr.rel @p0 .LBB2_3-.Ltmp0, $4  }
0x7c: {  	[tilespmem:s19+$0x187E0] =	vst v9;
	v12 =	vmul.f32 v12, v18;
	v7 =	vld [tilespmem:s19+$0x18850]  }
0x7d: {  	[tilespmem:s19+$0x187F0] =	vst v17;
	v14 =	vmul.f32 v14, v13;
	v9 =	vld [tilespmem:s19+$0x18860]  }
0x7e: {  	[tilespmem:s19+$0x18800] =	vst v12;
	v13 =	vmul.f32 v15, v10;
	v10 =	vld [tilespmem:s19+$0x18870]  }
0x7f: {  	s21 =	sadd.s32 $0x400, s21;
	[tilespmem:s19+$0x18810] =	vst v14;
	v12 =	vmul.f32 v16, v11;
	v11 =	vld [tilespmem:s19+$0x18880]  }
0x80: {  	[tilespmem:s19+$0x18820] =	vst v13;
	v6 =	vmul.f32 v6, v8;
	v8 =	vld [tilespmem:s19+$0x18890]  }
0x81: {  	[tilespmem:s19+$0x18830] =	vst v12;
	v5 =	vmul.f32 v5, v7  }
0x82: {  	[tilespmem:s19+$0x18840] =	vst v6;
	v4 =	vmul.f32 v4, v9  }
0x83: {  	[tilespmem:s19+$0x18850] =	vst v5;
	v3 =	vmul.f32 v3, v10  }
0x84: {  	[tilespmem:s19+$0x18860] =	vst v4;
	v2 =	vmul.f32 v2, v11  }
0x85: {  	[tilespmem:s19+$0x18870] =	vst v3;
	v1 =	vmul.f32 v1, v8  }
0x86: {  	[tilespmem:s19+$0x18880] =	vst v2  }
0x87: {  	[tilespmem:s19+$0x18890] =	vst v1;
	s19 =	sshll.u32 s18, $0x8  }
0x88: {  	[spmem:s1] =	stream.indirect.scatter.add.f32 [tilespmem:s29], [sflag:$0x5], $0x20, s26, s28, $0xb8;
	[tilespmem:$0x1C8A0] =	vst v63  }
0x89: {  	s21 =	sadd.s32 s19, s15;
	_ =	swait.ge [sflag:s20], $0x1000  }
0x8a: {  	s23 =	sshrl.u32 s21, $0x3;
	[sflag:s20] =	ssyncset.done $0x0  }
0x8b: {  	s24 =	sadd.s32 s4, s23;
	[sflag:s20] =	ssyncadd.s32 $0xFFFFF000  }
0x8c: {  	[tilespmem:s22], [sflag:$0x5] =	stream.linear.gather [hbm4b:s24+s25], $0x80, $0x38;
	[tilespmem:$0x1C8A0] =	vst v63  }
0x8d: {  	_ =	swait.ge [sflag:s20], $0x80  }
0x8e: {  	[sflag:s20] =	ssyncset.done $0x0  }
0x8f: {  	s23 =	sadd.s32 s5, s23;
	[sflag:s20] =	ssyncadd.s32 $0xFFFFFF80  }
0x90: {  	[tilespmem:s26], [sflag:$0x5] =	stream.linear.gather [hbm4b:s23+s25], $0x80, $0x38;
	[tilespmem:$0x1C8A0] =	vst v63  }
0x91: {  	_ =	swait.ge [sflag:s20], $0x80  }
0x92: {  	[sflag:s20] =	ssyncset.done $0x0  }
0x93: {  	s21 =	sshll.u32 s21, $0x2;
	[sflag:s20] =	ssyncadd.s32 $0xFFFFFF80  }
0x94: {  	[tilespmem:s29], [sflag:$0x1] =	stream.indirect.gather [hbm4b:s11+s28], $0x20, s22, s28, $0xb8;
	[tilespmem:$0x1C8A0] =	vst v63  }
0x95: {  	s21 =	sadd.s32 s12, s21  }
0x96: {  	[tilespmem:s30], [sflag:$0x2] =	stream.linear.gather [hbm4b:s21+s25], $0x1000, $0x38;
	[tilespmem:$0x1C8A0] =	vst v63  }
0x97: {  	_ =	swait.ge [sflag:s10], $0x1000  }
0x98: {  	[sflag:s10] =	ssyncset.done $0x0  }
0x99: {  	[sflag:s10] =	ssyncadd.s32 $0xFFFFF000  }
0x9a: {  	_ =	swait.ge [sflag:s13], $0x1000  }
0x9b: {  	[sflag:s13] =	ssyncset.done $0x0  }
0x9c: {  	s21 =	simm.s32 $0x0;
	[sflag:s13] =	ssyncadd.s32 $0xFFFFF000  }
0x9d: {  	v7 =	vld [tilespmem:s21+$0x1B8A0]  }
0x9e: {  	v8 =	vld [tilespmem:s21+$0x1B8B0]  }
0x9f: {  	v9 =	vld [tilespmem:s21+$0x1B8C0]  }
0xa0: {  	v10 =	vld [tilespmem:s21+$0x1B8D0]  }
0xa1: {  	v11 =	vld [tilespmem:s21+$0x1B8E0]  }
0xa2: {  	v12 =	vld [tilespmem:s21+$0x1B8F0]  }
0xa3: {  	v13 =	vld [tilespmem:s21+$0x1B900]  }
0xa4: {  	v14 =	vld [tilespmem:s21+$0x1B910]  }
0xa5: {  	v15 =	vld [tilespmem:s21+$0x1B920]  }
0xa6: {  	v16 =	vld [tilespmem:s21+$0x1B930]  }
0xa7: {  	v6 =	vld [tilespmem:s21+$0x1B940]  }
0xa8: {  	v5 =	vld [tilespmem:s21+$0x1B950]  }
0xa9: {  	v4 =	vld [tilespmem:s21+$0x1B960]  }
0xaa: {  	v3 =	vld [tilespmem:s21+$0x1B970]  }
0xab: {  	v2 =	vld [tilespmem:s21+$0x1B980]  }
0xac: {  	v1 =	vld [tilespmem:s21+$0x1B990]  }
0xad: {  	v17 =	vld [tilespmem:s21+$0x1A8A0]  }
0xae: {  	v18 =	vld [tilespmem:s21+$0x1A8B0]  }
0xaf: {  	v19 =	vld [tilespmem:s21+$0x1A8C0]  }
0xb0: {  	v20 =	vld [tilespmem:s21+$0x1A8D0]  }
0xb1: {  	v21 =	vld [tilespmem:s21+$0x1A8E0]  }
0xb2: {  	v60 =	vld [tilespmem:s21+$0x1A8F0];
	v7 =	vmul.f32 v7, v17  }
0xb3: {  	v22 =	vld [tilespmem:s21+$0x1A900];
	v8 =	vmul.f32 v8, v18  }
0xb4: {  	v61 =	vld [tilespmem:s21+$0x1A910];
	[tilespmem:s21+$0x1A8A0] =	vst v7;
	v7 =	vmul.f32 v9, v19  }
0xb5: {  	v62 =	vld [tilespmem:s21+$0x1A920];
	[tilespmem:s21+$0x1A8B0] =	vst v8;
	v8 =	vmul.f32 v10, v20  }
0xb6: {  	v63 =	vld [tilespmem:s21+$0x1A930];
	[tilespmem:s21+$0x1A8C0] =	vst v7;
	v7 =	vmul.f32 v11, v21  }
0xb7: {  	v9 =	vmul.f32 v12, v60;
	[tilespmem:s21+$0x1A8D0] =	vst v8;
	v8 =	vld [tilespmem:s21+$0x1A940]  }
0xb8: {  	v10 =	vmul.f32 v13, v22;
	[tilespmem:s21+$0x1A8E0] =	vst v7;
	v7 =	vld [tilespmem:s21+$0x1A950]  }
0xb9: {  	[tilespmem:s21+$0x1A8F0] =	vst v9;
	v9 =	vld [tilespmem:s21+$0x1A960];
	v11 =	vmul.f32 v14, v61  }
0xba: {  	v13 =	vmul.f32 v15, v62;
	[tilespmem:s21+$0x1A900] =	vst v10;
	v10 =	vld [tilespmem:s21+$0x1A970]  }
0xbb: {  	s23 =	simm.s32 $0x400;
	v12 =	vmul.f32 v16, v63;
	[tilespmem:s21+$0x1A910] =	vst v11;
	v11 =	vld [tilespmem:s21+$0x1A980]  }
.LBB2_5:
0xbc: {  	s24 =	sshra.s32 s23, $0x2;
	p0 =	sne.s32 s23, $0x3C00;
	[tilespmem:s21+$0x1A920] =	vst v13;
	v6 =	vmul.f32 v6, v8;
	v8 =	vld [tilespmem:s21+$0x1A990]  }
0xbd: {  	v13 =	vld [tilespmem:s24+$0x1B8A0];
	[tilespmem:s21+$0x1A930] =	vst v12;
	v5 =	vmul.f32 v5, v7  }
0xbe: {  	v7 =	vld [tilespmem:s24+$0x1B8B0];
	[tilespmem:s21+$0x1A940] =	vst v6;
	v4 =	vmul.f32 v4, v9  }
0xbf: {  	v9 =	vld [tilespmem:s24+$0x1B8C0];
	[tilespmem:s21+$0x1A950] =	vst v5;
	v3 =	vmul.f32 v3, v10  }
0xc0: {  	v10 =	vld [tilespmem:s24+$0x1B8D0];
	[tilespmem:s21+$0x1A960] =	vst v4;
	v2 =	vmul.f32 v2, v11  }
0xc1: {  	v11 =	vld [tilespmem:s24+$0x1B8E0];
	[tilespmem:s21+$0x1A970] =	vst v3;
	v1 =	vmul.f32 v1, v8  }
0xc2: {  	v8 =	vld [tilespmem:s24+$0x1B8F0];
	[tilespmem:s21+$0x1A980] =	vst v2  }
0xc3: {  	v12 =	vld [tilespmem:s24+$0x1B900];
	[tilespmem:s21+$0x1A990] =	vst v1;
	s21 =	smov.u32 s24  }
0xc4: {  	v14 =	vld [tilespmem:s21+$0x1B910]  }
0xc5: {  	v15 =	vld [tilespmem:s21+$0x1B920]  }
0xc6: {  	v16 =	vld [tilespmem:s21+$0x1B930]  }
0xc7: {  	v6 =	vld [tilespmem:s21+$0x1B940]  }
0xc8: {  	v5 =	vld [tilespmem:s21+$0x1B950]  }
0xc9: {  	v4 =	vld [tilespmem:s21+$0x1B960]  }
0xca: {  	v3 =	vld [tilespmem:s21+$0x1B970]  }
0xcb: {  	v2 =	vld [tilespmem:s21+$0x1B980]  }
0xcc: {  	v1 =	vld [tilespmem:s21+$0x1B990]  }
0xcd: {  	v17 =	vld [tilespmem:s21+$0x1A8A0]  }
0xce: {  	v18 =	vld [tilespmem:s21+$0x1A8B0]  }
0xcf: {  	v19 =	vld [tilespmem:s21+$0x1A8C0]  }
0xd0: {  	v20 =	vld [tilespmem:s21+$0x1A8D0]  }
0xd1: {  	v21 =	vld [tilespmem:s21+$0x1A8E0]  }
0xd2: {  	v13 =	vmul.f32 v13, v17;
	v17 =	vld [tilespmem:s21+$0x1A8F0]  }
0xd3: {  	v7 =	vmul.f32 v7, v18;
	v18 =	vld [tilespmem:s21+$0x1A900]  }
0xd4: {  	[tilespmem:s21+$0x1A8A0] =	vst v13;
	v9 =	vmul.f32 v9, v19;
	v13 =	vld [tilespmem:s21+$0x1A910]  }
0xd5: {  	[tilespmem:s21+$0x1A8B0] =	vst v7;
	v7 =	vmul.f32 v10, v20;
	v10 =	vld [tilespmem:s21+$0x1A920]  }
0xd6: {  	[tilespmem:s21+$0x1A8C0] =	vst v9;
	v9 =	vmul.f32 v11, v21;
	v11 =	vld [tilespmem:s21+$0x1A930]  }
.Ltmp1:
0xd7: {  	[tilespmem:s21+$0x1A8D0] =	vst v7;
	v17 =	vmul.f32 v8, v17;
	v8 =	vld [tilespmem:s21+$0x1A940];
	(pc) =	sbr.rel @p0 .LBB2_5-.Ltmp1, $4  }
0xd8: {  	[tilespmem:s21+$0x1A8E0] =	vst v9;
	v12 =	vmul.f32 v12, v18;
	v7 =	vld [tilespmem:s21+$0x1A950]  }
0xd9: {  	[tilespmem:s21+$0x1A8F0] =	vst v17;
	v14 =	vmul.f32 v14, v13;
	v9 =	vld [tilespmem:s21+$0x1A960]  }
0xda: {  	[tilespmem:s21+$0x1A900] =	vst v12;
	v13 =	vmul.f32 v15, v10;
	v10 =	vld [tilespmem:s21+$0x1A970]  }
0xdb: {  	s23 =	sadd.s32 $0x400, s23;
	[tilespmem:s21+$0x1A910] =	vst v14;
	v12 =	vmul.f32 v16, v11;
	v11 =	vld [tilespmem:s21+$0x1A980]  }
0xdc: {  	[tilespmem:s21+$0x1A920] =	vst v13;
	v6 =	vmul.f32 v6, v8;
	v63 =	vld [tilespmem:s21+$0x1A990]  }
0xdd: {  	[tilespmem:s21+$0x1A930] =	vst v12;
	v5 =	vmul.f32 v5, v7  }
0xde: {  	[tilespmem:s21+$0x1A940] =	vst v6;
	v4 =	vmul.f32 v4, v9  }
0xdf: {  	[tilespmem:s21+$0x1A950] =	vst v5;
	v3 =	vmul.f32 v3, v10  }
0xe0: {  	[tilespmem:s21+$0x1A960] =	vst v4;
	v2 =	vmul.f32 v2, v11  }
0xe1: {  	[tilespmem:s21+$0x1A970] =	vst v3;
	v1 =	vmul.f32 v1, v63  }
0xe2: {  	[tilespmem:s21+$0x1A980] =	vst v2  }
0xe3: {  	[tilespmem:s21+$0x1A990] =	vst v1  }
0xe4: {  	[spmem:s1] =	stream.indirect.scatter.add.f32 [tilespmem:s3], [sflag:$0x5], $0x20, s0, s28, $0xb8;
	[tilespmem:$0x1C8A0] =	vst v63  }
0xe5: {  	s19 =	sadd.s32 s19, s16;
	_ =	swait.ge [sflag:s20], $0x1000  }
0xe6: {  	s24 =	sshrl.u32 s19, $0x3;
	[sflag:s20] =	ssyncset.done $0x0  }
0xe7: {  	s23 =	sadd.s32 s4, s24;
	[sflag:s20] =	ssyncadd.s32 $0xFFFFF000  }
0xe8: {  	[tilespmem:s31], [sflag:$0x5] =	stream.linear.gather [hbm4b:s23+s2], $0x80, $0x38;
	[tilespmem:$0x1C8A0] =	vst v63  }
0xe9: {  	_ =	swait.ge [sflag:s20], $0x80  }
0xea: {  	[sflag:s20] =	ssyncset.done $0x0  }
0xeb: {  	s18 =	sadd.s32 $0x1, s18;
	s21 =	sadd.s32 s5, s24;
	[sflag:s20] =	ssyncadd.s32 $0xFFFFFF80  }
0xec: {  	[tilespmem:s0], [sflag:$0x5] =	stream.linear.gather [hbm4b:s21+s2], $0x80, $0x38;
	[tilespmem:$0x1C8A0] =	vst v63  }
0xed: {  	p0 =	sne.s32 s18, $0xC2;
	_ =	swait.ge [sflag:s20], $0x80  }
.Ltmp2:
0xee: {  	[sflag:s20] =	ssyncset.done $0x0;
	(pc) =	sbr.rel @p0 .LBB2_2-.Ltmp2, $4  }
0xef: {  	s19 =	sshll.u32 s19, $0x2;
	[sflag:s20] =	ssyncadd.s32 $0xFFFFFF80  }
0xf0: {  	[tilespmem:s3], [sflag:$0x3] =	stream.indirect.gather [hbm4b:s11+s28], $0x20, s31, s28, $0xb8;
	[tilespmem:$0x1C8A0] =	vst v63  }
0xf1: {  	s19 =	sadd.s32 s12, s19  }
0xf2: {  	[tilespmem:s6], [sflag:$0x4] =	stream.linear.gather [hbm4b:s19+s2], $0x1000, $0x38;
	[tilespmem:$0x1C8A0] =	vst v63  }
0xf3: {  	_ =	swait.ge [sflag:s7], $0x1000  }
0xf4: {  	[sflag:s7] =	ssyncset.done $0x0  }
0xf5: {  	[sflag:s7] =	ssyncadd.s32 $0xFFFFF000  }
0xf6: {  	_ =	swait.ge [sflag:s9], $0x1000  }
0xf7: {  	[sflag:s9] =	ssyncset.done $0x0  }
0xf8: {  	s18 =	simm.s32 $0x0;
	[sflag:s9] =	ssyncadd.s32 $0xFFFFF000  }
0xf9: {  	v7 =	vld [tilespmem:s18+$0x197A0]  }
0xfa: {  	v8 =	vld [tilespmem:s18+$0x197B0]  }
0xfb: {  	v9 =	vld [tilespmem:s18+$0x197C0]  }
0xfc: {  	v10 =	vld [tilespmem:s18+$0x197D0]  }
0xfd: {  	v11 =	vld [tilespmem:s18+$0x197E0]  }
0xfe: {  	v12 =	vld [tilespmem:s18+$0x197F0]  }
0xff: {  	v13 =	vld [tilespmem:s18+$0x19800]  }
0x100: {  	v14 =	vld [tilespmem:s18+$0x19810]  }
0x101: {  	v15 =	vld [tilespmem:s18+$0x19820]  }
0x102: {  	v16 =	vld [tilespmem:s18+$0x19830]  }
0x103: {  	v6 =	vld [tilespmem:s18+$0x19840]  }
0x104: {  	v5 =	vld [tilespmem:s18+$0x19850]  }
0x105: {  	v4 =	vld [tilespmem:s18+$0x19860]  }
0x106: {  	v3 =	vld [tilespmem:s18+$0x19870]  }
0x107: {  	v2 =	vld [tilespmem:s18+$0x19880]  }
0x108: {  	v1 =	vld [tilespmem:s18+$0x19890]  }
0x109: {  	v17 =	vld [tilespmem:s18+$0x187A0]  }
0x10a: {  	v18 =	vld [tilespmem:s18+$0x187B0]  }
0x10b: {  	v19 =	vld [tilespmem:s18+$0x187C0]  }
0x10c: {  	v20 =	vld [tilespmem:s18+$0x187D0]  }
0x10d: {  	v21 =	vld [tilespmem:s18+$0x187E0]  }
0x10e: {  	v60 =	vld [tilespmem:s18+$0x187F0];
	v7 =	vmul.f32 v7, v17  }
0x10f: {  	v22 =	vld [tilespmem:s18+$0x18800];
	v8 =	vmul.f32 v8, v18  }
0x110: {  	v61 =	vld [tilespmem:s18+$0x18810];
	[tilespmem:s18+$0x187A0] =	vst v7;
	v7 =	vmul.f32 v9, v19  }
0x111: {  	v62 =	vld [tilespmem:s18+$0x18820];
	[tilespmem:s18+$0x187B0] =	vst v8;
	v8 =	vmul.f32 v10, v20  }
0x112: {  	v63 =	vld [tilespmem:s18+$0x18830];
	[tilespmem:s18+$0x187C0] =	vst v7;
	v7 =	vmul.f32 v11, v21  }
0x113: {  	v9 =	vmul.f32 v12, v60;
	[tilespmem:s18+$0x187D0] =	vst v8;
	v8 =	vld [tilespmem:s18+$0x18840]  }
0x114: {  	v10 =	vmul.f32 v13, v22;
	[tilespmem:s18+$0x187E0] =	vst v7;
	v7 =	vld [tilespmem:s18+$0x18850]  }
0x115: {  	[tilespmem:s18+$0x187F0] =	vst v9;
	v9 =	vld [tilespmem:s18+$0x18860];
	v11 =	vmul.f32 v14, v61  }
0x116: {  	v13 =	vmul.f32 v15, v62;
	[tilespmem:s18+$0x18800] =	vst v10;
	v10 =	vld [tilespmem:s18+$0x18870]  }
0x117: {  	s19 =	simm.s32 $0x400;
	v12 =	vmul.f32 v16, v63;
	[tilespmem:s18+$0x18810] =	vst v11;
	v11 =	vld [tilespmem:s18+$0x18880]  }
.LBB2_8:
0x118: {  	s21 =	sshra.s32 s19, $0x2;
	p0 =	sne.s32 s19, $0x3C00;
	[tilespmem:s18+$0x18820] =	vst v13;
	v6 =	vmul.f32 v6, v8;
	v8 =	vld [tilespmem:s18+$0x18890]  }
0x119: {  	v13 =	vld [tilespmem:s21+$0x197A0];
	[tilespmem:s18+$0x18830] =	vst v12;
	v5 =	vmul.f32 v5, v7  }
0x11a: {  	v7 =	vld [tilespmem:s21+$0x197B0];
	[tilespmem:s18+$0x18840] =	vst v6;
	v4 =	vmul.f32 v4, v9  }
0x11b: {  	v9 =	vld [tilespmem:s21+$0x197C0];
	[tilespmem:s18+$0x18850] =	vst v5;
	v3 =	vmul.f32 v3, v10  }
0x11c: {  	v10 =	vld [tilespmem:s21+$0x197D0];
	[tilespmem:s18+$0x18860] =	vst v4;
	v2 =	vmul.f32 v2, v11  }
0x11d: {  	v11 =	vld [tilespmem:s21+$0x197E0];
	[tilespmem:s18+$0x18870] =	vst v3;
	v1 =	vmul.f32 v1, v8  }
0x11e: {  	v8 =	vld [tilespmem:s21+$0x197F0];
	[tilespmem:s18+$0x18880] =	vst v2  }
0x11f: {  	v12 =	vld [tilespmem:s21+$0x19800];
	[tilespmem:s18+$0x18890] =	vst v1;
	s18 =	smov.u32 s21  }
0x120: {  	v14 =	vld [tilespmem:s18+$0x19810]  }
0x121: {  	v15 =	vld [tilespmem:s18+$0x19820]  }
0x122: {  	v16 =	vld [tilespmem:s18+$0x19830]  }
0x123: {  	v6 =	vld [tilespmem:s18+$0x19840]  }
0x124: {  	v5 =	vld [tilespmem:s18+$0x19850]  }
0x125: {  	v4 =	vld [tilespmem:s18+$0x19860]  }
0x126: {  	v3 =	vld [tilespmem:s18+$0x19870]  }
0x127: {  	v2 =	vld [tilespmem:s18+$0x19880]  }
0x128: {  	v1 =	vld [tilespmem:s18+$0x19890]  }
0x129: {  	v17 =	vld [tilespmem:s18+$0x187A0]  }
0x12a: {  	v18 =	vld [tilespmem:s18+$0x187B0]  }
0x12b: {  	v19 =	vld [tilespmem:s18+$0x187C0]  }
0x12c: {  	v20 =	vld [tilespmem:s18+$0x187D0]  }
0x12d: {  	v21 =	vld [tilespmem:s18+$0x187E0]  }
0x12e: {  	v13 =	vmul.f32 v13, v17;
	v17 =	vld [tilespmem:s18+$0x187F0]  }
0x12f: {  	v7 =	vmul.f32 v7, v18;
	v18 =	vld [tilespmem:s18+$0x18800]  }
0x130: {  	[tilespmem:s18+$0x187A0] =	vst v13;
	v9 =	vmul.f32 v9, v19;
	v13 =	vld [tilespmem:s18+$0x18810]  }
0x131: {  	[tilespmem:s18+$0x187B0] =	vst v7;
	v7 =	vmul.f32 v10, v20;
	v10 =	vld [tilespmem:s18+$0x18820]  }
0x132: {  	[tilespmem:s18+$0x187C0] =	vst v9;
	v9 =	vmul.f32 v11, v21;
	v11 =	vld [tilespmem:s18+$0x18830]  }
.Ltmp3:
0x133: {  	[tilespmem:s18+$0x187D0] =	vst v7;
	v17 =	vmul.f32 v8, v17;
	v8 =	vld [tilespmem:s18+$0x18840];
	(pc) =	sbr.rel @p0 .LBB2_8-.Ltmp3, $4  }
0x134: {  	[tilespmem:s18+$0x187E0] =	vst v9;
	v12 =	vmul.f32 v12, v18;
	v7 =	vld [tilespmem:s18+$0x18850]  }
0x135: {  	[tilespmem:s18+$0x187F0] =	vst v17;
	v14 =	vmul.f32 v14, v13;
	v9 =	vld [tilespmem:s18+$0x18860]  }
0x136: {  	[tilespmem:s18+$0x18800] =	vst v12;
	v13 =	vmul.f32 v15, v10;
	v10 =	vld [tilespmem:s18+$0x18870]  }
0x137: {  	s19 =	sadd.s32 $0x400, s19;
	[tilespmem:s18+$0x18810] =	vst v14;
	v12 =	vmul.f32 v16, v11;
	v11 =	vld [tilespmem:s18+$0x18880]  }
0x138: {  	[tilespmem:s18+$0x18820] =	vst v13;
	v6 =	vmul.f32 v6, v8;
	v8 =	vld [tilespmem:s18+$0x18890]  }
0x139: {  	[tilespmem:s18+$0x18830] =	vst v12;
	v5 =	vmul.f32 v5, v7  }
0x13a: {  	[tilespmem:s18+$0x18840] =	vst v6;
	v4 =	vmul.f32 v4, v9  }
0x13b: {  	[tilespmem:s18+$0x18850] =	vst v5;
	v3 =	vmul.f32 v3, v10  }
0x13c: {  	[tilespmem:s18+$0x18860] =	vst v4;
	v2 =	vmul.f32 v2, v11  }
0x13d: {  	[tilespmem:s18+$0x18870] =	vst v3;
	v1 =	vmul.f32 v1, v8  }
0x13e: {  	[tilespmem:s18+$0x18880] =	vst v2  }
0x13f: {  	[tilespmem:s18+$0x18890] =	vst v1  }
0x140: {  	[spmem:s1] =	stream.indirect.scatter.add.f32 [tilespmem:s29], [sflag:$0x5], $0x20, s26, s28, $0xb8;
	[tilespmem:$0x1C8A0] =	vst v63  }
0x141: {  	_ =	swait.ge [sflag:s20], $0x1000  }
0x142: {  	[sflag:s20] =	ssyncset.done $0x0  }
0x143: {  	s21 =	simm.s32 $0x0;
	s19 =	rddreg [dreg:$0x9];
	[sflag:s20] =	ssyncadd.s32 $0xFFFFF000  }
0x144: {  	[tilespmem:s22], [sflag:$0x5] =	stream.linear.gather [hbm4b:s19+s21], $0x50, $0x38;
	[tilespmem:$0x1C8A0] =	vst v63  }
0x145: {  	_ =	swait.ge [sflag:s20], $0x50  }
0x146: {  	[sflag:s20] =	ssyncset.done $0x0  }
0x147: {  	s23 =	rddreg [dreg:$0xa];
	[sflag:s20] =	ssyncadd.s32 $0xFFFFFFB0  }
0x148: {  	[tilespmem:s26], [sflag:$0x5] =	stream.linear.gather [hbm4b:s23+s21], $0x50, $0x38;
	[tilespmem:$0x1C8A0] =	vst v63  }
0x149: {  	_ =	swait.ge [sflag:s20], $0x50  }
0x14a: {  	[sflag:s20] =	ssyncset.done $0x0  }
0x14b: {  	[sflag:s20] =	ssyncadd.s32 $0xFFFFFFB0  }
0x14c: {  	[tilespmem:s29], [sflag:$0x1] =	stream.indirect.gather [hbm4b:s11+s28], $0x20, s22, s28, $0xb8;
	[tilespmem:$0x1C8A0] =	vst v63  }
0x14d: {  	s24 =	rddreg [dreg:$0xf]  }
0x14e: {  	[tilespmem:s30], [sflag:$0x2] =	stream.linear.gather [hbm4b:s24+s21], $0xA00, $0x38;
	[tilespmem:$0x1C8A0] =	vst v63  }
0x14f: {  	_ =	swait.ge [sflag:s10], $0x1000  }
0x150: {  	[sflag:s10] =	ssyncset.done $0x0  }
0x151: {  	[sflag:s10] =	ssyncadd.s32 $0xFFFFF000  }
0x152: {  	_ =	swait.ge [sflag:s13], $0x1000  }
0x153: {  	[sflag:s13] =	ssyncset.done $0x0  }
0x154: {  	s18 =	simm.s32 $0x0;
	[sflag:s13] =	ssyncadd.s32 $0xFFFFF000  }
0x155: {  	v7 =	vld [tilespmem:s18+$0x1B8A0]  }
0x156: {  	v8 =	vld [tilespmem:s18+$0x1B8B0]  }
0x157: {  	v9 =	vld [tilespmem:s18+$0x1B8C0]  }
0x158: {  	v10 =	vld [tilespmem:s18+$0x1B8D0]  }
0x159: {  	v11 =	vld [tilespmem:s18+$0x1B8E0]  }
0x15a: {  	v12 =	vld [tilespmem:s18+$0x1B8F0]  }
0x15b: {  	v13 =	vld [tilespmem:s18+$0x1B900]  }
0x15c: {  	v14 =	vld [tilespmem:s18+$0x1B910]  }
0x15d: {  	v15 =	vld [tilespmem:s18+$0x1B920]  }
0x15e: {  	v16 =	vld [tilespmem:s18+$0x1B930]  }
0x15f: {  	v6 =	vld [tilespmem:s18+$0x1B940]  }
0x160: {  	v5 =	vld [tilespmem:s18+$0x1B950]  }
0x161: {  	v4 =	vld [tilespmem:s18+$0x1B960]  }
0x162: {  	v3 =	vld [tilespmem:s18+$0x1B970]  }
0x163: {  	v2 =	vld [tilespmem:s18+$0x1B980]  }
0x164: {  	v1 =	vld [tilespmem:s18+$0x1B990]  }
0x165: {  	v17 =	vld [tilespmem:s18+$0x1A8A0]  }
0x166: {  	v18 =	vld [tilespmem:s18+$0x1A8B0]  }
0x167: {  	v19 =	vld [tilespmem:s18+$0x1A8C0]  }
0x168: {  	v20 =	vld [tilespmem:s18+$0x1A8D0]  }
0x169: {  	v21 =	vld [tilespmem:s18+$0x1A8E0]  }
0x16a: {  	v60 =	vld [tilespmem:s18+$0x1A8F0];
	v7 =	vmul.f32 v7, v17  }
0x16b: {  	v22 =	vld [tilespmem:s18+$0x1A900];
	v8 =	vmul.f32 v8, v18  }
0x16c: {  	v61 =	vld [tilespmem:s18+$0x1A910];
	[tilespmem:s18+$0x1A8A0] =	vst v7;
	v7 =	vmul.f32 v9, v19  }
0x16d: {  	v62 =	vld [tilespmem:s18+$0x1A920];
	[tilespmem:s18+$0x1A8B0] =	vst v8;
	v8 =	vmul.f32 v10, v20  }
0x16e: {  	v63 =	vld [tilespmem:s18+$0x1A930];
	[tilespmem:s18+$0x1A8C0] =	vst v7;
	v7 =	vmul.f32 v11, v21  }
0x16f: {  	v9 =	vmul.f32 v12, v60;
	[tilespmem:s18+$0x1A8D0] =	vst v8;
	v8 =	vld [tilespmem:s18+$0x1A940]  }
0x170: {  	v10 =	vmul.f32 v13, v22;
	[tilespmem:s18+$0x1A8E0] =	vst v7;
	v7 =	vld [tilespmem:s18+$0x1A950]  }
0x171: {  	[tilespmem:s18+$0x1A8F0] =	vst v9;
	v9 =	vld [tilespmem:s18+$0x1A960];
	v11 =	vmul.f32 v14, v61  }
0x172: {  	v13 =	vmul.f32 v15, v62;
	[tilespmem:s18+$0x1A900] =	vst v10;
	v10 =	vld [tilespmem:s18+$0x1A970]  }
0x173: {  	s19 =	simm.s32 $0x400;
	v12 =	vmul.f32 v16, v63;
	[tilespmem:s18+$0x1A910] =	vst v11;
	v11 =	vld [tilespmem:s18+$0x1A980]  }
.LBB2_10:
0x174: {  	s21 =	sshra.s32 s19, $0x2;
	p0 =	sne.s32 s19, $0x3C00;
	[tilespmem:s18+$0x1A920] =	vst v13;
	v6 =	vmul.f32 v6, v8;
	v8 =	vld [tilespmem:s18+$0x1A990]  }
0x175: {  	v13 =	vld [tilespmem:s21+$0x1B8A0];
	[tilespmem:s18+$0x1A930] =	vst v12;
	v5 =	vmul.f32 v5, v7  }
0x176: {  	v7 =	vld [tilespmem:s21+$0x1B8B0];
	[tilespmem:s18+$0x1A940] =	vst v6;
	v4 =	vmul.f32 v4, v9  }
0x177: {  	v9 =	vld [tilespmem:s21+$0x1B8C0];
	[tilespmem:s18+$0x1A950] =	vst v5;
	v3 =	vmul.f32 v3, v10  }
0x178: {  	v10 =	vld [tilespmem:s21+$0x1B8D0];
	[tilespmem:s18+$0x1A960] =	vst v4;
	v2 =	vmul.f32 v2, v11  }
0x179: {  	v11 =	vld [tilespmem:s21+$0x1B8E0];
	[tilespmem:s18+$0x1A970] =	vst v3;
	v1 =	vmul.f32 v1, v8  }
0x17a: {  	v8 =	vld [tilespmem:s21+$0x1B8F0];
	[tilespmem:s18+$0x1A980] =	vst v2  }
0x17b: {  	v12 =	vld [tilespmem:s21+$0x1B900];
	[tilespmem:s18+$0x1A990] =	vst v1;
	s18 =	smov.u32 s21  }
0x17c: {  	v14 =	vld [tilespmem:s18+$0x1B910]  }
0x17d: {  	v15 =	vld [tilespmem:s18+$0x1B920]  }
0x17e: {  	v16 =	vld [tilespmem:s18+$0x1B930]  }
0x17f: {  	v6 =	vld [tilespmem:s18+$0x1B940]  }
0x180: {  	v5 =	vld [tilespmem:s18+$0x1B950]  }
0x181: {  	v4 =	vld [tilespmem:s18+$0x1B960]  }
0x182: {  	v3 =	vld [tilespmem:s18+$0x1B970]  }
0x183: {  	v2 =	vld [tilespmem:s18+$0x1B980]  }
0x184: {  	v1 =	vld [tilespmem:s18+$0x1B990]  }
0x185: {  	v17 =	vld [tilespmem:s18+$0x1A8A0]  }
0x186: {  	v18 =	vld [tilespmem:s18+$0x1A8B0]  }
0x187: {  	v19 =	vld [tilespmem:s18+$0x1A8C0]  }
0x188: {  	v20 =	vld [tilespmem:s18+$0x1A8D0]  }
0x189: {  	v21 =	vld [tilespmem:s18+$0x1A8E0]  }
0x18a: {  	v13 =	vmul.f32 v13, v17;
	v17 =	vld [tilespmem:s18+$0x1A8F0]  }
0x18b: {  	v7 =	vmul.f32 v7, v18;
	v18 =	vld [tilespmem:s18+$0x1A900]  }
0x18c: {  	[tilespmem:s18+$0x1A8A0] =	vst v13;
	v9 =	vmul.f32 v9, v19;
	v13 =	vld [tilespmem:s18+$0x1A910]  }
0x18d: {  	[tilespmem:s18+$0x1A8B0] =	vst v7;
	v7 =	vmul.f32 v10, v20;
	v10 =	vld [tilespmem:s18+$0x1A920]  }
0x18e: {  	[tilespmem:s18+$0x1A8C0] =	vst v9;
	v9 =	vmul.f32 v11, v21;
	v11 =	vld [tilespmem:s18+$0x1A930]  }
.Ltmp4:
0x18f: {  	[tilespmem:s18+$0x1A8D0] =	vst v7;
	v17 =	vmul.f32 v8, v17;
	v8 =	vld [tilespmem:s18+$0x1A940];
	(pc) =	sbr.rel @p0 .LBB2_10-.Ltmp4, $4  }
0x190: {  	[tilespmem:s18+$0x1A8E0] =	vst v9;
	v12 =	vmul.f32 v12, v18;
	v7 =	vld [tilespmem:s18+$0x1A950]  }
0x191: {  	[tilespmem:s18+$0x1A8F0] =	vst v17;
	v14 =	vmul.f32 v14, v13;
	v9 =	vld [tilespmem:s18+$0x1A960]  }
0x192: {  	[tilespmem:s18+$0x1A900] =	vst v12;
	v13 =	vmul.f32 v15, v10;
	v10 =	vld [tilespmem:s18+$0x1A970]  }
0x193: {  	s19 =	sadd.s32 $0x400, s19;
	[tilespmem:s18+$0x1A910] =	vst v14;
	v12 =	vmul.f32 v16, v11;
	v11 =	vld [tilespmem:s18+$0x1A980]  }
0x194: {  	[tilespmem:s18+$0x1A920] =	vst v13;
	v6 =	vmul.f32 v6, v8;
	v8 =	vld [tilespmem:s18+$0x1A990]  }
0x195: {  	[tilespmem:s18+$0x1A930] =	vst v12;
	v5 =	vmul.f32 v5, v7  }
0x196: {  	[tilespmem:s18+$0x1A940] =	vst v6;
	v4 =	vmul.f32 v4, v9  }
0x197: {  	[tilespmem:s18+$0x1A950] =	vst v5;
	v3 =	vmul.f32 v3, v10  }
0x198: {  	[tilespmem:s18+$0x1A960] =	vst v4;
	v2 =	vmul.f32 v2, v11  }
0x199: {  	[tilespmem:s18+$0x1A970] =	vst v3;
	v1 =	vmul.f32 v1, v8  }
0x19a: {  	[tilespmem:s18+$0x1A980] =	vst v2  }
0x19b: {  	[tilespmem:s18+$0x1A990] =	vst v1  }
0x19c: {  	[spmem:s1] =	stream.indirect.scatter.add.f32 [tilespmem:s3], [sflag:$0x5], $0x20, s0, s28, $0xb8;
	[tilespmem:$0x1C8A0] =	vst v63  }
0x19d: {  	_ =	swait.ge [sflag:s20], $0x1000  }
0x19e: {  	[sflag:s20] =	ssyncset.done $0x0  }
0x19f: {  	[sflag:s20] =	ssyncadd.s32 $0xFFFFF000  }
0x1a0: {  	_ =	swait.ge [sflag:s7], $0x1000  }
0x1a1: {  	[sflag:s7] =	ssyncset.done $0x0  }
0x1a2: {  	[sflag:s7] =	ssyncadd.s32 $0xFFFFF000  }
0x1a3: {  	_ =	swait.ge [sflag:s9], $0xA00  }
0x1a4: {  	[sflag:s9] =	ssyncset.done $0x0  }
0x1a5: {  	s18 =	simm.s32 $0x0;
	[sflag:s9] =	ssyncadd.s32 $0xFFFFF600  }
0x1a6: {  	v7 =	vld [tilespmem:s18+$0x197A0]  }
0x1a7: {  	v8 =	vld [tilespmem:s18+$0x197B0]  }
0x1a8: {  	v9 =	vld [tilespmem:s18+$0x197C0]  }
0x1a9: {  	v10 =	vld [tilespmem:s18+$0x197D0]  }
0x1aa: {  	v11 =	vld [tilespmem:s18+$0x197E0]  }
0x1ab: {  	v12 =	vld [tilespmem:s18+$0x197F0]  }
0x1ac: {  	v13 =	vld [tilespmem:s18+$0x19800]  }
0x1ad: {  	v14 =	vld [tilespmem:s18+$0x19810]  }
0x1ae: {  	v15 =	vld [tilespmem:s18+$0x19820]  }
0x1af: {  	v16 =	vld [tilespmem:s18+$0x19830]  }
0x1b0: {  	v6 =	vld [tilespmem:s18+$0x19840]  }
0x1b1: {  	v5 =	vld [tilespmem:s18+$0x19850]  }
0x1b2: {  	v4 =	vld [tilespmem:s18+$0x19860]  }
0x1b3: {  	v3 =	vld [tilespmem:s18+$0x19870]  }
0x1b4: {  	v2 =	vld [tilespmem:s18+$0x19880]  }
0x1b5: {  	v1 =	vld [tilespmem:s18+$0x19890]  }
0x1b6: {  	v17 =	vld [tilespmem:s18+$0x187A0]  }
0x1b7: {  	v18 =	vld [tilespmem:s18+$0x187B0]  }
0x1b8: {  	v19 =	vld [tilespmem:s18+$0x187C0]  }
0x1b9: {  	v20 =	vld [tilespmem:s18+$0x187D0]  }
0x1ba: {  	v21 =	vld [tilespmem:s18+$0x187E0]  }
0x1bb: {  	v60 =	vld [tilespmem:s18+$0x187F0];
	v7 =	vmul.f32 v7, v17  }
0x1bc: {  	v22 =	vld [tilespmem:s18+$0x18800];
	v8 =	vmul.f32 v8, v18  }
0x1bd: {  	v61 =	vld [tilespmem:s18+$0x18810];
	[tilespmem:s18+$0x187A0] =	vst v7;
	v7 =	vmul.f32 v9, v19  }
0x1be: {  	v62 =	vld [tilespmem:s18+$0x18820];
	[tilespmem:s18+$0x187B0] =	vst v8;
	v8 =	vmul.f32 v10, v20  }
0x1bf: {  	v63 =	vld [tilespmem:s18+$0x18830];
	[tilespmem:s18+$0x187C0] =	vst v7;
	v7 =	vmul.f32 v11, v21  }
0x1c0: {  	v9 =	vmul.f32 v12, v60;
	[tilespmem:s18+$0x187D0] =	vst v8;
	v8 =	vld [tilespmem:s18+$0x18840]  }
0x1c1: {  	v10 =	vmul.f32 v13, v22;
	[tilespmem:s18+$0x187E0] =	vst v7;
	v7 =	vld [tilespmem:s18+$0x18850]  }
0x1c2: {  	[tilespmem:s18+$0x187F0] =	vst v9;
	v9 =	vld [tilespmem:s18+$0x18860];
	v11 =	vmul.f32 v14, v61  }
0x1c3: {  	v13 =	vmul.f32 v15, v62;
	[tilespmem:s18+$0x18800] =	vst v10;
	v10 =	vld [tilespmem:s18+$0x18870]  }
0x1c4: {  	s19 =	simm.s32 $0x400;
	v12 =	vmul.f32 v16, v63;
	[tilespmem:s18+$0x18810] =	vst v11;
	v11 =	vld [tilespmem:s18+$0x18880]  }
.LBB2_12:
0x1c5: {  	s21 =	sshra.s32 s19, $0x2;
	p0 =	sne.s32 s19, $0x2400;
	[tilespmem:s18+$0x18820] =	vst v13;
	v6 =	vmul.f32 v6, v8;
	v8 =	vld [tilespmem:s18+$0x18890]  }
0x1c6: {  	v13 =	vld [tilespmem:s21+$0x197A0];
	[tilespmem:s18+$0x18830] =	vst v12;
	v5 =	vmul.f32 v5, v7  }
0x1c7: {  	v7 =	vld [tilespmem:s21+$0x197B0];
	[tilespmem:s18+$0x18840] =	vst v6;
	v4 =	vmul.f32 v4, v9  }
0x1c8: {  	v9 =	vld [tilespmem:s21+$0x197C0];
	[tilespmem:s18+$0x18850] =	vst v5;
	v3 =	vmul.f32 v3, v10  }
0x1c9: {  	v10 =	vld [tilespmem:s21+$0x197D0];
	[tilespmem:s18+$0x18860] =	vst v4;
	v2 =	vmul.f32 v2, v11  }
0x1ca: {  	v11 =	vld [tilespmem:s21+$0x197E0];
	[tilespmem:s18+$0x18870] =	vst v3;
	v1 =	vmul.f32 v1, v8  }
0x1cb: {  	v8 =	vld [tilespmem:s21+$0x197F0];
	[tilespmem:s18+$0x18880] =	vst v2  }
0x1cc: {  	v12 =	vld [tilespmem:s21+$0x19800];
	[tilespmem:s18+$0x18890] =	vst v1;
	s18 =	smov.u32 s21  }
0x1cd: {  	v14 =	vld [tilespmem:s18+$0x19810]  }
0x1ce: {  	v15 =	vld [tilespmem:s18+$0x19820]  }
0x1cf: {  	v16 =	vld [tilespmem:s18+$0x19830]  }
0x1d0: {  	v6 =	vld [tilespmem:s18+$0x19840]  }
0x1d1: {  	v5 =	vld [tilespmem:s18+$0x19850]  }
0x1d2: {  	v4 =	vld [tilespmem:s18+$0x19860]  }
0x1d3: {  	v3 =	vld [tilespmem:s18+$0x19870]  }
0x1d4: {  	v2 =	vld [tilespmem:s18+$0x19880]  }
0x1d5: {  	v1 =	vld [tilespmem:s18+$0x19890]  }
0x1d6: {  	v17 =	vld [tilespmem:s18+$0x187A0]  }
0x1d7: {  	v18 =	vld [tilespmem:s18+$0x187B0]  }
0x1d8: {  	v19 =	vld [tilespmem:s18+$0x187C0]  }
0x1d9: {  	v20 =	vld [tilespmem:s18+$0x187D0]  }
0x1da: {  	v21 =	vld [tilespmem:s18+$0x187E0]  }
0x1db: {  	v13 =	vmul.f32 v13, v17;
	v17 =	vld [tilespmem:s18+$0x187F0]  }
0x1dc: {  	v7 =	vmul.f32 v7, v18;
	v18 =	vld [tilespmem:s18+$0x18800]  }
0x1dd: {  	[tilespmem:s18+$0x187A0] =	vst v13;
	v9 =	vmul.f32 v9, v19;
	v13 =	vld [tilespmem:s18+$0x18810]  }
0x1de: {  	[tilespmem:s18+$0x187B0] =	vst v7;
	v7 =	vmul.f32 v10, v20;
	v10 =	vld [tilespmem:s18+$0x18820]  }
0x1df: {  	[tilespmem:s18+$0x187C0] =	vst v9;
	v9 =	vmul.f32 v11, v21;
	v11 =	vld [tilespmem:s18+$0x18830]  }
.Ltmp5:
0x1e0: {  	[tilespmem:s18+$0x187D0] =	vst v7;
	v17 =	vmul.f32 v8, v17;
	v8 =	vld [tilespmem:s18+$0x18840];
	(pc) =	sbr.rel @p0 .LBB2_12-.Ltmp5, $4  }
0x1e1: {  	[tilespmem:s18+$0x187E0] =	vst v9;
	v12 =	vmul.f32 v12, v18;
	v7 =	vld [tilespmem:s18+$0x18850]  }
0x1e2: {  	[tilespmem:s18+$0x187F0] =	vst v17;
	v14 =	vmul.f32 v14, v13;
	v9 =	vld [tilespmem:s18+$0x18860]  }
0x1e3: {  	[tilespmem:s18+$0x18800] =	vst v12;
	v13 =	vmul.f32 v15, v10;
	v10 =	vld [tilespmem:s18+$0x18870]  }
0x1e4: {  	s19 =	sadd.s32 $0x400, s19;
	[tilespmem:s18+$0x18810] =	vst v14;
	v12 =	vmul.f32 v16, v11;
	v11 =	vld [tilespmem:s18+$0x18880]  }
0x1e5: {  	[tilespmem:s18+$0x18820] =	vst v13;
	v6 =	vmul.f32 v6, v8;
	v63 =	vld [tilespmem:s18+$0x18890]  }
0x1e6: {  	[tilespmem:s18+$0x18830] =	vst v12;
	v5 =	vmul.f32 v5, v7  }
0x1e7: {  	[tilespmem:s18+$0x18840] =	vst v6;
	v4 =	vmul.f32 v4, v9  }
0x1e8: {  	[tilespmem:s18+$0x18850] =	vst v5;
	v3 =	vmul.f32 v3, v10  }
0x1e9: {  	[tilespmem:s18+$0x18860] =	vst v4;
	v2 =	vmul.f32 v2, v11  }
0x1ea: {  	[tilespmem:s18+$0x18870] =	vst v3;
	v1 =	vmul.f32 v1, v63  }
0x1eb: {  	[tilespmem:s18+$0x18880] =	vst v2  }
0x1ec: {  	[tilespmem:s18+$0x18890] =	vst v1  }
0x1ed: {  	[tilespmem:$0x191A0] =	vst v0  }
0x1ee: {  	[tilespmem:$0x191B0] =	vst v0  }
0x1ef: {  	[tilespmem:$0x191C0] =	vst v0  }
0x1f0: {  	[tilespmem:$0x191D0] =	vst v0  }
0x1f1: {  	[tilespmem:$0x191E0] =	vst v0  }
0x1f2: {  	[tilespmem:$0x191F0] =	vst v0  }
0x1f3: {  	[tilespmem:$0x19200] =	vst v0  }
0x1f4: {  	[tilespmem:$0x19210] =	vst v0  }
0x1f5: {  	[tilespmem:$0x19220] =	vst v0  }
0x1f6: {  	[tilespmem:$0x19230] =	vst v0  }
0x1f7: {  	[tilespmem:$0x19240] =	vst v0  }
0x1f8: {  	[tilespmem:$0x19250] =	vst v0  }
0x1f9: {  	[tilespmem:$0x19260] =	vst v0  }
0x1fa: {  	[tilespmem:$0x19270] =	vst v0  }
0x1fb: {  	[tilespmem:$0x19280] =	vst v0  }
0x1fc: {  	[tilespmem:$0x19290] =	vst v0  }
0x1fd: {  	[tilespmem:$0x192A0] =	vst v0  }
0x1fe: {  	[tilespmem:$0x192B0] =	vst v0  }
0x1ff: {  	[tilespmem:$0x192C0] =	vst v0  }
0x200: {  	[tilespmem:$0x192D0] =	vst v0  }
0x201: {  	[tilespmem:$0x192E0] =	vst v0  }
0x202: {  	[tilespmem:$0x192F0] =	vst v0  }
0x203: {  	[tilespmem:$0x19300] =	vst v0  }
0x204: {  	[tilespmem:$0x19310] =	vst v0  }
0x205: {  	[tilespmem:$0x19320] =	vst v0  }
0x206: {  	[tilespmem:$0x19330] =	vst v0  }
0x207: {  	[tilespmem:$0x19340] =	vst v0  }
0x208: {  	[tilespmem:$0x19350] =	vst v0  }
0x209: {  	[tilespmem:$0x19360] =	vst v0  }
0x20a: {  	[tilespmem:$0x19370] =	vst v0  }
0x20b: {  	[tilespmem:$0x19380] =	vst v0  }
0x20c: {  	[tilespmem:$0x19390] =	vst v0  }
0x20d: {  	[tilespmem:$0x193A0] =	vst v0  }
0x20e: {  	[tilespmem:$0x193B0] =	vst v0  }
0x20f: {  	[tilespmem:$0x193C0] =	vst v0  }
0x210: {  	[tilespmem:$0x193D0] =	vst v0  }
0x211: {  	[tilespmem:$0x193E0] =	vst v0  }
0x212: {  	[tilespmem:$0x193F0] =	vst v0  }
0x213: {  	[tilespmem:$0x19400] =	vst v0  }
0x214: {  	[tilespmem:$0x19410] =	vst v0  }
0x215: {  	[tilespmem:$0x19420] =	vst v0  }
0x216: {  	[tilespmem:$0x19430] =	vst v0  }
0x217: {  	[tilespmem:$0x19440] =	vst v0  }
0x218: {  	[tilespmem:$0x19450] =	vst v0  }
0x219: {  	[tilespmem:$0x19460] =	vst v0  }
0x21a: {  	[tilespmem:$0x19470] =	vst v0  }
0x21b: {  	[tilespmem:$0x19480] =	vst v0  }
0x21c: {  	[tilespmem:$0x19490] =	vst v0  }
0x21d: {  	[tilespmem:$0x194A0] =	vst v0  }
0x21e: {  	[tilespmem:$0x194B0] =	vst v0  }
0x21f: {  	[tilespmem:$0x194C0] =	vst v0  }
0x220: {  	[tilespmem:$0x194D0] =	vst v0  }
0x221: {  	[tilespmem:$0x194E0] =	vst v0  }
0x222: {  	[tilespmem:$0x194F0] =	vst v0  }
0x223: {  	[tilespmem:$0x19500] =	vst v0  }
0x224: {  	[tilespmem:$0x19510] =	vst v0  }
0x225: {  	[tilespmem:$0x19520] =	vst v0  }
0x226: {  	[tilespmem:$0x19530] =	vst v0  }
0x227: {  	[tilespmem:$0x19540] =	vst v0  }
0x228: {  	[tilespmem:$0x19550] =	vst v0  }
0x229: {  	[tilespmem:$0x19560] =	vst v0  }
0x22a: {  	[tilespmem:$0x19570] =	vst v0  }
0x22b: {  	[tilespmem:$0x19580] =	vst v0  }
0x22c: {  	[tilespmem:$0x19590] =	vst v0  }
0x22d: {  	[tilespmem:$0x195A0] =	vst v0  }
0x22e: {  	[tilespmem:$0x195B0] =	vst v0  }
0x22f: {  	[tilespmem:$0x195C0] =	vst v0  }
0x230: {  	[tilespmem:$0x195D0] =	vst v0  }
0x231: {  	[tilespmem:$0x195E0] =	vst v0  }
0x232: {  	[tilespmem:$0x195F0] =	vst v0  }
0x233: {  	[tilespmem:$0x19600] =	vst v0  }
0x234: {  	[tilespmem:$0x19610] =	vst v0  }
0x235: {  	[tilespmem:$0x19620] =	vst v0  }
0x236: {  	[tilespmem:$0x19630] =	vst v0  }
0x237: {  	[tilespmem:$0x19640] =	vst v0  }
0x238: {  	[tilespmem:$0x19650] =	vst v0  }
0x239: {  	[tilespmem:$0x19660] =	vst v0  }
0x23a: {  	[tilespmem:$0x19670] =	vst v0  }
0x23b: {  	[tilespmem:$0x19680] =	vst v0  }
0x23c: {  	[tilespmem:$0x19690] =	vst v0  }
0x23d: {  	[tilespmem:$0x196A0] =	vst v0  }
0x23e: {  	[tilespmem:$0x196B0] =	vst v0  }
0x23f: {  	[tilespmem:$0x196C0] =	vst v0  }
0x240: {  	[tilespmem:$0x196D0] =	vst v0  }
0x241: {  	[tilespmem:$0x196E0] =	vst v0  }
0x242: {  	[tilespmem:$0x196F0] =	vst v0  }
0x243: {  	[tilespmem:$0x19700] =	vst v0  }
0x244: {  	[tilespmem:$0x19710] =	vst v0  }
0x245: {  	[tilespmem:$0x19720] =	vst v0  }
0x246: {  	[tilespmem:$0x19730] =	vst v0  }
0x247: {  	[tilespmem:$0x19740] =	vst v0  }
0x248: {  	[tilespmem:$0x19750] =	vst v0  }
0x249: {  	[tilespmem:$0x19760] =	vst v0  }
0x24a: {  	[tilespmem:$0x19770] =	vst v0  }
0x24b: {  	[tilespmem:$0x19780] =	vst v0  }
0x24c: {  	[tilespmem:$0x19790] =	vst v0  }
0x24d: {  	[spmem:s1] =	stream.indirect.scatter.add.f32 [tilespmem:s29], [sflag:$0x5], $0x20, s26, s28, $0xb8;
	[tilespmem:$0x1C8A0] =	vst v63  }
0x24e: {  	_ =	swait.ge [sflag:s20], $0x1000  }
0x24f: {  	[sflag:s20] =	ssyncset.done $0x0  }
0x250: {  	[sflag:s20] =	ssyncadd.s32 $0xFFFFF000  }
0x251: {  	[bflag:$0x0] =	sbarrier.arrive $0xFFFF  }
0x252: {  	s23 =	rddreg [dreg:$0xc]  }
0x253: {  	[hbm:s23], [sflag:s8] =	dma.local [spmem:s17], $0x30D4  }
0x254: {  	_ =	swait.ge [sflag:s20], $0x30D4  }
0x255: {  	s14 =	sadd.s32 $0x1, s14;
	s24 =	rddreg [dreg:$0xb]  }
0x256: {  	p0 =	sne.s32 s14, s24  }
.Ltmp6:
0x257: {  	_ = 	snop;
	(pc) =	sbr.rel @p0 .LBB2_1-.Ltmp6, $3  }
0x258: {  	_ =	sdelay $0x1  }
0x259: {  	[sflag:s20] =	ssyncset.done $0x0  }
0x25a: {  	[sflag:s20] =	ssyncadd.s32 $0xFFFFCF2C  }
0x25b: {  	_ =	sfence.sel $0x180000  }
0x25c: {  	[bflag:$0x0] =	sbarrier.arrive $0xFFFF  }
0x25d: {  	_ =	strace $0x9000004A  }
0x25e: {  	s0 =	stileid.u32;
	[bflag:$0x2] =	sbarrier.arrive $0xFFFF  }
0x25f: {  	p0 =	sne.s32 s0, $0x0;
	s0 =	rddreg [dreg:$0x2]  }
0x260: {  	s0 =	sadd.s32 @!p0 $0x100000, s0  }
0x261: {  	[sflag:s0] =	ssyncadd.tile.s32 @!p0 $0x1;
	_ =	shalt  }
.Lfunc_end2:
_tile_overlayer_lowered:
.L_overlay_start_2:
0x262: {  	(tag) =	ssettag $0x2  }
0x263: {  	s0 =	rddreg [dreg:$0x0];
	s2 =	stileid.u32  }
0x264: {  	s1 =	rddreg [dreg:$0x1];
	p0 =	sne.s32 s2, $0x0  }
0x265: {  	s3 =	rddreg [dreg:$0x2];
	[bflag:$0x3] =	sbarrier.arrive $0xFFFF;
	s2 =	simm.s32 @!p0 $0x1C05  }
0x266: {  	[timem:s3], [sflag:s2] =	dma.local @!p0 [hbm:s0], s1  }
0x267: {  	s0 =	simm.s32 @!p0 $0x5  }
0x268: {  	_ =	swait.ge @!p0 [sflag:s0], s1  }
0x269: {  	s1 =	ssub.s32 @!p0 $0x0, s1;
	[sflag:s0] =	ssyncset.done @!p0 $0x0  }
0x26a: {  	[sflag:s0] =	ssyncadd.s32 @!p0 s1  }
0x26b: {  	[bflag:$0x3] =	sbarrier.arrive $0xFFFF  }
0x26c: {  	_ =	shalt  }

// kernel: kernel.7.cloned.1.call-start
scs
__scs_entry_jumppad:
0x0: {  	(pc) =	sbr.rel $0x88, $3  }
0x1: {  	(tag) =	ssettag $0x0;
	lr =	simm.s32 $0x1  }
0x2: {  	[smem:$0x3F8D] =	sst lr;
	_ =	strace $0xD0000000  }
0x3: {  	_ = 	snop  }
0x4: {  	_ = 	snop  }
0x5: {  	_ = 	snop  }
0x6: {  	_ = 	snop  }
0x7: {  	_ = 	snop  }
__scs_overlays_trampoline_lowered:
0x8: {  	[smem:$0x3F9C] =	sst s0  }
0x9: {  	[smem:$0x3F9D] =	sst s1  }
0xa: {  	[smem:$0x3F9E] =	sst s2  }
0xb: {  	[smem:$0x3F9F] =	sst s3  }
0xc: {  	[smem:$0x3FA0] =	sst s4  }
0xd: {  	[smem:$0x3FA1] =	sst s5  }
0xe: {  	[smem:$0x3FA2] =	sst s6  }
0xf: {  	[smem:$0x3FA3] =	sst s7  }
0x10: {  	[smem:$0x3FA4] =	sst s8  }
0x11: {  	[smem:$0x3FA5] =	sst s9;
	s0 =	simm.s32 @!p0 $0x0  }
0x12: {  	s1 =	sld [smem:$0x3F8B];
	s0 =	simm.s32 @p0 $0x1  }
0x13: {  	[smem:$0x3FA6] =	sst s0;
	s0 =	simm.s32 @!p1 $0x0  }
0x14: {  	s2 =	sld [smem:$0x3F8A];
	s0 =	simm.s32 @p1 $0x1  }
0x15: {  	[smem:$0x3FA7] =	sst s0;
	s0 =	simm.s32 @!p2 $0x0  }
0x16: {  	s3 =	sld [smem:$0x3FDB];
	s0 =	simm.s32 @p2 $0x1  }
0x17: {  	s4 =	simm.s32 $0x1BF5;
	[smem:$0x3FA9] =	sst s0  }
0x18: {  	s0 =	sld [smem:$0x3F8C];
	_ =	swait.ge [sflag:s4], $0x0  }
0x19: {  	s7 =	sld [smem:$0x3F8D]  }
0x1a: {  	s8 =	sadd.s32 $0xFFFFE003, lr  }
0x1b: {  	s9 =	sadd.s32 $0xFFFFFEF7, lr;
	s5 =	simm.s32 $0xFFFFFFFF;
	p2 =	slt.u32 s8, $0xFFFFF086  }
0x1c: {  	p1 =	slt.u32 s9, $0xF7A;
	s5 =	simm.s32 @!p2 $0x0  }
0x1d: {  	s5 =	simm.s32 @p1 $0x1;
	p0 =	seq.s32 s7, s2  }
0x1e: {  	s7 =	smul.u32 @!p0 $0xF7A, s2;
	p2 =	seq.s32 @!p0 s5, $0x0  }
0x1f: {  	s9 =	smul.u32 $0xF7A, s1;
	s8 =	simm.s32 @!p0 $0x1BF5;
	p2 =	por !p2, p0  }
0x20: {  	[sflag:s8] =	ssyncset.s32 @!p0 $0xFFFFF086;
	s6 =	sadd.s32 @!p0 s3, s7;
	s7 =	simm.s32 @!p0 $0x108  }
0x21: {  	s3 =	sadd.s32 s3, s9;
	s6 =	sadd.s32 @!p0 $0x88, s6;
	s7 =	simm.s32 @p2 $0x1082  }
0x22: {  	[simem:s7], [sflag:s8] =	dma.local @!p0 [hbm:s6], $0xF7A  }
0x23: {  	s9 =	sor.u32 $0xD0000000, s2;
	s6 =	simm.s32 $0x108;
	_ =	swait.ge @!p0 [sflag:s8], $0x0  }
0x24: {  	s3 =	sadd.s32 $0x88, s3;
	s6 =	simm.s32 @!p1 $0x1082;
	[sflag:s4] =	ssyncset.s32 $0xFFFFF086  }
0x25: {  	[simem:s6], [sflag:s4] =	dma.local [hbm:s3], $0xF7A  }
0x26: {  	[smem:$0x3F8D] =	sst s1;
	(tag) =	ssettag s2;
	_ =	strace s9  }
0x27: {  	s1 =	sld [smem:$0x3F9D]  }
0x28: {  	s2 =	sld [smem:$0x3F9E]  }
0x29: {  	s4 =	sld [smem:$0x3FA0]  }
0x2a: {  	p0 =	seq.s32 s5, $0x0;
	s5 =	sld [smem:$0x3FA1]  }
0x2b: {  	s6 =	sld [smem:$0x3FA2]  }
0x2c: {  	s7 =	sld [smem:$0x3FA3]  }
0x2d: {  	s3 =	simm.s32 $0x108;
	s8 =	sld [smem:$0x3FA4]  }
0x2e: {  	s3 =	simm.s32 @!p0 $0x1082;
	s9 =	sld [smem:$0x3FA5]  }
0x2f: {  	lr =	sadd.s32 s0, s3;
	s0 =	sld [smem:$0x3F9C]  }
0x30: {  	s3 =	sld [smem:$0x3F9F]  }
0x31: {  	[smem:$0x3FA8] =	sst s10  }
0x32: {  	s10 =	sld [smem:$0x3FA6];
	_ =	sdelay $0x3  }
0x33: {  	p0 =	seq.s32 s10, $0x1;
	s10 =	sld [smem:$0x3FA8];
	_ =	sdelay $0x3  }
0x34: {  	[smem:$0x3FA8] =	sst s10  }
0x35: {  	s10 =	sld [smem:$0x3FA7];
	_ =	sdelay $0x3  }
0x36: {  	p1 =	seq.s32 s10, $0x1;
	s10 =	sld [smem:$0x3FA8];
	_ =	sdelay $0x3  }
0x37: {  	[smem:$0x3FA8] =	sst s10  }
0x38: {  	s10 =	sld [smem:$0x3FA9]  }
0x39: {  	_ = 	snop;
	(pc) =	sbr.ind lr, $3  }
0x3a: {  	_ = 	snop  }
0x3b: {  	_ = 	snop  }
0x3c: {  	p2 =	seq.s32 s10, $0x1;
	s10 =	sld [smem:$0x3FA8]  }
0x3d: {  	_ =	shalt  }
0x3e: {  	_ =	shalt  }
0x3f: {  	_ =	shalt  }
0x40: {  	_ =	shalt  }
0x41: {  	_ =	shalt  }
0x42: {  	_ =	shalt  }
0x43: {  	_ =	shalt  }
0x44: {  	_ =	shalt  }
0x45: {  	_ =	shalt  }
0x46: {  	_ =	shalt  }
0x47: {  	_ =	shalt  }
0x48: {  	_ =	shalt  }
0x49: {  	_ =	shalt  }
0x4a: {  	_ =	shalt  }
0x4b: {  	_ =	shalt  }
0x4c: {  	_ =	shalt  }
0x4d: {  	_ =	shalt  }
0x4e: {  	_ =	shalt  }
0x4f: {  	_ =	shalt  }
0x50: {  	_ =	shalt  }
0x51: {  	_ =	shalt  }
0x52: {  	_ =	shalt  }
0x53: {  	_ =	shalt  }
0x54: {  	_ =	shalt  }
0x55: {  	_ =	shalt  }
0x56: {  	_ =	shalt  }
0x57: {  	_ =	shalt  }
0x58: {  	_ =	shalt  }
0x59: {  	_ =	shalt  }
0x5a: {  	_ =	shalt  }
0x5b: {  	_ =	shalt  }
0x5c: {  	_ =	shalt  }
0x5d: {  	_ =	shalt  }
0x5e: {  	_ =	shalt  }
0x5f: {  	_ =	shalt  }
0x60: {  	_ =	shalt  }
0x61: {  	_ =	shalt  }
0x62: {  	_ =	shalt  }
0x63: {  	_ =	shalt  }
0x64: {  	_ =	shalt  }
0x65: {  	_ =	shalt  }
0x66: {  	_ =	shalt  }
0x67: {  	_ =	shalt  }
0x68: {  	_ =	shalt  }
0x69: {  	_ =	shalt  }
0x6a: {  	_ =	shalt  }
0x6b: {  	_ =	shalt  }
0x6c: {  	_ =	shalt  }
0x6d: {  	_ =	shalt  }
0x6e: {  	_ =	shalt  }
0x6f: {  	_ =	shalt  }
0x70: {  	_ =	shalt  }
0x71: {  	_ =	shalt  }
0x72: {  	_ =	shalt  }
0x73: {  	_ =	shalt  }
0x74: {  	_ =	shalt  }
0x75: {  	_ =	shalt  }
0x76: {  	_ =	shalt  }
0x77: {  	_ =	shalt  }
0x78: {  	_ =	shalt  }
0x79: {  	_ =	shalt  }
0x7a: {  	_ =	shalt  }
0x7b: {  	_ =	shalt  }
0x7c: {  	_ =	shalt  }
0x7d: {  	_ =	shalt  }
0x7e: {  	_ =	shalt  }
0x7f: {  	_ =	shalt  }
0x80: {  	_ =	shalt  }
0x81: {  	_ =	shalt  }
0x82: {  	_ =	shalt  }
0x83: {  	_ =	shalt  }
0x84: {  	_ =	shalt  }
0x85: {  	_ =	shalt  }
0x86: {  	_ =	shalt  }
0x87: {  	_ =	shalt  }
.Lfunc_end0:
.L_simem_size_0:
called_computation_lowered:
.L_overlay_start_0:
0x88: {  	s2 =	sld [smem:$0x3FD9]  }
0x89: {  	s3 =	sld [smem:$0x3FFE];
	_ =	sdelay $0x1  }
0x8a: {  	s1 =	srdreg.scid  }
0x8b: {  	s0 =	sand.u32 $0x1, s1  }
0x8c: {  	s16 =	sshll.u32 s0, $0xA;
	s2 =	sadd.s32 s3, s2  }
0x8d: {  	s2 =	sadd.s32 s2, s16  }
0x8e: {  	[smem:$0x3FB4] =	sst s2  }
0x8f: {  	_ = 	snop  }
0x90: {  	(tm) =	ssettm $0x1  }
0x91: {  	s17 =	sld [smem:$0x3FFB];
	_ =	sdelay $0x3  }
0x92: {  	_ =	strace s17  }
0x93: {  	s2 =	sld [smem:$0x3FFC];
	_ =	sdelay $0x3  }
0x94: {  	_ =	strace s2  }
0x95: {  	s2 =	sld [smem:$0x3FFD];
	_ =	sdelay $0x3  }
0x96: {  	_ =	strace s2  }
0x97: {  	_ =	strace $0x8FFFFFFF  }
0x98: {  	s18 =	sld [smem:$0x3FDB];
	_ =	sdelay $0x1  }
0x99: {  	s19 =	simm.s32 $_scs_section_size  }
0x9a: {  	s4 =	simm.s32 $_size__tile_overlayer_lowered;
	s5 =	simm.s32 $_tile_overlayer_lowered  }
0x9b: {  	s22 =	simm.s32 $0x1BFF;
	s21 =	sshll.u32 s5, $0x1;
	s2 =	sadd.s32 s19, s18  }
0x9c: {  	s6 =	simm.s32 $0x0;
	s20 =	sshll.u32 s4, $0x1;
	s4 =	sadd.s32 s21, s2  }
0x9d: {  	[timem:s6], [sflag:s22] =	dma.local [hbm:s4], s20  }
0x9e: {  	_ =	swait.ge [sflag:s22], s20  }
0x9f: {  	s3 =	ssub.s32 $0x0, s20;
	[sflag:s22] =	ssyncset.done $0x0  }
0xa0: {  	[sflag:s22] =	ssyncadd.s32 s3;
	_ =	sdelay $0x1  }
0xa1: {  	s23 =	simm.s32 $0x1B8B  }
0xa2: {  	_ =	swait.ge [sflag:s23], $0x1  }
0xa3: {  	[sflag:s23] =	ssyncset.done $0x0  }
0xa4: {  	s25 =	simm.s32 $0x1B8E;
	s24 =	sld [smem:$0x3FFE];
	[sflag:s23] =	ssyncadd.s32 $0xFFFFFFFF  }
0xa5: {  	s26 =	simm.s32 $execute0_lowered;
	[smem:$0x3FD2] =	sst s25  }
0xa6: {  	s4 =	sshll.u32 s26, $0x1;
	_ =	strace $0x80000046;
	[dreg:$0x1] =	wrdreg $0xFFFFFFFF  }
0xa7: {  	s28 =	simm.s32 $_size_execute0_lowered;
	s2 =	sadd.s32 s2, s4;
	[dreg:$0x0] =	wrdreg $0x0  }
0xa8: {  	s4 =	sshll.u32 s28, $0x1;
	[dreg:$0x2] =	wrdreg s2  }
0xa9: {  	[dreg:$0x3] =	wrdreg s4  }
0xaa: {  	[dreg:$0x4] =	wrdreg $0xC0  }
0xab: {  	_ =	task [dreg:s6], $0x5FFFF  }
0xac: {  	[dreg:$0x1] =	wrdreg $0xFFFFFFFF  }
0xad: {  	[dreg:$0x0] =	wrdreg $0x60  }
0xae: {  	[dreg:$0x2] =	wrdreg s24  }
0xaf: {  	[dreg:$0x3] =	wrdreg $0x9  }
0xb0: {  	_ =	task.clear_ibuf [dreg:s6], $0x4FFFF;
	_ =	strace $0x90000046  }
0xb1: {  	s29 =	simm.s32 $0x9;
	_ =	strace $0x80000048  }
0xb2: {  	_ =	swait.ge [sflag:s29], $0x1  }
0xb3: {  	[sflag:s29] =	ssyncadd.s32 $0xFFFFFFFF  }
0xb4: {  	_ =	strace $0x90000048  }
0xb5: {  	_ =	sfence  }
0xb6: {  	s30 =	sld [smem:$0x0];
	_ =	sdelay $0x2  }
0xb7: {  	s31 =	sshll.u32 s1, $0xD;
	s1 =	sshrl.u32 s1, $0x2  }
0xb8: {  	s3 =	sand.u32 $0x4000, s31;
	s1 =	sadd.s32 s1, s30  }
0xb9: {  	s0 =	sor.u32 s3, s0;
	s1 =	sshll.u32 s1, $0x11  }
0xba: {  	s0 =	sor.u32 s1, s0  }
0xbb: {  	s0 =	sadd.s32 $0x8F2B, s0  }
0xbc: {  	[sflag:s0] =	ssyncadd.remote.s32 $0x1  }
0xbd: {  	_ =	sfence.sel $0xFFFF  }
0xbe: {  	[dreg:$0x0] =	wrdreg $0xFFFFFFFF;
	(pc) =	sbr.abs _section_cstart, $3  }
0xbf: {  	[dreg:$0x1] =	wrdreg $0xFFFFFFFF  }
0xc0: {  	_ =	task.clear_ibuf [dreg:s6], $0x2FFFF;
	_ =	strace $0x9FFFFFFF  }
0xc1: {  	(tm) =	ssettm $0x7FFFFFFF  }
tec
execute0_lowered:
.L_overlay_start_1:
0x0: {  	(tag) =	ssettag $0x1  }
0x1: {  	s0 =	rddreg [dreg:$0x0]  }
0x2: {  	s1 =	srdreg.scid;
	s3 =	stileid.u32;
	s2 =	simm.s32 $0x0  }
0x3: {  	s17 =	simm.s32 $0x5;
	s18 =	simm.s32 $0x80;
	s19 =	simm.s32 $0x100  }
0x4: {  	s20 =	simm.s32 $0x900;
	s21 =	simm.s32 $0x1100;
	s28 =	simm.s32 $0x3  }
0x5: {  	s29 =	simm.s32 $0x4;
	s1 =	sand.u32 $0x1, s1;
	s3 =	sshll.u32 s3, $0x1  }
0x6: {  	s30 =	simm.s32 $0x0;
	[smem:$0x7FF] =	sst s2;
	s7 =	sor.u32 s1, s3  }
0x7: {  	s5 =	sadd.s32 $0x1AE00, s0;
	s6 =	sadd.s32 $0x2600, s0;
	s4 =	smul.u32 $0x61A8, s7  }
0x8: {  	_ =	strace $0x80000047;
	s1 =	ssub.s32 $0x2, s1;
	s11 =	smul.u32 $0x61A80, s7  }
0x9: {  	s3 =	sadd.s32 $0xF6C00, s0;
	s8 =	sshrl.u32 s1, $0x1;
	s7 =	sadd.s32 $0x10F400, s0  }
0xa: {  	s22 =	ssub.s32 s1, s8;
	s10 =	sshrl.u32 s4, $0x3;
	s26 =	sshrl.u32 s11, $0x3  }
0xb: {  	s12 =	sadd.s32 $0x100, s4;
	s13 =	sadd.s32 $0x180, s4;
	s16 =	smax.u32 s22, $0x1  }
0xc: {  	s22 =	simm.s32 $0x1180;
	s23 =	sadd.s32 s5, s10;
	s24 =	sadd.s32 s6, s10  }
0xd: {  	s25 =	sadd.s32 $0x10, s10;
	s31 =	sadd.s32 s7, s26;
	[dreg:$0x2] =	wrdreg s23  }
0xe: {  	s26 =	simm.s32 $0x2;
	[dreg:$0x3] =	wrdreg s24;
	s10 =	sadd.s32 s5, s25  }
0xf: {  	s11 =	sadd.s32 s6, s25;
	s14 =	sadd.s32 $0xC200, s31;
	s15 =	sadd.s32 $0xC250, s31  }
0x10: {  	s23 =	simm.s32 $0x1200;
	s24 =	simm.s32 $0x1A00;
	s25 =	simm.s32 $0x1  }
.LBB2_1:
0x11: {  	s0 =	rddreg [dreg:$0x2]  }
0x12: {  	[tilespmem:s2], [sflag:$0x5] =	stream.linear.gather [hbm4b:s0+s2], $0x80, $0x38;
	[tilespmem:$0x2200] =	vst v63  }
0x13: {  	_ =	swait.ge [sflag:s17], $0x80  }
0x14: {  	[sflag:s17] =	ssyncset.done $0x0  }
0x15: {  	s9 =	rddreg [dreg:$0x3];
	[sflag:s17] =	ssyncadd.s32 $0xFFFFFF80  }
0x16: {  	[tilespmem:s18], [sflag:$0x5] =	stream.linear.gather [hbm4b:s9+s2], $0x80, $0x38;
	[tilespmem:$0x2200] =	vst v63  }
0x17: {  	_ =	swait.ge [sflag:s17], $0x80  }
0x18: {  	[sflag:s17] =	ssyncset.done $0x0  }
0x19: {  	[sflag:s17] =	ssyncadd.s32 $0xFFFFFF80  }
0x1a: {  	[tilespmem:s19], [sflag:$0x1] =	stream.indirect.gather [hbm4b:s3+s18], $0x10, s2, s18, $0xb8;
	[tilespmem:$0x2200] =	vst v63  }
0x1b: {  	_ = 	snop  }
0x1c: {  	[tilespmem:s20], [sflag:$0x2] =	stream.indirect.gather [hbm4b:s3+s18], $0x10, s18, s18, $0xb8;
	[tilespmem:$0x2200] =	vst v63  }
0x1d: {  	_ = 	snop  }
0x1e: {  	[tilespmem:s21], [sflag:$0x5] =	stream.linear.gather [hbm4b:s10+s2], $0x80, $0x38;
	[tilespmem:$0x2200] =	vst v63  }
0x1f: {  	_ =	swait.ge [sflag:s17], $0x80  }
0x20: {  	[sflag:s17] =	ssyncset.done $0x0  }
0x21: {  	[sflag:s17] =	ssyncadd.s32 $0xFFFFFF80  }
0x22: {  	[tilespmem:s22], [sflag:$0x5] =	stream.linear.gather [hbm4b:s11+s2], $0x80, $0x38;
	[tilespmem:$0x2200] =	vst v63  }
0x23: {  	_ =	swait.ge [sflag:s17], $0x80  }
0x24: {  	[sflag:s17] =	ssyncset.done $0x0  }
0x25: {  	[sflag:s17] =	ssyncadd.s32 $0xFFFFFF80  }
0x26: {  	[tilespmem:s23], [sflag:$0x3] =	stream.indirect.gather [hbm4b:s3+s18], $0x10, s21, s18, $0xb8;
	[tilespmem:$0x2200] =	vst v63  }
0x27: {  	s31 =	simm.s32 $0x0  }
0x28: {  	[tilespmem:s24], [sflag:$0x4] =	stream.indirect.gather [hbm4b:s3+s18], $0x10, s22, s18, $0xb8;
	[tilespmem:$0x2200] =	vst v63  }
.LBB2_2:
0x29: {  	_ =	swait.ge [sflag:s25], $0x800  }
0x2a: {  	[sflag:s25] =	ssyncset.done $0x0  }
0x2b: {  	[sflag:s25] =	ssyncadd.s32 $0xFFFFF800  }
0x2c: {  	_ =	swait.ge [sflag:s26], $0x800  }
0x2d: {  	[sflag:s26] =	ssyncset.done $0x0  }
0x2e: {  	s1 =	simm.s32 $0x0;
	[sflag:s26] =	ssyncadd.s32 $0xFFFFF800  }
0x2f: {  	v7 =	vld [tilespmem:s1+$0x900]  }
0x30: {  	v11 =	vld [tilespmem:s1+$0x910]  }
0x31: {  	v5 =	vld [tilespmem:s1+$0x920]  }
0x32: {  	v4 =	vld [tilespmem:s1+$0x930]  }
0x33: {  	v3 =	vld [tilespmem:s1+$0x940]  }
0x34: {  	v2 =	vld [tilespmem:s1+$0x950]  }
0x35: {  	v1 =	vld [tilespmem:s1+$0x960]  }
0x36: {  	v0 =	vld [tilespmem:s1+$0x970]  }
0x37: {  	v12 =	vld [tilespmem:s1+$0x100]  }
0x38: {  	v13 =	vld [tilespmem:s1+$0x110]  }
0x39: {  	v10 =	vld [tilespmem:s1+$0x120]  }
0x3a: {  	v9 =	vld [tilespmem:s1+$0x130]  }
0x3b: {  	v8 =	vld [tilespmem:s1+$0x140]  }
0x3c: {  	v6 =	vld [tilespmem:s1+$0x150];
	v12 =	vsub.f32 v12, v7  }
0x3d: {  	s0 =	simm.s32 $0x200;
	v11 =	vsub.f32 v13, v11;
	v7 =	vld [tilespmem:s1+$0x160]  }
.LBB2_3:
0x3e: {  	s8 =	sshra.s32 s0, $0x2;
	p0 =	sne.s32 s0, $0x1E00;
	[tilespmem:s1+$0x100] =	vst v12;
	v5 =	vsub.f32 v10, v5;
	v10 =	vld [tilespmem:s1+$0x170]  }
0x3f: {  	v12 =	vld [tilespmem:s8+$0x900];
	[tilespmem:s1+$0x110] =	vst v11;
	v4 =	vsub.f32 v9, v4  }
0x40: {  	v11 =	vld [tilespmem:s8+$0x910];
	[tilespmem:s1+$0x120] =	vst v5;
	v3 =	vsub.f32 v8, v3  }
0x41: {  	v5 =	vld [tilespmem:s8+$0x920];
	[tilespmem:s1+$0x130] =	vst v4;
	v2 =	vsub.f32 v6, v2  }
0x42: {  	v4 =	vld [tilespmem:s8+$0x930];
	[tilespmem:s1+$0x140] =	vst v3;
	v1 =	vsub.f32 v7, v1  }
0x43: {  	v3 =	vld [tilespmem:s8+$0x940];
	[tilespmem:s1+$0x150] =	vst v2;
	v0 =	vsub.f32 v10, v0  }
0x44: {  	v2 =	vld [tilespmem:s8+$0x950];
	[tilespmem:s1+$0x160] =	vst v1  }
0x45: {  	v1 =	vld [tilespmem:s8+$0x960];
	[tilespmem:s1+$0x170] =	vst v0;
	s1 =	smov.u32 s8  }
0x46: {  	v0 =	vld [tilespmem:s1+$0x970]  }
0x47: {  	v6 =	vld [tilespmem:s1+$0x100]  }
0x48: {  	v7 =	vld [tilespmem:s1+$0x110]  }
.Ltmp0:
0x49: {  	v10 =	vld [tilespmem:s1+$0x120];
	(pc) =	sbr.rel @p0 .LBB2_3-.Ltmp0, $4  }
0x4a: {  	v9 =	vld [tilespmem:s1+$0x130]  }
0x4b: {  	v8 =	vld [tilespmem:s1+$0x140]  }
0x4c: {  	v12 =	vsub.f32 v6, v12;
	v6 =	vld [tilespmem:s1+$0x150]  }
0x4d: {  	s0 =	sadd.s32 $0x200, s0;
	v11 =	vsub.f32 v7, v11;
	v7 =	vld [tilespmem:s1+$0x160]  }
0x4e: {  	[tilespmem:s1+$0x100] =	vst v12;
	v5 =	vsub.f32 v10, v5;
	v10 =	vld [tilespmem:s1+$0x170]  }
0x4f: {  	[tilespmem:s1+$0x110] =	vst v11;
	v4 =	vsub.f32 v9, v4  }
0x50: {  	[tilespmem:s1+$0x120] =	vst v5;
	v3 =	vsub.f32 v8, v3  }
0x51: {  	[tilespmem:s1+$0x130] =	vst v4;
	v2 =	vsub.f32 v6, v2  }
0x52: {  	s0 =	sshll.u32 s31, $0x8;
	[tilespmem:s1+$0x140] =	vst v3;
	v1 =	vsub.f32 v7, v1  }
0x53: {  	s8 =	sadd.s32 s4, s0;
	[tilespmem:s1+$0x150] =	vst v2;
	v0 =	vsub.f32 v10, v0  }
0x54: {  	s8 =	sshll.u32 s8, $0x1;
	[tilespmem:s1+$0x160] =	vst v1  }
0x55: {  	s9 =	sadd.s32 s7, s8;
	s8 =	simm.s32 $0x0;
	[tilespmem:s1+$0x170] =	vst v0  }
0x56: {  	[hbm4b:s9+s8] =	stream.linear.scatter [tilespmem:s19], [sflag:$0x5], $0x800, $0x38;
	[tilespmem:$0x2200] =	vst v63  }
0x57: {  	s9 =	sadd.s32 s0, s12;
	_ =	swait.ge [sflag:s17], $0x800  }
0x58: {  	s1 =	sshrl.u32 s9, $0x3;
	[sflag:s17] =	ssyncset.done $0x0  }
0x59: {  	s9 =	sadd.s32 s5, s1;
	[sflag:s17] =	ssyncadd.s32 $0xFFFFF800  }
0x5a: {  	[tilespmem:s8], [sflag:$0x5] =	stream.linear.gather [hbm4b:s9+s8], $0x80, $0x38;
	[tilespmem:$0x2200] =	vst v63  }
0x5b: {  	_ =	swait.ge [sflag:s17], $0x80  }
0x5c: {  	[sflag:s17] =	ssyncset.done $0x0  }
0x5d: {  	s1 =	sadd.s32 s6, s1;
	[sflag:s17] =	ssyncadd.s32 $0xFFFFFF80  }
0x5e: {  	[tilespmem:s18], [sflag:$0x5] =	stream.linear.gather [hbm4b:s1+s8], $0x80, $0x38;
	[tilespmem:$0x2200] =	vst v63  }
0x5f: {  	_ =	swait.ge [sflag:s17], $0x80  }
0x60: {  	[sflag:s17] =	ssyncset.done $0x0  }
0x61: {  	[sflag:s17] =	ssyncadd.s32 $0xFFFFFF80  }
0x62: {  	[tilespmem:s19], [sflag:$0x1] =	stream.indirect.gather [hbm4b:s3+s18], $0x10, s8, s18, $0xb8;
	[tilespmem:$0x2200] =	vst v63  }
0x63: {  	_ = 	snop  }
0x64: {  	[tilespmem:s20], [sflag:$0x2] =	stream.indirect.gather [hbm4b:s3+s18], $0x10, s18, s18, $0xb8;
	[tilespmem:$0x2200] =	vst v63  }
0x65: {  	_ =	swait.ge [sflag:s28], $0x800  }
0x66: {  	[sflag:s28] =	ssyncset.done $0x0  }
0x67: {  	[sflag:s28] =	ssyncadd.s32 $0xFFFFF800  }
0x68: {  	_ =	swait.ge [sflag:s29], $0x800  }
0x69: {  	[sflag:s29] =	ssyncset.done $0x0  }
0x6a: {  	s1 =	simm.s32 $0x0;
	[sflag:s29] =	ssyncadd.s32 $0xFFFFF800  }
0x6b: {  	v6 =	vld [tilespmem:s1+$0x1A00]  }
0x6c: {  	v11 =	vld [tilespmem:s1+$0x1A10]  }
0x6d: {  	v5 =	vld [tilespmem:s1+$0x1A20]  }
0x6e: {  	v4 =	vld [tilespmem:s1+$0x1A30]  }
0x6f: {  	v3 =	vld [tilespmem:s1+$0x1A40]  }
0x70: {  	v2 =	vld [tilespmem:s1+$0x1A50]  }
0x71: {  	v1 =	vld [tilespmem:s1+$0x1A60]  }
0x72: {  	v0 =	vld [tilespmem:s1+$0x1A70]  }
0x73: {  	v12 =	vld [tilespmem:s1+$0x1200]  }
0x74: {  	v13 =	vld [tilespmem:s1+$0x1210]  }
0x75: {  	v10 =	vld [tilespmem:s1+$0x1220]  }
0x76: {  	v9 =	vld [tilespmem:s1+$0x1230]  }
0x77: {  	v8 =	vld [tilespmem:s1+$0x1240]  }
0x78: {  	v7 =	vld [tilespmem:s1+$0x1250];
	v12 =	vsub.f32 v12, v6  }
0x79: {  	s8 =	simm.s32 $0x200;
	v11 =	vsub.f32 v13, v11;
	v6 =	vld [tilespmem:s1+$0x1260]  }
.LBB2_5:
0x7a: {  	s9 =	sshra.s32 s8, $0x2;
	p0 =	sne.s32 s8, $0x1E00;
	[tilespmem:s1+$0x1200] =	vst v12;
	v5 =	vsub.f32 v10, v5;
	v10 =	vld [tilespmem:s1+$0x1270]  }
0x7b: {  	v12 =	vld [tilespmem:s9+$0x1A00];
	[tilespmem:s1+$0x1210] =	vst v11;
	v4 =	vsub.f32 v9, v4  }
0x7c: {  	v11 =	vld [tilespmem:s9+$0x1A10];
	[tilespmem:s1+$0x1220] =	vst v5;
	v3 =	vsub.f32 v8, v3  }
0x7d: {  	v5 =	vld [tilespmem:s9+$0x1A20];
	[tilespmem:s1+$0x1230] =	vst v4;
	v2 =	vsub.f32 v7, v2  }
0x7e: {  	v4 =	vld [tilespmem:s9+$0x1A30];
	[tilespmem:s1+$0x1240] =	vst v3;
	v1 =	vsub.f32 v6, v1  }
0x7f: {  	v3 =	vld [tilespmem:s9+$0x1A40];
	[tilespmem:s1+$0x1250] =	vst v2;
	v0 =	vsub.f32 v10, v0  }
0x80: {  	v2 =	vld [tilespmem:s9+$0x1A50];
	[tilespmem:s1+$0x1260] =	vst v1  }
0x81: {  	v1 =	vld [tilespmem:s9+$0x1A60];
	[tilespmem:s1+$0x1270] =	vst v0;
	s1 =	smov.u32 s9  }
0x82: {  	v0 =	vld [tilespmem:s1+$0x1A70]  }
0x83: {  	v6 =	vld [tilespmem:s1+$0x1200]  }
0x84: {  	v13 =	vld [tilespmem:s1+$0x1210]  }
.Ltmp1:
0x85: {  	v10 =	vld [tilespmem:s1+$0x1220];
	(pc) =	sbr.rel @p0 .LBB2_5-.Ltmp1, $4  }
0x86: {  	v9 =	vld [tilespmem:s1+$0x1230]  }
0x87: {  	v8 =	vld [tilespmem:s1+$0x1240]  }
0x88: {  	v12 =	vsub.f32 v6, v12;
	v7 =	vld [tilespmem:s1+$0x1250]  }
0x89: {  	s8 =	sadd.s32 $0x200, s8;
	v11 =	vsub.f32 v13, v11;
	v6 =	vld [tilespmem:s1+$0x1260]  }
0x8a: {  	[tilespmem:s1+$0x1200] =	vst v12;
	v5 =	vsub.f32 v10, v5;
	v63 =	vld [tilespmem:s1+$0x1270]  }
0x8b: {  	[tilespmem:s1+$0x1210] =	vst v11;
	v4 =	vsub.f32 v9, v4  }
0x8c: {  	[tilespmem:s1+$0x1220] =	vst v5;
	v3 =	vsub.f32 v8, v3  }
0x8d: {  	s8 =	sadd.s32 s0, s4;
	[tilespmem:s1+$0x1230] =	vst v4;
	v2 =	vsub.f32 v7, v2  }
0x8e: {  	s8 =	sshll.u32 s8, $0x1;
	[tilespmem:s1+$0x1240] =	vst v3;
	v1 =	vsub.f32 v6, v1  }
0x8f: {  	s8 =	sadd.s32 $0x100, s8;
	[tilespmem:s1+$0x1250] =	vst v2;
	v0 =	vsub.f32 v63, v0  }
0x90: {  	s8 =	sand.u32 $0x1FFFFFF0, s8;
	[tilespmem:s1+$0x1260] =	vst v1  }
0x91: {  	s9 =	sadd.s32 s7, s8;
	s8 =	smin.u32 s0, $0x5FA8;
	[tilespmem:s1+$0x1270] =	vst v0  }
0x92: {  	[hbm4b:s9+s2] =	stream.linear.scatter [tilespmem:s23], [sflag:$0x5], $0x800, $0x38;
	[tilespmem:$0x2200] =	vst v63  }
0x93: {  	s0 =	sadd.s32 s8, s13;
	_ =	swait.ge [sflag:s17], $0x800  }
0x94: {  	s0 =	sshrl.u32 s0, $0x3;
	[sflag:s17] =	ssyncset.done $0x0  }
0x95: {  	s9 =	sadd.s32 s5, s0;
	[sflag:s17] =	ssyncadd.s32 $0xFFFFF800  }
0x96: {  	[tilespmem:s21], [sflag:$0x5] =	stream.linear.gather [hbm4b:s9+s2], $0x80, $0x38;
	[tilespmem:$0x2200] =	vst v63  }
0x97: {  	_ =	swait.ge [sflag:s17], $0x80  }
0x98: {  	[sflag:s17] =	ssyncset.done $0x0  }
0x99: {  	s31 =	sadd.s32 $0x1, s31;
	s0 =	sadd.s32 s6, s0;
	[sflag:s17] =	ssyncadd.s32 $0xFFFFFF80  }
0x9a: {  	[tilespmem:s22], [sflag:$0x5] =	stream.linear.gather [hbm4b:s0+s2], $0x80, $0x38;
	[tilespmem:$0x2200] =	vst v63  }
0x9b: {  	p0 =	sne.s32 s31, $0x61;
	_ =	swait.ge [sflag:s17], $0x80  }
.Ltmp2:
0x9c: {  	[sflag:s17] =	ssyncset.done $0x0;
	(pc) =	sbr.rel @p0 .LBB2_2-.Ltmp2, $4  }
0x9d: {  	[sflag:s17] =	ssyncadd.s32 $0xFFFFFF80  }
0x9e: {  	[tilespmem:s23], [sflag:$0x3] =	stream.indirect.gather [hbm4b:s3+s18], $0x10, s21, s18, $0xb8;
	[tilespmem:$0x2200] =	vst v63  }
0x9f: {  	_ = 	snop  }
0xa0: {  	[tilespmem:s24], [sflag:$0x4] =	stream.indirect.gather [hbm4b:s3+s18], $0x10, s22, s18, $0xb8;
	[tilespmem:$0x2200] =	vst v63  }
0xa1: {  	_ =	swait.ge [sflag:s25], $0x800  }
0xa2: {  	[sflag:s25] =	ssyncset.done $0x0  }
0xa3: {  	[sflag:s25] =	ssyncadd.s32 $0xFFFFF800  }
0xa4: {  	_ =	swait.ge [sflag:s26], $0x800  }
0xa5: {  	[sflag:s26] =	ssyncset.done $0x0  }
0xa6: {  	s0 =	simm.s32 $0x0;
	[sflag:s26] =	ssyncadd.s32 $0xFFFFF800  }
0xa7: {  	v7 =	vld [tilespmem:s0+$0x900]  }
0xa8: {  	v11 =	vld [tilespmem:s0+$0x910]  }
0xa9: {  	v5 =	vld [tilespmem:s0+$0x920]  }
0xaa: {  	v4 =	vld [tilespmem:s0+$0x930]  }
0xab: {  	v3 =	vld [tilespmem:s0+$0x940]  }
0xac: {  	v2 =	vld [tilespmem:s0+$0x950]  }
0xad: {  	v1 =	vld [tilespmem:s0+$0x960]  }
0xae: {  	v0 =	vld [tilespmem:s0+$0x970]  }
0xaf: {  	v12 =	vld [tilespmem:s0+$0x100]  }
0xb0: {  	v13 =	vld [tilespmem:s0+$0x110]  }
0xb1: {  	v10 =	vld [tilespmem:s0+$0x120]  }
0xb2: {  	v9 =	vld [tilespmem:s0+$0x130]  }
0xb3: {  	v8 =	vld [tilespmem:s0+$0x140]  }
0xb4: {  	v6 =	vld [tilespmem:s0+$0x150];
	v12 =	vsub.f32 v12, v7  }
0xb5: {  	s1 =	simm.s32 $0x200;
	v11 =	vsub.f32 v13, v11;
	v7 =	vld [tilespmem:s0+$0x160]  }
.LBB2_8:
0xb6: {  	s8 =	sshra.s32 s1, $0x2;
	p0 =	sne.s32 s1, $0x1E00;
	[tilespmem:s0+$0x100] =	vst v12;
	v5 =	vsub.f32 v10, v5;
	v10 =	vld [tilespmem:s0+$0x170]  }
0xb7: {  	v12 =	vld [tilespmem:s8+$0x900];
	[tilespmem:s0+$0x110] =	vst v11;
	v4 =	vsub.f32 v9, v4  }
0xb8: {  	v11 =	vld [tilespmem:s8+$0x910];
	[tilespmem:s0+$0x120] =	vst v5;
	v3 =	vsub.f32 v8, v3  }
0xb9: {  	v5 =	vld [tilespmem:s8+$0x920];
	[tilespmem:s0+$0x130] =	vst v4;
	v2 =	vsub.f32 v6, v2  }
0xba: {  	v4 =	vld [tilespmem:s8+$0x930];
	[tilespmem:s0+$0x140] =	vst v3;
	v1 =	vsub.f32 v7, v1  }
0xbb: {  	v3 =	vld [tilespmem:s8+$0x940];
	[tilespmem:s0+$0x150] =	vst v2;
	v0 =	vsub.f32 v10, v0  }
0xbc: {  	v2 =	vld [tilespmem:s8+$0x950];
	[tilespmem:s0+$0x160] =	vst v1  }
0xbd: {  	v1 =	vld [tilespmem:s8+$0x960];
	[tilespmem:s0+$0x170] =	vst v0;
	s0 =	smov.u32 s8  }
0xbe: {  	v0 =	vld [tilespmem:s0+$0x970]  }
0xbf: {  	v6 =	vld [tilespmem:s0+$0x100]  }
0xc0: {  	v7 =	vld [tilespmem:s0+$0x110]  }
.Ltmp3:
0xc1: {  	v10 =	vld [tilespmem:s0+$0x120];
	(pc) =	sbr.rel @p0 .LBB2_8-.Ltmp3, $4  }
0xc2: {  	v9 =	vld [tilespmem:s0+$0x130]  }
0xc3: {  	v8 =	vld [tilespmem:s0+$0x140]  }
0xc4: {  	v12 =	vsub.f32 v6, v12;
	v6 =	vld [tilespmem:s0+$0x150]  }
0xc5: {  	s1 =	sadd.s32 $0x200, s1;
	v11 =	vsub.f32 v7, v11;
	v7 =	vld [tilespmem:s0+$0x160]  }
0xc6: {  	[tilespmem:s0+$0x100] =	vst v12;
	v5 =	vsub.f32 v10, v5;
	v10 =	vld [tilespmem:s0+$0x170]  }
0xc7: {  	[tilespmem:s0+$0x110] =	vst v11;
	v4 =	vsub.f32 v9, v4  }
0xc8: {  	[tilespmem:s0+$0x120] =	vst v5;
	v3 =	vsub.f32 v8, v3  }
0xc9: {  	[tilespmem:s0+$0x130] =	vst v4;
	v2 =	vsub.f32 v6, v2  }
0xca: {  	[tilespmem:s0+$0x140] =	vst v3;
	v1 =	vsub.f32 v7, v1  }
0xcb: {  	[tilespmem:s0+$0x150] =	vst v2;
	v0 =	vsub.f32 v10, v0  }
0xcc: {  	[tilespmem:s0+$0x160] =	vst v1  }
0xcd: {  	s31 =	simm.s32 $0x0;
	[tilespmem:s0+$0x170] =	vst v0  }
0xce: {  	[hbm4b:s14+s31] =	stream.linear.scatter [tilespmem:s19], [sflag:$0x5], $0x800, $0x38;
	[tilespmem:$0x2200] =	vst v63  }
0xcf: {  	_ =	swait.ge [sflag:s17], $0x800  }
0xd0: {  	[sflag:s17] =	ssyncset.done $0x0  }
0xd1: {  	[sflag:s17] =	ssyncadd.s32 $0xFFFFF800  }
0xd2: {  	_ =	swait.ge [sflag:s28], $0x800  }
0xd3: {  	[sflag:s28] =	ssyncset.done $0x0  }
0xd4: {  	[sflag:s28] =	ssyncadd.s32 $0xFFFFF800  }
0xd5: {  	_ =	swait.ge [sflag:s29], $0x800  }
0xd6: {  	[sflag:s29] =	ssyncset.done $0x0  }
0xd7: {  	s0 =	simm.s32 $0x0;
	[sflag:s29] =	ssyncadd.s32 $0xFFFFF800  }
0xd8: {  	v7 =	vld [tilespmem:s0+$0x1A00]  }
0xd9: {  	v11 =	vld [tilespmem:s0+$0x1A10]  }
0xda: {  	v5 =	vld [tilespmem:s0+$0x1A20]  }
0xdb: {  	v4 =	vld [tilespmem:s0+$0x1A30]  }
0xdc: {  	v3 =	vld [tilespmem:s0+$0x1A40]  }
0xdd: {  	v2 =	vld [tilespmem:s0+$0x1A50]  }
0xde: {  	v1 =	vld [tilespmem:s0+$0x1A60]  }
0xdf: {  	v0 =	vld [tilespmem:s0+$0x1A70]  }
0xe0: {  	v12 =	vld [tilespmem:s0+$0x1200]  }
0xe1: {  	v13 =	vld [tilespmem:s0+$0x1210]  }
0xe2: {  	v10 =	vld [tilespmem:s0+$0x1220]  }
0xe3: {  	v9 =	vld [tilespmem:s0+$0x1230]  }
0xe4: {  	v8 =	vld [tilespmem:s0+$0x1240]  }
0xe5: {  	v6 =	vld [tilespmem:s0+$0x1250];
	v12 =	vsub.f32 v12, v7  }
0xe6: {  	s1 =	simm.s32 $0x200;
	v11 =	vsub.f32 v13, v11;
	v7 =	vld [tilespmem:s0+$0x1260]  }
.LBB2_10:
0xe7: {  	s8 =	sshra.s32 s1, $0x2;
	p0 =	sne.s32 s1, $0x1E00;
	[tilespmem:s0+$0x1200] =	vst v12;
	v5 =	vsub.f32 v10, v5;
	v10 =	vld [tilespmem:s0+$0x1270]  }
0xe8: {  	v12 =	vld [tilespmem:s8+$0x1A00];
	[tilespmem:s0+$0x1210] =	vst v11;
	v4 =	vsub.f32 v9, v4  }
0xe9: {  	v11 =	vld [tilespmem:s8+$0x1A10];
	[tilespmem:s0+$0x1220] =	vst v5;
	v3 =	vsub.f32 v8, v3  }
0xea: {  	v5 =	vld [tilespmem:s8+$0x1A20];
	[tilespmem:s0+$0x1230] =	vst v4;
	v2 =	vsub.f32 v6, v2  }
0xeb: {  	v4 =	vld [tilespmem:s8+$0x1A30];
	[tilespmem:s0+$0x1240] =	vst v3;
	v1 =	vsub.f32 v7, v1  }
0xec: {  	v3 =	vld [tilespmem:s8+$0x1A40];
	[tilespmem:s0+$0x1250] =	vst v2;
	v0 =	vsub.f32 v10, v0  }
0xed: {  	v2 =	vld [tilespmem:s8+$0x1A50];
	[tilespmem:s0+$0x1260] =	vst v1  }
0xee: {  	v1 =	vld [tilespmem:s8+$0x1A60];
	[tilespmem:s0+$0x1270] =	vst v0;
	s0 =	smov.u32 s8  }
0xef: {  	v0 =	vld [tilespmem:s0+$0x1A70]  }
0xf0: {  	v6 =	vld [tilespmem:s0+$0x1200]  }
0xf1: {  	v7 =	vld [tilespmem:s0+$0x1210]  }
.Ltmp4:
0xf2: {  	v10 =	vld [tilespmem:s0+$0x1220];
	(pc) =	sbr.rel @p0 .LBB2_10-.Ltmp4, $4  }
0xf3: {  	v9 =	vld [tilespmem:s0+$0x1230]  }
0xf4: {  	v8 =	vld [tilespmem:s0+$0x1240]  }
0xf5: {  	v12 =	vsub.f32 v6, v12;
	v6 =	vld [tilespmem:s0+$0x1250]  }
0xf6: {  	s1 =	sadd.s32 $0x200, s1;
	v11 =	vsub.f32 v7, v11;
	v7 =	vld [tilespmem:s0+$0x1260]  }
0xf7: {  	[tilespmem:s0+$0x1200] =	vst v12;
	v5 =	vsub.f32 v10, v5;
	v63 =	vld [tilespmem:s0+$0x1270]  }
0xf8: {  	[tilespmem:s0+$0x1210] =	vst v11;
	v4 =	vsub.f32 v9, v4  }
0xf9: {  	[tilespmem:s0+$0x1220] =	vst v5;
	v3 =	vsub.f32 v8, v3  }
0xfa: {  	[tilespmem:s0+$0x1230] =	vst v4;
	v2 =	vsub.f32 v6, v2  }
0xfb: {  	[tilespmem:s0+$0x1240] =	vst v3;
	v1 =	vsub.f32 v7, v1  }
0xfc: {  	s30 =	sadd.s32 $0x1, s30;
	[tilespmem:s0+$0x1250] =	vst v2;
	v0 =	vsub.f32 v63, v0  }
0xfd: {  	p0 =	sne.s32 s30, s16;
	[tilespmem:s0+$0x1260] =	vst v1  }
.Ltmp5:
0xfe: {  	[tilespmem:s0+$0x1270] =	vst v0;
	(pc) =	sbr.rel @p0 .LBB2_1-.Ltmp5, $4  }
0xff: {  	[hbm4b:s15+s2] =	stream.linear.scatter [tilespmem:s23], [sflag:$0x5], $0x800, $0x38;
	[tilespmem:$0x2200] =	vst v63  }
0x100: {  	_ =	swait.ge [sflag:s17], $0x800  }
0x101: {  	[sflag:s17] =	ssyncset.done $0x0  }
0x102: {  	[sflag:s17] =	ssyncadd.s32 $0xFFFFF800  }
0x103: {  	_ =	sfence.sel $0x180000  }
0x104: {  	[bflag:$0x0] =	sbarrier.arrive $0xFFFF  }
0x105: {  	_ =	strace $0x90000047  }
0x106: {  	s0 =	stileid.u32;
	[bflag:$0x2] =	sbarrier.arrive $0xFFFF  }
0x107: {  	p0 =	sne.s32 s0, $0x0;
	s0 =	rddreg [dreg:$0x1]  }
0x108: {  	s0 =	sadd.s32 @!p0 $0x100000, s0  }
0x109: {  	[sflag:s0] =	ssyncadd.tile.s32 @!p0 $0x1;
	_ =	shalt  }
.Lfunc_end2:
_tile_overlayer_lowered:
.L_overlay_start_2:
0x10a: {  	(tag) =	ssettag $0x2  }
0x10b: {  	s0 =	rddreg [dreg:$0x0];
	s2 =	stileid.u32  }
0x10c: {  	s1 =	rddreg [dreg:$0x1];
	p0 =	sne.s32 s2, $0x0  }
0x10d: {  	s3 =	rddreg [dreg:$0x2];
	[bflag:$0x3] =	sbarrier.arrive $0xFFFF;
	s2 =	simm.s32 @!p0 $0x1C05  }
0x10e: {  	[timem:s3], [sflag:s2] =	dma.local @!p0 [hbm:s0], s1  }
0x10f: {  	s0 =	simm.s32 @!p0 $0x5  }
0x110: {  	_ =	swait.ge @!p0 [sflag:s0], s1  }
0x111: {  	s1 =	ssub.s32 @!p0 $0x0, s1;
	[sflag:s0] =	ssyncset.done @!p0 $0x0  }
0x112: {  	[sflag:s0] =	ssyncadd.s32 @!p0 s1  }
0x113: {  	[bflag:$0x3] =	sbarrier.arrive $0xFFFF  }
0x114: {  	_ =	shalt  }

</sc_bundles>
